<compile_context>
chip_gen: v7x
topology: tpu7x:2x2x1
jax: 0.10.2.dev20260603
libtpu: 0.0.44.dev20260713+nightly
codegen_flags: <defaults>
</compile_context>

<pallas_src>
import functools

import jax
import jax.numpy as jnp
from jax import lax
from jax.experimental import pallas as pl
from jax.experimental.pallas import tpu as pltpu
from jax.experimental.pallas import tpu_sc as plsc

EMB_D = 32
NUM_CORES = 2
NUM_SUBCORES = 16
NW = NUM_CORES * NUM_SUBCORES
CHUNK = 128
SPITCH = EMB_D + 1


@functools.lru_cache(maxsize=None)
def _make_lookup(NT: int, NB_TOTAL: int, V: int):
    NB = NB_TOTAL // NW
    n_g = NB // CHUNK
    assert NT % 2 == 0 and NB % CHUNK == 0
    n_iter = NT // 2
    mesh = plsc.VectorSubcoreMesh(core_axis_name="c", subcore_axis_name="s")

    @functools.partial(
        pl.kernel,
        mesh=mesh,
        out_type=jax.ShapeDtypeStruct((NT, EMB_D, NB_TOTAL), jnp.float32),
        scratch_types=[
            pltpu.VMEM((NT, NB), jnp.int32),
            pltpu.VMEM((NB, EMB_D), jnp.float32),
            pltpu.VMEM((NB, EMB_D), jnp.float32),
            pltpu.VMEM((NB * SPITCH,), jnp.float32),
            pltpu.VMEM((EMB_D, NB), jnp.float32),
            pltpu.VMEM((EMB_D, NB), jnp.float32),
            pltpu.SemaphoreType.DMA,
            pltpu.SemaphoreType.DMA,
            pltpu.SemaphoreType.DMA,
        ],
        compiler_params=pltpu.CompilerParams(
            use_tc_tiling_on_sc=False, needs_layout_passes=False
        ),
    )
    def lookup_kernel(xt_hbm, table_hbm, out_hbm, idx_v, src_a, src_b,
                      spad, dst_a, dst_b, gsem, wsem_a, wsem_b):
        wid = lax.axis_index("s") * NUM_CORES + lax.axis_index("c")
        n0 = wid * NB
        lane = lax.iota(jnp.int32, 16)

        pltpu.sync_copy(xt_hbm.at[pl.ds(0, NT), pl.ds(n0, NB)], idx_v)

        def fire_gathers(t, sb):
            for b in range(n_g):
                pltpu.async_copy(
                    table_hbm.at[idx_v.at[t, pl.ds(b * CHUNK, CHUNK)]],
                    sb.at[pl.ds(b * CHUNK, CHUNK)],
                    gsem,
                )

        def drain_gathers(sb):
            pltpu.make_async_copy(table_hbm.at[pl.ds(0, NB)], sb, gsem).wait()

        def transpose(sb, db):
            def row(n, carry):
                p = n * SPITCH
                spad[pl.ds(p, 16)] = sb[n, pl.ds(0, 16)]
                spad[pl.ds(p + 16, 16)] = sb[n, pl.ds(16, 16)]
                return carry

            lax.fori_loop(0, NB, row, 0, unroll=16)

            def blk(nb, carry):
                flat = (nb * 16 + lane) * SPITCH
                base = nb * 16
                for j in range(EMB_D):
                    v = plsc.load_gather(spad, [flat + j])
                    db[j, pl.ds(base, 16)] = v
                return carry

            lax.fori_loop(0, NB // 16, blk, 0, unroll=4)

        def fire_write(t, db, ws):
            pltpu.async_copy(
                db,
                out_hbm.at[t, pl.ds(0, EMB_D), pl.ds(n0, NB)],
                ws,
            )

        def drain_write(db, ws):
            pltpu.make_async_copy(
                out_hbm.at[0, pl.ds(0, EMB_D), pl.ds(0, NB)], db, ws
            ).wait()

        fire_gathers(0, src_a)

        def body(u, carry):
            t0 = 2 * u
            t1 = t0 + 1
            drain_gathers(src_a)
            fire_gathers(t1, src_b)

            @pl.when(u > 0)
            def _():
                drain_write(dst_a, wsem_a)

            transpose(src_a, dst_a)
            fire_write(t0, dst_a, wsem_a)

            drain_gathers(src_b)

            @pl.when(u < n_iter - 1)
            def _():
                fire_gathers(t0 + 2, src_a)

            @pl.when(u > 0)
            def _():
                drain_write(dst_b, wsem_b)

            transpose(src_b, dst_b)
            fire_write(t1, dst_b, wsem_b)
            return carry

        lax.fori_loop(0, n_iter, body, 0)
        drain_write(dst_a, wsem_a)
        drain_write(dst_b, wsem_b)

    return lookup_kernel


def kernel(x, W):
    rows, cols = x.shape
    xt = x.T
    out3 = _make_lookup(cols, rows, W.shape[0])(xt, W)
    return out3.transpose(2, 0, 1)

# --- scband reference (transcript-rebuilt; emitter-appended) ---
"""Pipeline reference for scband-embedding-25031069401438 (READ-ONLY COPY).

The authoritative reference and input builder live on the scoring server;
editing this copy changes nothing except your own understanding.
"""

import jax, jax.numpy as jnp
import numpy as np
import math

VOCAB_SIZE = 1000000
EMBEDDING_SIZE = 32

def setup_inputs(seed: int = 0) -> dict:
    key = jax.random.key(seed)
    k_idx, k_w = jax.random.split(key)
    x = jax.random.randint(k_idx, (16384, 50), 0, VOCAB_SIZE, dtype=jnp.int64 if jax.config.jax_enable_x64 else jnp.int32)
    stdv = 1.0 / np.sqrt(VOCAB_SIZE)
    bound = math.sqrt(3) * stdv
    W = jax.random.uniform(k_w, (VOCAB_SIZE, EMBEDDING_SIZE), minval=-bound, maxval=bound, dtype=jnp.float32)
    return {"x": x, "W": W}

def reference(x, W):
    # Faithful translation of Embedding.forward: return self.W[x]
    return jnp.take(W, x, axis=0)

if __name__ == "__main__":
    import jax
    _d = setup_inputs()
    print(jax.jit(kernel)(*tuple(_d.values())))

</pallas_src>

<mosaic_0001>
#map = affine_map<(d0, d1) -> (0, 0)>
#map1 = affine_map<(d0, d1) -> (0, 0, 0)>
module attributes {stable_mosaic.version = 14 : i64} {
  func.func @lookup_kernel(%arg0: i32, %arg1: i32, %arg2: memref<50x16384xi32, #tpu.memory_space<hbm>>, %arg3: memref<1000000x32xf32, #tpu.memory_space<hbm>>, %arg4: memref<50x32x16384xf32, #tpu.memory_space<hbm>>, %arg5: memref<50x512xi32, #tpu.memory_space<vmem>>, %arg6: memref<512x32xf32, #tpu.memory_space<vmem>>, %arg7: memref<512x32xf32, #tpu.memory_space<vmem>>, %arg8: memref<16896xf32, #tpu.memory_space<vmem>>, %arg9: memref<32x512xf32, #tpu.memory_space<vmem>>, %arg10: memref<32x512xf32, #tpu.memory_space<vmem>>, %arg11: memref<!tpu.dma_semaphore, #tpu.memory_space<semaphore_mem>>, %arg12: memref<!tpu.dma_semaphore, #tpu.memory_space<semaphore_mem>>, %arg13: memref<!tpu.dma_semaphore, #tpu.memory_space<semaphore_mem>>) attributes {dimension_semantics = [#tpu.dimension_semantics<core_parallel>, #tpu.dimension_semantics<subcore_parallel>], iteration_bounds = array<i64: 2, 16>, scalar_prefetch = 0 : i64, scratch_operands = 9 : i64, tpu.core_type = #tpu.core_type<sc_vector_subcore>, window_params = [{transform_indices = #map}, {transform_indices = #map}, {transform_indices = #map1}]} {
    %mul3A = arith.constant 2 : i32
    %mul3A_0 = arith.muli %arg1, %mul3A : i32
    %add3A = arith.addi %mul3A_0, %arg0 : i32
    %mul3A_1 = arith.constant 512 : i32
    %mul3A_2 = arith.muli %add3A, %mul3A_1 : i32
    %iota3A = tpu.iota {dimensions = array<i32: 0>} : vector<16xi32>
    "tpu.region"() ({
      %run_scoped3A = tpu.sem_alloc : memref<!tpu.dma_semaphore, #tpu.memory_space<semaphore_mem>>
      %dma_start3A_64 = arith.constant 0 : i32
      %dma_start3A_65 = tpu.memref_slice %arg2[%dma_start3A_64, %mul3A_2] : memref<50x16384xi32, #tpu.memory_space<hbm>> -> memref<50x512xi32, #tpu.memory_space<hbm>>
      %dma_start3A_66 = arith.constant 0 : i32
      %dma_start3A_67 = tpu.memref_slice %arg2[%dma_start3A_66, %mul3A_2] : memref<50x16384xi32, #tpu.memory_space<hbm>> -> memref<50x512xi32, #tpu.memory_space<hbm>>
      tpu.enqueue_dma source(%dma_start3A_67 : memref<50x512xi32, #tpu.memory_space<hbm>>) target(%arg5 : memref<50x512xi32, #tpu.memory_space<vmem>>) target_semaphore(%run_scoped3A : memref<!tpu.dma_semaphore, #tpu.memory_space<semaphore_mem>>)
      %dma_wait3A_68 = arith.constant 0 : i32
      %dma_wait3A_69 = tpu.memref_slice %arg2[%dma_wait3A_68, %mul3A_2] : memref<50x16384xi32, #tpu.memory_space<hbm>> -> memref<50x512xi32, #tpu.memory_space<hbm>>
      %dma_wait3A_70 = arith.constant 0 : i32
      %dma_wait3A_71 = tpu.memref_slice %arg2[%dma_wait3A_70, %mul3A_2] : memref<50x16384xi32, #tpu.memory_space<hbm>> -> memref<50x512xi32, #tpu.memory_space<hbm>>
      tpu.wait_dma2 semaphore(%run_scoped3A : memref<!tpu.dma_semaphore, #tpu.memory_space<semaphore_mem>>) src(%dma_wait3A_71 : memref<50x512xi32, #tpu.memory_space<hbm>>) dst(%arg5 : memref<50x512xi32, #tpu.memory_space<vmem>>)
      tpu.yield
    }) : () -> ()
    %dma_start3A = arith.constant 0 : i32
    %dma_start3A_3 = arith.constant 0 : i32
    %dma_start3A_4 = arith.constant 0 : i32
    %dma_start3A_5 = tpu.memref_slice %arg6[%dma_start3A_3, %dma_start3A_4] : memref<512x32xf32, #tpu.memory_space<vmem>> -> memref<128x32xf32, #tpu.memory_space<vmem>>
    %dma_start3A_6 = arith.constant 0 : i32
    %dma_start3A_7 = tpu.memref_slice %arg5[%dma_start3A, %dma_start3A_6] : memref<50x512xi32, #tpu.memory_space<vmem>> -> memref<1x128xi32, #tpu.memory_space<vmem>>
    %dma_start3A_8 = tpu.memref_squeeze %dma_start3A_7 : memref<1x128xi32, #tpu.memory_space<vmem>> -> memref<128xi32, #tpu.memory_space<vmem>>
    %dma_start3A_9 = arith.constant 0 : i32
    %dma_start3A_10 = arith.constant 0 : i32
    %dma_start3A_11 = tpu.memref_slice %arg3[%dma_start3A_9, %dma_start3A_10] : memref<1000000x32xf32, #tpu.memory_space<hbm>> -> memref<1000000x32xf32, #tpu.memory_space<hbm>>
    tpu.enqueue_indirect_dma source(%dma_start3A_11 : memref<1000000x32xf32, #tpu.memory_space<hbm>>) target(%dma_start3A_5 : memref<128x32xf32, #tpu.memory_space<vmem>>) offsets(%dma_start3A_8 : memref<128xi32, #tpu.memory_space<vmem>>) semaphore(%arg11 : memref<!tpu.dma_semaphore, #tpu.memory_space<semaphore_mem>>)
    %dma_start3A_12 = arith.constant 0 : i32
    %dma_start3A_13 = arith.constant 128 : i32
    %dma_start3A_14 = arith.constant 0 : i32
    %dma_start3A_15 = tpu.memref_slice %arg6[%dma_start3A_13, %dma_start3A_14] : memref<512x32xf32, #tpu.memory_space<vmem>> -> memref<128x32xf32, #tpu.memory_space<vmem>>
    %dma_start3A_16 = arith.constant 128 : i32
    %dma_start3A_17 = tpu.memref_slice %arg5[%dma_start3A_12, %dma_start3A_16] : memref<50x512xi32, #tpu.memory_space<vmem>> -> memref<1x128xi32, #tpu.memory_space<vmem>>
    %dma_start3A_18 = tpu.memref_squeeze %dma_start3A_17 : memref<1x128xi32, #tpu.memory_space<vmem>> -> memref<128xi32, #tpu.memory_space<vmem>>
    %dma_start3A_19 = arith.constant 0 : i32
    %dma_start3A_20 = arith.constant 0 : i32
    %dma_start3A_21 = tpu.memref_slice %arg3[%dma_start3A_19, %dma_start3A_20] : memref<1000000x32xf32, #tpu.memory_space<hbm>> -> memref<1000000x32xf32, #tpu.memory_space<hbm>>
    tpu.enqueue_indirect_dma source(%dma_start3A_21 : memref<1000000x32xf32, #tpu.memory_space<hbm>>) target(%dma_start3A_15 : memref<128x32xf32, #tpu.memory_space<vmem>>) offsets(%dma_start3A_18 : memref<128xi32, #tpu.memory_space<vmem>>) semaphore(%arg11 : memref<!tpu.dma_semaphore, #tpu.memory_space<semaphore_mem>>)
    %dma_start3A_22 = arith.constant 0 : i32
    %dma_start3A_23 = arith.constant 256 : i32
    %dma_start3A_24 = arith.constant 0 : i32
    %dma_start3A_25 = tpu.memref_slice %arg6[%dma_start3A_23, %dma_start3A_24] : memref<512x32xf32, #tpu.memory_space<vmem>> -> memref<128x32xf32, #tpu.memory_space<vmem>>
    %dma_start3A_26 = arith.constant 256 : i32
    %dma_start3A_27 = tpu.memref_slice %arg5[%dma_start3A_22, %dma_start3A_26] : memref<50x512xi32, #tpu.memory_space<vmem>> -> memref<1x128xi32, #tpu.memory_space<vmem>>
    %dma_start3A_28 = tpu.memref_squeeze %dma_start3A_27 : memref<1x128xi32, #tpu.memory_space<vmem>> -> memref<128xi32, #tpu.memory_space<vmem>>
    %dma_start3A_29 = arith.constant 0 : i32
    %dma_start3A_30 = arith.constant 0 : i32
    %dma_start3A_31 = tpu.memref_slice %arg3[%dma_start3A_29, %dma_start3A_30] : memref<1000000x32xf32, #tpu.memory_space<hbm>> -> memref<1000000x32xf32, #tpu.memory_space<hbm>>
    tpu.enqueue_indirect_dma source(%dma_start3A_31 : memref<1000000x32xf32, #tpu.memory_space<hbm>>) target(%dma_start3A_25 : memref<128x32xf32, #tpu.memory_space<vmem>>) offsets(%dma_start3A_28 : memref<128xi32, #tpu.memory_space<vmem>>) semaphore(%arg11 : memref<!tpu.dma_semaphore, #tpu.memory_space<semaphore_mem>>)
    %dma_start3A_32 = arith.constant 0 : i32
    %dma_start3A_33 = arith.constant 384 : i32
    %dma_start3A_34 = arith.constant 0 : i32
    %dma_start3A_35 = tpu.memref_slice %arg6[%dma_start3A_33, %dma_start3A_34] : memref<512x32xf32, #tpu.memory_space<vmem>> -> memref<128x32xf32, #tpu.memory_space<vmem>>
    %dma_start3A_36 = arith.constant 384 : i32
    %dma_start3A_37 = tpu.memref_slice %arg5[%dma_start3A_32, %dma_start3A_36] : memref<50x512xi32, #tpu.memory_space<vmem>> -> memref<1x128xi32, #tpu.memory_space<vmem>>
    %dma_start3A_38 = tpu.memref_squeeze %dma_start3A_37 : memref<1x128xi32, #tpu.memory_space<vmem>> -> memref<128xi32, #tpu.memory_space<vmem>>
    %dma_start3A_39 = arith.constant 0 : i32
    %dma_start3A_40 = arith.constant 0 : i32
    %dma_start3A_41 = tpu.memref_slice %arg3[%dma_start3A_39, %dma_start3A_40] : memref<1000000x32xf32, #tpu.memory_space<hbm>> -> memref<1000000x32xf32, #tpu.memory_space<hbm>>
    tpu.enqueue_indirect_dma source(%dma_start3A_41 : memref<1000000x32xf32, #tpu.memory_space<hbm>>) target(%dma_start3A_35 : memref<128x32xf32, #tpu.memory_space<vmem>>) offsets(%dma_start3A_38 : memref<128xi32, #tpu.memory_space<vmem>>) semaphore(%arg11 : memref<!tpu.dma_semaphore, #tpu.memory_space<semaphore_mem>>)
    %scan3A = arith.constant 0 : i32
    %scan3A_42 = arith.constant 0 : i32
    %scan3A_43 = arith.constant 25 : i32
    %scan3A_44 = arith.addi %scan3A_42, %scan3A_43 : i32
    %scan3A_45 = arith.constant 1 : i32
    scf.for %scan3A_64 = %scan3A_42 to %scan3A_44 step %scan3A_45  : i32 {
      %mul3A_65 = arith.constant 2 : i32
      %mul3A_66 = arith.muli %mul3A_65, %scan3A_64 : i32
      %add3A_67 = arith.constant 1 : i32
      %add3A_68 = arith.addi %mul3A_66, %add3A_67 : i32
      %dma_wait3A_69 = arith.constant 0 : i32
      %dma_wait3A_70 = arith.constant 0 : i32
      %dma_wait3A_71 = tpu.memref_slice %arg3[%dma_wait3A_69, %dma_wait3A_70] : memref<1000000x32xf32, #tpu.memory_space<hbm>> -> memref<512x32xf32, #tpu.memory_space<hbm>>
      %dma_wait3A_72 = arith.constant 0 : i32
      %dma_wait3A_73 = arith.constant 0 : i32
      %dma_wait3A_74 = tpu.memref_slice %arg3[%dma_wait3A_72, %dma_wait3A_73] : memref<1000000x32xf32, #tpu.memory_space<hbm>> -> memref<512x32xf32, #tpu.memory_space<hbm>>
      tpu.wait_dma2 semaphore(%arg11 : memref<!tpu.dma_semaphore, #tpu.memory_space<semaphore_mem>>) src(%dma_wait3A_74 : memref<512x32xf32, #tpu.memory_space<hbm>>) dst(%arg6 : memref<512x32xf32, #tpu.memory_space<vmem>>)
      %dma_start3A_75 = arith.constant 0 : i32
      %dma_start3A_76 = arith.constant 0 : i32
      %dma_start3A_77 = tpu.memref_slice %arg7[%dma_start3A_75, %dma_start3A_76] : memref<512x32xf32, #tpu.memory_space<vmem>> -> memref<128x32xf32, #tpu.memory_space<vmem>>
      %dma_start3A_78 = arith.constant 0 : i32
      %dma_start3A_79 = tpu.memref_slice %arg5[%add3A_68, %dma_start3A_78] : memref<50x512xi32, #tpu.memory_space<vmem>> -> memref<1x128xi32, #tpu.memory_space<vmem>>
      %dma_start3A_80 = tpu.memref_squeeze %dma_start3A_79 : memref<1x128xi32, #tpu.memory_space<vmem>> -> memref<128xi32, #tpu.memory_space<vmem>>
      %dma_start3A_81 = arith.constant 0 : i32
      %dma_start3A_82 = arith.constant 0 : i32
      %dma_start3A_83 = tpu.memref_slice %arg3[%dma_start3A_81, %dma_start3A_82] : memref<1000000x32xf32, #tpu.memory_space<hbm>> -> memref<1000000x32xf32, #tpu.memory_space<hbm>>
      tpu.enqueue_indirect_dma source(%dma_start3A_83 : memref<1000000x32xf32, #tpu.memory_space<hbm>>) target(%dma_start3A_77 : memref<128x32xf32, #tpu.memory_space<vmem>>) offsets(%dma_start3A_80 : memref<128xi32, #tpu.memory_space<vmem>>) semaphore(%arg11 : memref<!tpu.dma_semaphore, #tpu.memory_space<semaphore_mem>>)
      %dma_start3A_84 = arith.constant 128 : i32
      %dma_start3A_85 = arith.constant 0 : i32
      %dma_start3A_86 = tpu.memref_slice %arg7[%dma_start3A_84, %dma_start3A_85] : memref<512x32xf32, #tpu.memory_space<vmem>> -> memref<128x32xf32, #tpu.memory_space<vmem>>
      %dma_start3A_87 = arith.constant 128 : i32
      %dma_start3A_88 = tpu.memref_slice %arg5[%add3A_68, %dma_start3A_87] : memref<50x512xi32, #tpu.memory_space<vmem>> -> memref<1x128xi32, #tpu.memory_space<vmem>>
      %dma_start3A_89 = tpu.memref_squeeze %dma_start3A_88 : memref<1x128xi32, #tpu.memory_space<vmem>> -> memref<128xi32, #tpu.memory_space<vmem>>
      %dma_start3A_90 = arith.constant 0 : i32
      %dma_start3A_91 = arith.constant 0 : i32
      %dma_start3A_92 = tpu.memref_slice %arg3[%dma_start3A_90, %dma_start3A_91] : memref<1000000x32xf32, #tpu.memory_space<hbm>> -> memref<1000000x32xf32, #tpu.memory_space<hbm>>
      tpu.enqueue_indirect_dma source(%dma_start3A_92 : memref<1000000x32xf32, #tpu.memory_space<hbm>>) target(%dma_start3A_86 : memref<128x32xf32, #tpu.memory_space<vmem>>) offsets(%dma_start3A_89 : memref<128xi32, #tpu.memory_space<vmem>>) semaphore(%arg11 : memref<!tpu.dma_semaphore, #tpu.memory_space<semaphore_mem>>)
      %dma_start3A_93 = arith.constant 256 : i32
      %dma_start3A_94 = arith.constant 0 : i32
      %dma_start3A_95 = tpu.memref_slice %arg7[%dma_start3A_93, %dma_start3A_94] : memref<512x32xf32, #tpu.memory_space<vmem>> -> memref<128x32xf32, #tpu.memory_space<vmem>>
      %dma_start3A_96 = arith.constant 256 : i32
      %dma_start3A_97 = tpu.memref_slice %arg5[%add3A_68, %dma_start3A_96] : memref<50x512xi32, #tpu.memory_space<vmem>> -> memref<1x128xi32, #tpu.memory_space<vmem>>
      %dma_start3A_98 = tpu.memref_squeeze %dma_start3A_97 : memref<1x128xi32, #tpu.memory_space<vmem>> -> memref<128xi32, #tpu.memory_space<vmem>>
      %dma_start3A_99 = arith.constant 0 : i32
      %dma_start3A_100 = arith.constant 0 : i32
      %dma_start3A_101 = tpu.memref_slice %arg3[%dma_start3A_99, %dma_start3A_100] : memref<1000000x32xf32, #tpu.memory_space<hbm>> -> memref<1000000x32xf32, #tpu.memory_space<hbm>>
      tpu.enqueue_indirect_dma source(%dma_start3A_101 : memref<1000000x32xf32, #tpu.memory_space<hbm>>) target(%dma_start3A_95 : memref<128x32xf32, #tpu.memory_space<vmem>>) offsets(%dma_start3A_98 : memref<128xi32, #tpu.memory_space<vmem>>) semaphore(%arg11 : memref<!tpu.dma_semaphore, #tpu.memory_space<semaphore_mem>>)
      %dma_start3A_102 = arith.constant 384 : i32
      %dma_start3A_103 = arith.constant 0 : i32
      %dma_start3A_104 = tpu.memref_slice %arg7[%dma_start3A_102, %dma_start3A_103] : memref<512x32xf32, #tpu.memory_space<vmem>> -> memref<128x32xf32, #tpu.memory_space<vmem>>
      %dma_start3A_105 = arith.constant 384 : i32
      %dma_start3A_106 = tpu.memref_slice %arg5[%add3A_68, %dma_start3A_105] : memref<50x512xi32, #tpu.memory_space<vmem>> -> memref<1x128xi32, #tpu.memory_space<vmem>>
      %dma_start3A_107 = tpu.memref_squeeze %dma_start3A_106 : memref<1x128xi32, #tpu.memory_space<vmem>> -> memref<128xi32, #tpu.memory_space<vmem>>
      %dma_start3A_108 = arith.constant 0 : i32
      %dma_start3A_109 = arith.constant 0 : i32
      %dma_start3A_110 = tpu.memref_slice %arg3[%dma_start3A_108, %dma_start3A_109] : memref<1000000x32xf32, #tpu.memory_space<hbm>> -> memref<1000000x32xf32, #tpu.memory_space<hbm>>
      tpu.enqueue_indirect_dma source(%dma_start3A_110 : memref<1000000x32xf32, #tpu.memory_space<hbm>>) target(%dma_start3A_104 : memref<128x32xf32, #tpu.memory_space<vmem>>) offsets(%dma_start3A_107 : memref<128xi32, #tpu.memory_space<vmem>>) semaphore(%arg11 : memref<!tpu.dma_semaphore, #tpu.memory_space<semaphore_mem>>)
      %gt3A = arith.constant 0 : i32
      %gt3A_111 = arith.cmpi sgt, %scan3A_64, %gt3A : i32
      %convert_element_type3A = arith.extui %gt3A_111 : i1 to i32
      %cond3A = arith.constant 0 : i32
      %cond3A_112 = arith.cmpi ne, %convert_element_type3A, %cond3A : i32
      scf.if %cond3A_112 {
        %dma_wait3A_164 = arith.constant 0 : i32
        %dma_wait3A_165 = arith.constant 0 : i32
        %dma_wait3A_166 = arith.constant 0 : i32
        %dma_wait3A_167 = tpu.memref_slice %arg4[%dma_wait3A_164, %dma_wait3A_165, %dma_wait3A_166] : memref<50x32x16384xf32, #tpu.memory_space<hbm>> -> memref<1x32x512xf32, #tpu.memory_space<hbm>>
        %dma_wait3A_168 = tpu.memref_squeeze %dma_wait3A_167 : memref<1x32x512xf32, #tpu.memory_space<hbm>> -> memref<32x512xf32, #tpu.memory_space<hbm>>
        %dma_wait3A_169 = arith.constant 0 : i32
        %dma_wait3A_170 = arith.constant 0 : i32
        %dma_wait3A_171 = tpu.memref_slice %arg4[%dma_wait3A_164, %dma_wait3A_169, %dma_wait3A_170] : memref<50x32x16384xf32, #tpu.memory_space<hbm>> -> memref<1x32x512xf32, #tpu.memory_space<hbm>>
        %dma_wait3A_172 = tpu.memref_squeeze %dma_wait3A_171 : memref<1x32x512xf32, #tpu.memory_space<hbm>> -> memref<32x512xf32, #tpu.memory_space<hbm>>
        tpu.wait_dma2 semaphore(%arg12 : memref<!tpu.dma_semaphore, #tpu.memory_space<semaphore_mem>>) src(%dma_wait3A_172 : memref<32x512xf32, #tpu.memory_space<hbm>>) dst(%arg9 : memref<32x512xf32, #tpu.memory_space<vmem>>)
      } else {
      }
      %scan3A_113 = arith.constant 0 : i32
      %scan3A_114 = arith.constant 0 : i32
      %scan3A_115 = arith.constant 512 : i32
      %scan3A_116 = arith.addi %scan3A_114, %scan3A_115 : i32
      %scan3A_117 = arith.constant 16 : i32
      scf.for %scan3A_164 = %scan3A_114 to %scan3A_116 step %scan3A_117  : i32 {
        %mul3A_165 = arith.constant 33 : i32
        %mul3A_166 = arith.muli %scan3A_164, %mul3A_165 : i32
        %get3A = arith.index_cast %scan3A_164 : i32 to index
        %get3A_167 = arith.constant 0 : index
        %get3A_168 = tpu.vector_load %arg6[%get3A, %get3A_167] {strides = array<i32>} : memref<512x32xf32, #tpu.memory_space<vmem>>, vector<16xf32>,
        %swap3A = arith.index_cast %mul3A_166 : i32 to index
        %swap3A_169 = tpu.vector_load %arg8[%swap3A] {strides = array<i32>} : memref<16896xf32, #tpu.memory_space<vmem>>, vector<16xf32>,
        tpu.vector_store %arg8[%swap3A], %get3A_168 {strides = array<i32>} : memref<16896xf32, #tpu.memory_space<vmem>>, vector<16xf32>,
        %get3A_170 = arith.index_cast %scan3A_164 : i32 to index
        %get3A_171 = arith.constant 16 : index
        %get3A_172 = tpu.vector_load %arg6[%get3A_170, %get3A_171] {strides = array<i32>} : memref<512x32xf32, #tpu.memory_space<vmem>>, vector<16xf32>,
        %add3A_173 = arith.constant 16 : i32
        %add3A_174 = arith.addi %mul3A_166, %add3A_173 : i32
        %swap3A_175 = arith.index_cast %add3A_174 : i32 to index
        %swap3A_176 = tpu.vector_load %arg8[%swap3A_175] {strides = array<i32>} : memref<16896xf32, #tpu.memory_space<vmem>>, vector<16xf32>,
        tpu.vector_store %arg8[%swap3A_175], %get3A_172 {strides = array<i32>} : memref<16896xf32, #tpu.memory_space<vmem>>, vector<16xf32>,
        %scan3A_177 = arith.constant 1 : i32
        %scan3A_178 = arith.addi %scan3A_164, %scan3A_177 : i32
        %mul3A_179 = arith.constant 33 : i32
        %mul3A_180 = arith.muli %scan3A_178, %mul3A_179 : i32
        %get3A_181 = arith.index_cast %scan3A_178 : i32 to index
        %get3A_182 = arith.constant 0 : index
        %get3A_183 = tpu.vector_load %arg6[%get3A_181, %get3A_182] {strides = array<i32>} : memref<512x32xf32, #tpu.memory_space<vmem>>, vector<16xf32>,
        %swap3A_184 = arith.index_cast %mul3A_180 : i32 to index
        %swap3A_185 = tpu.vector_load %arg8[%swap3A_184] {strides = array<i32>} : memref<16896xf32, #tpu.memory_space<vmem>>, vector<16xf32>,
        tpu.vector_store %arg8[%swap3A_184], %get3A_183 {strides = array<i32>} : memref<16896xf32, #tpu.memory_space<vmem>>, vector<16xf32>,
        %get3A_186 = arith.index_cast %scan3A_178 : i32 to index
        %get3A_187 = arith.constant 16 : index
        %get3A_188 = tpu.vector_load %arg6[%get3A_186, %get3A_187] {strides = array<i32>} : memref<512x32xf32, #tpu.memory_space<vmem>>, vector<16xf32>,
        %add3A_189 = arith.constant 16 : i32
        %add3A_190 = arith.addi %mul3A_180, %add3A_189 : i32
        %swap3A_191 = arith.index_cast %add3A_190 : i32 to index
        %swap3A_192 = tpu.vector_load %arg8[%swap3A_191] {strides = array<i32>} : memref<16896xf32, #tpu.memory_space<vmem>>, vector<16xf32>,
        tpu.vector_store %arg8[%swap3A_191], %get3A_188 {strides = array<i32>} : memref<16896xf32, #tpu.memory_space<vmem>>, vector<16xf32>,
        %scan3A_193 = arith.constant 2 : i32
        %scan3A_194 = arith.addi %scan3A_164, %scan3A_193 : i32
        %mul3A_195 = arith.constant 33 : i32
        %mul3A_196 = arith.muli %scan3A_194, %mul3A_195 : i32
        %get3A_197 = arith.index_cast %scan3A_194 : i32 to index
        %get3A_198 = arith.constant 0 : index
        %get3A_199 = tpu.vector_load %arg6[%get3A_197, %get3A_198] {strides = array<i32>} : memref<512x32xf32, #tpu.memory_space<vmem>>, vector<16xf32>,
        %swap3A_200 = arith.index_cast %mul3A_196 : i32 to index
        %swap3A_201 = tpu.vector_load %arg8[%swap3A_200] {strides = array<i32>} : memref<16896xf32, #tpu.memory_space<vmem>>, vector<16xf32>,
        tpu.vector_store %arg8[%swap3A_200], %get3A_199 {strides = array<i32>} : memref<16896xf32, #tpu.memory_space<vmem>>, vector<16xf32>,
        %get3A_202 = arith.index_cast %scan3A_194 : i32 to index
        %get3A_203 = arith.constant 16 : index
        %get3A_204 = tpu.vector_load %arg6[%get3A_202, %get3A_203] {strides = array<i32>} : memref<512x32xf32, #tpu.memory_space<vmem>>, vector<16xf32>,
        %add3A_205 = arith.constant 16 : i32
        %add3A_206 = arith.addi %mul3A_196, %add3A_205 : i32
        %swap3A_207 = arith.index_cast %add3A_206 : i32 to index
        %swap3A_208 = tpu.vector_load %arg8[%swap3A_207] {strides = array<i32>} : memref<16896xf32, #tpu.memory_space<vmem>>, vector<16xf32>,
        tpu.vector_store %arg8[%swap3A_207], %get3A_204 {strides = array<i32>} : memref<16896xf32, #tpu.memory_space<vmem>>, vector<16xf32>,
        %scan3A_209 = arith.constant 3 : i32
        %scan3A_210 = arith.addi %scan3A_164, %scan3A_209 : i32
        %mul3A_211 = arith.constant 33 : i32
        %mul3A_212 = arith.muli %scan3A_210, %mul3A_211 : i32
        %get3A_213 = arith.index_cast %scan3A_210 : i32 to index
        %get3A_214 = arith.constant 0 : index
        %get3A_215 = tpu.vector_load %arg6[%get3A_213, %get3A_214] {strides = array<i32>} : memref<512x32xf32, #tpu.memory_space<vmem>>, vector<16xf32>,
        %swap3A_216 = arith.index_cast %mul3A_212 : i32 to index
        %swap3A_217 = tpu.vector_load %arg8[%swap3A_216] {strides = array<i32>} : memref<16896xf32, #tpu.memory_space<vmem>>, vector<16xf32>,
        tpu.vector_store %arg8[%swap3A_216], %get3A_215 {strides = array<i32>} : memref<16896xf32, #tpu.memory_space<vmem>>, vector<16xf32>,
        %get3A_218 = arith.index_cast %scan3A_210 : i32 to index
        %get3A_219 = arith.constant 16 : index
        %get3A_220 = tpu.vector_load %arg6[%get3A_218, %get3A_219] {strides = array<i32>} : memref<512x32xf32, #tpu.memory_space<vmem>>, vector<16xf32>,
        %add3A_221 = arith.constant 16 : i32
        %add3A_222 = arith.addi %mul3A_212, %add3A_221 : i32
        %swap3A_223 = arith.index_cast %add3A_222 : i32 to index
        %swap3A_224 = tpu.vector_load %arg8[%swap3A_223] {strides = array<i32>} : memref<16896xf32, #tpu.memory_space<vmem>>, vector<16xf32>,
        tpu.vector_store %arg8[%swap3A_223], %get3A_220 {strides = array<i32>} : memref<16896xf32, #tpu.memory_space<vmem>>, vector<16xf32>,
        %scan3A_225 = arith.constant 4 : i32
        %scan3A_226 = arith.addi %scan3A_164, %scan3A_225 : i32
        %mul3A_227 = arith.constant 33 : i32
        %mul3A_228 = arith.muli %scan3A_226, %mul3A_227 : i32
        %get3A_229 = arith.index_cast %scan3A_226 : i32 to index
        %get3A_230 = arith.constant 0 : index
        %get3A_231 = tpu.vector_load %arg6[%get3A_229, %get3A_230] {strides = array<i32>} : memref<512x32xf32, #tpu.memory_space<vmem>>, vector<16xf32>,
        %swap3A_232 = arith.index_cast %mul3A_228 : i32 to index
        %swap3A_233 = tpu.vector_load %arg8[%swap3A_232] {strides = array<i32>} : memref<16896xf32, #tpu.memory_space<vmem>>, vector<16xf32>,
        tpu.vector_store %arg8[%swap3A_232], %get3A_231 {strides = array<i32>} : memref<16896xf32, #tpu.memory_space<vmem>>, vector<16xf32>,
        %get3A_234 = arith.index_cast %scan3A_226 : i32 to index
        %get3A_235 = arith.constant 16 : index
        %get3A_236 = tpu.vector_load %arg6[%get3A_234, %get3A_235] {strides = array<i32>} : memref<512x32xf32, #tpu.memory_space<vmem>>, vector<16xf32>,
        %add3A_237 = arith.constant 16 : i32
        %add3A_238 = arith.addi %mul3A_228, %add3A_237 : i32
        %swap3A_239 = arith.index_cast %add3A_238 : i32 to index
        %swap3A_240 = tpu.vector_load %arg8[%swap3A_239] {strides = array<i32>} : memref<16896xf32, #tpu.memory_space<vmem>>, vector<16xf32>,
        tpu.vector_store %arg8[%swap3A_239], %get3A_236 {strides = array<i32>} : memref<16896xf32, #tpu.memory_space<vmem>>, vector<16xf32>,
        %scan3A_241 = arith.constant 5 : i32
        %scan3A_242 = arith.addi %scan3A_164, %scan3A_241 : i32
        %mul3A_243 = arith.constant 33 : i32
        %mul3A_244 = arith.muli %scan3A_242, %mul3A_243 : i32
        %get3A_245 = arith.index_cast %scan3A_242 : i32 to index
        %get3A_246 = arith.constant 0 : index
        %get3A_247 = tpu.vector_load %arg6[%get3A_245, %get3A_246] {strides = array<i32>} : memref<512x32xf32, #tpu.memory_space<vmem>>, vector<16xf32>,
        %swap3A_248 = arith.index_cast %mul3A_244 : i32 to index
        %swap3A_249 = tpu.vector_load %arg8[%swap3A_248] {strides = array<i32>} : memref<16896xf32, #tpu.memory_space<vmem>>, vector<16xf32>,
        tpu.vector_store %arg8[%swap3A_248], %get3A_247 {strides = array<i32>} : memref<16896xf32, #tpu.memory_space<vmem>>, vector<16xf32>,
        %get3A_250 = arith.index_cast %scan3A_242 : i32 to index
        %get3A_251 = arith.constant 16 : index
        %get3A_252 = tpu.vector_load %arg6[%get3A_250, %get3A_251] {strides = array<i32>} : memref<512x32xf32, #tpu.memory_space<vmem>>, vector<16xf32>,
        %add3A_253 = arith.constant 16 : i32
        %add3A_254 = arith.addi %mul3A_244, %add3A_253 : i32
        %swap3A_255 = arith.index_cast %add3A_254 : i32 to index
        %swap3A_256 = tpu.vector_load %arg8[%swap3A_255] {strides = array<i32>} : memref<16896xf32, #tpu.memory_space<vmem>>, vector<16xf32>,
        tpu.vector_store %arg8[%swap3A_255], %get3A_252 {strides = array<i32>} : memref<16896xf32, #tpu.memory_space<vmem>>, vector<16xf32>,
        %scan3A_257 = arith.constant 6 : i32
        %scan3A_258 = arith.addi %scan3A_164, %scan3A_257 : i32
        %mul3A_259 = arith.constant 33 : i32
        %mul3A_260 = arith.muli %scan3A_258, %mul3A_259 : i32
        %get3A_261 = arith.index_cast %scan3A_258 : i32 to index
        %get3A_262 = arith.constant 0 : index
        %get3A_263 = tpu.vector_load %arg6[%get3A_261, %get3A_262] {strides = array<i32>} : memref<512x32xf32, #tpu.memory_space<vmem>>, vector<16xf32>,
        %swap3A_264 = arith.index_cast %mul3A_260 : i32 to index
        %swap3A_265 = tpu.vector_load %arg8[%swap3A_264] {strides = array<i32>} : memref<16896xf32, #tpu.memory_space<vmem>>, vector<16xf32>,
        tpu.vector_store %arg8[%swap3A_264], %get3A_263 {strides = array<i32>} : memref<16896xf32, #tpu.memory_space<vmem>>, vector<16xf32>,
        %get3A_266 = arith.index_cast %scan3A_258 : i32 to index
        %get3A_267 = arith.constant 16 : index
        %get3A_268 = tpu.vector_load %arg6[%get3A_266, %get3A_267] {strides = array<i32>} : memref<512x32xf32, #tpu.memory_space<vmem>>, vector<16xf32>,
        %add3A_269 = arith.constant 16 : i32
        %add3A_270 = arith.addi %mul3A_260, %add3A_269 : i32
        %swap3A_271 = arith.index_cast %add3A_270 : i32 to index
        %swap3A_272 = tpu.vector_load %arg8[%swap3A_271] {strides = array<i32>} : memref<16896xf32, #tpu.memory_space<vmem>>, vector<16xf32>,
        tpu.vector_store %arg8[%swap3A_271], %get3A_268 {strides = array<i32>} : memref<16896xf32, #tpu.memory_space<vmem>>, vector<16xf32>,
        %scan3A_273 = arith.constant 7 : i32
        %scan3A_274 = arith.addi %scan3A_164, %scan3A_273 : i32
        %mul3A_275 = arith.constant 33 : i32
        %mul3A_276 = arith.muli %scan3A_274, %mul3A_275 : i32
        %get3A_277 = arith.index_cast %scan3A_274 : i32 to index
        %get3A_278 = arith.constant 0 : index
        %get3A_279 = tpu.vector_load %arg6[%get3A_277, %get3A_278] {strides = array<i32>} : memref<512x32xf32, #tpu.memory_space<vmem>>, vector<16xf32>,
        %swap3A_280 = arith.index_cast %mul3A_276 : i32 to index
        %swap3A_281 = tpu.vector_load %arg8[%swap3A_280] {strides = array<i32>} : memref<16896xf32, #tpu.memory_space<vmem>>, vector<16xf32>,
        tpu.vector_store %arg8[%swap3A_280], %get3A_279 {strides = array<i32>} : memref<16896xf32, #tpu.memory_space<vmem>>, vector<16xf32>,
        %get3A_282 = arith.index_cast %scan3A_274 : i32 to index
        %get3A_283 = arith.constant 16 : index
        %get3A_284 = tpu.vector_load %arg6[%get3A_282, %get3A_283] {strides = array<i32>} : memref<512x32xf32, #tpu.memory_space<vmem>>, vector<16xf32>,
        %add3A_285 = arith.constant 16 : i32
        %add3A_286 = arith.addi %mul3A_276, %add3A_285 : i32
        %swap3A_287 = arith.index_cast %add3A_286 : i32 to index
        %swap3A_288 = tpu.vector_load %arg8[%swap3A_287] {strides = array<i32>} : memref<16896xf32, #tpu.memory_space<vmem>>, vector<16xf32>,
        tpu.vector_store %arg8[%swap3A_287], %get3A_284 {strides = array<i32>} : memref<16896xf32, #tpu.memory_space<vmem>>, vector<16xf32>,
        %scan3A_289 = arith.constant 8 : i32
        %scan3A_290 = arith.addi %scan3A_164, %scan3A_289 : i32
        %mul3A_291 = arith.constant 33 : i32
        %mul3A_292 = arith.muli %scan3A_290, %mul3A_291 : i32
        %get3A_293 = arith.index_cast %scan3A_290 : i32 to index
        %get3A_294 = arith.constant 0 : index
        %get3A_295 = tpu.vector_load %arg6[%get3A_293, %get3A_294] {strides = array<i32>} : memref<512x32xf32, #tpu.memory_space<vmem>>, vector<16xf32>,
        %swap3A_296 = arith.index_cast %mul3A_292 : i32 to index
        %swap3A_297 = tpu.vector_load %arg8[%swap3A_296] {strides = array<i32>} : memref<16896xf32, #tpu.memory_space<vmem>>, vector<16xf32>,
        tpu.vector_store %arg8[%swap3A_296], %get3A_295 {strides = array<i32>} : memref<16896xf32, #tpu.memory_space<vmem>>, vector<16xf32>,
        %get3A_298 = arith.index_cast %scan3A_290 : i32 to index
        %get3A_299 = arith.constant 16 : index
        %get3A_300 = tpu.vector_load %arg6[%get3A_298, %get3A_299] {strides = array<i32>} : memref<512x32xf32, #tpu.memory_space<vmem>>, vector<16xf32>,
        %add3A_301 = arith.constant 16 : i32
        %add3A_302 = arith.addi %mul3A_292, %add3A_301 : i32
        %swap3A_303 = arith.index_cast %add3A_302 : i32 to index
        %swap3A_304 = tpu.vector_load %arg8[%swap3A_303] {strides = array<i32>} : memref<16896xf32, #tpu.memory_space<vmem>>, vector<16xf32>,
        tpu.vector_store %arg8[%swap3A_303], %get3A_300 {strides = array<i32>} : memref<16896xf32, #tpu.memory_space<vmem>>, vector<16xf32>,
        %scan3A_305 = arith.constant 9 : i32
        %scan3A_306 = arith.addi %scan3A_164, %scan3A_305 : i32
        %mul3A_307 = arith.constant 33 : i32
        %mul3A_308 = arith.muli %scan3A_306, %mul3A_307 : i32
        %get3A_309 = arith.index_cast %scan3A_306 : i32 to index
        %get3A_310 = arith.constant 0 : index
        %get3A_311 = tpu.vector_load %arg6[%get3A_309, %get3A_310] {strides = array<i32>} : memref<512x32xf32, #tpu.memory_space<vmem>>, vector<16xf32>,
        %swap3A_312 = arith.index_cast %mul3A_308 : i32 to index
        %swap3A_313 = tpu.vector_load %arg8[%swap3A_312] {strides = array<i32>} : memref<16896xf32, #tpu.memory_space<vmem>>, vector<16xf32>,
        tpu.vector_store %arg8[%swap3A_312], %get3A_311 {strides = array<i32>} : memref<16896xf32, #tpu.memory_space<vmem>>, vector<16xf32>,
        %get3A_314 = arith.index_cast %scan3A_306 : i32 to index
        %get3A_315 = arith.constant 16 : index
        %get3A_316 = tpu.vector_load %arg6[%get3A_314, %get3A_315] {strides = array<i32>} : memref<512x32xf32, #tpu.memory_space<vmem>>, vector<16xf32>,
        %add3A_317 = arith.constant 16 : i32
        %add3A_318 = arith.addi %mul3A_308, %add3A_317 : i32
        %swap3A_319 = arith.index_cast %add3A_318 : i32 to index
        %swap3A_320 = tpu.vector_load %arg8[%swap3A_319] {strides = array<i32>} : memref<16896xf32, #tpu.memory_space<vmem>>, vector<16xf32>,
        tpu.vector_store %arg8[%swap3A_319], %get3A_316 {strides = array<i32>} : memref<16896xf32, #tpu.memory_space<vmem>>, vector<16xf32>,
        %scan3A_321 = arith.constant 10 : i32
        %scan3A_322 = arith.addi %scan3A_164, %scan3A_321 : i32
        %mul3A_323 = arith.constant 33 : i32
        %mul3A_324 = arith.muli %scan3A_322, %mul3A_323 : i32
        %get3A_325 = arith.index_cast %scan3A_322 : i32 to index
        %get3A_326 = arith.constant 0 : index
        %get3A_327 = tpu.vector_load %arg6[%get3A_325, %get3A_326] {strides = array<i32>} : memref<512x32xf32, #tpu.memory_space<vmem>>, vector<16xf32>,
        %swap3A_328 = arith.index_cast %mul3A_324 : i32 to index
        %swap3A_329 = tpu.vector_load %arg8[%swap3A_328] {strides = array<i32>} : memref<16896xf32, #tpu.memory_space<vmem>>, vector<16xf32>,
        tpu.vector_store %arg8[%swap3A_328], %get3A_327 {strides = array<i32>} : memref<16896xf32, #tpu.memory_space<vmem>>, vector<16xf32>,
        %get3A_330 = arith.index_cast %scan3A_322 : i32 to index
        %get3A_331 = arith.constant 16 : index
        %get3A_332 = tpu.vector_load %arg6[%get3A_330, %get3A_331] {strides = array<i32>} : memref<512x32xf32, #tpu.memory_space<vmem>>, vector<16xf32>,
        %add3A_333 = arith.constant 16 : i32
        %add3A_334 = arith.addi %mul3A_324, %add3A_333 : i32
        %swap3A_335 = arith.index_cast %add3A_334 : i32 to index
        %swap3A_336 = tpu.vector_load %arg8[%swap3A_335] {strides = array<i32>} : memref<16896xf32, #tpu.memory_space<vmem>>, vector<16xf32>,
        tpu.vector_store %arg8[%swap3A_335], %get3A_332 {strides = array<i32>} : memref<16896xf32, #tpu.memory_space<vmem>>, vector<16xf32>,
        %scan3A_337 = arith.constant 11 : i32
        %scan3A_338 = arith.addi %scan3A_164, %scan3A_337 : i32
        %mul3A_339 = arith.constant 33 : i32
        %mul3A_340 = arith.muli %scan3A_338, %mul3A_339 : i32
        %get3A_341 = arith.index_cast %scan3A_338 : i32 to index
        %get3A_342 = arith.constant 0 : index
        %get3A_343 = tpu.vector_load %arg6[%get3A_341, %get3A_342] {strides = array<i32>} : memref<512x32xf32, #tpu.memory_space<vmem>>, vector<16xf32>,
        %swap3A_344 = arith.index_cast %mul3A_340 : i32 to index
        %swap3A_345 = tpu.vector_load %arg8[%swap3A_344] {strides = array<i32>} : memref<16896xf32, #tpu.memory_space<vmem>>, vector<16xf32>,
        tpu.vector_store %arg8[%swap3A_344], %get3A_343 {strides = array<i32>} : memref<16896xf32, #tpu.memory_space<vmem>>, vector<16xf32>,
        %get3A_346 = arith.index_cast %scan3A_338 : i32 to index
        %get3A_347 = arith.constant 16 : index
        %get3A_348 = tpu.vector_load %arg6[%get3A_346, %get3A_347] {strides = array<i32>} : memref<512x32xf32, #tpu.memory_space<vmem>>, vector<16xf32>,
        %add3A_349 = arith.constant 16 : i32
        %add3A_350 = arith.addi %mul3A_340, %add3A_349 : i32
        %swap3A_351 = arith.index_cast %add3A_350 : i32 to index
        %swap3A_352 = tpu.vector_load %arg8[%swap3A_351] {strides = array<i32>} : memref<16896xf32, #tpu.memory_space<vmem>>, vector<16xf32>,
        tpu.vector_store %arg8[%swap3A_351], %get3A_348 {strides = array<i32>} : memref<16896xf32, #tpu.memory_space<vmem>>, vector<16xf32>,
        %scan3A_353 = arith.constant 12 : i32
        %scan3A_354 = arith.addi %scan3A_164, %scan3A_353 : i32
        %mul3A_355 = arith.constant 33 : i32
        %mul3A_356 = arith.muli %scan3A_354, %mul3A_355 : i32
        %get3A_357 = arith.index_cast %scan3A_354 : i32 to index
        %get3A_358 = arith.constant 0 : index
        %get3A_359 = tpu.vector_load %arg6[%get3A_357, %get3A_358] {strides = array<i32>} : memref<512x32xf32, #tpu.memory_space<vmem>>, vector<16xf32>,
        %swap3A_360 = arith.index_cast %mul3A_356 : i32 to index
        %swap3A_361 = tpu.vector_load %arg8[%swap3A_360] {strides = array<i32>} : memref<16896xf32, #tpu.memory_space<vmem>>, vector<16xf32>,
        tpu.vector_store %arg8[%swap3A_360], %get3A_359 {strides = array<i32>} : memref<16896xf32, #tpu.memory_space<vmem>>, vector<16xf32>,
        %get3A_362 = arith.index_cast %scan3A_354 : i32 to index
        %get3A_363 = arith.constant 16 : index
        %get3A_364 = tpu.vector_load %arg6[%get3A_362, %get3A_363] {strides = array<i32>} : memref<512x32xf32, #tpu.memory_space<vmem>>, vector<16xf32>,
        %add3A_365 = arith.constant 16 : i32
        %add3A_366 = arith.addi %mul3A_356, %add3A_365 : i32
        %swap3A_367 = arith.index_cast %add3A_366 : i32 to index
        %swap3A_368 = tpu.vector_load %arg8[%swap3A_367] {strides = array<i32>} : memref<16896xf32, #tpu.memory_space<vmem>>, vector<16xf32>,
        tpu.vector_store %arg8[%swap3A_367], %get3A_364 {strides = array<i32>} : memref<16896xf32, #tpu.memory_space<vmem>>, vector<16xf32>,
        %scan3A_369 = arith.constant 13 : i32
        %scan3A_370 = arith.addi %scan3A_164, %scan3A_369 : i32
        %mul3A_371 = arith.constant 33 : i32
        %mul3A_372 = arith.muli %scan3A_370, %mul3A_371 : i32
        %get3A_373 = arith.index_cast %scan3A_370 : i32 to index
        %get3A_374 = arith.constant 0 : index
        %get3A_375 = tpu.vector_load %arg6[%get3A_373, %get3A_374] {strides = array<i32>} : memref<512x32xf32, #tpu.memory_space<vmem>>, vector<16xf32>,
        %swap3A_376 = arith.index_cast %mul3A_372 : i32 to index
        %swap3A_377 = tpu.vector_load %arg8[%swap3A_376] {strides = array<i32>} : memref<16896xf32, #tpu.memory_space<vmem>>, vector<16xf32>,
        tpu.vector_store %arg8[%swap3A_376], %get3A_375 {strides = array<i32>} : memref<16896xf32, #tpu.memory_space<vmem>>, vector<16xf32>,
        %get3A_378 = arith.index_cast %scan3A_370 : i32 to index
        %get3A_379 = arith.constant 16 : index
        %get3A_380 = tpu.vector_load %arg6[%get3A_378, %get3A_379] {strides = array<i32>} : memref<512x32xf32, #tpu.memory_space<vmem>>, vector<16xf32>,
        %add3A_381 = arith.constant 16 : i32
        %add3A_382 = arith.addi %mul3A_372, %add3A_381 : i32
        %swap3A_383 = arith.index_cast %add3A_382 : i32 to index
        %swap3A_384 = tpu.vector_load %arg8[%swap3A_383] {strides = array<i32>} : memref<16896xf32, #tpu.memory_space<vmem>>, vector<16xf32>,
        tpu.vector_store %arg8[%swap3A_383], %get3A_380 {strides = array<i32>} : memref<16896xf32, #tpu.memory_space<vmem>>, vector<16xf32>,
        %scan3A_385 = arith.constant 14 : i32
        %scan3A_386 = arith.addi %scan3A_164, %scan3A_385 : i32
        %mul3A_387 = arith.constant 33 : i32
        %mul3A_388 = arith.muli %scan3A_386, %mul3A_387 : i32
        %get3A_389 = arith.index_cast %scan3A_386 : i32 to index
        %get3A_390 = arith.constant 0 : index
        %get3A_391 = tpu.vector_load %arg6[%get3A_389, %get3A_390] {strides = array<i32>} : memref<512x32xf32, #tpu.memory_space<vmem>>, vector<16xf32>,
        %swap3A_392 = arith.index_cast %mul3A_388 : i32 to index
        %swap3A_393 = tpu.vector_load %arg8[%swap3A_392] {strides = array<i32>} : memref<16896xf32, #tpu.memory_space<vmem>>, vector<16xf32>,
        tpu.vector_store %arg8[%swap3A_392], %get3A_391 {strides = array<i32>} : memref<16896xf32, #tpu.memory_space<vmem>>, vector<16xf32>,
        %get3A_394 = arith.index_cast %scan3A_386 : i32 to index
        %get3A_395 = arith.constant 16 : index
        %get3A_396 = tpu.vector_load %arg6[%get3A_394, %get3A_395] {strides = array<i32>} : memref<512x32xf32, #tpu.memory_space<vmem>>, vector<16xf32>,
        %add3A_397 = arith.constant 16 : i32
        %add3A_398 = arith.addi %mul3A_388, %add3A_397 : i32
        %swap3A_399 = arith.index_cast %add3A_398 : i32 to index
        %swap3A_400 = tpu.vector_load %arg8[%swap3A_399] {strides = array<i32>} : memref<16896xf32, #tpu.memory_space<vmem>>, vector<16xf32>,
        tpu.vector_store %arg8[%swap3A_399], %get3A_396 {strides = array<i32>} : memref<16896xf32, #tpu.memory_space<vmem>>, vector<16xf32>,
        %scan3A_401 = arith.constant 15 : i32
        %scan3A_402 = arith.addi %scan3A_164, %scan3A_401 : i32
        %mul3A_403 = arith.constant 33 : i32
        %mul3A_404 = arith.muli %scan3A_402, %mul3A_403 : i32
        %get3A_405 = arith.index_cast %scan3A_402 : i32 to index
        %get3A_406 = arith.constant 0 : index
        %get3A_407 = tpu.vector_load %arg6[%get3A_405, %get3A_406] {strides = array<i32>} : memref<512x32xf32, #tpu.memory_space<vmem>>, vector<16xf32>,
        %swap3A_408 = arith.index_cast %mul3A_404 : i32 to index
        %swap3A_409 = tpu.vector_load %arg8[%swap3A_408] {strides = array<i32>} : memref<16896xf32, #tpu.memory_space<vmem>>, vector<16xf32>,
        tpu.vector_store %arg8[%swap3A_408], %get3A_407 {strides = array<i32>} : memref<16896xf32, #tpu.memory_space<vmem>>, vector<16xf32>,
        %get3A_410 = arith.index_cast %scan3A_402 : i32 to index
        %get3A_411 = arith.constant 16 : index
        %get3A_412 = tpu.vector_load %arg6[%get3A_410, %get3A_411] {strides = array<i32>} : memref<512x32xf32, #tpu.memory_space<vmem>>, vector<16xf32>,
        %add3A_413 = arith.constant 16 : i32
        %add3A_414 = arith.addi %mul3A_404, %add3A_413 : i32
        %swap3A_415 = arith.index_cast %add3A_414 : i32 to index
        %swap3A_416 = tpu.vector_load %arg8[%swap3A_415] {strides = array<i32>} : memref<16896xf32, #tpu.memory_space<vmem>>, vector<16xf32>,
        tpu.vector_store %arg8[%swap3A_415], %get3A_412 {strides = array<i32>} : memref<16896xf32, #tpu.memory_space<vmem>>, vector<16xf32>,
      }
      %scan3A_118 = arith.constant 512 : i32
      %scan3A_119 = arith.constant 0 : i32
      %scan3A_120 = arith.constant 0 : i32
      %scan3A_121 = arith.constant 32 : i32
      %scan3A_122 = arith.addi %scan3A_120, %scan3A_121 : i32
      %scan3A_123 = arith.constant 4 : i32
      scf.for %scan3A_164 = %scan3A_120 to %scan3A_122 step %scan3A_123  : i32 {
        %mul3A_165 = arith.constant 16 : i32
        %mul3A_166 = arith.muli %scan3A_164, %mul3A_165 : i32
        %add3A_167 = vector.broadcast %mul3A_166 : i32 to vector<16xi32>
        %add3A_168 = arith.addi %add3A_167, %iota3A : vector<16xi32>
        %mul3A_169 = arith.constant 33 : i32
        %mul3A_170 = vector.broadcast %mul3A_169 : i32 to vector<16xi32>
        %mul3A_171 = arith.muli %add3A_168, %mul3A_170 : vector<16xi32>
        %mul3A_172 = arith.constant 16 : i32
        %mul3A_173 = arith.muli %scan3A_164, %mul3A_172 : i32
        %add3A_174 = arith.constant 0 : i32
        %add3A_175 = vector.broadcast %add3A_174 : i32 to vector<16xi32>
        %add3A_176 = arith.addi %mul3A_171, %add3A_175 : vector<16xi32>
        %gather3A = tpu.vector_load_idx %arg8[%add3A_176] : memref<16896xf32, #tpu.memory_space<vmem>>[vector<16xi32>], vector<16xf32>,
        %swap3A = arith.constant 0 : i32
        %swap3A_177 = arith.index_cast %swap3A : i32 to index
        %swap3A_178 = arith.index_cast %mul3A_173 : i32 to index
        %swap3A_179 = tpu.vector_load %arg9[%swap3A_177, %swap3A_178] {strides = array<i32>} : memref<32x512xf32, #tpu.memory_space<vmem>>, vector<16xf32>,
        tpu.vector_store %arg9[%swap3A_177, %swap3A_178], %gather3A {strides = array<i32>} : memref<32x512xf32, #tpu.memory_space<vmem>>, vector<16xf32>,
        %add3A_180 = arith.constant 1 : i32
        %add3A_181 = vector.broadcast %add3A_180 : i32 to vector<16xi32>
        %add3A_182 = arith.addi %mul3A_171, %add3A_181 : vector<16xi32>
        %gather3A_183 = tpu.vector_load_idx %arg8[%add3A_182] : memref<16896xf32, #tpu.memory_space<vmem>>[vector<16xi32>], vector<16xf32>,
        %swap3A_184 = arith.constant 1 : i32
        %swap3A_185 = arith.index_cast %swap3A_184 : i32 to index
        %swap3A_186 = arith.index_cast %mul3A_173 : i32 to index
        %swap3A_187 = tpu.vector_load %arg9[%swap3A_185, %swap3A_186] {strides = array<i32>} : memref<32x512xf32, #tpu.memory_space<vmem>>, vector<16xf32>,
        tpu.vector_store %arg9[%swap3A_185, %swap3A_186], %gather3A_183 {strides = array<i32>} : memref<32x512xf32, #tpu.memory_space<vmem>>, vector<16xf32>,
        %add3A_188 = arith.constant 2 : i32
        %add3A_189 = vector.broadcast %add3A_188 : i32 to vector<16xi32>
        %add3A_190 = arith.addi %mul3A_171, %add3A_189 : vector<16xi32>
        %gather3A_191 = tpu.vector_load_idx %arg8[%add3A_190] : memref<16896xf32, #tpu.memory_space<vmem>>[vector<16xi32>], vector<16xf32>,
        %swap3A_192 = arith.constant 2 : i32
        %swap3A_193 = arith.index_cast %swap3A_192 : i32 to index
        %swap3A_194 = arith.index_cast %mul3A_173 : i32 to index
        %swap3A_195 = tpu.vector_load %arg9[%swap3A_193, %swap3A_194] {strides = array<i32>} : memref<32x512xf32, #tpu.memory_space<vmem>>, vector<16xf32>,
        tpu.vector_store %arg9[%swap3A_193, %swap3A_194], %gather3A_191 {strides = array<i32>} : memref<32x512xf32, #tpu.memory_space<vmem>>, vector<16xf32>,
        %add3A_196 = arith.constant 3 : i32
        %add3A_197 = vector.broadcast %add3A_196 : i32 to vector<16xi32>
        %add3A_198 = arith.addi %mul3A_171, %add3A_197 : vector<16xi32>
        %gather3A_199 = tpu.vector_load_idx %arg8[%add3A_198] : memref<16896xf32, #tpu.memory_space<vmem>>[vector<16xi32>], vector<16xf32>,
        %swap3A_200 = arith.constant 3 : i32
        %swap3A_201 = arith.index_cast %swap3A_200 : i32 to index
        %swap3A_202 = arith.index_cast %mul3A_173 : i32 to index
        %swap3A_203 = tpu.vector_load %arg9[%swap3A_201, %swap3A_202] {strides = array<i32>} : memref<32x512xf32, #tpu.memory_space<vmem>>, vector<16xf32>,
        tpu.vector_store %arg9[%swap3A_201, %swap3A_202], %gather3A_199 {strides = array<i32>} : memref<32x512xf32, #tpu.memory_space<vmem>>, vector<16xf32>,
        %add3A_204 = arith.constant 4 : i32
        %add3A_205 = vector.broadcast %add3A_204 : i32 to vector<16xi32>
        %add3A_206 = arith.addi %mul3A_171, %add3A_205 : vector<16xi32>
        %gather3A_207 = tpu.vector_load_idx %arg8[%add3A_206] : memref<16896xf32, #tpu.memory_space<vmem>>[vector<16xi32>], vector<16xf32>,
        %swap3A_208 = arith.constant 4 : i32
        %swap3A_209 = arith.index_cast %swap3A_208 : i32 to index
        %swap3A_210 = arith.index_cast %mul3A_173 : i32 to index
        %swap3A_211 = tpu.vector_load %arg9[%swap3A_209, %swap3A_210] {strides = array<i32>} : memref<32x512xf32, #tpu.memory_space<vmem>>, vector<16xf32>,
        tpu.vector_store %arg9[%swap3A_209, %swap3A_210], %gather3A_207 {strides = array<i32>} : memref<32x512xf32, #tpu.memory_space<vmem>>, vector<16xf32>,
        %add3A_212 = arith.constant 5 : i32
        %add3A_213 = vector.broadcast %add3A_212 : i32 to vector<16xi32>
        %add3A_214 = arith.addi %mul3A_171, %add3A_213 : vector<16xi32>
        %gather3A_215 = tpu.vector_load_idx %arg8[%add3A_214] : memref<16896xf32, #tpu.memory_space<vmem>>[vector<16xi32>], vector<16xf32>,
        %swap3A_216 = arith.constant 5 : i32
        %swap3A_217 = arith.index_cast %swap3A_216 : i32 to index
        %swap3A_218 = arith.index_cast %mul3A_173 : i32 to index
        %swap3A_219 = tpu.vector_load %arg9[%swap3A_217, %swap3A_218] {strides = array<i32>} : memref<32x512xf32, #tpu.memory_space<vmem>>, vector<16xf32>,
        tpu.vector_store %arg9[%swap3A_217, %swap3A_218], %gather3A_215 {strides = array<i32>} : memref<32x512xf32, #tpu.memory_space<vmem>>, vector<16xf32>,
        %add3A_220 = arith.constant 6 : i32
        %add3A_221 = vector.broadcast %add3A_220 : i32 to vector<16xi32>
        %add3A_222 = arith.addi %mul3A_171, %add3A_221 : vector<16xi32>
        %gather3A_223 = tpu.vector_load_idx %arg8[%add3A_222] : memref<16896xf32, #tpu.memory_space<vmem>>[vector<16xi32>], vector<16xf32>,
        %swap3A_224 = arith.constant 6 : i32
        %swap3A_225 = arith.index_cast %swap3A_224 : i32 to index
        %swap3A_226 = arith.index_cast %mul3A_173 : i32 to index
        %swap3A_227 = tpu.vector_load %arg9[%swap3A_225, %swap3A_226] {strides = array<i32>} : memref<32x512xf32, #tpu.memory_space<vmem>>, vector<16xf32>,
        tpu.vector_store %arg9[%swap3A_225, %swap3A_226], %gather3A_223 {strides = array<i32>} : memref<32x512xf32, #tpu.memory_space<vmem>>, vector<16xf32>,
        %add3A_228 = arith.constant 7 : i32
        %add3A_229 = vector.broadcast %add3A_228 : i32 to vector<16xi32>
        %add3A_230 = arith.addi %mul3A_171, %add3A_229 : vector<16xi32>
        %gather3A_231 = tpu.vector_load_idx %arg8[%add3A_230] : memref<16896xf32, #tpu.memory_space<vmem>>[vector<16xi32>], vector<16xf32>,
        %swap3A_232 = arith.constant 7 : i32
        %swap3A_233 = arith.index_cast %swap3A_232 : i32 to index
        %swap3A_234 = arith.index_cast %mul3A_173 : i32 to index
        %swap3A_235 = tpu.vector_load %arg9[%swap3A_233, %swap3A_234] {strides = array<i32>} : memref<32x512xf32, #tpu.memory_space<vmem>>, vector<16xf32>,
        tpu.vector_store %arg9[%swap3A_233, %swap3A_234], %gather3A_231 {strides = array<i32>} : memref<32x512xf32, #tpu.memory_space<vmem>>, vector<16xf32>,
        %add3A_236 = arith.constant 8 : i32
        %add3A_237 = vector.broadcast %add3A_236 : i32 to vector<16xi32>
        %add3A_238 = arith.addi %mul3A_171, %add3A_237 : vector<16xi32>
        %gather3A_239 = tpu.vector_load_idx %arg8[%add3A_238] : memref<16896xf32, #tpu.memory_space<vmem>>[vector<16xi32>], vector<16xf32>,
        %swap3A_240 = arith.constant 8 : i32
        %swap3A_241 = arith.index_cast %swap3A_240 : i32 to index
        %swap3A_242 = arith.index_cast %mul3A_173 : i32 to index
        %swap3A_243 = tpu.vector_load %arg9[%swap3A_241, %swap3A_242] {strides = array<i32>} : memref<32x512xf32, #tpu.memory_space<vmem>>, vector<16xf32>,
        tpu.vector_store %arg9[%swap3A_241, %swap3A_242], %gather3A_239 {strides = array<i32>} : memref<32x512xf32, #tpu.memory_space<vmem>>, vector<16xf32>,
        %add3A_244 = arith.constant 9 : i32
        %add3A_245 = vector.broadcast %add3A_244 : i32 to vector<16xi32>
        %add3A_246 = arith.addi %mul3A_171, %add3A_245 : vector<16xi32>
        %gather3A_247 = tpu.vector_load_idx %arg8[%add3A_246] : memref<16896xf32, #tpu.memory_space<vmem>>[vector<16xi32>], vector<16xf32>,
        %swap3A_248 = arith.constant 9 : i32
        %swap3A_249 = arith.index_cast %swap3A_248 : i32 to index
        %swap3A_250 = arith.index_cast %mul3A_173 : i32 to index
        %swap3A_251 = tpu.vector_load %arg9[%swap3A_249, %swap3A_250] {strides = array<i32>} : memref<32x512xf32, #tpu.memory_space<vmem>>, vector<16xf32>,
        tpu.vector_store %arg9[%swap3A_249, %swap3A_250], %gather3A_247 {strides = array<i32>} : memref<32x512xf32, #tpu.memory_space<vmem>>, vector<16xf32>,
        %add3A_252 = arith.constant 10 : i32
        %add3A_253 = vector.broadcast %add3A_252 : i32 to vector<16xi32>
        %add3A_254 = arith.addi %mul3A_171, %add3A_253 : vector<16xi32>
        %gather3A_255 = tpu.vector_load_idx %arg8[%add3A_254] : memref<16896xf32, #tpu.memory_space<vmem>>[vector<16xi32>], vector<16xf32>,
        %swap3A_256 = arith.constant 10 : i32
        %swap3A_257 = arith.index_cast %swap3A_256 : i32 to index
        %swap3A_258 = arith.index_cast %mul3A_173 : i32 to index
        %swap3A_259 = tpu.vector_load %arg9[%swap3A_257, %swap3A_258] {strides = array<i32>} : memref<32x512xf32, #tpu.memory_space<vmem>>, vector<16xf32>,
        tpu.vector_store %arg9[%swap3A_257, %swap3A_258], %gather3A_255 {strides = array<i32>} : memref<32x512xf32, #tpu.memory_space<vmem>>, vector<16xf32>,
        %add3A_260 = arith.constant 11 : i32
        %add3A_261 = vector.broadcast %add3A_260 : i32 to vector<16xi32>
        %add3A_262 = arith.addi %mul3A_171, %add3A_261 : vector<16xi32>
        %gather3A_263 = tpu.vector_load_idx %arg8[%add3A_262] : memref<16896xf32, #tpu.memory_space<vmem>>[vector<16xi32>], vector<16xf32>,
        %swap3A_264 = arith.constant 11 : i32
        %swap3A_265 = arith.index_cast %swap3A_264 : i32 to index
        %swap3A_266 = arith.index_cast %mul3A_173 : i32 to index
        %swap3A_267 = tpu.vector_load %arg9[%swap3A_265, %swap3A_266] {strides = array<i32>} : memref<32x512xf32, #tpu.memory_space<vmem>>, vector<16xf32>,
        tpu.vector_store %arg9[%swap3A_265, %swap3A_266], %gather3A_263 {strides = array<i32>} : memref<32x512xf32, #tpu.memory_space<vmem>>, vector<16xf32>,
        %add3A_268 = arith.constant 12 : i32
        %add3A_269 = vector.broadcast %add3A_268 : i32 to vector<16xi32>
        %add3A_270 = arith.addi %mul3A_171, %add3A_269 : vector<16xi32>
        %gather3A_271 = tpu.vector_load_idx %arg8[%add3A_270] : memref<16896xf32, #tpu.memory_space<vmem>>[vector<16xi32>], vector<16xf32>,
        %swap3A_272 = arith.constant 12 : i32
        %swap3A_273 = arith.index_cast %swap3A_272 : i32 to index
        %swap3A_274 = arith.index_cast %mul3A_173 : i32 to index
        %swap3A_275 = tpu.vector_load %arg9[%swap3A_273, %swap3A_274] {strides = array<i32>} : memref<32x512xf32, #tpu.memory_space<vmem>>, vector<16xf32>,
        tpu.vector_store %arg9[%swap3A_273, %swap3A_274], %gather3A_271 {strides = array<i32>} : memref<32x512xf32, #tpu.memory_space<vmem>>, vector<16xf32>,
        %add3A_276 = arith.constant 13 : i32
        %add3A_277 = vector.broadcast %add3A_276 : i32 to vector<16xi32>
        %add3A_278 = arith.addi %mul3A_171, %add3A_277 : vector<16xi32>
        %gather3A_279 = tpu.vector_load_idx %arg8[%add3A_278] : memref<16896xf32, #tpu.memory_space<vmem>>[vector<16xi32>], vector<16xf32>,
        %swap3A_280 = arith.constant 13 : i32
        %swap3A_281 = arith.index_cast %swap3A_280 : i32 to index
        %swap3A_282 = arith.index_cast %mul3A_173 : i32 to index
        %swap3A_283 = tpu.vector_load %arg9[%swap3A_281, %swap3A_282] {strides = array<i32>} : memref<32x512xf32, #tpu.memory_space<vmem>>, vector<16xf32>,
        tpu.vector_store %arg9[%swap3A_281, %swap3A_282], %gather3A_279 {strides = array<i32>} : memref<32x512xf32, #tpu.memory_space<vmem>>, vector<16xf32>,
        %add3A_284 = arith.constant 14 : i32
        %add3A_285 = vector.broadcast %add3A_284 : i32 to vector<16xi32>
        %add3A_286 = arith.addi %mul3A_171, %add3A_285 : vector<16xi32>
        %gather3A_287 = tpu.vector_load_idx %arg8[%add3A_286] : memref<16896xf32, #tpu.memory_space<vmem>>[vector<16xi32>], vector<16xf32>,
        %swap3A_288 = arith.constant 14 : i32
        %swap3A_289 = arith.index_cast %swap3A_288 : i32 to index
        %swap3A_290 = arith.index_cast %mul3A_173 : i32 to index
        %swap3A_291 = tpu.vector_load %arg9[%swap3A_289, %swap3A_290] {strides = array<i32>} : memref<32x512xf32, #tpu.memory_space<vmem>>, vector<16xf32>,
        tpu.vector_store %arg9[%swap3A_289, %swap3A_290], %gather3A_287 {strides = array<i32>} : memref<32x512xf32, #tpu.memory_space<vmem>>, vector<16xf32>,
        %add3A_292 = arith.constant 15 : i32
        %add3A_293 = vector.broadcast %add3A_292 : i32 to vector<16xi32>
        %add3A_294 = arith.addi %mul3A_171, %add3A_293 : vector<16xi32>
        %gather3A_295 = tpu.vector_load_idx %arg8[%add3A_294] : memref<16896xf32, #tpu.memory_space<vmem>>[vector<16xi32>], vector<16xf32>,
        %swap3A_296 = arith.constant 15 : i32
        %swap3A_297 = arith.index_cast %swap3A_296 : i32 to index
        %swap3A_298 = arith.index_cast %mul3A_173 : i32 to index
        %swap3A_299 = tpu.vector_load %arg9[%swap3A_297, %swap3A_298] {strides = array<i32>} : memref<32x512xf32, #tpu.memory_space<vmem>>, vector<16xf32>,
        tpu.vector_store %arg9[%swap3A_297, %swap3A_298], %gather3A_295 {strides = array<i32>} : memref<32x512xf32, #tpu.memory_space<vmem>>, vector<16xf32>,
        %add3A_300 = arith.constant 16 : i32
        %add3A_301 = vector.broadcast %add3A_300 : i32 to vector<16xi32>
        %add3A_302 = arith.addi %mul3A_171, %add3A_301 : vector<16xi32>
        %gather3A_303 = tpu.vector_load_idx %arg8[%add3A_302] : memref<16896xf32, #tpu.memory_space<vmem>>[vector<16xi32>], vector<16xf32>,
        %swap3A_304 = arith.constant 16 : i32
        %swap3A_305 = arith.index_cast %swap3A_304 : i32 to index
        %swap3A_306 = arith.index_cast %mul3A_173 : i32 to index
        %swap3A_307 = tpu.vector_load %arg9[%swap3A_305, %swap3A_306] {strides = array<i32>} : memref<32x512xf32, #tpu.memory_space<vmem>>, vector<16xf32>,
        tpu.vector_store %arg9[%swap3A_305, %swap3A_306], %gather3A_303 {strides = array<i32>} : memref<32x512xf32, #tpu.memory_space<vmem>>, vector<16xf32>,
        %add3A_308 = arith.constant 17 : i32
        %add3A_309 = vector.broadcast %add3A_308 : i32 to vector<16xi32>
        %add3A_310 = arith.addi %mul3A_171, %add3A_309 : vector<16xi32>
        %gather3A_311 = tpu.vector_load_idx %arg8[%add3A_310] : memref<16896xf32, #tpu.memory_space<vmem>>[vector<16xi32>], vector<16xf32>,
        %swap3A_312 = arith.constant 17 : i32
        %swap3A_313 = arith.index_cast %swap3A_312 : i32 to index
        %swap3A_314 = arith.index_cast %mul3A_173 : i32 to index
        %swap3A_315 = tpu.vector_load %arg9[%swap3A_313, %swap3A_314] {strides = array<i32>} : memref<32x512xf32, #tpu.memory_space<vmem>>, vector<16xf32>,
        tpu.vector_store %arg9[%swap3A_313, %swap3A_314], %gather3A_311 {strides = array<i32>} : memref<32x512xf32, #tpu.memory_space<vmem>>, vector<16xf32>,
        %add3A_316 = arith.constant 18 : i32
        %add3A_317 = vector.broadcast %add3A_316 : i32 to vector<16xi32>
        %add3A_318 = arith.addi %mul3A_171, %add3A_317 : vector<16xi32>
        %gather3A_319 = tpu.vector_load_idx %arg8[%add3A_318] : memref<16896xf32, #tpu.memory_space<vmem>>[vector<16xi32>], vector<16xf32>,
        %swap3A_320 = arith.constant 18 : i32
        %swap3A_321 = arith.index_cast %swap3A_320 : i32 to index
        %swap3A_322 = arith.index_cast %mul3A_173 : i32 to index
        %swap3A_323 = tpu.vector_load %arg9[%swap3A_321, %swap3A_322] {strides = array<i32>} : memref<32x512xf32, #tpu.memory_space<vmem>>, vector<16xf32>,
        tpu.vector_store %arg9[%swap3A_321, %swap3A_322], %gather3A_319 {strides = array<i32>} : memref<32x512xf32, #tpu.memory_space<vmem>>, vector<16xf32>,
        %add3A_324 = arith.constant 19 : i32
        %add3A_325 = vector.broadcast %add3A_324 : i32 to vector<16xi32>
        %add3A_326 = arith.addi %mul3A_171, %add3A_325 : vector<16xi32>
        %gather3A_327 = tpu.vector_load_idx %arg8[%add3A_326] : memref<16896xf32, #tpu.memory_space<vmem>>[vector<16xi32>], vector<16xf32>,
        %swap3A_328 = arith.constant 19 : i32
        %swap3A_329 = arith.index_cast %swap3A_328 : i32 to index
        %swap3A_330 = arith.index_cast %mul3A_173 : i32 to index
        %swap3A_331 = tpu.vector_load %arg9[%swap3A_329, %swap3A_330] {strides = array<i32>} : memref<32x512xf32, #tpu.memory_space<vmem>>, vector<16xf32>,
        tpu.vector_store %arg9[%swap3A_329, %swap3A_330], %gather3A_327 {strides = array<i32>} : memref<32x512xf32, #tpu.memory_space<vmem>>, vector<16xf32>,
        %add3A_332 = arith.constant 20 : i32
        %add3A_333 = vector.broadcast %add3A_332 : i32 to vector<16xi32>
        %add3A_334 = arith.addi %mul3A_171, %add3A_333 : vector<16xi32>
        %gather3A_335 = tpu.vector_load_idx %arg8[%add3A_334] : memref<16896xf32, #tpu.memory_space<vmem>>[vector<16xi32>], vector<16xf32>,
        %swap3A_336 = arith.constant 20 : i32
        %swap3A_337 = arith.index_cast %swap3A_336 : i32 to index
        %swap3A_338 = arith.index_cast %mul3A_173 : i32 to index
        %swap3A_339 = tpu.vector_load %arg9[%swap3A_337, %swap3A_338] {strides = array<i32>} : memref<32x512xf32, #tpu.memory_space<vmem>>, vector<16xf32>,
        tpu.vector_store %arg9[%swap3A_337, %swap3A_338], %gather3A_335 {strides = array<i32>} : memref<32x512xf32, #tpu.memory_space<vmem>>, vector<16xf32>,
        %add3A_340 = arith.constant 21 : i32
        %add3A_341 = vector.broadcast %add3A_340 : i32 to vector<16xi32>
        %add3A_342 = arith.addi %mul3A_171, %add3A_341 : vector<16xi32>
        %gather3A_343 = tpu.vector_load_idx %arg8[%add3A_342] : memref<16896xf32, #tpu.memory_space<vmem>>[vector<16xi32>], vector<16xf32>,
        %swap3A_344 = arith.constant 21 : i32
        %swap3A_345 = arith.index_cast %swap3A_344 : i32 to index
        %swap3A_346 = arith.index_cast %mul3A_173 : i32 to index
        %swap3A_347 = tpu.vector_load %arg9[%swap3A_345, %swap3A_346] {strides = array<i32>} : memref<32x512xf32, #tpu.memory_space<vmem>>, vector<16xf32>,
        tpu.vector_store %arg9[%swap3A_345, %swap3A_346], %gather3A_343 {strides = array<i32>} : memref<32x512xf32, #tpu.memory_space<vmem>>, vector<16xf32>,
        %add3A_348 = arith.constant 22 : i32
        %add3A_349 = vector.broadcast %add3A_348 : i32 to vector<16xi32>
        %add3A_350 = arith.addi %mul3A_171, %add3A_349 : vector<16xi32>
        %gather3A_351 = tpu.vector_load_idx %arg8[%add3A_350] : memref<16896xf32, #tpu.memory_space<vmem>>[vector<16xi32>], vector<16xf32>,
        %swap3A_352 = arith.constant 22 : i32
        %swap3A_353 = arith.index_cast %swap3A_352 : i32 to index
        %swap3A_354 = arith.index_cast %mul3A_173 : i32 to index
        %swap3A_355 = tpu.vector_load %arg9[%swap3A_353, %swap3A_354] {strides = array<i32>} : memref<32x512xf32, #tpu.memory_space<vmem>>, vector<16xf32>,
        tpu.vector_store %arg9[%swap3A_353, %swap3A_354], %gather3A_351 {strides = array<i32>} : memref<32x512xf32, #tpu.memory_space<vmem>>, vector<16xf32>,
        %add3A_356 = arith.constant 23 : i32
        %add3A_357 = vector.broadcast %add3A_356 : i32 to vector<16xi32>
        %add3A_358 = arith.addi %mul3A_171, %add3A_357 : vector<16xi32>
        %gather3A_359 = tpu.vector_load_idx %arg8[%add3A_358] : memref<16896xf32, #tpu.memory_space<vmem>>[vector<16xi32>], vector<16xf32>,
        %swap3A_360 = arith.constant 23 : i32
        %swap3A_361 = arith.index_cast %swap3A_360 : i32 to index
        %swap3A_362 = arith.index_cast %mul3A_173 : i32 to index
        %swap3A_363 = tpu.vector_load %arg9[%swap3A_361, %swap3A_362] {strides = array<i32>} : memref<32x512xf32, #tpu.memory_space<vmem>>, vector<16xf32>,
        tpu.vector_store %arg9[%swap3A_361, %swap3A_362], %gather3A_359 {strides = array<i32>} : memref<32x512xf32, #tpu.memory_space<vmem>>, vector<16xf32>,
        %add3A_364 = arith.constant 24 : i32
        %add3A_365 = vector.broadcast %add3A_364 : i32 to vector<16xi32>
        %add3A_366 = arith.addi %mul3A_171, %add3A_365 : vector<16xi32>
        %gather3A_367 = tpu.vector_load_idx %arg8[%add3A_366] : memref<16896xf32, #tpu.memory_space<vmem>>[vector<16xi32>], vector<16xf32>,
        %swap3A_368 = arith.constant 24 : i32
        %swap3A_369 = arith.index_cast %swap3A_368 : i32 to index
        %swap3A_370 = arith.index_cast %mul3A_173 : i32 to index
        %swap3A_371 = tpu.vector_load %arg9[%swap3A_369, %swap3A_370] {strides = array<i32>} : memref<32x512xf32, #tpu.memory_space<vmem>>, vector<16xf32>,
        tpu.vector_store %arg9[%swap3A_369, %swap3A_370], %gather3A_367 {strides = array<i32>} : memref<32x512xf32, #tpu.memory_space<vmem>>, vector<16xf32>,
        %add3A_372 = arith.constant 25 : i32
        %add3A_373 = vector.broadcast %add3A_372 : i32 to vector<16xi32>
        %add3A_374 = arith.addi %mul3A_171, %add3A_373 : vector<16xi32>
        %gather3A_375 = tpu.vector_load_idx %arg8[%add3A_374] : memref<16896xf32, #tpu.memory_space<vmem>>[vector<16xi32>], vector<16xf32>,
        %swap3A_376 = arith.constant 25 : i32
        %swap3A_377 = arith.index_cast %swap3A_376 : i32 to index
        %swap3A_378 = arith.index_cast %mul3A_173 : i32 to index
        %swap3A_379 = tpu.vector_load %arg9[%swap3A_377, %swap3A_378] {strides = array<i32>} : memref<32x512xf32, #tpu.memory_space<vmem>>, vector<16xf32>,
        tpu.vector_store %arg9[%swap3A_377, %swap3A_378], %gather3A_375 {strides = array<i32>} : memref<32x512xf32, #tpu.memory_space<vmem>>, vector<16xf32>,
        %add3A_380 = arith.constant 26 : i32
        %add3A_381 = vector.broadcast %add3A_380 : i32 to vector<16xi32>
        %add3A_382 = arith.addi %mul3A_171, %add3A_381 : vector<16xi32>
        %gather3A_383 = tpu.vector_load_idx %arg8[%add3A_382] : memref<16896xf32, #tpu.memory_space<vmem>>[vector<16xi32>], vector<16xf32>,
        %swap3A_384 = arith.constant 26 : i32
        %swap3A_385 = arith.index_cast %swap3A_384 : i32 to index
        %swap3A_386 = arith.index_cast %mul3A_173 : i32 to index
        %swap3A_387 = tpu.vector_load %arg9[%swap3A_385, %swap3A_386] {strides = array<i32>} : memref<32x512xf32, #tpu.memory_space<vmem>>, vector<16xf32>,
        tpu.vector_store %arg9[%swap3A_385, %swap3A_386], %gather3A_383 {strides = array<i32>} : memref<32x512xf32, #tpu.memory_space<vmem>>, vector<16xf32>,
        %add3A_388 = arith.constant 27 : i32
        %add3A_389 = vector.broadcast %add3A_388 : i32 to vector<16xi32>
        %add3A_390 = arith.addi %mul3A_171, %add3A_389 : vector<16xi32>
        %gather3A_391 = tpu.vector_load_idx %arg8[%add3A_390] : memref<16896xf32, #tpu.memory_space<vmem>>[vector<16xi32>], vector<16xf32>,
        %swap3A_392 = arith.constant 27 : i32
        %swap3A_393 = arith.index_cast %swap3A_392 : i32 to index
        %swap3A_394 = arith.index_cast %mul3A_173 : i32 to index
        %swap3A_395 = tpu.vector_load %arg9[%swap3A_393, %swap3A_394] {strides = array<i32>} : memref<32x512xf32, #tpu.memory_space<vmem>>, vector<16xf32>,
        tpu.vector_store %arg9[%swap3A_393, %swap3A_394], %gather3A_391 {strides = array<i32>} : memref<32x512xf32, #tpu.memory_space<vmem>>, vector<16xf32>,
        %add3A_396 = arith.constant 28 : i32
        %add3A_397 = vector.broadcast %add3A_396 : i32 to vector<16xi32>
        %add3A_398 = arith.addi %mul3A_171, %add3A_397 : vector<16xi32>
        %gather3A_399 = tpu.vector_load_idx %arg8[%add3A_398] : memref<16896xf32, #tpu.memory_space<vmem>>[vector<16xi32>], vector<16xf32>,
        %swap3A_400 = arith.constant 28 : i32
        %swap3A_401 = arith.index_cast %swap3A_400 : i32 to index
        %swap3A_402 = arith.index_cast %mul3A_173 : i32 to index
        %swap3A_403 = tpu.vector_load %arg9[%swap3A_401, %swap3A_402] {strides = array<i32>} : memref<32x512xf32, #tpu.memory_space<vmem>>, vector<16xf32>,
        tpu.vector_store %arg9[%swap3A_401, %swap3A_402], %gather3A_399 {strides = array<i32>} : memref<32x512xf32, #tpu.memory_space<vmem>>, vector<16xf32>,
        %add3A_404 = arith.constant 29 : i32
        %add3A_405 = vector.broadcast %add3A_404 : i32 to vector<16xi32>
        %add3A_406 = arith.addi %mul3A_171, %add3A_405 : vector<16xi32>
        %gather3A_407 = tpu.vector_load_idx %arg8[%add3A_406] : memref<16896xf32, #tpu.memory_space<vmem>>[vector<16xi32>], vector<16xf32>,
        %swap3A_408 = arith.constant 29 : i32
        %swap3A_409 = arith.index_cast %swap3A_408 : i32 to index
        %swap3A_410 = arith.index_cast %mul3A_173 : i32 to index
        %swap3A_411 = tpu.vector_load %arg9[%swap3A_409, %swap3A_410] {strides = array<i32>} : memref<32x512xf32, #tpu.memory_space<vmem>>, vector<16xf32>,
        tpu.vector_store %arg9[%swap3A_409, %swap3A_410], %gather3A_407 {strides = array<i32>} : memref<32x512xf32, #tpu.memory_space<vmem>>, vector<16xf32>,
        %add3A_412 = arith.constant 30 : i32
        %add3A_413 = vector.broadcast %add3A_412 : i32 to vector<16xi32>
        %add3A_414 = arith.addi %mul3A_171, %add3A_413 : vector<16xi32>
        %gather3A_415 = tpu.vector_load_idx %arg8[%add3A_414] : memref<16896xf32, #tpu.memory_space<vmem>>[vector<16xi32>], vector<16xf32>,
        %swap3A_416 = arith.constant 30 : i32
        %swap3A_417 = arith.index_cast %swap3A_416 : i32 to index
        %swap3A_418 = arith.index_cast %mul3A_173 : i32 to index
        %swap3A_419 = tpu.vector_load %arg9[%swap3A_417, %swap3A_418] {strides = array<i32>} : memref<32x512xf32, #tpu.memory_space<vmem>>, vector<16xf32>,
        tpu.vector_store %arg9[%swap3A_417, %swap3A_418], %gather3A_415 {strides = array<i32>} : memref<32x512xf32, #tpu.memory_space<vmem>>, vector<16xf32>,
        %add3A_420 = arith.constant 31 : i32
        %add3A_421 = vector.broadcast %add3A_420 : i32 to vector<16xi32>
        %add3A_422 = arith.addi %mul3A_171, %add3A_421 : vector<16xi32>
        %gather3A_423 = tpu.vector_load_idx %arg8[%add3A_422] : memref<16896xf32, #tpu.memory_space<vmem>>[vector<16xi32>], vector<16xf32>,
        %swap3A_424 = arith.constant 31 : i32
        %swap3A_425 = arith.index_cast %swap3A_424 : i32 to index
        %swap3A_426 = arith.index_cast %mul3A_173 : i32 to index
        %swap3A_427 = tpu.vector_load %arg9[%swap3A_425, %swap3A_426] {strides = array<i32>} : memref<32x512xf32, #tpu.memory_space<vmem>>, vector<16xf32>,
        tpu.vector_store %arg9[%swap3A_425, %swap3A_426], %gather3A_423 {strides = array<i32>} : memref<32x512xf32, #tpu.memory_space<vmem>>, vector<16xf32>,
        %scan3A_428 = arith.constant 1 : i32
        %scan3A_429 = arith.addi %scan3A_164, %scan3A_428 : i32
        %mul3A_430 = arith.constant 16 : i32
        %mul3A_431 = arith.muli %scan3A_429, %mul3A_430 : i32
        %add3A_432 = vector.broadcast %mul3A_431 : i32 to vector<16xi32>
        %add3A_433 = arith.addi %add3A_432, %iota3A : vector<16xi32>
        %mul3A_434 = arith.constant 33 : i32
        %mul3A_435 = vector.broadcast %mul3A_434 : i32 to vector<16xi32>
        %mul3A_436 = arith.muli %add3A_433, %mul3A_435 : vector<16xi32>
        %mul3A_437 = arith.constant 16 : i32
        %mul3A_438 = arith.muli %scan3A_429, %mul3A_437 : i32
        %add3A_439 = arith.constant 0 : i32
        %add3A_440 = vector.broadcast %add3A_439 : i32 to vector<16xi32>
        %add3A_441 = arith.addi %mul3A_436, %add3A_440 : vector<16xi32>
        %gather3A_442 = tpu.vector_load_idx %arg8[%add3A_441] : memref<16896xf32, #tpu.memory_space<vmem>>[vector<16xi32>], vector<16xf32>,
        %swap3A_443 = arith.constant 0 : i32
        %swap3A_444 = arith.index_cast %swap3A_443 : i32 to index
        %swap3A_445 = arith.index_cast %mul3A_438 : i32 to index
        %swap3A_446 = tpu.vector_load %arg9[%swap3A_444, %swap3A_445] {strides = array<i32>} : memref<32x512xf32, #tpu.memory_space<vmem>>, vector<16xf32>,
        tpu.vector_store %arg9[%swap3A_444, %swap3A_445], %gather3A_442 {strides = array<i32>} : memref<32x512xf32, #tpu.memory_space<vmem>>, vector<16xf32>,
        %add3A_447 = arith.constant 1 : i32
        %add3A_448 = vector.broadcast %add3A_447 : i32 to vector<16xi32>
        %add3A_449 = arith.addi %mul3A_436, %add3A_448 : vector<16xi32>
        %gather3A_450 = tpu.vector_load_idx %arg8[%add3A_449] : memref<16896xf32, #tpu.memory_space<vmem>>[vector<16xi32>], vector<16xf32>,
        %swap3A_451 = arith.constant 1 : i32
        %swap3A_452 = arith.index_cast %swap3A_451 : i32 to index
        %swap3A_453 = arith.index_cast %mul3A_438 : i32 to index
        %swap3A_454 = tpu.vector_load %arg9[%swap3A_452, %swap3A_453] {strides = array<i32>} : memref<32x512xf32, #tpu.memory_space<vmem>>, vector<16xf32>,
        tpu.vector_store %arg9[%swap3A_452, %swap3A_453], %gather3A_450 {strides = array<i32>} : memref<32x512xf32, #tpu.memory_space<vmem>>, vector<16xf32>,
        %add3A_455 = arith.constant 2 : i32
        %add3A_456 = vector.broadcast %add3A_455 : i32 to vector<16xi32>
        %add3A_457 = arith.addi %mul3A_436, %add3A_456 : vector<16xi32>
        %gather3A_458 = tpu.vector_load_idx %arg8[%add3A_457] : memref<16896xf32, #tpu.memory_space<vmem>>[vector<16xi32>], vector<16xf32>,
        %swap3A_459 = arith.constant 2 : i32
        %swap3A_460 = arith.index_cast %swap3A_459 : i32 to index
        %swap3A_461 = arith.index_cast %mul3A_438 : i32 to index
        %swap3A_462 = tpu.vector_load %arg9[%swap3A_460, %swap3A_461] {strides = array<i32>} : memref<32x512xf32, #tpu.memory_space<vmem>>, vector<16xf32>,
        tpu.vector_store %arg9[%swap3A_460, %swap3A_461], %gather3A_458 {strides = array<i32>} : memref<32x512xf32, #tpu.memory_space<vmem>>, vector<16xf32>,
        %add3A_463 = arith.constant 3 : i32
        %add3A_464 = vector.broadcast %add3A_463 : i32 to vector<16xi32>
        %add3A_465 = arith.addi %mul3A_436, %add3A_464 : vector<16xi32>
        %gather3A_466 = tpu.vector_load_idx %arg8[%add3A_465] : memref<16896xf32, #tpu.memory_space<vmem>>[vector<16xi32>], vector<16xf32>,
        %swap3A_467 = arith.constant 3 : i32
        %swap3A_468 = arith.index_cast %swap3A_467 : i32 to index
        %swap3A_469 = arith.index_cast %mul3A_438 : i32 to index
        %swap3A_470 = tpu.vector_load %arg9[%swap3A_468, %swap3A_469] {strides = array<i32>} : memref<32x512xf32, #tpu.memory_space<vmem>>, vector<16xf32>,
        tpu.vector_store %arg9[%swap3A_468, %swap3A_469], %gather3A_466 {strides = array<i32>} : memref<32x512xf32, #tpu.memory_space<vmem>>, vector<16xf32>,
        %add3A_471 = arith.constant 4 : i32
        %add3A_472 = vector.broadcast %add3A_471 : i32 to vector<16xi32>
        %add3A_473 = arith.addi %mul3A_436, %add3A_472 : vector<16xi32>
        %gather3A_474 = tpu.vector_load_idx %arg8[%add3A_473] : memref<16896xf32, #tpu.memory_space<vmem>>[vector<16xi32>], vector<16xf32>,
        %swap3A_475 = arith.constant 4 : i32
        %swap3A_476 = arith.index_cast %swap3A_475 : i32 to index
        %swap3A_477 = arith.index_cast %mul3A_438 : i32 to index
        %swap3A_478 = tpu.vector_load %arg9[%swap3A_476, %swap3A_477] {strides = array<i32>} : memref<32x512xf32, #tpu.memory_space<vmem>>, vector<16xf32>,
        tpu.vector_store %arg9[%swap3A_476, %swap3A_477], %gather3A_474 {strides = array<i32>} : memref<32x512xf32, #tpu.memory_space<vmem>>, vector<16xf32>,
        %add3A_479 = arith.constant 5 : i32
        %add3A_480 = vector.broadcast %add3A_479 : i32 to vector<16xi32>
        %add3A_481 = arith.addi %mul3A_436, %add3A_480 : vector<16xi32>
        %gather3A_482 = tpu.vector_load_idx %arg8[%add3A_481] : memref<16896xf32, #tpu.memory_space<vmem>>[vector<16xi32>], vector<16xf32>,
        %swap3A_483 = arith.constant 5 : i32
        %swap3A_484 = arith.index_cast %swap3A_483 : i32 to index
        %swap3A_485 = arith.index_cast %mul3A_438 : i32 to index
        %swap3A_486 = tpu.vector_load %arg9[%swap3A_484, %swap3A_485] {strides = array<i32>} : memref<32x512xf32, #tpu.memory_space<vmem>>, vector<16xf32>,
        tpu.vector_store %arg9[%swap3A_484, %swap3A_485], %gather3A_482 {strides = array<i32>} : memref<32x512xf32, #tpu.memory_space<vmem>>, vector<16xf32>,
        %add3A_487 = arith.constant 6 : i32
        %add3A_488 = vector.broadcast %add3A_487 : i32 to vector<16xi32>
        %add3A_489 = arith.addi %mul3A_436, %add3A_488 : vector<16xi32>
        %gather3A_490 = tpu.vector_load_idx %arg8[%add3A_489] : memref<16896xf32, #tpu.memory_space<vmem>>[vector<16xi32>], vector<16xf32>,
        %swap3A_491 = arith.constant 6 : i32
        %swap3A_492 = arith.index_cast %swap3A_491 : i32 to index
        %swap3A_493 = arith.index_cast %mul3A_438 : i32 to index
        %swap3A_494 = tpu.vector_load %arg9[%swap3A_492, %swap3A_493] {strides = array<i32>} : memref<32x512xf32, #tpu.memory_space<vmem>>, vector<16xf32>,
        tpu.vector_store %arg9[%swap3A_492, %swap3A_493], %gather3A_490 {strides = array<i32>} : memref<32x512xf32, #tpu.memory_space<vmem>>, vector<16xf32>,
        %add3A_495 = arith.constant 7 : i32
        %add3A_496 = vector.broadcast %add3A_495 : i32 to vector<16xi32>
        %add3A_497 = arith.addi %mul3A_436, %add3A_496 : vector<16xi32>
        %gather3A_498 = tpu.vector_load_idx %arg8[%add3A_497] : memref<16896xf32, #tpu.memory_space<vmem>>[vector<16xi32>], vector<16xf32>,
        %swap3A_499 = arith.constant 7 : i32
        %swap3A_500 = arith.index_cast %swap3A_499 : i32 to index
        %swap3A_501 = arith.index_cast %mul3A_438 : i32 to index
        %swap3A_502 = tpu.vector_load %arg9[%swap3A_500, %swap3A_501] {strides = array<i32>} : memref<32x512xf32, #tpu.memory_space<vmem>>, vector<16xf32>,
        tpu.vector_store %arg9[%swap3A_500, %swap3A_501], %gather3A_498 {strides = array<i32>} : memref<32x512xf32, #tpu.memory_space<vmem>>, vector<16xf32>,
        %add3A_503 = arith.constant 8 : i32
        %add3A_504 = vector.broadcast %add3A_503 : i32 to vector<16xi32>
        %add3A_505 = arith.addi %mul3A_436, %add3A_504 : vector<16xi32>
        %gather3A_506 = tpu.vector_load_idx %arg8[%add3A_505] : memref<16896xf32, #tpu.memory_space<vmem>>[vector<16xi32>], vector<16xf32>,
        %swap3A_507 = arith.constant 8 : i32
        %swap3A_508 = arith.index_cast %swap3A_507 : i32 to index
        %swap3A_509 = arith.index_cast %mul3A_438 : i32 to index
        %swap3A_510 = tpu.vector_load %arg9[%swap3A_508, %swap3A_509] {strides = array<i32>} : memref<32x512xf32, #tpu.memory_space<vmem>>, vector<16xf32>,
        tpu.vector_store %arg9[%swap3A_508, %swap3A_509], %gather3A_506 {strides = array<i32>} : memref<32x512xf32, #tpu.memory_space<vmem>>, vector<16xf32>,
        %add3A_511 = arith.constant 9 : i32
        %add3A_512 = vector.broadcast %add3A_511 : i32 to vector<16xi32>
        %add3A_513 = arith.addi %mul3A_436, %add3A_512 : vector<16xi32>
        %gather3A_514 = tpu.vector_load_idx %arg8[%add3A_513] : memref<16896xf32, #tpu.memory_space<vmem>>[vector<16xi32>], vector<16xf32>,
        %swap3A_515 = arith.constant 9 : i32
        %swap3A_516 = arith.index_cast %swap3A_515 : i32 to index
        %swap3A_517 = arith.index_cast %mul3A_438 : i32 to index
        %swap3A_518 = tpu.vector_load %arg9[%swap3A_516, %swap3A_517] {strides = array<i32>} : memref<32x512xf32, #tpu.memory_space<vmem>>, vector<16xf32>,
        tpu.vector_store %arg9[%swap3A_516, %swap3A_517], %gather3A_514 {strides = array<i32>} : memref<32x512xf32, #tpu.memory_space<vmem>>, vector<16xf32>,
        %add3A_519 = arith.constant 10 : i32
        %add3A_520 = vector.broadcast %add3A_519 : i32 to vector<16xi32>
        %add3A_521 = arith.addi %mul3A_436, %add3A_520 : vector<16xi32>
        %gather3A_522 = tpu.vector_load_idx %arg8[%add3A_521] : memref<16896xf32, #tpu.memory_space<vmem>>[vector<16xi32>], vector<16xf32>,
        %swap3A_523 = arith.constant 10 : i32
        %swap3A_524 = arith.index_cast %swap3A_523 : i32 to index
        %swap3A_525 = arith.index_cast %mul3A_438 : i32 to index
        %swap3A_526 = tpu.vector_load %arg9[%swap3A_524, %swap3A_525] {strides = array<i32>} : memref<32x512xf32, #tpu.memory_space<vmem>>, vector<16xf32>,
        tpu.vector_store %arg9[%swap3A_524, %swap3A_525], %gather3A_522 {strides = array<i32>} : memref<32x512xf32, #tpu.memory_space<vmem>>, vector<16xf32>,
        %add3A_527 = arith.constant 11 : i32
        %add3A_528 = vector.broadcast %add3A_527 : i32 to vector<16xi32>
        %add3A_529 = arith.addi %mul3A_436, %add3A_528 : vector<16xi32>
        %gather3A_530 = tpu.vector_load_idx %arg8[%add3A_529] : memref<16896xf32, #tpu.memory_space<vmem>>[vector<16xi32>], vector<16xf32>,
        %swap3A_531 = arith.constant 11 : i32
        %swap3A_532 = arith.index_cast %swap3A_531 : i32 to index
        %swap3A_533 = arith.index_cast %mul3A_438 : i32 to index
        %swap3A_534 = tpu.vector_load %arg9[%swap3A_532, %swap3A_533] {strides = array<i32>} : memref<32x512xf32, #tpu.memory_space<vmem>>, vector<16xf32>,
        tpu.vector_store %arg9[%swap3A_532, %swap3A_533], %gather3A_530 {strides = array<i32>} : memref<32x512xf32, #tpu.memory_space<vmem>>, vector<16xf32>,
        %add3A_535 = arith.constant 12 : i32
        %add3A_536 = vector.broadcast %add3A_535 : i32 to vector<16xi32>
        %add3A_537 = arith.addi %mul3A_436, %add3A_536 : vector<16xi32>
        %gather3A_538 = tpu.vector_load_idx %arg8[%add3A_537] : memref<16896xf32, #tpu.memory_space<vmem>>[vector<16xi32>], vector<16xf32>,
        %swap3A_539 = arith.constant 12 : i32
        %swap3A_540 = arith.index_cast %swap3A_539 : i32 to index
        %swap3A_541 = arith.index_cast %mul3A_438 : i32 to index
        %swap3A_542 = tpu.vector_load %arg9[%swap3A_540, %swap3A_541] {strides = array<i32>} : memref<32x512xf32, #tpu.memory_space<vmem>>, vector<16xf32>,
        tpu.vector_store %arg9[%swap3A_540, %swap3A_541], %gather3A_538 {strides = array<i32>} : memref<32x512xf32, #tpu.memory_space<vmem>>, vector<16xf32>,
        %add3A_543 = arith.constant 13 : i32
        %add3A_544 = vector.broadcast %add3A_543 : i32 to vector<16xi32>
        %add3A_545 = arith.addi %mul3A_436, %add3A_544 : vector<16xi32>
        %gather3A_546 = tpu.vector_load_idx %arg8[%add3A_545] : memref<16896xf32, #tpu.memory_space<vmem>>[vector<16xi32>], vector<16xf32>,
        %swap3A_547 = arith.constant 13 : i32
        %swap3A_548 = arith.index_cast %swap3A_547 : i32 to index
        %swap3A_549 = arith.index_cast %mul3A_438 : i32 to index
        %swap3A_550 = tpu.vector_load %arg9[%swap3A_548, %swap3A_549] {strides = array<i32>} : memref<32x512xf32, #tpu.memory_space<vmem>>, vector<16xf32>,
        tpu.vector_store %arg9[%swap3A_548, %swap3A_549], %gather3A_546 {strides = array<i32>} : memref<32x512xf32, #tpu.memory_space<vmem>>, vector<16xf32>,
        %add3A_551 = arith.constant 14 : i32
        %add3A_552 = vector.broadcast %add3A_551 : i32 to vector<16xi32>
        %add3A_553 = arith.addi %mul3A_436, %add3A_552 : vector<16xi32>
        %gather3A_554 = tpu.vector_load_idx %arg8[%add3A_553] : memref<16896xf32, #tpu.memory_space<vmem>>[vector<16xi32>], vector<16xf32>,
        %swap3A_555 = arith.constant 14 : i32
        %swap3A_556 = arith.index_cast %swap3A_555 : i32 to index
        %swap3A_557 = arith.index_cast %mul3A_438 : i32 to index
        %swap3A_558 = tpu.vector_load %arg9[%swap3A_556, %swap3A_557] {strides = array<i32>} : memref<32x512xf32, #tpu.memory_space<vmem>>, vector<16xf32>,
        tpu.vector_store %arg9[%swap3A_556, %swap3A_557], %gather3A_554 {strides = array<i32>} : memref<32x512xf32, #tpu.memory_space<vmem>>, vector<16xf32>,
        %add3A_559 = arith.constant 15 : i32
        %add3A_560 = vector.broadcast %add3A_559 : i32 to vector<16xi32>
        %add3A_561 = arith.addi %mul3A_436, %add3A_560 : vector<16xi32>
        %gather3A_562 = tpu.vector_load_idx %arg8[%add3A_561] : memref<16896xf32, #tpu.memory_space<vmem>>[vector<16xi32>], vector<16xf32>,
        %swap3A_563 = arith.constant 15 : i32
        %swap3A_564 = arith.index_cast %swap3A_563 : i32 to index
        %swap3A_565 = arith.index_cast %mul3A_438 : i32 to index
        %swap3A_566 = tpu.vector_load %arg9[%swap3A_564, %swap3A_565] {strides = array<i32>} : memref<32x512xf32, #tpu.memory_space<vmem>>, vector<16xf32>,
        tpu.vector_store %arg9[%swap3A_564, %swap3A_565], %gather3A_562 {strides = array<i32>} : memref<32x512xf32, #tpu.memory_space<vmem>>, vector<16xf32>,
        %add3A_567 = arith.constant 16 : i32
        %add3A_568 = vector.broadcast %add3A_567 : i32 to vector<16xi32>
        %add3A_569 = arith.addi %mul3A_436, %add3A_568 : vector<16xi32>
        %gather3A_570 = tpu.vector_load_idx %arg8[%add3A_569] : memref<16896xf32, #tpu.memory_space<vmem>>[vector<16xi32>], vector<16xf32>,
        %swap3A_571 = arith.constant 16 : i32
        %swap3A_572 = arith.index_cast %swap3A_571 : i32 to index
        %swap3A_573 = arith.index_cast %mul3A_438 : i32 to index
        %swap3A_574 = tpu.vector_load %arg9[%swap3A_572, %swap3A_573] {strides = array<i32>} : memref<32x512xf32, #tpu.memory_space<vmem>>, vector<16xf32>,
        tpu.vector_store %arg9[%swap3A_572, %swap3A_573], %gather3A_570 {strides = array<i32>} : memref<32x512xf32, #tpu.memory_space<vmem>>, vector<16xf32>,
        %add3A_575 = arith.constant 17 : i32
        %add3A_576 = vector.broadcast %add3A_575 : i32 to vector<16xi32>
        %add3A_577 = arith.addi %mul3A_436, %add3A_576 : vector<16xi32>
        %gather3A_578 = tpu.vector_load_idx %arg8[%add3A_577] : memref<16896xf32, #tpu.memory_space<vmem>>[vector<16xi32>], vector<16xf32>,
        %swap3A_579 = arith.constant 17 : i32
        %swap3A_580 = arith.index_cast %swap3A_579 : i32 to index
        %swap3A_581 = arith.index_cast %mul3A_438 : i32 to index
        %swap3A_582 = tpu.vector_load %arg9[%swap3A_580, %swap3A_581] {strides = array<i32>} : memref<32x512xf32, #tpu.memory_space<vmem>>, vector<16xf32>,
        tpu.vector_store %arg9[%swap3A_580, %swap3A_581], %gather3A_578 {strides = array<i32>} : memref<32x512xf32, #tpu.memory_space<vmem>>, vector<16xf32>,
        %add3A_583 = arith.constant 18 : i32
        %add3A_584 = vector.broadcast %add3A_583 : i32 to vector<16xi32>
        %add3A_585 = arith.addi %mul3A_436, %add3A_584 : vector<16xi32>
        %gather3A_586 = tpu.vector_load_idx %arg8[%add3A_585] : memref<16896xf32, #tpu.memory_space<vmem>>[vector<16xi32>], vector<16xf32>,
        %swap3A_587 = arith.constant 18 : i32
        %swap3A_588 = arith.index_cast %swap3A_587 : i32 to index
        %swap3A_589 = arith.index_cast %mul3A_438 : i32 to index
        %swap3A_590 = tpu.vector_load %arg9[%swap3A_588, %swap3A_589] {strides = array<i32>} : memref<32x512xf32, #tpu.memory_space<vmem>>, vector<16xf32>,
        tpu.vector_store %arg9[%swap3A_588, %swap3A_589], %gather3A_586 {strides = array<i32>} : memref<32x512xf32, #tpu.memory_space<vmem>>, vector<16xf32>,
        %add3A_591 = arith.constant 19 : i32
        %add3A_592 = vector.broadcast %add3A_591 : i32 to vector<16xi32>
        %add3A_593 = arith.addi %mul3A_436, %add3A_592 : vector<16xi32>
        %gather3A_594 = tpu.vector_load_idx %arg8[%add3A_593] : memref<16896xf32, #tpu.memory_space<vmem>>[vector<16xi32>], vector<16xf32>,
        %swap3A_595 = arith.constant 19 : i32
        %swap3A_596 = arith.index_cast %swap3A_595 : i32 to index
        %swap3A_597 = arith.index_cast %mul3A_438 : i32 to index
        %swap3A_598 = tpu.vector_load %arg9[%swap3A_596, %swap3A_597] {strides = array<i32>} : memref<32x512xf32, #tpu.memory_space<vmem>>, vector<16xf32>,
        tpu.vector_store %arg9[%swap3A_596, %swap3A_597], %gather3A_594 {strides = array<i32>} : memref<32x512xf32, #tpu.memory_space<vmem>>, vector<16xf32>,
        %add3A_599 = arith.constant 20 : i32
        %add3A_600 = vector.broadcast %add3A_599 : i32 to vector<16xi32>
        %add3A_601 = arith.addi %mul3A_436, %add3A_600 : vector<16xi32>
        %gather3A_602 = tpu.vector_load_idx %arg8[%add3A_601] : memref<16896xf32, #tpu.memory_space<vmem>>[vector<16xi32>], vector<16xf32>,
        %swap3A_603 = arith.constant 20 : i32
        %swap3A_604 = arith.index_cast %swap3A_603 : i32 to index
        %swap3A_605 = arith.index_cast %mul3A_438 : i32 to index
        %swap3A_606 = tpu.vector_load %arg9[%swap3A_604, %swap3A_605] {strides = array<i32>} : memref<32x512xf32, #tpu.memory_space<vmem>>, vector<16xf32>,
        tpu.vector_store %arg9[%swap3A_604, %swap3A_605], %gather3A_602 {strides = array<i32>} : memref<32x512xf32, #tpu.memory_space<vmem>>, vector<16xf32>,
        %add3A_607 = arith.constant 21 : i32
        %add3A_608 = vector.broadcast %add3A_607 : i32 to vector<16xi32>
        %add3A_609 = arith.addi %mul3A_436, %add3A_608 : vector<16xi32>
        %gather3A_610 = tpu.vector_load_idx %arg8[%add3A_609] : memref<16896xf32, #tpu.memory_space<vmem>>[vector<16xi32>], vector<16xf32>,
        %swap3A_611 = arith.constant 21 : i32
        %swap3A_612 = arith.index_cast %swap3A_611 : i32 to index
        %swap3A_613 = arith.index_cast %mul3A_438 : i32 to index
        %swap3A_614 = tpu.vector_load %arg9[%swap3A_612, %swap3A_613] {strides = array<i32>} : memref<32x512xf32, #tpu.memory_space<vmem>>, vector<16xf32>,
        tpu.vector_store %arg9[%swap3A_612, %swap3A_613], %gather3A_610 {strides = array<i32>} : memref<32x512xf32, #tpu.memory_space<vmem>>, vector<16xf32>,
        %add3A_615 = arith.constant 22 : i32
        %add3A_616 = vector.broadcast %add3A_615 : i32 to vector<16xi32>
        %add3A_617 = arith.addi %mul3A_436, %add3A_616 : vector<16xi32>
        %gather3A_618 = tpu.vector_load_idx %arg8[%add3A_617] : memref<16896xf32, #tpu.memory_space<vmem>>[vector<16xi32>], vector<16xf32>,
        %swap3A_619 = arith.constant 22 : i32
        %swap3A_620 = arith.index_cast %swap3A_619 : i32 to index
        %swap3A_621 = arith.index_cast %mul3A_438 : i32 to index
        %swap3A_622 = tpu.vector_load %arg9[%swap3A_620, %swap3A_621] {strides = array<i32>} : memref<32x512xf32, #tpu.memory_space<vmem>>, vector<16xf32>,
        tpu.vector_store %arg9[%swap3A_620, %swap3A_621], %gather3A_618 {strides = array<i32>} : memref<32x512xf32, #tpu.memory_space<vmem>>, vector<16xf32>,
        %add3A_623 = arith.constant 23 : i32
        %add3A_624 = vector.broadcast %add3A_623 : i32 to vector<16xi32>
        %add3A_625 = arith.addi %mul3A_436, %add3A_624 : vector<16xi32>
        %gather3A_626 = tpu.vector_load_idx %arg8[%add3A_625] : memref<16896xf32, #tpu.memory_space<vmem>>[vector<16xi32>], vector<16xf32>,
        %swap3A_627 = arith.constant 23 : i32
        %swap3A_628 = arith.index_cast %swap3A_627 : i32 to index
        %swap3A_629 = arith.index_cast %mul3A_438 : i32 to index
        %swap3A_630 = tpu.vector_load %arg9[%swap3A_628, %swap3A_629] {strides = array<i32>} : memref<32x512xf32, #tpu.memory_space<vmem>>, vector<16xf32>,
        tpu.vector_store %arg9[%swap3A_628, %swap3A_629], %gather3A_626 {strides = array<i32>} : memref<32x512xf32, #tpu.memory_space<vmem>>, vector<16xf32>,
        %add3A_631 = arith.constant 24 : i32
        %add3A_632 = vector.broadcast %add3A_631 : i32 to vector<16xi32>
        %add3A_633 = arith.addi %mul3A_436, %add3A_632 : vector<16xi32>
        %gather3A_634 = tpu.vector_load_idx %arg8[%add3A_633] : memref<16896xf32, #tpu.memory_space<vmem>>[vector<16xi32>], vector<16xf32>,
        %swap3A_635 = arith.constant 24 : i32
        %swap3A_636 = arith.index_cast %swap3A_635 : i32 to index
        %swap3A_637 = arith.index_cast %mul3A_438 : i32 to index
        %swap3A_638 = tpu.vector_load %arg9[%swap3A_636, %swap3A_637] {strides = array<i32>} : memref<32x512xf32, #tpu.memory_space<vmem>>, vector<16xf32>,
        tpu.vector_store %arg9[%swap3A_636, %swap3A_637], %gather3A_634 {strides = array<i32>} : memref<32x512xf32, #tpu.memory_space<vmem>>, vector<16xf32>,
        %add3A_639 = arith.constant 25 : i32
        %add3A_640 = vector.broadcast %add3A_639 : i32 to vector<16xi32>
        %add3A_641 = arith.addi %mul3A_436, %add3A_640 : vector<16xi32>
        %gather3A_642 = tpu.vector_load_idx %arg8[%add3A_641] : memref<16896xf32, #tpu.memory_space<vmem>>[vector<16xi32>], vector<16xf32>,
        %swap3A_643 = arith.constant 25 : i32
        %swap3A_644 = arith.index_cast %swap3A_643 : i32 to index
        %swap3A_645 = arith.index_cast %mul3A_438 : i32 to index
        %swap3A_646 = tpu.vector_load %arg9[%swap3A_644, %swap3A_645] {strides = array<i32>} : memref<32x512xf32, #tpu.memory_space<vmem>>, vector<16xf32>,
        tpu.vector_store %arg9[%swap3A_644, %swap3A_645], %gather3A_642 {strides = array<i32>} : memref<32x512xf32, #tpu.memory_space<vmem>>, vector<16xf32>,
        %add3A_647 = arith.constant 26 : i32
        %add3A_648 = vector.broadcast %add3A_647 : i32 to vector<16xi32>
        %add3A_649 = arith.addi %mul3A_436, %add3A_648 : vector<16xi32>
        %gather3A_650 = tpu.vector_load_idx %arg8[%add3A_649] : memref<16896xf32, #tpu.memory_space<vmem>>[vector<16xi32>], vector<16xf32>,
        %swap3A_651 = arith.constant 26 : i32
        %swap3A_652 = arith.index_cast %swap3A_651 : i32 to index
        %swap3A_653 = arith.index_cast %mul3A_438 : i32 to index
        %swap3A_654 = tpu.vector_load %arg9[%swap3A_652, %swap3A_653] {strides = array<i32>} : memref<32x512xf32, #tpu.memory_space<vmem>>, vector<16xf32>,
        tpu.vector_store %arg9[%swap3A_652, %swap3A_653], %gather3A_650 {strides = array<i32>} : memref<32x512xf32, #tpu.memory_space<vmem>>, vector<16xf32>,
        %add3A_655 = arith.constant 27 : i32
        %add3A_656 = vector.broadcast %add3A_655 : i32 to vector<16xi32>
        %add3A_657 = arith.addi %mul3A_436, %add3A_656 : vector<16xi32>
        %gather3A_658 = tpu.vector_load_idx %arg8[%add3A_657] : memref<16896xf32, #tpu.memory_space<vmem>>[vector<16xi32>], vector<16xf32>,
        %swap3A_659 = arith.constant 27 : i32
        %swap3A_660 = arith.index_cast %swap3A_659 : i32 to index
        %swap3A_661 = arith.index_cast %mul3A_438 : i32 to index
        %swap3A_662 = tpu.vector_load %arg9[%swap3A_660, %swap3A_661] {strides = array<i32>} : memref<32x512xf32, #tpu.memory_space<vmem>>, vector<16xf32>,
        tpu.vector_store %arg9[%swap3A_660, %swap3A_661], %gather3A_658 {strides = array<i32>} : memref<32x512xf32, #tpu.memory_space<vmem>>, vector<16xf32>,
        %add3A_663 = arith.constant 28 : i32
        %add3A_664 = vector.broadcast %add3A_663 : i32 to vector<16xi32>
        %add3A_665 = arith.addi %mul3A_436, %add3A_664 : vector<16xi32>
        %gather3A_666 = tpu.vector_load_idx %arg8[%add3A_665] : memref<16896xf32, #tpu.memory_space<vmem>>[vector<16xi32>], vector<16xf32>,
        %swap3A_667 = arith.constant 28 : i32
        %swap3A_668 = arith.index_cast %swap3A_667 : i32 to index
        %swap3A_669 = arith.index_cast %mul3A_438 : i32 to index
        %swap3A_670 = tpu.vector_load %arg9[%swap3A_668, %swap3A_669] {strides = array<i32>} : memref<32x512xf32, #tpu.memory_space<vmem>>, vector<16xf32>,
        tpu.vector_store %arg9[%swap3A_668, %swap3A_669], %gather3A_666 {strides = array<i32>} : memref<32x512xf32, #tpu.memory_space<vmem>>, vector<16xf32>,
        %add3A_671 = arith.constant 29 : i32
        %add3A_672 = vector.broadcast %add3A_671 : i32 to vector<16xi32>
        %add3A_673 = arith.addi %mul3A_436, %add3A_672 : vector<16xi32>
        %gather3A_674 = tpu.vector_load_idx %arg8[%add3A_673] : memref<16896xf32, #tpu.memory_space<vmem>>[vector<16xi32>], vector<16xf32>,
        %swap3A_675 = arith.constant 29 : i32
        %swap3A_676 = arith.index_cast %swap3A_675 : i32 to index
        %swap3A_677 = arith.index_cast %mul3A_438 : i32 to index
        %swap3A_678 = tpu.vector_load %arg9[%swap3A_676, %swap3A_677] {strides = array<i32>} : memref<32x512xf32, #tpu.memory_space<vmem>>, vector<16xf32>,
        tpu.vector_store %arg9[%swap3A_676, %swap3A_677], %gather3A_674 {strides = array<i32>} : memref<32x512xf32, #tpu.memory_space<vmem>>, vector<16xf32>,
        %add3A_679 = arith.constant 30 : i32
        %add3A_680 = vector.broadcast %add3A_679 : i32 to vector<16xi32>
        %add3A_681 = arith.addi %mul3A_436, %add3A_680 : vector<16xi32>
        %gather3A_682 = tpu.vector_load_idx %arg8[%add3A_681] : memref<16896xf32, #tpu.memory_space<vmem>>[vector<16xi32>], vector<16xf32>,
        %swap3A_683 = arith.constant 30 : i32
        %swap3A_684 = arith.index_cast %swap3A_683 : i32 to index
        %swap3A_685 = arith.index_cast %mul3A_438 : i32 to index
        %swap3A_686 = tpu.vector_load %arg9[%swap3A_684, %swap3A_685] {strides = array<i32>} : memref<32x512xf32, #tpu.memory_space<vmem>>, vector<16xf32>,
        tpu.vector_store %arg9[%swap3A_684, %swap3A_685], %gather3A_682 {strides = array<i32>} : memref<32x512xf32, #tpu.memory_space<vmem>>, vector<16xf32>,
        %add3A_687 = arith.constant 31 : i32
        %add3A_688 = vector.broadcast %add3A_687 : i32 to vector<16xi32>
        %add3A_689 = arith.addi %mul3A_436, %add3A_688 : vector<16xi32>
        %gather3A_690 = tpu.vector_load_idx %arg8[%add3A_689] : memref<16896xf32, #tpu.memory_space<vmem>>[vector<16xi32>], vector<16xf32>,
        %swap3A_691 = arith.constant 31 : i32
        %swap3A_692 = arith.index_cast %swap3A_691 : i32 to index
        %swap3A_693 = arith.index_cast %mul3A_438 : i32 to index
        %swap3A_694 = tpu.vector_load %arg9[%swap3A_692, %swap3A_693] {strides = array<i32>} : memref<32x512xf32, #tpu.memory_space<vmem>>, vector<16xf32>,
        tpu.vector_store %arg9[%swap3A_692, %swap3A_693], %gather3A_690 {strides = array<i32>} : memref<32x512xf32, #tpu.memory_space<vmem>>, vector<16xf32>,
        %scan3A_695 = arith.constant 2 : i32
        %scan3A_696 = arith.addi %scan3A_164, %scan3A_695 : i32
        %mul3A_697 = arith.constant 16 : i32
        %mul3A_698 = arith.muli %scan3A_696, %mul3A_697 : i32
        %add3A_699 = vector.broadcast %mul3A_698 : i32 to vector<16xi32>
        %add3A_700 = arith.addi %add3A_699, %iota3A : vector<16xi32>
        %mul3A_701 = arith.constant 33 : i32
        %mul3A_702 = vector.broadcast %mul3A_701 : i32 to vector<16xi32>
        %mul3A_703 = arith.muli %add3A_700, %mul3A_702 : vector<16xi32>
        %mul3A_704 = arith.constant 16 : i32
        %mul3A_705 = arith.muli %scan3A_696, %mul3A_704 : i32
        %add3A_706 = arith.constant 0 : i32
        %add3A_707 = vector.broadcast %add3A_706 : i32 to vector<16xi32>
        %add3A_708 = arith.addi %mul3A_703, %add3A_707 : vector<16xi32>
        %gather3A_709 = tpu.vector_load_idx %arg8[%add3A_708] : memref<16896xf32, #tpu.memory_space<vmem>>[vector<16xi32>], vector<16xf32>,
        %swap3A_710 = arith.constant 0 : i32
        %swap3A_711 = arith.index_cast %swap3A_710 : i32 to index
        %swap3A_712 = arith.index_cast %mul3A_705 : i32 to index
        %swap3A_713 = tpu.vector_load %arg9[%swap3A_711, %swap3A_712] {strides = array<i32>} : memref<32x512xf32, #tpu.memory_space<vmem>>, vector<16xf32>,
        tpu.vector_store %arg9[%swap3A_711, %swap3A_712], %gather3A_709 {strides = array<i32>} : memref<32x512xf32, #tpu.memory_space<vmem>>, vector<16xf32>,
        %add3A_714 = arith.constant 1 : i32
        %add3A_715 = vector.broadcast %add3A_714 : i32 to vector<16xi32>
        %add3A_716 = arith.addi %mul3A_703, %add3A_715 : vector<16xi32>
        %gather3A_717 = tpu.vector_load_idx %arg8[%add3A_716] : memref<16896xf32, #tpu.memory_space<vmem>>[vector<16xi32>], vector<16xf32>,
        %swap3A_718 = arith.constant 1 : i32
        %swap3A_719 = arith.index_cast %swap3A_718 : i32 to index
        %swap3A_720 = arith.index_cast %mul3A_705 : i32 to index
        %swap3A_721 = tpu.vector_load %arg9[%swap3A_719, %swap3A_720] {strides = array<i32>} : memref<32x512xf32, #tpu.memory_space<vmem>>, vector<16xf32>,
        tpu.vector_store %arg9[%swap3A_719, %swap3A_720], %gather3A_717 {strides = array<i32>} : memref<32x512xf32, #tpu.memory_space<vmem>>, vector<16xf32>,
        %add3A_722 = arith.constant 2 : i32
        %add3A_723 = vector.broadcast %add3A_722 : i32 to vector<16xi32>
        %add3A_724 = arith.addi %mul3A_703, %add3A_723 : vector<16xi32>
        %gather3A_725 = tpu.vector_load_idx %arg8[%add3A_724] : memref<16896xf32, #tpu.memory_space<vmem>>[vector<16xi32>], vector<16xf32>,
        %swap3A_726 = arith.constant 2 : i32
        %swap3A_727 = arith.index_cast %swap3A_726 : i32 to index
        %swap3A_728 = arith.index_cast %mul3A_705 : i32 to index
        %swap3A_729 = tpu.vector_load %arg9[%swap3A_727, %swap3A_728] {strides = array<i32>} : memref<32x512xf32, #tpu.memory_space<vmem>>, vector<16xf32>,
        tpu.vector_store %arg9[%swap3A_727, %swap3A_728], %gather3A_725 {strides = array<i32>} : memref<32x512xf32, #tpu.memory_space<vmem>>, vector<16xf32>,
        %add3A_730 = arith.constant 3 : i32
        %add3A_731 = vector.broadcast %add3A_730 : i32 to vector<16xi32>
        %add3A_732 = arith.addi %mul3A_703, %add3A_731 : vector<16xi32>
        %gather3A_733 = tpu.vector_load_idx %arg8[%add3A_732] : memref<16896xf32, #tpu.memory_space<vmem>>[vector<16xi32>], vector<16xf32>,
        %swap3A_734 = arith.constant 3 : i32
        %swap3A_735 = arith.index_cast %swap3A_734 : i32 to index
        %swap3A_736 = arith.index_cast %mul3A_705 : i32 to index
        %swap3A_737 = tpu.vector_load %arg9[%swap3A_735, %swap3A_736] {strides = array<i32>} : memref<32x512xf32, #tpu.memory_space<vmem>>, vector<16xf32>,
        tpu.vector_store %arg9[%swap3A_735, %swap3A_736], %gather3A_733 {strides = array<i32>} : memref<32x512xf32, #tpu.memory_space<vmem>>, vector<16xf32>,
        %add3A_738 = arith.constant 4 : i32
        %add3A_739 = vector.broadcast %add3A_738 : i32 to vector<16xi32>
        %add3A_740 = arith.addi %mul3A_703, %add3A_739 : vector<16xi32>
        %gather3A_741 = tpu.vector_load_idx %arg8[%add3A_740] : memref<16896xf32, #tpu.memory_space<vmem>>[vector<16xi32>], vector<16xf32>,
        %swap3A_742 = arith.constant 4 : i32
        %swap3A_743 = arith.index_cast %swap3A_742 : i32 to index
        %swap3A_744 = arith.index_cast %mul3A_705 : i32 to index
        %swap3A_745 = tpu.vector_load %arg9[%swap3A_743, %swap3A_744] {strides = array<i32>} : memref<32x512xf32, #tpu.memory_space<vmem>>, vector<16xf32>,
        tpu.vector_store %arg9[%swap3A_743, %swap3A_744], %gather3A_741 {strides = array<i32>} : memref<32x512xf32, #tpu.memory_space<vmem>>, vector<16xf32>,
        %add3A_746 = arith.constant 5 : i32
        %add3A_747 = vector.broadcast %add3A_746 : i32 to vector<16xi32>
        %add3A_748 = arith.addi %mul3A_703, %add3A_747 : vector<16xi32>
        %gather3A_749 = tpu.vector_load_idx %arg8[%add3A_748] : memref<16896xf32, #tpu.memory_space<vmem>>[vector<16xi32>], vector<16xf32>,
        %swap3A_750 = arith.constant 5 : i32
        %swap3A_751 = arith.index_cast %swap3A_750 : i32 to index
        %swap3A_752 = arith.index_cast %mul3A_705 : i32 to index
        %swap3A_753 = tpu.vector_load %arg9[%swap3A_751, %swap3A_752] {strides = array<i32>} : memref<32x512xf32, #tpu.memory_space<vmem>>, vector<16xf32>,
        tpu.vector_store %arg9[%swap3A_751, %swap3A_752], %gather3A_749 {strides = array<i32>} : memref<32x512xf32, #tpu.memory_space<vmem>>, vector<16xf32>,
        %add3A_754 = arith.constant 6 : i32
        %add3A_755 = vector.broadcast %add3A_754 : i32 to vector<16xi32>
        %add3A_756 = arith.addi %mul3A_703, %add3A_755 : vector<16xi32>
        %gather3A_757 = tpu.vector_load_idx %arg8[%add3A_756] : memref<16896xf32, #tpu.memory_space<vmem>>[vector<16xi32>], vector<16xf32>,
        %swap3A_758 = arith.constant 6 : i32
        %swap3A_759 = arith.index_cast %swap3A_758 : i32 to index
        %swap3A_760 = arith.index_cast %mul3A_705 : i32 to index
        %swap3A_761 = tpu.vector_load %arg9[%swap3A_759, %swap3A_760] {strides = array<i32>} : memref<32x512xf32, #tpu.memory_space<vmem>>, vector<16xf32>,
        tpu.vector_store %arg9[%swap3A_759, %swap3A_760], %gather3A_757 {strides = array<i32>} : memref<32x512xf32, #tpu.memory_space<vmem>>, vector<16xf32>,
        %add3A_762 = arith.constant 7 : i32
        %add3A_763 = vector.broadcast %add3A_762 : i32 to vector<16xi32>
        %add3A_764 = arith.addi %mul3A_703, %add3A_763 : vector<16xi32>
        %gather3A_765 = tpu.vector_load_idx %arg8[%add3A_764] : memref<16896xf32, #tpu.memory_space<vmem>>[vector<16xi32>], vector<16xf32>,
        %swap3A_766 = arith.constant 7 : i32
        %swap3A_767 = arith.index_cast %swap3A_766 : i32 to index
        %swap3A_768 = arith.index_cast %mul3A_705 : i32 to index
        %swap3A_769 = tpu.vector_load %arg9[%swap3A_767, %swap3A_768] {strides = array<i32>} : memref<32x512xf32, #tpu.memory_space<vmem>>, vector<16xf32>,
        tpu.vector_store %arg9[%swap3A_767, %swap3A_768], %gather3A_765 {strides = array<i32>} : memref<32x512xf32, #tpu.memory_space<vmem>>, vector<16xf32>,
        %add3A_770 = arith.constant 8 : i32
        %add3A_771 = vector.broadcast %add3A_770 : i32 to vector<16xi32>
        %add3A_772 = arith.addi %mul3A_703, %add3A_771 : vector<16xi32>
        %gather3A_773 = tpu.vector_load_idx %arg8[%add3A_772] : memref<16896xf32, #tpu.memory_space<vmem>>[vector<16xi32>], vector<16xf32>,
        %swap3A_774 = arith.constant 8 : i32
        %swap3A_775 = arith.index_cast %swap3A_774 : i32 to index
        %swap3A_776 = arith.index_cast %mul3A_705 : i32 to index
        %swap3A_777 = tpu.vector_load %arg9[%swap3A_775, %swap3A_776] {strides = array<i32>} : memref<32x512xf32, #tpu.memory_space<vmem>>, vector<16xf32>,
        tpu.vector_store %arg9[%swap3A_775, %swap3A_776], %gather3A_773 {strides = array<i32>} : memref<32x512xf32, #tpu.memory_space<vmem>>, vector<16xf32>,
        %add3A_778 = arith.constant 9 : i32
        %add3A_779 = vector.broadcast %add3A_778 : i32 to vector<16xi32>
        %add3A_780 = arith.addi %mul3A_703, %add3A_779 : vector<16xi32>
        %gather3A_781 = tpu.vector_load_idx %arg8[%add3A_780] : memref<16896xf32, #tpu.memory_space<vmem>>[vector<16xi32>], vector<16xf32>,
        %swap3A_782 = arith.constant 9 : i32
        %swap3A_783 = arith.index_cast %swap3A_782 : i32 to index
        %swap3A_784 = arith.index_cast %mul3A_705 : i32 to index
        %swap3A_785 = tpu.vector_load %arg9[%swap3A_783, %swap3A_784] {strides = array<i32>} : memref<32x512xf32, #tpu.memory_space<vmem>>, vector<16xf32>,
        tpu.vector_store %arg9[%swap3A_783, %swap3A_784], %gather3A_781 {strides = array<i32>} : memref<32x512xf32, #tpu.memory_space<vmem>>, vector<16xf32>,
        %add3A_786 = arith.constant 10 : i32
        %add3A_787 = vector.broadcast %add3A_786 : i32 to vector<16xi32>
        %add3A_788 = arith.addi %mul3A_703, %add3A_787 : vector<16xi32>
        %gather3A_789 = tpu.vector_load_idx %arg8[%add3A_788] : memref<16896xf32, #tpu.memory_space<vmem>>[vector<16xi32>], vector<16xf32>,
        %swap3A_790 = arith.constant 10 : i32
        %swap3A_791 = arith.index_cast %swap3A_790 : i32 to index
        %swap3A_792 = arith.index_cast %mul3A_705 : i32 to index
        %swap3A_793 = tpu.vector_load %arg9[%swap3A_791, %swap3A_792] {strides = array<i32>} : memref<32x512xf32, #tpu.memory_space<vmem>>, vector<16xf32>,
        tpu.vector_store %arg9[%swap3A_791, %swap3A_792], %gather3A_789 {strides = array<i32>} : memref<32x512xf32, #tpu.memory_space<vmem>>, vector<16xf32>,
        %add3A_794 = arith.constant 11 : i32
        %add3A_795 = vector.broadcast %add3A_794 : i32 to vector<16xi32>
        %add3A_796 = arith.addi %mul3A_703, %add3A_795 : vector<16xi32>
        %gather3A_797 = tpu.vector_load_idx %arg8[%add3A_796] : memref<16896xf32, #tpu.memory_space<vmem>>[vector<16xi32>], vector<16xf32>,
        %swap3A_798 = arith.constant 11 : i32
        %swap3A_799 = arith.index_cast %swap3A_798 : i32 to index
        %swap3A_800 = arith.index_cast %mul3A_705 : i32 to index
        %swap3A_801 = tpu.vector_load %arg9[%swap3A_799, %swap3A_800] {strides = array<i32>} : memref<32x512xf32, #tpu.memory_space<vmem>>, vector<16xf32>,
        tpu.vector_store %arg9[%swap3A_799, %swap3A_800], %gather3A_797 {strides = array<i32>} : memref<32x512xf32, #tpu.memory_space<vmem>>, vector<16xf32>,
        %add3A_802 = arith.constant 12 : i32
        %add3A_803 = vector.broadcast %add3A_802 : i32 to vector<16xi32>
        %add3A_804 = arith.addi %mul3A_703, %add3A_803 : vector<16xi32>
        %gather3A_805 = tpu.vector_load_idx %arg8[%add3A_804] : memref<16896xf32, #tpu.memory_space<vmem>>[vector<16xi32>], vector<16xf32>,
        %swap3A_806 = arith.constant 12 : i32
        %swap3A_807 = arith.index_cast %swap3A_806 : i32 to index
        %swap3A_808 = arith.index_cast %mul3A_705 : i32 to index
        %swap3A_809 = tpu.vector_load %arg9[%swap3A_807, %swap3A_808] {strides = array<i32>} : memref<32x512xf32, #tpu.memory_space<vmem>>, vector<16xf32>,
        tpu.vector_store %arg9[%swap3A_807, %swap3A_808], %gather3A_805 {strides = array<i32>} : memref<32x512xf32, #tpu.memory_space<vmem>>, vector<16xf32>,
        %add3A_810 = arith.constant 13 : i32
        %add3A_811 = vector.broadcast %add3A_810 : i32 to vector<16xi32>
        %add3A_812 = arith.addi %mul3A_703, %add3A_811 : vector<16xi32>
        %gather3A_813 = tpu.vector_load_idx %arg8[%add3A_812] : memref<16896xf32, #tpu.memory_space<vmem>>[vector<16xi32>], vector<16xf32>,
        %swap3A_814 = arith.constant 13 : i32
        %swap3A_815 = arith.index_cast %swap3A_814 : i32 to index
        %swap3A_816 = arith.index_cast %mul3A_705 : i32 to index
        %swap3A_817 = tpu.vector_load %arg9[%swap3A_815, %swap3A_816] {strides = array<i32>} : memref<32x512xf32, #tpu.memory_space<vmem>>, vector<16xf32>,
        tpu.vector_store %arg9[%swap3A_815, %swap3A_816], %gather3A_813 {strides = array<i32>} : memref<32x512xf32, #tpu.memory_space<vmem>>, vector<16xf32>,
        %add3A_818 = arith.constant 14 : i32
        %add3A_819 = vector.broadcast %add3A_818 : i32 to vector<16xi32>
        %add3A_820 = arith.addi %mul3A_703, %add3A_819 : vector<16xi32>
        %gather3A_821 = tpu.vector_load_idx %arg8[%add3A_820] : memref<16896xf32, #tpu.memory_space<vmem>>[vector<16xi32>], vector<16xf32>,
        %swap3A_822 = arith.constant 14 : i32
        %swap3A_823 = arith.index_cast %swap3A_822 : i32 to index
        %swap3A_824 = arith.index_cast %mul3A_705 : i32 to index
        %swap3A_825 = tpu.vector_load %arg9[%swap3A_823, %swap3A_824] {strides = array<i32>} : memref<32x512xf32, #tpu.memory_space<vmem>>, vector<16xf32>,
        tpu.vector_store %arg9[%swap3A_823, %swap3A_824], %gather3A_821 {strides = array<i32>} : memref<32x512xf32, #tpu.memory_space<vmem>>, vector<16xf32>,
        %add3A_826 = arith.constant 15 : i32
        %add3A_827 = vector.broadcast %add3A_826 : i32 to vector<16xi32>
        %add3A_828 = arith.addi %mul3A_703, %add3A_827 : vector<16xi32>
        %gather3A_829 = tpu.vector_load_idx %arg8[%add3A_828] : memref<16896xf32, #tpu.memory_space<vmem>>[vector<16xi32>], vector<16xf32>,
        %swap3A_830 = arith.constant 15 : i32
        %swap3A_831 = arith.index_cast %swap3A_830 : i32 to index
        %swap3A_832 = arith.index_cast %mul3A_705 : i32 to index
        %swap3A_833 = tpu.vector_load %arg9[%swap3A_831, %swap3A_832] {strides = array<i32>} : memref<32x512xf32, #tpu.memory_space<vmem>>, vector<16xf32>,
        tpu.vector_store %arg9[%swap3A_831, %swap3A_832], %gather3A_829 {strides = array<i32>} : memref<32x512xf32, #tpu.memory_space<vmem>>, vector<16xf32>,
        %add3A_834 = arith.constant 16 : i32
        %add3A_835 = vector.broadcast %add3A_834 : i32 to vector<16xi32>
        %add3A_836 = arith.addi %mul3A_703, %add3A_835 : vector<16xi32>
        %gather3A_837 = tpu.vector_load_idx %arg8[%add3A_836] : memref<16896xf32, #tpu.memory_space<vmem>>[vector<16xi32>], vector<16xf32>,
        %swap3A_838 = arith.constant 16 : i32
        %swap3A_839 = arith.index_cast %swap3A_838 : i32 to index
        %swap3A_840 = arith.index_cast %mul3A_705 : i32 to index
        %swap3A_841 = tpu.vector_load %arg9[%swap3A_839, %swap3A_840] {strides = array<i32>} : memref<32x512xf32, #tpu.memory_space<vmem>>, vector<16xf32>,
        tpu.vector_store %arg9[%swap3A_839, %swap3A_840], %gather3A_837 {strides = array<i32>} : memref<32x512xf32, #tpu.memory_space<vmem>>, vector<16xf32>,
        %add3A_842 = arith.constant 17 : i32
        %add3A_843 = vector.broadcast %add3A_842 : i32 to vector<16xi32>
        %add3A_844 = arith.addi %mul3A_703, %add3A_843 : vector<16xi32>
        %gather3A_845 = tpu.vector_load_idx %arg8[%add3A_844] : memref<16896xf32, #tpu.memory_space<vmem>>[vector<16xi32>], vector<16xf32>,
        %swap3A_846 = arith.constant 17 : i32
        %swap3A_847 = arith.index_cast %swap3A_846 : i32 to index
        %swap3A_848 = arith.index_cast %mul3A_705 : i32 to index
        %swap3A_849 = tpu.vector_load %arg9[%swap3A_847, %swap3A_848] {strides = array<i32>} : memref<32x512xf32, #tpu.memory_space<vmem>>, vector<16xf32>,
        tpu.vector_store %arg9[%swap3A_847, %swap3A_848], %gather3A_845 {strides = array<i32>} : memref<32x512xf32, #tpu.memory_space<vmem>>, vector<16xf32>,
        %add3A_850 = arith.constant 18 : i32
        %add3A_851 = vector.broadcast %add3A_850 : i32 to vector<16xi32>
        %add3A_852 = arith.addi %mul3A_703, %add3A_851 : vector<16xi32>
        %gather3A_853 = tpu.vector_load_idx %arg8[%add3A_852] : memref<16896xf32, #tpu.memory_space<vmem>>[vector<16xi32>], vector<16xf32>,
        %swap3A_854 = arith.constant 18 : i32
        %swap3A_855 = arith.index_cast %swap3A_854 : i32 to index
        %swap3A_856 = arith.index_cast %mul3A_705 : i32 to index
        %swap3A_857 = tpu.vector_load %arg9[%swap3A_855, %swap3A_856] {strides = array<i32>} : memref<32x512xf32, #tpu.memory_space<vmem>>, vector<16xf32>,
        tpu.vector_store %arg9[%swap3A_855, %swap3A_856], %gather3A_853 {strides = array<i32>} : memref<32x512xf32, #tpu.memory_space<vmem>>, vector<16xf32>,
        %add3A_858 = arith.constant 19 : i32
        %add3A_859 = vector.broadcast %add3A_858 : i32 to vector<16xi32>
        %add3A_860 = arith.addi %mul3A_703, %add3A_859 : vector<16xi32>
        %gather3A_861 = tpu.vector_load_idx %arg8[%add3A_860] : memref<16896xf32, #tpu.memory_space<vmem>>[vector<16xi32>], vector<16xf32>,
        %swap3A_862 = arith.constant 19 : i32
        %swap3A_863 = arith.index_cast %swap3A_862 : i32 to index
        %swap3A_864 = arith.index_cast %mul3A_705 : i32 to index
        %swap3A_865 = tpu.vector_load %arg9[%swap3A_863, %swap3A_864] {strides = array<i32>} : memref<32x512xf32, #tpu.memory_space<vmem>>, vector<16xf32>,
        tpu.vector_store %arg9[%swap3A_863, %swap3A_864], %gather3A_861 {strides = array<i32>} : memref<32x512xf32, #tpu.memory_space<vmem>>, vector<16xf32>,
        %add3A_866 = arith.constant 20 : i32
        %add3A_867 = vector.broadcast %add3A_866 : i32 to vector<16xi32>
        %add3A_868 = arith.addi %mul3A_703, %add3A_867 : vector<16xi32>
        %gather3A_869 = tpu.vector_load_idx %arg8[%add3A_868] : memref<16896xf32, #tpu.memory_space<vmem>>[vector<16xi32>], vector<16xf32>,
        %swap3A_870 = arith.constant 20 : i32
        %swap3A_871 = arith.index_cast %swap3A_870 : i32 to index
        %swap3A_872 = arith.index_cast %mul3A_705 : i32 to index
        %swap3A_873 = tpu.vector_load %arg9[%swap3A_871, %swap3A_872] {strides = array<i32>} : memref<32x512xf32, #tpu.memory_space<vmem>>, vector<16xf32>,
        tpu.vector_store %arg9[%swap3A_871, %swap3A_872], %gather3A_869 {strides = array<i32>} : memref<32x512xf32, #tpu.memory_space<vmem>>, vector<16xf32>,
        %add3A_874 = arith.constant 21 : i32
        %add3A_875 = vector.broadcast %add3A_874 : i32 to vector<16xi32>
        %add3A_876 = arith.addi %mul3A_703, %add3A_875 : vector<16xi32>
        %gather3A_877 = tpu.vector_load_idx %arg8[%add3A_876] : memref<16896xf32, #tpu.memory_space<vmem>>[vector<16xi32>], vector<16xf32>,
        %swap3A_878 = arith.constant 21 : i32
        %swap3A_879 = arith.index_cast %swap3A_878 : i32 to index
        %swap3A_880 = arith.index_cast %mul3A_705 : i32 to index
        %swap3A_881 = tpu.vector_load %arg9[%swap3A_879, %swap3A_880] {strides = array<i32>} : memref<32x512xf32, #tpu.memory_space<vmem>>, vector<16xf32>,
        tpu.vector_store %arg9[%swap3A_879, %swap3A_880], %gather3A_877 {strides = array<i32>} : memref<32x512xf32, #tpu.memory_space<vmem>>, vector<16xf32>,
        %add3A_882 = arith.constant 22 : i32
        %add3A_883 = vector.broadcast %add3A_882 : i32 to vector<16xi32>
        %add3A_884 = arith.addi %mul3A_703, %add3A_883 : vector<16xi32>
        %gather3A_885 = tpu.vector_load_idx %arg8[%add3A_884] : memref<16896xf32, #tpu.memory_space<vmem>>[vector<16xi32>], vector<16xf32>,
        %swap3A_886 = arith.constant 22 : i32
        %swap3A_887 = arith.index_cast %swap3A_886 : i32 to index
        %swap3A_888 = arith.index_cast %mul3A_705 : i32 to index
        %swap3A_889 = tpu.vector_load %arg9[%swap3A_887, %swap3A_888] {strides = array<i32>} : memref<32x512xf32, #tpu.memory_space<vmem>>, vector<16xf32>,
        tpu.vector_store %arg9[%swap3A_887, %swap3A_888], %gather3A_885 {strides = array<i32>} : memref<32x512xf32, #tpu.memory_space<vmem>>, vector<16xf32>,
        %add3A_890 = arith.constant 23 : i32
        %add3A_891 = vector.broadcast %add3A_890 : i32 to vector<16xi32>
        %add3A_892 = arith.addi %mul3A_703, %add3A_891 : vector<16xi32>
        %gather3A_893 = tpu.vector_load_idx %arg8[%add3A_892] : memref<16896xf32, #tpu.memory_space<vmem>>[vector<16xi32>], vector<16xf32>,
        %swap3A_894 = arith.constant 23 : i32
        %swap3A_895 = arith.index_cast %swap3A_894 : i32 to index
        %swap3A_896 = arith.index_cast %mul3A_705 : i32 to index
        %swap3A_897 = tpu.vector_load %arg9[%swap3A_895, %swap3A_896] {strides = array<i32>} : memref<32x512xf32, #tpu.memory_space<vmem>>, vector<16xf32>,
        tpu.vector_store %arg9[%swap3A_895, %swap3A_896], %gather3A_893 {strides = array<i32>} : memref<32x512xf32, #tpu.memory_space<vmem>>, vector<16xf32>,
        %add3A_898 = arith.constant 24 : i32
        %add3A_899 = vector.broadcast %add3A_898 : i32 to vector<16xi32>
        %add3A_900 = arith.addi %mul3A_703, %add3A_899 : vector<16xi32>
        %gather3A_901 = tpu.vector_load_idx %arg8[%add3A_900] : memref<16896xf32, #tpu.memory_space<vmem>>[vector<16xi32>], vector<16xf32>,
        %swap3A_902 = arith.constant 24 : i32
        %swap3A_903 = arith.index_cast %swap3A_902 : i32 to index
        %swap3A_904 = arith.index_cast %mul3A_705 : i32 to index
        %swap3A_905 = tpu.vector_load %arg9[%swap3A_903, %swap3A_904] {strides = array<i32>} : memref<32x512xf32, #tpu.memory_space<vmem>>, vector<16xf32>,
        tpu.vector_store %arg9[%swap3A_903, %swap3A_904], %gather3A_901 {strides = array<i32>} : memref<32x512xf32, #tpu.memory_space<vmem>>, vector<16xf32>,
        %add3A_906 = arith.constant 25 : i32
        %add3A_907 = vector.broadcast %add3A_906 : i32 to vector<16xi32>
        %add3A_908 = arith.addi %mul3A_703, %add3A_907 : vector<16xi32>
        %gather3A_909 = tpu.vector_load_idx %arg8[%add3A_908] : memref<16896xf32, #tpu.memory_space<vmem>>[vector<16xi32>], vector<16xf32>,
        %swap3A_910 = arith.constant 25 : i32
        %swap3A_911 = arith.index_cast %swap3A_910 : i32 to index
        %swap3A_912 = arith.index_cast %mul3A_705 : i32 to index
        %swap3A_913 = tpu.vector_load %arg9[%swap3A_911, %swap3A_912] {strides = array<i32>} : memref<32x512xf32, #tpu.memory_space<vmem>>, vector<16xf32>,
        tpu.vector_store %arg9[%swap3A_911, %swap3A_912], %gather3A_909 {strides = array<i32>} : memref<32x512xf32, #tpu.memory_space<vmem>>, vector<16xf32>,
        %add3A_914 = arith.constant 26 : i32
        %add3A_915 = vector.broadcast %add3A_914 : i32 to vector<16xi32>
        %add3A_916 = arith.addi %mul3A_703, %add3A_915 : vector<16xi32>
        %gather3A_917 = tpu.vector_load_idx %arg8[%add3A_916] : memref<16896xf32, #tpu.memory_space<vmem>>[vector<16xi32>], vector<16xf32>,
        %swap3A_918 = arith.constant 26 : i32
        %swap3A_919 = arith.index_cast %swap3A_918 : i32 to index
        %swap3A_920 = arith.index_cast %mul3A_705 : i32 to index
        %swap3A_921 = tpu.vector_load %arg9[%swap3A_919, %swap3A_920] {strides = array<i32>} : memref<32x512xf32, #tpu.memory_space<vmem>>, vector<16xf32>,
        tpu.vector_store %arg9[%swap3A_919, %swap3A_920], %gather3A_917 {strides = array<i32>} : memref<32x512xf32, #tpu.memory_space<vmem>>, vector<16xf32>,
        %add3A_922 = arith.constant 27 : i32
        %add3A_923 = vector.broadcast %add3A_922 : i32 to vector<16xi32>
        %add3A_924 = arith.addi %mul3A_703, %add3A_923 : vector<16xi32>
        %gather3A_925 = tpu.vector_load_idx %arg8[%add3A_924] : memref<16896xf32, #tpu.memory_space<vmem>>[vector<16xi32>], vector<16xf32>,
        %swap3A_926 = arith.constant 27 : i32
        %swap3A_927 = arith.index_cast %swap3A_926 : i32 to index
        %swap3A_928 = arith.index_cast %mul3A_705 : i32 to index
        %swap3A_929 = tpu.vector_load %arg9[%swap3A_927, %swap3A_928] {strides = array<i32>} : memref<32x512xf32, #tpu.memory_space<vmem>>, vector<16xf32>,
        tpu.vector_store %arg9[%swap3A_927, %swap3A_928], %gather3A_925 {strides = array<i32>} : memref<32x512xf32, #tpu.memory_space<vmem>>, vector<16xf32>,
        %add3A_930 = arith.constant 28 : i32
        %add3A_931 = vector.broadcast %add3A_930 : i32 to vector<16xi32>
        %add3A_932 = arith.addi %mul3A_703, %add3A_931 : vector<16xi32>
        %gather3A_933 = tpu.vector_load_idx %arg8[%add3A_932] : memref<16896xf32, #tpu.memory_space<vmem>>[vector<16xi32>], vector<16xf32>,
        %swap3A_934 = arith.constant 28 : i32
        %swap3A_935 = arith.index_cast %swap3A_934 : i32 to index
        %swap3A_936 = arith.index_cast %mul3A_705 : i32 to index
        %swap3A_937 = tpu.vector_load %arg9[%swap3A_935, %swap3A_936] {strides = array<i32>} : memref<32x512xf32, #tpu.memory_space<vmem>>, vector<16xf32>,
        tpu.vector_store %arg9[%swap3A_935, %swap3A_936], %gather3A_933 {strides = array<i32>} : memref<32x512xf32, #tpu.memory_space<vmem>>, vector<16xf32>,
        %add3A_938 = arith.constant 29 : i32
        %add3A_939 = vector.broadcast %add3A_938 : i32 to vector<16xi32>
        %add3A_940 = arith.addi %mul3A_703, %add3A_939 : vector<16xi32>
        %gather3A_941 = tpu.vector_load_idx %arg8[%add3A_940] : memref<16896xf32, #tpu.memory_space<vmem>>[vector<16xi32>], vector<16xf32>,
        %swap3A_942 = arith.constant 29 : i32
        %swap3A_943 = arith.index_cast %swap3A_942 : i32 to index
        %swap3A_944 = arith.index_cast %mul3A_705 : i32 to index
        %swap3A_945 = tpu.vector_load %arg9[%swap3A_943, %swap3A_944] {strides = array<i32>} : memref<32x512xf32, #tpu.memory_space<vmem>>, vector<16xf32>,
        tpu.vector_store %arg9[%swap3A_943, %swap3A_944], %gather3A_941 {strides = array<i32>} : memref<32x512xf32, #tpu.memory_space<vmem>>, vector<16xf32>,
        %add3A_946 = arith.constant 30 : i32
        %add3A_947 = vector.broadcast %add3A_946 : i32 to vector<16xi32>
        %add3A_948 = arith.addi %mul3A_703, %add3A_947 : vector<16xi32>
        %gather3A_949 = tpu.vector_load_idx %arg8[%add3A_948] : memref<16896xf32, #tpu.memory_space<vmem>>[vector<16xi32>], vector<16xf32>,
        %swap3A_950 = arith.constant 30 : i32
        %swap3A_951 = arith.index_cast %swap3A_950 : i32 to index
        %swap3A_952 = arith.index_cast %mul3A_705 : i32 to index
        %swap3A_953 = tpu.vector_load %arg9[%swap3A_951, %swap3A_952] {strides = array<i32>} : memref<32x512xf32, #tpu.memory_space<vmem>>, vector<16xf32>,
        tpu.vector_store %arg9[%swap3A_951, %swap3A_952], %gather3A_949 {strides = array<i32>} : memref<32x512xf32, #tpu.memory_space<vmem>>, vector<16xf32>,
        %add3A_954 = arith.constant 31 : i32
        %add3A_955 = vector.broadcast %add3A_954 : i32 to vector<16xi32>
        %add3A_956 = arith.addi %mul3A_703, %add3A_955 : vector<16xi32>
        %gather3A_957 = tpu.vector_load_idx %arg8[%add3A_956] : memref<16896xf32, #tpu.memory_space<vmem>>[vector<16xi32>], vector<16xf32>,
        %swap3A_958 = arith.constant 31 : i32
        %swap3A_959 = arith.index_cast %swap3A_958 : i32 to index
        %swap3A_960 = arith.index_cast %mul3A_705 : i32 to index
        %swap3A_961 = tpu.vector_load %arg9[%swap3A_959, %swap3A_960] {strides = array<i32>} : memref<32x512xf32, #tpu.memory_space<vmem>>, vector<16xf32>,
        tpu.vector_store %arg9[%swap3A_959, %swap3A_960], %gather3A_957 {strides = array<i32>} : memref<32x512xf32, #tpu.memory_space<vmem>>, vector<16xf32>,
        %scan3A_962 = arith.constant 3 : i32
        %scan3A_963 = arith.addi %scan3A_164, %scan3A_962 : i32
        %mul3A_964 = arith.constant 16 : i32
        %mul3A_965 = arith.muli %scan3A_963, %mul3A_964 : i32
        %add3A_966 = vector.broadcast %mul3A_965 : i32 to vector<16xi32>
        %add3A_967 = arith.addi %add3A_966, %iota3A : vector<16xi32>
        %mul3A_968 = arith.constant 33 : i32
        %mul3A_969 = vector.broadcast %mul3A_968 : i32 to vector<16xi32>
        %mul3A_970 = arith.muli %add3A_967, %mul3A_969 : vector<16xi32>
        %mul3A_971 = arith.constant 16 : i32
        %mul3A_972 = arith.muli %scan3A_963, %mul3A_971 : i32
        %add3A_973 = arith.constant 0 : i32
        %add3A_974 = vector.broadcast %add3A_973 : i32 to vector<16xi32>
        %add3A_975 = arith.addi %mul3A_970, %add3A_974 : vector<16xi32>
        %gather3A_976 = tpu.vector_load_idx %arg8[%add3A_975] : memref<16896xf32, #tpu.memory_space<vmem>>[vector<16xi32>], vector<16xf32>,
        %swap3A_977 = arith.constant 0 : i32
        %swap3A_978 = arith.index_cast %swap3A_977 : i32 to index
        %swap3A_979 = arith.index_cast %mul3A_972 : i32 to index
        %swap3A_980 = tpu.vector_load %arg9[%swap3A_978, %swap3A_979] {strides = array<i32>} : memref<32x512xf32, #tpu.memory_space<vmem>>, vector<16xf32>,
        tpu.vector_store %arg9[%swap3A_978, %swap3A_979], %gather3A_976 {strides = array<i32>} : memref<32x512xf32, #tpu.memory_space<vmem>>, vector<16xf32>,
        %add3A_981 = arith.constant 1 : i32
        %add3A_982 = vector.broadcast %add3A_981 : i32 to vector<16xi32>
        %add3A_983 = arith.addi %mul3A_970, %add3A_982 : vector<16xi32>
        %gather3A_984 = tpu.vector_load_idx %arg8[%add3A_983] : memref<16896xf32, #tpu.memory_space<vmem>>[vector<16xi32>], vector<16xf32>,
        %swap3A_985 = arith.constant 1 : i32
        %swap3A_986 = arith.index_cast %swap3A_985 : i32 to index
        %swap3A_987 = arith.index_cast %mul3A_972 : i32 to index
        %swap3A_988 = tpu.vector_load %arg9[%swap3A_986, %swap3A_987] {strides = array<i32>} : memref<32x512xf32, #tpu.memory_space<vmem>>, vector<16xf32>,
        tpu.vector_store %arg9[%swap3A_986, %swap3A_987], %gather3A_984 {strides = array<i32>} : memref<32x512xf32, #tpu.memory_space<vmem>>, vector<16xf32>,
        %add3A_989 = arith.constant 2 : i32
        %add3A_990 = vector.broadcast %add3A_989 : i32 to vector<16xi32>
        %add3A_991 = arith.addi %mul3A_970, %add3A_990 : vector<16xi32>
        %gather3A_992 = tpu.vector_load_idx %arg8[%add3A_991] : memref<16896xf32, #tpu.memory_space<vmem>>[vector<16xi32>], vector<16xf32>,
        %swap3A_993 = arith.constant 2 : i32
        %swap3A_994 = arith.index_cast %swap3A_993 : i32 to index
        %swap3A_995 = arith.index_cast %mul3A_972 : i32 to index
        %swap3A_996 = tpu.vector_load %arg9[%swap3A_994, %swap3A_995] {strides = array<i32>} : memref<32x512xf32, #tpu.memory_space<vmem>>, vector<16xf32>,
        tpu.vector_store %arg9[%swap3A_994, %swap3A_995], %gather3A_992 {strides = array<i32>} : memref<32x512xf32, #tpu.memory_space<vmem>>, vector<16xf32>,
        %add3A_997 = arith.constant 3 : i32
        %add3A_998 = vector.broadcast %add3A_997 : i32 to vector<16xi32>
        %add3A_999 = arith.addi %mul3A_970, %add3A_998 : vector<16xi32>
        %gather3A_1000 = tpu.vector_load_idx %arg8[%add3A_999] : memref<16896xf32, #tpu.memory_space<vmem>>[vector<16xi32>], vector<16xf32>,
        %swap3A_1001 = arith.constant 3 : i32
        %swap3A_1002 = arith.index_cast %swap3A_1001 : i32 to index
        %swap3A_1003 = arith.index_cast %mul3A_972 : i32 to index
        %swap3A_1004 = tpu.vector_load %arg9[%swap3A_1002, %swap3A_1003] {strides = array<i32>} : memref<32x512xf32, #tpu.memory_space<vmem>>, vector<16xf32>,
        tpu.vector_store %arg9[%swap3A_1002, %swap3A_1003], %gather3A_1000 {strides = array<i32>} : memref<32x512xf32, #tpu.memory_space<vmem>>, vector<16xf32>,
        %add3A_1005 = arith.constant 4 : i32
        %add3A_1006 = vector.broadcast %add3A_1005 : i32 to vector<16xi32>
        %add3A_1007 = arith.addi %mul3A_970, %add3A_1006 : vector<16xi32>
        %gather3A_1008 = tpu.vector_load_idx %arg8[%add3A_1007] : memref<16896xf32, #tpu.memory_space<vmem>>[vector<16xi32>], vector<16xf32>,
        %swap3A_1009 = arith.constant 4 : i32
        %swap3A_1010 = arith.index_cast %swap3A_1009 : i32 to index
        %swap3A_1011 = arith.index_cast %mul3A_972 : i32 to index
        %swap3A_1012 = tpu.vector_load %arg9[%swap3A_1010, %swap3A_1011] {strides = array<i32>} : memref<32x512xf32, #tpu.memory_space<vmem>>, vector<16xf32>,
        tpu.vector_store %arg9[%swap3A_1010, %swap3A_1011], %gather3A_1008 {strides = array<i32>} : memref<32x512xf32, #tpu.memory_space<vmem>>, vector<16xf32>,
        %add3A_1013 = arith.constant 5 : i32
        %add3A_1014 = vector.broadcast %add3A_1013 : i32 to vector<16xi32>
        %add3A_1015 = arith.addi %mul3A_970, %add3A_1014 : vector<16xi32>
        %gather3A_1016 = tpu.vector_load_idx %arg8[%add3A_1015] : memref<16896xf32, #tpu.memory_space<vmem>>[vector<16xi32>], vector<16xf32>,
        %swap3A_1017 = arith.constant 5 : i32
        %swap3A_1018 = arith.index_cast %swap3A_1017 : i32 to index
        %swap3A_1019 = arith.index_cast %mul3A_972 : i32 to index
        %swap3A_1020 = tpu.vector_load %arg9[%swap3A_1018, %swap3A_1019] {strides = array<i32>} : memref<32x512xf32, #tpu.memory_space<vmem>>, vector<16xf32>,
        tpu.vector_store %arg9[%swap3A_1018, %swap3A_1019], %gather3A_1016 {strides = array<i32>} : memref<32x512xf32, #tpu.memory_space<vmem>>, vector<16xf32>,
        %add3A_1021 = arith.constant 6 : i32
        %add3A_1022 = vector.broadcast %add3A_1021 : i32 to vector<16xi32>
        %add3A_1023 = arith.addi %mul3A_970, %add3A_1022 : vector<16xi32>
        %gather3A_1024 = tpu.vector_load_idx %arg8[%add3A_1023] : memref<16896xf32, #tpu.memory_space<vmem>>[vector<16xi32>], vector<16xf32>,
        %swap3A_1025 = arith.constant 6 : i32
        %swap3A_1026 = arith.index_cast %swap3A_1025 : i32 to index
        %swap3A_1027 = arith.index_cast %mul3A_972 : i32 to index
        %swap3A_1028 = tpu.vector_load %arg9[%swap3A_1026, %swap3A_1027] {strides = array<i32>} : memref<32x512xf32, #tpu.memory_space<vmem>>, vector<16xf32>,
        tpu.vector_store %arg9[%swap3A_1026, %swap3A_1027], %gather3A_1024 {strides = array<i32>} : memref<32x512xf32, #tpu.memory_space<vmem>>, vector<16xf32>,
        %add3A_1029 = arith.constant 7 : i32
        %add3A_1030 = vector.broadcast %add3A_1029 : i32 to vector<16xi32>
        %add3A_1031 = arith.addi %mul3A_970, %add3A_1030 : vector<16xi32>
        %gather3A_1032 = tpu.vector_load_idx %arg8[%add3A_1031] : memref<16896xf32, #tpu.memory_space<vmem>>[vector<16xi32>], vector<16xf32>,
        %swap3A_1033 = arith.constant 7 : i32
        %swap3A_1034 = arith.index_cast %swap3A_1033 : i32 to index
        %swap3A_1035 = arith.index_cast %mul3A_972 : i32 to index
        %swap3A_1036 = tpu.vector_load %arg9[%swap3A_1034, %swap3A_1035] {strides = array<i32>} : memref<32x512xf32, #tpu.memory_space<vmem>>, vector<16xf32>,
        tpu.vector_store %arg9[%swap3A_1034, %swap3A_1035], %gather3A_1032 {strides = array<i32>} : memref<32x512xf32, #tpu.memory_space<vmem>>, vector<16xf32>,
        %add3A_1037 = arith.constant 8 : i32
        %add3A_1038 = vector.broadcast %add3A_1037 : i32 to vector<16xi32>
        %add3A_1039 = arith.addi %mul3A_970, %add3A_1038 : vector<16xi32>
        %gather3A_1040 = tpu.vector_load_idx %arg8[%add3A_1039] : memref<16896xf32, #tpu.memory_space<vmem>>[vector<16xi32>], vector<16xf32>,
        %swap3A_1041 = arith.constant 8 : i32
        %swap3A_1042 = arith.index_cast %swap3A_1041 : i32 to index
        %swap3A_1043 = arith.index_cast %mul3A_972 : i32 to index
        %swap3A_1044 = tpu.vector_load %arg9[%swap3A_1042, %swap3A_1043] {strides = array<i32>} : memref<32x512xf32, #tpu.memory_space<vmem>>, vector<16xf32>,
        tpu.vector_store %arg9[%swap3A_1042, %swap3A_1043], %gather3A_1040 {strides = array<i32>} : memref<32x512xf32, #tpu.memory_space<vmem>>, vector<16xf32>,
        %add3A_1045 = arith.constant 9 : i32
        %add3A_1046 = vector.broadcast %add3A_1045 : i32 to vector<16xi32>
        %add3A_1047 = arith.addi %mul3A_970, %add3A_1046 : vector<16xi32>
        %gather3A_1048 = tpu.vector_load_idx %arg8[%add3A_1047] : memref<16896xf32, #tpu.memory_space<vmem>>[vector<16xi32>], vector<16xf32>,
        %swap3A_1049 = arith.constant 9 : i32
        %swap3A_1050 = arith.index_cast %swap3A_1049 : i32 to index
        %swap3A_1051 = arith.index_cast %mul3A_972 : i32 to index
        %swap3A_1052 = tpu.vector_load %arg9[%swap3A_1050, %swap3A_1051] {strides = array<i32>} : memref<32x512xf32, #tpu.memory_space<vmem>>, vector<16xf32>,
        tpu.vector_store %arg9[%swap3A_1050, %swap3A_1051], %gather3A_1048 {strides = array<i32>} : memref<32x512xf32, #tpu.memory_space<vmem>>, vector<16xf32>,
        %add3A_1053 = arith.constant 10 : i32
        %add3A_1054 = vector.broadcast %add3A_1053 : i32 to vector<16xi32>
        %add3A_1055 = arith.addi %mul3A_970, %add3A_1054 : vector<16xi32>
        %gather3A_1056 = tpu.vector_load_idx %arg8[%add3A_1055] : memref<16896xf32, #tpu.memory_space<vmem>>[vector<16xi32>], vector<16xf32>,
        %swap3A_1057 = arith.constant 10 : i32
        %swap3A_1058 = arith.index_cast %swap3A_1057 : i32 to index
        %swap3A_1059 = arith.index_cast %mul3A_972 : i32 to index
        %swap3A_1060 = tpu.vector_load %arg9[%swap3A_1058, %swap3A_1059] {strides = array<i32>} : memref<32x512xf32, #tpu.memory_space<vmem>>, vector<16xf32>,
        tpu.vector_store %arg9[%swap3A_1058, %swap3A_1059], %gather3A_1056 {strides = array<i32>} : memref<32x512xf32, #tpu.memory_space<vmem>>, vector<16xf32>,
        %add3A_1061 = arith.constant 11 : i32
        %add3A_1062 = vector.broadcast %add3A_1061 : i32 to vector<16xi32>
        %add3A_1063 = arith.addi %mul3A_970, %add3A_1062 : vector<16xi32>
        %gather3A_1064 = tpu.vector_load_idx %arg8[%add3A_1063] : memref<16896xf32, #tpu.memory_space<vmem>>[vector<16xi32>], vector<16xf32>,
        %swap3A_1065 = arith.constant 11 : i32
        %swap3A_1066 = arith.index_cast %swap3A_1065 : i32 to index
        %swap3A_1067 = arith.index_cast %mul3A_972 : i32 to index
        %swap3A_1068 = tpu.vector_load %arg9[%swap3A_1066, %swap3A_1067] {strides = array<i32>} : memref<32x512xf32, #tpu.memory_space<vmem>>, vector<16xf32>,
        tpu.vector_store %arg9[%swap3A_1066, %swap3A_1067], %gather3A_1064 {strides = array<i32>} : memref<32x512xf32, #tpu.memory_space<vmem>>, vector<16xf32>,
        %add3A_1069 = arith.constant 12 : i32
        %add3A_1070 = vector.broadcast %add3A_1069 : i32 to vector<16xi32>
        %add3A_1071 = arith.addi %mul3A_970, %add3A_1070 : vector<16xi32>
        %gather3A_1072 = tpu.vector_load_idx %arg8[%add3A_1071] : memref<16896xf32, #tpu.memory_space<vmem>>[vector<16xi32>], vector<16xf32>,
        %swap3A_1073 = arith.constant 12 : i32
        %swap3A_1074 = arith.index_cast %swap3A_1073 : i32 to index
        %swap3A_1075 = arith.index_cast %mul3A_972 : i32 to index
        %swap3A_1076 = tpu.vector_load %arg9[%swap3A_1074, %swap3A_1075] {strides = array<i32>} : memref<32x512xf32, #tpu.memory_space<vmem>>, vector<16xf32>,
        tpu.vector_store %arg9[%swap3A_1074, %swap3A_1075], %gather3A_1072 {strides = array<i32>} : memref<32x512xf32, #tpu.memory_space<vmem>>, vector<16xf32>,
        %add3A_1077 = arith.constant 13 : i32
        %add3A_1078 = vector.broadcast %add3A_1077 : i32 to vector<16xi32>
        %add3A_1079 = arith.addi %mul3A_970, %add3A_1078 : vector<16xi32>
        %gather3A_1080 = tpu.vector_load_idx %arg8[%add3A_1079] : memref<16896xf32, #tpu.memory_space<vmem>>[vector<16xi32>], vector<16xf32>,
        %swap3A_1081 = arith.constant 13 : i32
        %swap3A_1082 = arith.index_cast %swap3A_1081 : i32 to index
        %swap3A_1083 = arith.index_cast %mul3A_972 : i32 to index
        %swap3A_1084 = tpu.vector_load %arg9[%swap3A_1082, %swap3A_1083] {strides = array<i32>} : memref<32x512xf32, #tpu.memory_space<vmem>>, vector<16xf32>,
        tpu.vector_store %arg9[%swap3A_1082, %swap3A_1083], %gather3A_1080 {strides = array<i32>} : memref<32x512xf32, #tpu.memory_space<vmem>>, vector<16xf32>,
        %add3A_1085 = arith.constant 14 : i32
        %add3A_1086 = vector.broadcast %add3A_1085 : i32 to vector<16xi32>
        %add3A_1087 = arith.addi %mul3A_970, %add3A_1086 : vector<16xi32>
        %gather3A_1088 = tpu.vector_load_idx %arg8[%add3A_1087] : memref<16896xf32, #tpu.memory_space<vmem>>[vector<16xi32>], vector<16xf32>,
        %swap3A_1089 = arith.constant 14 : i32
        %swap3A_1090 = arith.index_cast %swap3A_1089 : i32 to index
        %swap3A_1091 = arith.index_cast %mul3A_972 : i32 to index
        %swap3A_1092 = tpu.vector_load %arg9[%swap3A_1090, %swap3A_1091] {strides = array<i32>} : memref<32x512xf32, #tpu.memory_space<vmem>>, vector<16xf32>,
        tpu.vector_store %arg9[%swap3A_1090, %swap3A_1091], %gather3A_1088 {strides = array<i32>} : memref<32x512xf32, #tpu.memory_space<vmem>>, vector<16xf32>,
        %add3A_1093 = arith.constant 15 : i32
        %add3A_1094 = vector.broadcast %add3A_1093 : i32 to vector<16xi32>
        %add3A_1095 = arith.addi %mul3A_970, %add3A_1094 : vector<16xi32>
        %gather3A_1096 = tpu.vector_load_idx %arg8[%add3A_1095] : memref<16896xf32, #tpu.memory_space<vmem>>[vector<16xi32>], vector<16xf32>,
        %swap3A_1097 = arith.constant 15 : i32
        %swap3A_1098 = arith.index_cast %swap3A_1097 : i32 to index
        %swap3A_1099 = arith.index_cast %mul3A_972 : i32 to index
        %swap3A_1100 = tpu.vector_load %arg9[%swap3A_1098, %swap3A_1099] {strides = array<i32>} : memref<32x512xf32, #tpu.memory_space<vmem>>, vector<16xf32>,
        tpu.vector_store %arg9[%swap3A_1098, %swap3A_1099], %gather3A_1096 {strides = array<i32>} : memref<32x512xf32, #tpu.memory_space<vmem>>, vector<16xf32>,
        %add3A_1101 = arith.constant 16 : i32
        %add3A_1102 = vector.broadcast %add3A_1101 : i32 to vector<16xi32>
        %add3A_1103 = arith.addi %mul3A_970, %add3A_1102 : vector<16xi32>
        %gather3A_1104 = tpu.vector_load_idx %arg8[%add3A_1103] : memref<16896xf32, #tpu.memory_space<vmem>>[vector<16xi32>], vector<16xf32>,
        %swap3A_1105 = arith.constant 16 : i32
        %swap3A_1106 = arith.index_cast %swap3A_1105 : i32 to index
        %swap3A_1107 = arith.index_cast %mul3A_972 : i32 to index
        %swap3A_1108 = tpu.vector_load %arg9[%swap3A_1106, %swap3A_1107] {strides = array<i32>} : memref<32x512xf32, #tpu.memory_space<vmem>>, vector<16xf32>,
        tpu.vector_store %arg9[%swap3A_1106, %swap3A_1107], %gather3A_1104 {strides = array<i32>} : memref<32x512xf32, #tpu.memory_space<vmem>>, vector<16xf32>,
        %add3A_1109 = arith.constant 17 : i32
        %add3A_1110 = vector.broadcast %add3A_1109 : i32 to vector<16xi32>
        %add3A_1111 = arith.addi %mul3A_970, %add3A_1110 : vector<16xi32>
        %gather3A_1112 = tpu.vector_load_idx %arg8[%add3A_1111] : memref<16896xf32, #tpu.memory_space<vmem>>[vector<16xi32>], vector<16xf32>,
        %swap3A_1113 = arith.constant 17 : i32
        %swap3A_1114 = arith.index_cast %swap3A_1113 : i32 to index
        %swap3A_1115 = arith.index_cast %mul3A_972 : i32 to index
        %swap3A_1116 = tpu.vector_load %arg9[%swap3A_1114, %swap3A_1115] {strides = array<i32>} : memref<32x512xf32, #tpu.memory_space<vmem>>, vector<16xf32>,
        tpu.vector_store %arg9[%swap3A_1114, %swap3A_1115], %gather3A_1112 {strides = array<i32>} : memref<32x512xf32, #tpu.memory_space<vmem>>, vector<16xf32>,
        %add3A_1117 = arith.constant 18 : i32
        %add3A_1118 = vector.broadcast %add3A_1117 : i32 to vector<16xi32>
        %add3A_1119 = arith.addi %mul3A_970, %add3A_1118 : vector<16xi32>
        %gather3A_1120 = tpu.vector_load_idx %arg8[%add3A_1119] : memref<16896xf32, #tpu.memory_space<vmem>>[vector<16xi32>], vector<16xf32>,
        %swap3A_1121 = arith.constant 18 : i32
        %swap3A_1122 = arith.index_cast %swap3A_1121 : i32 to index
        %swap3A_1123 = arith.index_cast %mul3A_972 : i32 to index
        %swap3A_1124 = tpu.vector_load %arg9[%swap3A_1122, %swap3A_1123] {strides = array<i32>} : memref<32x512xf32, #tpu.memory_space<vmem>>, vector<16xf32>,
        tpu.vector_store %arg9[%swap3A_1122, %swap3A_1123], %gather3A_1120 {strides = array<i32>} : memref<32x512xf32, #tpu.memory_space<vmem>>, vector<16xf32>,
        %add3A_1125 = arith.constant 19 : i32
        %add3A_1126 = vector.broadcast %add3A_1125 : i32 to vector<16xi32>
        %add3A_1127 = arith.addi %mul3A_970, %add3A_1126 : vector<16xi32>
        %gather3A_1128 = tpu.vector_load_idx %arg8[%add3A_1127] : memref<16896xf32, #tpu.memory_space<vmem>>[vector<16xi32>], vector<16xf32>,
        %swap3A_1129 = arith.constant 19 : i32
        %swap3A_1130 = arith.index_cast %swap3A_1129 : i32 to index
        %swap3A_1131 = arith.index_cast %mul3A_972 : i32 to index
        %swap3A_1132 = tpu.vector_load %arg9[%swap3A_1130, %swap3A_1131] {strides = array<i32>} : memref<32x512xf32, #tpu.memory_space<vmem>>, vector<16xf32>,
        tpu.vector_store %arg9[%swap3A_1130, %swap3A_1131], %gather3A_1128 {strides = array<i32>} : memref<32x512xf32, #tpu.memory_space<vmem>>, vector<16xf32>,
        %add3A_1133 = arith.constant 20 : i32
        %add3A_1134 = vector.broadcast %add3A_1133 : i32 to vector<16xi32>
        %add3A_1135 = arith.addi %mul3A_970, %add3A_1134 : vector<16xi32>
        %gather3A_1136 = tpu.vector_load_idx %arg8[%add3A_1135] : memref<16896xf32, #tpu.memory_space<vmem>>[vector<16xi32>], vector<16xf32>,
        %swap3A_1137 = arith.constant 20 : i32
        %swap3A_1138 = arith.index_cast %swap3A_1137 : i32 to index
        %swap3A_1139 = arith.index_cast %mul3A_972 : i32 to index
        %swap3A_1140 = tpu.vector_load %arg9[%swap3A_1138, %swap3A_1139] {strides = array<i32>} : memref<32x512xf32, #tpu.memory_space<vmem>>, vector<16xf32>,
        tpu.vector_store %arg9[%swap3A_1138, %swap3A_1139], %gather3A_1136 {strides = array<i32>} : memref<32x512xf32, #tpu.memory_space<vmem>>, vector<16xf32>,
        %add3A_1141 = arith.constant 21 : i32
        %add3A_1142 = vector.broadcast %add3A_1141 : i32 to vector<16xi32>
        %add3A_1143 = arith.addi %mul3A_970, %add3A_1142 : vector<16xi32>
        %gather3A_1144 = tpu.vector_load_idx %arg8[%add3A_1143] : memref<16896xf32, #tpu.memory_space<vmem>>[vector<16xi32>], vector<16xf32>,
        %swap3A_1145 = arith.constant 21 : i32
        %swap3A_1146 = arith.index_cast %swap3A_1145 : i32 to index
        %swap3A_1147 = arith.index_cast %mul3A_972 : i32 to index
        %swap3A_1148 = tpu.vector_load %arg9[%swap3A_1146, %swap3A_1147] {strides = array<i32>} : memref<32x512xf32, #tpu.memory_space<vmem>>, vector<16xf32>,
        tpu.vector_store %arg9[%swap3A_1146, %swap3A_1147], %gather3A_1144 {strides = array<i32>} : memref<32x512xf32, #tpu.memory_space<vmem>>, vector<16xf32>,
        %add3A_1149 = arith.constant 22 : i32
        %add3A_1150 = vector.broadcast %add3A_1149 : i32 to vector<16xi32>
        %add3A_1151 = arith.addi %mul3A_970, %add3A_1150 : vector<16xi32>
        %gather3A_1152 = tpu.vector_load_idx %arg8[%add3A_1151] : memref<16896xf32, #tpu.memory_space<vmem>>[vector<16xi32>], vector<16xf32>,
        %swap3A_1153 = arith.constant 22 : i32
        %swap3A_1154 = arith.index_cast %swap3A_1153 : i32 to index
        %swap3A_1155 = arith.index_cast %mul3A_972 : i32 to index
        %swap3A_1156 = tpu.vector_load %arg9[%swap3A_1154, %swap3A_1155] {strides = array<i32>} : memref<32x512xf32, #tpu.memory_space<vmem>>, vector<16xf32>,
        tpu.vector_store %arg9[%swap3A_1154, %swap3A_1155], %gather3A_1152 {strides = array<i32>} : memref<32x512xf32, #tpu.memory_space<vmem>>, vector<16xf32>,
        %add3A_1157 = arith.constant 23 : i32
        %add3A_1158 = vector.broadcast %add3A_1157 : i32 to vector<16xi32>
        %add3A_1159 = arith.addi %mul3A_970, %add3A_1158 : vector<16xi32>
        %gather3A_1160 = tpu.vector_load_idx %arg8[%add3A_1159] : memref<16896xf32, #tpu.memory_space<vmem>>[vector<16xi32>], vector<16xf32>,
        %swap3A_1161 = arith.constant 23 : i32
        %swap3A_1162 = arith.index_cast %swap3A_1161 : i32 to index
        %swap3A_1163 = arith.index_cast %mul3A_972 : i32 to index
        %swap3A_1164 = tpu.vector_load %arg9[%swap3A_1162, %swap3A_1163] {strides = array<i32>} : memref<32x512xf32, #tpu.memory_space<vmem>>, vector<16xf32>,
        tpu.vector_store %arg9[%swap3A_1162, %swap3A_1163], %gather3A_1160 {strides = array<i32>} : memref<32x512xf32, #tpu.memory_space<vmem>>, vector<16xf32>,
        %add3A_1165 = arith.constant 24 : i32
        %add3A_1166 = vector.broadcast %add3A_1165 : i32 to vector<16xi32>
        %add3A_1167 = arith.addi %mul3A_970, %add3A_1166 : vector<16xi32>
        %gather3A_1168 = tpu.vector_load_idx %arg8[%add3A_1167] : memref<16896xf32, #tpu.memory_space<vmem>>[vector<16xi32>], vector<16xf32>,
        %swap3A_1169 = arith.constant 24 : i32
        %swap3A_1170 = arith.index_cast %swap3A_1169 : i32 to index
        %swap3A_1171 = arith.index_cast %mul3A_972 : i32 to index
        %swap3A_1172 = tpu.vector_load %arg9[%swap3A_1170, %swap3A_1171] {strides = array<i32>} : memref<32x512xf32, #tpu.memory_space<vmem>>, vector<16xf32>,
        tpu.vector_store %arg9[%swap3A_1170, %swap3A_1171], %gather3A_1168 {strides = array<i32>} : memref<32x512xf32, #tpu.memory_space<vmem>>, vector<16xf32>,
        %add3A_1173 = arith.constant 25 : i32
        %add3A_1174 = vector.broadcast %add3A_1173 : i32 to vector<16xi32>
        %add3A_1175 = arith.addi %mul3A_970, %add3A_1174 : vector<16xi32>
        %gather3A_1176 = tpu.vector_load_idx %arg8[%add3A_1175] : memref<16896xf32, #tpu.memory_space<vmem>>[vector<16xi32>], vector<16xf32>,
        %swap3A_1177 = arith.constant 25 : i32
        %swap3A_1178 = arith.index_cast %swap3A_1177 : i32 to index
        %swap3A_1179 = arith.index_cast %mul3A_972 : i32 to index
        %swap3A_1180 = tpu.vector_load %arg9[%swap3A_1178, %swap3A_1179] {strides = array<i32>} : memref<32x512xf32, #tpu.memory_space<vmem>>, vector<16xf32>,
        tpu.vector_store %arg9[%swap3A_1178, %swap3A_1179], %gather3A_1176 {strides = array<i32>} : memref<32x512xf32, #tpu.memory_space<vmem>>, vector<16xf32>,
        %add3A_1181 = arith.constant 26 : i32
        %add3A_1182 = vector.broadcast %add3A_1181 : i32 to vector<16xi32>
        %add3A_1183 = arith.addi %mul3A_970, %add3A_1182 : vector<16xi32>
        %gather3A_1184 = tpu.vector_load_idx %arg8[%add3A_1183] : memref<16896xf32, #tpu.memory_space<vmem>>[vector<16xi32>], vector<16xf32>,
        %swap3A_1185 = arith.constant 26 : i32
        %swap3A_1186 = arith.index_cast %swap3A_1185 : i32 to index
        %swap3A_1187 = arith.index_cast %mul3A_972 : i32 to index
        %swap3A_1188 = tpu.vector_load %arg9[%swap3A_1186, %swap3A_1187] {strides = array<i32>} : memref<32x512xf32, #tpu.memory_space<vmem>>, vector<16xf32>,
        tpu.vector_store %arg9[%swap3A_1186, %swap3A_1187], %gather3A_1184 {strides = array<i32>} : memref<32x512xf32, #tpu.memory_space<vmem>>, vector<16xf32>,
        %add3A_1189 = arith.constant 27 : i32
        %add3A_1190 = vector.broadcast %add3A_1189 : i32 to vector<16xi32>
        %add3A_1191 = arith.addi %mul3A_970, %add3A_1190 : vector<16xi32>
        %gather3A_1192 = tpu.vector_load_idx %arg8[%add3A_1191] : memref<16896xf32, #tpu.memory_space<vmem>>[vector<16xi32>], vector<16xf32>,
        %swap3A_1193 = arith.constant 27 : i32
        %swap3A_1194 = arith.index_cast %swap3A_1193 : i32 to index
        %swap3A_1195 = arith.index_cast %mul3A_972 : i32 to index
        %swap3A_1196 = tpu.vector_load %arg9[%swap3A_1194, %swap3A_1195] {strides = array<i32>} : memref<32x512xf32, #tpu.memory_space<vmem>>, vector<16xf32>,
        tpu.vector_store %arg9[%swap3A_1194, %swap3A_1195], %gather3A_1192 {strides = array<i32>} : memref<32x512xf32, #tpu.memory_space<vmem>>, vector<16xf32>,
        %add3A_1197 = arith.constant 28 : i32
        %add3A_1198 = vector.broadcast %add3A_1197 : i32 to vector<16xi32>
        %add3A_1199 = arith.addi %mul3A_970, %add3A_1198 : vector<16xi32>
        %gather3A_1200 = tpu.vector_load_idx %arg8[%add3A_1199] : memref<16896xf32, #tpu.memory_space<vmem>>[vector<16xi32>], vector<16xf32>,
        %swap3A_1201 = arith.constant 28 : i32
        %swap3A_1202 = arith.index_cast %swap3A_1201 : i32 to index
        %swap3A_1203 = arith.index_cast %mul3A_972 : i32 to index
        %swap3A_1204 = tpu.vector_load %arg9[%swap3A_1202, %swap3A_1203] {strides = array<i32>} : memref<32x512xf32, #tpu.memory_space<vmem>>, vector<16xf32>,
        tpu.vector_store %arg9[%swap3A_1202, %swap3A_1203], %gather3A_1200 {strides = array<i32>} : memref<32x512xf32, #tpu.memory_space<vmem>>, vector<16xf32>,
        %add3A_1205 = arith.constant 29 : i32
        %add3A_1206 = vector.broadcast %add3A_1205 : i32 to vector<16xi32>
        %add3A_1207 = arith.addi %mul3A_970, %add3A_1206 : vector<16xi32>
        %gather3A_1208 = tpu.vector_load_idx %arg8[%add3A_1207] : memref<16896xf32, #tpu.memory_space<vmem>>[vector<16xi32>], vector<16xf32>,
        %swap3A_1209 = arith.constant 29 : i32
        %swap3A_1210 = arith.index_cast %swap3A_1209 : i32 to index
        %swap3A_1211 = arith.index_cast %mul3A_972 : i32 to index
        %swap3A_1212 = tpu.vector_load %arg9[%swap3A_1210, %swap3A_1211] {strides = array<i32>} : memref<32x512xf32, #tpu.memory_space<vmem>>, vector<16xf32>,
        tpu.vector_store %arg9[%swap3A_1210, %swap3A_1211], %gather3A_1208 {strides = array<i32>} : memref<32x512xf32, #tpu.memory_space<vmem>>, vector<16xf32>,
        %add3A_1213 = arith.constant 30 : i32
        %add3A_1214 = vector.broadcast %add3A_1213 : i32 to vector<16xi32>
        %add3A_1215 = arith.addi %mul3A_970, %add3A_1214 : vector<16xi32>
        %gather3A_1216 = tpu.vector_load_idx %arg8[%add3A_1215] : memref<16896xf32, #tpu.memory_space<vmem>>[vector<16xi32>], vector<16xf32>,
        %swap3A_1217 = arith.constant 30 : i32
        %swap3A_1218 = arith.index_cast %swap3A_1217 : i32 to index
        %swap3A_1219 = arith.index_cast %mul3A_972 : i32 to index
        %swap3A_1220 = tpu.vector_load %arg9[%swap3A_1218, %swap3A_1219] {strides = array<i32>} : memref<32x512xf32, #tpu.memory_space<vmem>>, vector<16xf32>,
        tpu.vector_store %arg9[%swap3A_1218, %swap3A_1219], %gather3A_1216 {strides = array<i32>} : memref<32x512xf32, #tpu.memory_space<vmem>>, vector<16xf32>,
        %add3A_1221 = arith.constant 31 : i32
        %add3A_1222 = vector.broadcast %add3A_1221 : i32 to vector<16xi32>
        %add3A_1223 = arith.addi %mul3A_970, %add3A_1222 : vector<16xi32>
        %gather3A_1224 = tpu.vector_load_idx %arg8[%add3A_1223] : memref<16896xf32, #tpu.memory_space<vmem>>[vector<16xi32>], vector<16xf32>,
        %swap3A_1225 = arith.constant 31 : i32
        %swap3A_1226 = arith.index_cast %swap3A_1225 : i32 to index
        %swap3A_1227 = arith.index_cast %mul3A_972 : i32 to index
        %swap3A_1228 = tpu.vector_load %arg9[%swap3A_1226, %swap3A_1227] {strides = array<i32>} : memref<32x512xf32, #tpu.memory_space<vmem>>, vector<16xf32>,
        tpu.vector_store %arg9[%swap3A_1226, %swap3A_1227], %gather3A_1224 {strides = array<i32>} : memref<32x512xf32, #tpu.memory_space<vmem>>, vector<16xf32>,
      }
      %scan3A_124 = arith.constant 32 : i32
      %dma_start3A_125 = arith.constant 0 : i32
      %dma_start3A_126 = tpu.memref_slice %arg4[%mul3A_66, %dma_start3A_125, %mul3A_2] : memref<50x32x16384xf32, #tpu.memory_space<hbm>> -> memref<1x32x512xf32, #tpu.memory_space<hbm>>
      %dma_start3A_127 = tpu.memref_squeeze %dma_start3A_126 : memref<1x32x512xf32, #tpu.memory_space<hbm>> -> memref<32x512xf32, #tpu.memory_space<hbm>>
      %dma_start3A_128 = arith.constant 0 : i32
      %dma_start3A_129 = tpu.memref_slice %arg4[%mul3A_66, %dma_start3A_128, %mul3A_2] : memref<50x32x16384xf32, #tpu.memory_space<hbm>> -> memref<1x32x512xf32, #tpu.memory_space<hbm>>
      %dma_start3A_130 = tpu.memref_squeeze %dma_start3A_129 : memref<1x32x512xf32, #tpu.memory_space<hbm>> -> memref<32x512xf32, #tpu.memory_space<hbm>>
      tpu.enqueue_dma source(%arg9 : memref<32x512xf32, #tpu.memory_space<vmem>>) target(%dma_start3A_130 : memref<32x512xf32, #tpu.memory_space<hbm>>) target_semaphore(%arg12 : memref<!tpu.dma_semaphore, #tpu.memory_space<semaphore_mem>>)
      %dma_wait3A_131 = arith.constant 0 : i32
      %dma_wait3A_132 = arith.constant 0 : i32
      %dma_wait3A_133 = tpu.memref_slice %arg3[%dma_wait3A_131, %dma_wait3A_132] : memref<1000000x32xf32, #tpu.memory_space<hbm>> -> memref<512x32xf32, #tpu.memory_space<hbm>>
      %dma_wait3A_134 = arith.constant 0 : i32
      %dma_wait3A_135 = arith.constant 0 : i32
      %dma_wait3A_136 = tpu.memref_slice %arg3[%dma_wait3A_134, %dma_wait3A_135] : memref<1000000x32xf32, #tpu.memory_space<hbm>> -> memref<512x32xf32, #tpu.memory_space<hbm>>
      tpu.wait_dma2 semaphore(%arg11 : memref<!tpu.dma_semaphore, #tpu.memory_space<semaphore_mem>>) src(%dma_wait3A_136 : memref<512x32xf32, #tpu.memory_space<hbm>>) dst(%arg7 : memref<512x32xf32, #tpu.memory_space<vmem>>)
      %lt3A = arith.constant 24 : i32
      %lt3A_137 = arith.cmpi slt, %scan3A_64, %lt3A : i32
      %convert_element_type3A_138 = arith.extui %lt3A_137 : i1 to i32
      %cond3A_139 = arith.constant 0 : i32
      %cond3A_140 = arith.cmpi ne, %convert_element_type3A_138, %cond3A_139 : i32
      scf.if %cond3A_140 {
        %add3A_164 = arith.constant 2 : i32
        %add3A_165 = arith.addi %mul3A_66, %add3A_164 : i32
        %dma_start3A_166 = arith.constant 0 : i32
        %dma_start3A_167 = arith.constant 0 : i32
        %dma_start3A_168 = tpu.memref_slice %arg6[%dma_start3A_166, %dma_start3A_167] : memref<512x32xf32, #tpu.memory_space<vmem>> -> memref<128x32xf32, #tpu.memory_space<vmem>>
        %dma_start3A_169 = arith.constant 0 : i32
        %dma_start3A_170 = tpu.memref_slice %arg5[%add3A_165, %dma_start3A_169] : memref<50x512xi32, #tpu.memory_space<vmem>> -> memref<1x128xi32, #tpu.memory_space<vmem>>
        %dma_start3A_171 = tpu.memref_squeeze %dma_start3A_170 : memref<1x128xi32, #tpu.memory_space<vmem>> -> memref<128xi32, #tpu.memory_space<vmem>>
        %dma_start3A_172 = arith.constant 0 : i32
        %dma_start3A_173 = arith.constant 0 : i32
        %dma_start3A_174 = tpu.memref_slice %arg3[%dma_start3A_172, %dma_start3A_173] : memref<1000000x32xf32, #tpu.memory_space<hbm>> -> memref<1000000x32xf32, #tpu.memory_space<hbm>>
        tpu.enqueue_indirect_dma source(%dma_start3A_174 : memref<1000000x32xf32, #tpu.memory_space<hbm>>) target(%dma_start3A_168 : memref<128x32xf32, #tpu.memory_space<vmem>>) offsets(%dma_start3A_171 : memref<128xi32, #tpu.memory_space<vmem>>) semaphore(%arg11 : memref<!tpu.dma_semaphore, #tpu.memory_space<semaphore_mem>>)
        %dma_start3A_175 = arith.constant 128 : i32
        %dma_start3A_176 = arith.constant 0 : i32
        %dma_start3A_177 = tpu.memref_slice %arg6[%dma_start3A_175, %dma_start3A_176] : memref<512x32xf32, #tpu.memory_space<vmem>> -> memref<128x32xf32, #tpu.memory_space<vmem>>
        %dma_start3A_178 = arith.constant 128 : i32
        %dma_start3A_179 = tpu.memref_slice %arg5[%add3A_165, %dma_start3A_178] : memref<50x512xi32, #tpu.memory_space<vmem>> -> memref<1x128xi32, #tpu.memory_space<vmem>>
        %dma_start3A_180 = tpu.memref_squeeze %dma_start3A_179 : memref<1x128xi32, #tpu.memory_space<vmem>> -> memref<128xi32, #tpu.memory_space<vmem>>
        %dma_start3A_181 = arith.constant 0 : i32
        %dma_start3A_182 = arith.constant 0 : i32
        %dma_start3A_183 = tpu.memref_slice %arg3[%dma_start3A_181, %dma_start3A_182] : memref<1000000x32xf32, #tpu.memory_space<hbm>> -> memref<1000000x32xf32, #tpu.memory_space<hbm>>
        tpu.enqueue_indirect_dma source(%dma_start3A_183 : memref<1000000x32xf32, #tpu.memory_space<hbm>>) target(%dma_start3A_177 : memref<128x32xf32, #tpu.memory_space<vmem>>) offsets(%dma_start3A_180 : memref<128xi32, #tpu.memory_space<vmem>>) semaphore(%arg11 : memref<!tpu.dma_semaphore, #tpu.memory_space<semaphore_mem>>)
        %dma_start3A_184 = arith.constant 256 : i32
        %dma_start3A_185 = arith.constant 0 : i32
        %dma_start3A_186 = tpu.memref_slice %arg6[%dma_start3A_184, %dma_start3A_185] : memref<512x32xf32, #tpu.memory_space<vmem>> -> memref<128x32xf32, #tpu.memory_space<vmem>>
        %dma_start3A_187 = arith.constant 256 : i32
        %dma_start3A_188 = tpu.memref_slice %arg5[%add3A_165, %dma_start3A_187] : memref<50x512xi32, #tpu.memory_space<vmem>> -> memref<1x128xi32, #tpu.memory_space<vmem>>
        %dma_start3A_189 = tpu.memref_squeeze %dma_start3A_188 : memref<1x128xi32, #tpu.memory_space<vmem>> -> memref<128xi32, #tpu.memory_space<vmem>>
        %dma_start3A_190 = arith.constant 0 : i32
        %dma_start3A_191 = arith.constant 0 : i32
        %dma_start3A_192 = tpu.memref_slice %arg3[%dma_start3A_190, %dma_start3A_191] : memref<1000000x32xf32, #tpu.memory_space<hbm>> -> memref<1000000x32xf32, #tpu.memory_space<hbm>>
        tpu.enqueue_indirect_dma source(%dma_start3A_192 : memref<1000000x32xf32, #tpu.memory_space<hbm>>) target(%dma_start3A_186 : memref<128x32xf32, #tpu.memory_space<vmem>>) offsets(%dma_start3A_189 : memref<128xi32, #tpu.memory_space<vmem>>) semaphore(%arg11 : memref<!tpu.dma_semaphore, #tpu.memory_space<semaphore_mem>>)
        %dma_start3A_193 = arith.constant 384 : i32
        %dma_start3A_194 = arith.constant 0 : i32
        %dma_start3A_195 = tpu.memref_slice %arg6[%dma_start3A_193, %dma_start3A_194] : memref<512x32xf32, #tpu.memory_space<vmem>> -> memref<128x32xf32, #tpu.memory_space<vmem>>
        %dma_start3A_196 = arith.constant 384 : i32
        %dma_start3A_197 = tpu.memref_slice %arg5[%add3A_165, %dma_start3A_196] : memref<50x512xi32, #tpu.memory_space<vmem>> -> memref<1x128xi32, #tpu.memory_space<vmem>>
        %dma_start3A_198 = tpu.memref_squeeze %dma_start3A_197 : memref<1x128xi32, #tpu.memory_space<vmem>> -> memref<128xi32, #tpu.memory_space<vmem>>
        %dma_start3A_199 = arith.constant 0 : i32
        %dma_start3A_200 = arith.constant 0 : i32
        %dma_start3A_201 = tpu.memref_slice %arg3[%dma_start3A_199, %dma_start3A_200] : memref<1000000x32xf32, #tpu.memory_space<hbm>> -> memref<1000000x32xf32, #tpu.memory_space<hbm>>
        tpu.enqueue_indirect_dma source(%dma_start3A_201 : memref<1000000x32xf32, #tpu.memory_space<hbm>>) target(%dma_start3A_195 : memref<128x32xf32, #tpu.memory_space<vmem>>) offsets(%dma_start3A_198 : memref<128xi32, #tpu.memory_space<vmem>>) semaphore(%arg11 : memref<!tpu.dma_semaphore, #tpu.memory_space<semaphore_mem>>)
      } else {
      }
      %gt3A_141 = arith.constant 0 : i32
      %gt3A_142 = arith.cmpi sgt, %scan3A_64, %gt3A_141 : i32
      %convert_element_type3A_143 = arith.extui %gt3A_142 : i1 to i32
      %cond3A_144 = arith.constant 0 : i32
      %cond3A_145 = arith.cmpi ne, %convert_element_type3A_143, %cond3A_144 : i32
      scf.if %cond3A_145 {
        %dma_wait3A_164 = arith.constant 0 : i32
        %dma_wait3A_165 = arith.constant 0 : i32
        %dma_wait3A_166 = arith.constant 0 : i32
        %dma_wait3A_167 = tpu.memref_slice %arg4[%dma_wait3A_164, %dma_wait3A_165, %dma_wait3A_166] : memref<50x32x16384xf32, #tpu.memory_space<hbm>> -> memref<1x32x512xf32, #tpu.memory_space<hbm>>
        %dma_wait3A_168 = tpu.memref_squeeze %dma_wait3A_167 : memref<1x32x512xf32, #tpu.memory_space<hbm>> -> memref<32x512xf32, #tpu.memory_space<hbm>>
        %dma_wait3A_169 = arith.constant 0 : i32
        %dma_wait3A_170 = arith.constant 0 : i32
        %dma_wait3A_171 = tpu.memref_slice %arg4[%dma_wait3A_164, %dma_wait3A_169, %dma_wait3A_170] : memref<50x32x16384xf32, #tpu.memory_space<hbm>> -> memref<1x32x512xf32, #tpu.memory_space<hbm>>
        %dma_wait3A_172 = tpu.memref_squeeze %dma_wait3A_171 : memref<1x32x512xf32, #tpu.memory_space<hbm>> -> memref<32x512xf32, #tpu.memory_space<hbm>>
        tpu.wait_dma2 semaphore(%arg13 : memref<!tpu.dma_semaphore, #tpu.memory_space<semaphore_mem>>) src(%dma_wait3A_172 : memref<32x512xf32, #tpu.memory_space<hbm>>) dst(%arg10 : memref<32x512xf32, #tpu.memory_space<vmem>>)
      } else {
      }
      %scan3A_146 = arith.constant 0 : i32
      %scan3A_147 = arith.constant 0 : i32
      %scan3A_148 = arith.constant 512 : i32
      %scan3A_149 = arith.addi %scan3A_147, %scan3A_148 : i32
      %scan3A_150 = arith.constant 16 : i32
      scf.for %scan3A_164 = %scan3A_147 to %scan3A_149 step %scan3A_150  : i32 {
        %mul3A_165 = arith.constant 33 : i32
        %mul3A_166 = arith.muli %scan3A_164, %mul3A_165 : i32
        %get3A = arith.index_cast %scan3A_164 : i32 to index
        %get3A_167 = arith.constant 0 : index
        %get3A_168 = tpu.vector_load %arg7[%get3A, %get3A_167] {strides = array<i32>} : memref<512x32xf32, #tpu.memory_space<vmem>>, vector<16xf32>,
        %swap3A = arith.index_cast %mul3A_166 : i32 to index
        %swap3A_169 = tpu.vector_load %arg8[%swap3A] {strides = array<i32>} : memref<16896xf32, #tpu.memory_space<vmem>>, vector<16xf32>,
        tpu.vector_store %arg8[%swap3A], %get3A_168 {strides = array<i32>} : memref<16896xf32, #tpu.memory_space<vmem>>, vector<16xf32>,
        %get3A_170 = arith.index_cast %scan3A_164 : i32 to index
        %get3A_171 = arith.constant 16 : index
        %get3A_172 = tpu.vector_load %arg7[%get3A_170, %get3A_171] {strides = array<i32>} : memref<512x32xf32, #tpu.memory_space<vmem>>, vector<16xf32>,
        %add3A_173 = arith.constant 16 : i32
        %add3A_174 = arith.addi %mul3A_166, %add3A_173 : i32
        %swap3A_175 = arith.index_cast %add3A_174 : i32 to index
        %swap3A_176 = tpu.vector_load %arg8[%swap3A_175] {strides = array<i32>} : memref<16896xf32, #tpu.memory_space<vmem>>, vector<16xf32>,
        tpu.vector_store %arg8[%swap3A_175], %get3A_172 {strides = array<i32>} : memref<16896xf32, #tpu.memory_space<vmem>>, vector<16xf32>,
        %scan3A_177 = arith.constant 1 : i32
        %scan3A_178 = arith.addi %scan3A_164, %scan3A_177 : i32
        %mul3A_179 = arith.constant 33 : i32
        %mul3A_180 = arith.muli %scan3A_178, %mul3A_179 : i32
        %get3A_181 = arith.index_cast %scan3A_178 : i32 to index
        %get3A_182 = arith.constant 0 : index
        %get3A_183 = tpu.vector_load %arg7[%get3A_181, %get3A_182] {strides = array<i32>} : memref<512x32xf32, #tpu.memory_space<vmem>>, vector<16xf32>,
        %swap3A_184 = arith.index_cast %mul3A_180 : i32 to index
        %swap3A_185 = tpu.vector_load %arg8[%swap3A_184] {strides = array<i32>} : memref<16896xf32, #tpu.memory_space<vmem>>, vector<16xf32>,
        tpu.vector_store %arg8[%swap3A_184], %get3A_183 {strides = array<i32>} : memref<16896xf32, #tpu.memory_space<vmem>>, vector<16xf32>,
        %get3A_186 = arith.index_cast %scan3A_178 : i32 to index
        %get3A_187 = arith.constant 16 : index
        %get3A_188 = tpu.vector_load %arg7[%get3A_186, %get3A_187] {strides = array<i32>} : memref<512x32xf32, #tpu.memory_space<vmem>>, vector<16xf32>,
        %add3A_189 = arith.constant 16 : i32
        %add3A_190 = arith.addi %mul3A_180, %add3A_189 : i32
        %swap3A_191 = arith.index_cast %add3A_190 : i32 to index
        %swap3A_192 = tpu.vector_load %arg8[%swap3A_191] {strides = array<i32>} : memref<16896xf32, #tpu.memory_space<vmem>>, vector<16xf32>,
        tpu.vector_store %arg8[%swap3A_191], %get3A_188 {strides = array<i32>} : memref<16896xf32, #tpu.memory_space<vmem>>, vector<16xf32>,
        %scan3A_193 = arith.constant 2 : i32
        %scan3A_194 = arith.addi %scan3A_164, %scan3A_193 : i32
        %mul3A_195 = arith.constant 33 : i32
        %mul3A_196 = arith.muli %scan3A_194, %mul3A_195 : i32
        %get3A_197 = arith.index_cast %scan3A_194 : i32 to index
        %get3A_198 = arith.constant 0 : index
        %get3A_199 = tpu.vector_load %arg7[%get3A_197, %get3A_198] {strides = array<i32>} : memref<512x32xf32, #tpu.memory_space<vmem>>, vector<16xf32>,
        %swap3A_200 = arith.index_cast %mul3A_196 : i32 to index
        %swap3A_201 = tpu.vector_load %arg8[%swap3A_200] {strides = array<i32>} : memref<16896xf32, #tpu.memory_space<vmem>>, vector<16xf32>,
        tpu.vector_store %arg8[%swap3A_200], %get3A_199 {strides = array<i32>} : memref<16896xf32, #tpu.memory_space<vmem>>, vector<16xf32>,
        %get3A_202 = arith.index_cast %scan3A_194 : i32 to index
        %get3A_203 = arith.constant 16 : index
        %get3A_204 = tpu.vector_load %arg7[%get3A_202, %get3A_203] {strides = array<i32>} : memref<512x32xf32, #tpu.memory_space<vmem>>, vector<16xf32>,
        %add3A_205 = arith.constant 16 : i32
        %add3A_206 = arith.addi %mul3A_196, %add3A_205 : i32
        %swap3A_207 = arith.index_cast %add3A_206 : i32 to index
        %swap3A_208 = tpu.vector_load %arg8[%swap3A_207] {strides = array<i32>} : memref<16896xf32, #tpu.memory_space<vmem>>, vector<16xf32>,
        tpu.vector_store %arg8[%swap3A_207], %get3A_204 {strides = array<i32>} : memref<16896xf32, #tpu.memory_space<vmem>>, vector<16xf32>,
        %scan3A_209 = arith.constant 3 : i32
        %scan3A_210 = arith.addi %scan3A_164, %scan3A_209 : i32
        %mul3A_211 = arith.constant 33 : i32
        %mul3A_212 = arith.muli %scan3A_210, %mul3A_211 : i32
        %get3A_213 = arith.index_cast %scan3A_210 : i32 to index
        %get3A_214 = arith.constant 0 : index
        %get3A_215 = tpu.vector_load %arg7[%get3A_213, %get3A_214] {strides = array<i32>} : memref<512x32xf32, #tpu.memory_space<vmem>>, vector<16xf32>,
        %swap3A_216 = arith.index_cast %mul3A_212 : i32 to index
        %swap3A_217 = tpu.vector_load %arg8[%swap3A_216] {strides = array<i32>} : memref<16896xf32, #tpu.memory_space<vmem>>, vector<16xf32>,
        tpu.vector_store %arg8[%swap3A_216], %get3A_215 {strides = array<i32>} : memref<16896xf32, #tpu.memory_space<vmem>>, vector<16xf32>,
        %get3A_218 = arith.index_cast %scan3A_210 : i32 to index
        %get3A_219 = arith.constant 16 : index
        %get3A_220 = tpu.vector_load %arg7[%get3A_218, %get3A_219] {strides = array<i32>} : memref<512x32xf32, #tpu.memory_space<vmem>>, vector<16xf32>,
        %add3A_221 = arith.constant 16 : i32
        %add3A_222 = arith.addi %mul3A_212, %add3A_221 : i32
        %swap3A_223 = arith.index_cast %add3A_222 : i32 to index
        %swap3A_224 = tpu.vector_load %arg8[%swap3A_223] {strides = array<i32>} : memref<16896xf32, #tpu.memory_space<vmem>>, vector<16xf32>,
        tpu.vector_store %arg8[%swap3A_223], %get3A_220 {strides = array<i32>} : memref<16896xf32, #tpu.memory_space<vmem>>, vector<16xf32>,
        %scan3A_225 = arith.constant 4 : i32
        %scan3A_226 = arith.addi %scan3A_164, %scan3A_225 : i32
        %mul3A_227 = arith.constant 33 : i32
        %mul3A_228 = arith.muli %scan3A_226, %mul3A_227 : i32
        %get3A_229 = arith.index_cast %scan3A_226 : i32 to index
        %get3A_230 = arith.constant 0 : index
        %get3A_231 = tpu.vector_load %arg7[%get3A_229, %get3A_230] {strides = array<i32>} : memref<512x32xf32, #tpu.memory_space<vmem>>, vector<16xf32>,
        %swap3A_232 = arith.index_cast %mul3A_228 : i32 to index
        %swap3A_233 = tpu.vector_load %arg8[%swap3A_232] {strides = array<i32>} : memref<16896xf32, #tpu.memory_space<vmem>>, vector<16xf32>,
        tpu.vector_store %arg8[%swap3A_232], %get3A_231 {strides = array<i32>} : memref<16896xf32, #tpu.memory_space<vmem>>, vector<16xf32>,
        %get3A_234 = arith.index_cast %scan3A_226 : i32 to index
        %get3A_235 = arith.constant 16 : index
        %get3A_236 = tpu.vector_load %arg7[%get3A_234, %get3A_235] {strides = array<i32>} : memref<512x32xf32, #tpu.memory_space<vmem>>, vector<16xf32>,
        %add3A_237 = arith.constant 16 : i32
        %add3A_238 = arith.addi %mul3A_228, %add3A_237 : i32
        %swap3A_239 = arith.index_cast %add3A_238 : i32 to index
        %swap3A_240 = tpu.vector_load %arg8[%swap3A_239] {strides = array<i32>} : memref<16896xf32, #tpu.memory_space<vmem>>, vector<16xf32>,
        tpu.vector_store %arg8[%swap3A_239], %get3A_236 {strides = array<i32>} : memref<16896xf32, #tpu.memory_space<vmem>>, vector<16xf32>,
        %scan3A_241 = arith.constant 5 : i32
        %scan3A_242 = arith.addi %scan3A_164, %scan3A_241 : i32
        %mul3A_243 = arith.constant 33 : i32
        %mul3A_244 = arith.muli %scan3A_242, %mul3A_243 : i32
        %get3A_245 = arith.index_cast %scan3A_242 : i32 to index
        %get3A_246 = arith.constant 0 : index
        %get3A_247 = tpu.vector_load %arg7[%get3A_245, %get3A_246] {strides = array<i32>} : memref<512x32xf32, #tpu.memory_space<vmem>>, vector<16xf32>,
        %swap3A_248 = arith.index_cast %mul3A_244 : i32 to index
        %swap3A_249 = tpu.vector_load %arg8[%swap3A_248] {strides = array<i32>} : memref<16896xf32, #tpu.memory_space<vmem>>, vector<16xf32>,
        tpu.vector_store %arg8[%swap3A_248], %get3A_247 {strides = array<i32>} : memref<16896xf32, #tpu.memory_space<vmem>>, vector<16xf32>,
        %get3A_250 = arith.index_cast %scan3A_242 : i32 to index
        %get3A_251 = arith.constant 16 : index
        %get3A_252 = tpu.vector_load %arg7[%get3A_250, %get3A_251] {strides = array<i32>} : memref<512x32xf32, #tpu.memory_space<vmem>>, vector<16xf32>,
        %add3A_253 = arith.constant 16 : i32
        %add3A_254 = arith.addi %mul3A_244, %add3A_253 : i32
        %swap3A_255 = arith.index_cast %add3A_254 : i32 to index
        %swap3A_256 = tpu.vector_load %arg8[%swap3A_255] {strides = array<i32>} : memref<16896xf32, #tpu.memory_space<vmem>>, vector<16xf32>,
        tpu.vector_store %arg8[%swap3A_255], %get3A_252 {strides = array<i32>} : memref<16896xf32, #tpu.memory_space<vmem>>, vector<16xf32>,
        %scan3A_257 = arith.constant 6 : i32
        %scan3A_258 = arith.addi %scan3A_164, %scan3A_257 : i32
        %mul3A_259 = arith.constant 33 : i32
        %mul3A_260 = arith.muli %scan3A_258, %mul3A_259 : i32
        %get3A_261 = arith.index_cast %scan3A_258 : i32 to index
        %get3A_262 = arith.constant 0 : index
        %get3A_263 = tpu.vector_load %arg7[%get3A_261, %get3A_262] {strides = array<i32>} : memref<512x32xf32, #tpu.memory_space<vmem>>, vector<16xf32>,
        %swap3A_264 = arith.index_cast %mul3A_260 : i32 to index
        %swap3A_265 = tpu.vector_load %arg8[%swap3A_264] {strides = array<i32>} : memref<16896xf32, #tpu.memory_space<vmem>>, vector<16xf32>,
        tpu.vector_store %arg8[%swap3A_264], %get3A_263 {strides = array<i32>} : memref<16896xf32, #tpu.memory_space<vmem>>, vector<16xf32>,
        %get3A_266 = arith.index_cast %scan3A_258 : i32 to index
        %get3A_267 = arith.constant 16 : index
        %get3A_268 = tpu.vector_load %arg7[%get3A_266, %get3A_267] {strides = array<i32>} : memref<512x32xf32, #tpu.memory_space<vmem>>, vector<16xf32>,
        %add3A_269 = arith.constant 16 : i32
        %add3A_270 = arith.addi %mul3A_260, %add3A_269 : i32
        %swap3A_271 = arith.index_cast %add3A_270 : i32 to index
        %swap3A_272 = tpu.vector_load %arg8[%swap3A_271] {strides = array<i32>} : memref<16896xf32, #tpu.memory_space<vmem>>, vector<16xf32>,
        tpu.vector_store %arg8[%swap3A_271], %get3A_268 {strides = array<i32>} : memref<16896xf32, #tpu.memory_space<vmem>>, vector<16xf32>,
        %scan3A_273 = arith.constant 7 : i32
        %scan3A_274 = arith.addi %scan3A_164, %scan3A_273 : i32
        %mul3A_275 = arith.constant 33 : i32
        %mul3A_276 = arith.muli %scan3A_274, %mul3A_275 : i32
        %get3A_277 = arith.index_cast %scan3A_274 : i32 to index
        %get3A_278 = arith.constant 0 : index
        %get3A_279 = tpu.vector_load %arg7[%get3A_277, %get3A_278] {strides = array<i32>} : memref<512x32xf32, #tpu.memory_space<vmem>>, vector<16xf32>,
        %swap3A_280 = arith.index_cast %mul3A_276 : i32 to index
        %swap3A_281 = tpu.vector_load %arg8[%swap3A_280] {strides = array<i32>} : memref<16896xf32, #tpu.memory_space<vmem>>, vector<16xf32>,
        tpu.vector_store %arg8[%swap3A_280], %get3A_279 {strides = array<i32>} : memref<16896xf32, #tpu.memory_space<vmem>>, vector<16xf32>,
        %get3A_282 = arith.index_cast %scan3A_274 : i32 to index
        %get3A_283 = arith.constant 16 : index
        %get3A_284 = tpu.vector_load %arg7[%get3A_282, %get3A_283] {strides = array<i32>} : memref<512x32xf32, #tpu.memory_space<vmem>>, vector<16xf32>,
        %add3A_285 = arith.constant 16 : i32
        %add3A_286 = arith.addi %mul3A_276, %add3A_285 : i32
        %swap3A_287 = arith.index_cast %add3A_286 : i32 to index
        %swap3A_288 = tpu.vector_load %arg8[%swap3A_287] {strides = array<i32>} : memref<16896xf32, #tpu.memory_space<vmem>>, vector<16xf32>,
        tpu.vector_store %arg8[%swap3A_287], %get3A_284 {strides = array<i32>} : memref<16896xf32, #tpu.memory_space<vmem>>, vector<16xf32>,
        %scan3A_289 = arith.constant 8 : i32
        %scan3A_290 = arith.addi %scan3A_164, %scan3A_289 : i32
        %mul3A_291 = arith.constant 33 : i32
        %mul3A_292 = arith.muli %scan3A_290, %mul3A_291 : i32
        %get3A_293 = arith.index_cast %scan3A_290 : i32 to index
        %get3A_294 = arith.constant 0 : index
        %get3A_295 = tpu.vector_load %arg7[%get3A_293, %get3A_294] {strides = array<i32>} : memref<512x32xf32, #tpu.memory_space<vmem>>, vector<16xf32>,
        %swap3A_296 = arith.index_cast %mul3A_292 : i32 to index
        %swap3A_297 = tpu.vector_load %arg8[%swap3A_296] {strides = array<i32>} : memref<16896xf32, #tpu.memory_space<vmem>>, vector<16xf32>,
        tpu.vector_store %arg8[%swap3A_296], %get3A_295 {strides = array<i32>} : memref<16896xf32, #tpu.memory_space<vmem>>, vector<16xf32>,
        %get3A_298 = arith.index_cast %scan3A_290 : i32 to index
        %get3A_299 = arith.constant 16 : index
        %get3A_300 = tpu.vector_load %arg7[%get3A_298, %get3A_299] {strides = array<i32>} : memref<512x32xf32, #tpu.memory_space<vmem>>, vector<16xf32>,
        %add3A_301 = arith.constant 16 : i32
        %add3A_302 = arith.addi %mul3A_292, %add3A_301 : i32
        %swap3A_303 = arith.index_cast %add3A_302 : i32 to index
        %swap3A_304 = tpu.vector_load %arg8[%swap3A_303] {strides = array<i32>} : memref<16896xf32, #tpu.memory_space<vmem>>, vector<16xf32>,
        tpu.vector_store %arg8[%swap3A_303], %get3A_300 {strides = array<i32>} : memref<16896xf32, #tpu.memory_space<vmem>>, vector<16xf32>,
        %scan3A_305 = arith.constant 9 : i32
        %scan3A_306 = arith.addi %scan3A_164, %scan3A_305 : i32
        %mul3A_307 = arith.constant 33 : i32
        %mul3A_308 = arith.muli %scan3A_306, %mul3A_307 : i32
        %get3A_309 = arith.index_cast %scan3A_306 : i32 to index
        %get3A_310 = arith.constant 0 : index
        %get3A_311 = tpu.vector_load %arg7[%get3A_309, %get3A_310] {strides = array<i32>} : memref<512x32xf32, #tpu.memory_space<vmem>>, vector<16xf32>,
        %swap3A_312 = arith.index_cast %mul3A_308 : i32 to index
        %swap3A_313 = tpu.vector_load %arg8[%swap3A_312] {strides = array<i32>} : memref<16896xf32, #tpu.memory_space<vmem>>, vector<16xf32>,
        tpu.vector_store %arg8[%swap3A_312], %get3A_311 {strides = array<i32>} : memref<16896xf32, #tpu.memory_space<vmem>>, vector<16xf32>,
        %get3A_314 = arith.index_cast %scan3A_306 : i32 to index
        %get3A_315 = arith.constant 16 : index
        %get3A_316 = tpu.vector_load %arg7[%get3A_314, %get3A_315] {strides = array<i32>} : memref<512x32xf32, #tpu.memory_space<vmem>>, vector<16xf32>,
        %add3A_317 = arith.constant 16 : i32
        %add3A_318 = arith.addi %mul3A_308, %add3A_317 : i32
        %swap3A_319 = arith.index_cast %add3A_318 : i32 to index
        %swap3A_320 = tpu.vector_load %arg8[%swap3A_319] {strides = array<i32>} : memref<16896xf32, #tpu.memory_space<vmem>>, vector<16xf32>,
        tpu.vector_store %arg8[%swap3A_319], %get3A_316 {strides = array<i32>} : memref<16896xf32, #tpu.memory_space<vmem>>, vector<16xf32>,
        %scan3A_321 = arith.constant 10 : i32
        %scan3A_322 = arith.addi %scan3A_164, %scan3A_321 : i32
        %mul3A_323 = arith.constant 33 : i32
        %mul3A_324 = arith.muli %scan3A_322, %mul3A_323 : i32
        %get3A_325 = arith.index_cast %scan3A_322 : i32 to index
        %get3A_326 = arith.constant 0 : index
        %get3A_327 = tpu.vector_load %arg7[%get3A_325, %get3A_326] {strides = array<i32>} : memref<512x32xf32, #tpu.memory_space<vmem>>, vector<16xf32>,
        %swap3A_328 = arith.index_cast %mul3A_324 : i32 to index
        %swap3A_329 = tpu.vector_load %arg8[%swap3A_328] {strides = array<i32>} : memref<16896xf32, #tpu.memory_space<vmem>>, vector<16xf32>,
        tpu.vector_store %arg8[%swap3A_328], %get3A_327 {strides = array<i32>} : memref<16896xf32, #tpu.memory_space<vmem>>, vector<16xf32>,
        %get3A_330 = arith.index_cast %scan3A_322 : i32 to index
        %get3A_331 = arith.constant 16 : index
        %get3A_332 = tpu.vector_load %arg7[%get3A_330, %get3A_331] {strides = array<i32>} : memref<512x32xf32, #tpu.memory_space<vmem>>, vector<16xf32>,
        %add3A_333 = arith.constant 16 : i32
        %add3A_334 = arith.addi %mul3A_324, %add3A_333 : i32
        %swap3A_335 = arith.index_cast %add3A_334 : i32 to index
        %swap3A_336 = tpu.vector_load %arg8[%swap3A_335] {strides = array<i32>} : memref<16896xf32, #tpu.memory_space<vmem>>, vector<16xf32>,
        tpu.vector_store %arg8[%swap3A_335], %get3A_332 {strides = array<i32>} : memref<16896xf32, #tpu.memory_space<vmem>>, vector<16xf32>,
        %scan3A_337 = arith.constant 11 : i32
        %scan3A_338 = arith.addi %scan3A_164, %scan3A_337 : i32
        %mul3A_339 = arith.constant 33 : i32
        %mul3A_340 = arith.muli %scan3A_338, %mul3A_339 : i32
        %get3A_341 = arith.index_cast %scan3A_338 : i32 to index
        %get3A_342 = arith.constant 0 : index
        %get3A_343 = tpu.vector_load %arg7[%get3A_341, %get3A_342] {strides = array<i32>} : memref<512x32xf32, #tpu.memory_space<vmem>>, vector<16xf32>,
        %swap3A_344 = arith.index_cast %mul3A_340 : i32 to index
        %swap3A_345 = tpu.vector_load %arg8[%swap3A_344] {strides = array<i32>} : memref<16896xf32, #tpu.memory_space<vmem>>, vector<16xf32>,
        tpu.vector_store %arg8[%swap3A_344], %get3A_343 {strides = array<i32>} : memref<16896xf32, #tpu.memory_space<vmem>>, vector<16xf32>,
        %get3A_346 = arith.index_cast %scan3A_338 : i32 to index
        %get3A_347 = arith.constant 16 : index
        %get3A_348 = tpu.vector_load %arg7[%get3A_346, %get3A_347] {strides = array<i32>} : memref<512x32xf32, #tpu.memory_space<vmem>>, vector<16xf32>,
        %add3A_349 = arith.constant 16 : i32
        %add3A_350 = arith.addi %mul3A_340, %add3A_349 : i32
        %swap3A_351 = arith.index_cast %add3A_350 : i32 to index
        %swap3A_352 = tpu.vector_load %arg8[%swap3A_351] {strides = array<i32>} : memref<16896xf32, #tpu.memory_space<vmem>>, vector<16xf32>,
        tpu.vector_store %arg8[%swap3A_351], %get3A_348 {strides = array<i32>} : memref<16896xf32, #tpu.memory_space<vmem>>, vector<16xf32>,
        %scan3A_353 = arith.constant 12 : i32
        %scan3A_354 = arith.addi %scan3A_164, %scan3A_353 : i32
        %mul3A_355 = arith.constant 33 : i32
        %mul3A_356 = arith.muli %scan3A_354, %mul3A_355 : i32
        %get3A_357 = arith.index_cast %scan3A_354 : i32 to index
        %get3A_358 = arith.constant 0 : index
        %get3A_359 = tpu.vector_load %arg7[%get3A_357, %get3A_358] {strides = array<i32>} : memref<512x32xf32, #tpu.memory_space<vmem>>, vector<16xf32>,
        %swap3A_360 = arith.index_cast %mul3A_356 : i32 to index
        %swap3A_361 = tpu.vector_load %arg8[%swap3A_360] {strides = array<i32>} : memref<16896xf32, #tpu.memory_space<vmem>>, vector<16xf32>,
        tpu.vector_store %arg8[%swap3A_360], %get3A_359 {strides = array<i32>} : memref<16896xf32, #tpu.memory_space<vmem>>, vector<16xf32>,
        %get3A_362 = arith.index_cast %scan3A_354 : i32 to index
        %get3A_363 = arith.constant 16 : index
        %get3A_364 = tpu.vector_load %arg7[%get3A_362, %get3A_363] {strides = array<i32>} : memref<512x32xf32, #tpu.memory_space<vmem>>, vector<16xf32>,
        %add3A_365 = arith.constant 16 : i32
        %add3A_366 = arith.addi %mul3A_356, %add3A_365 : i32
        %swap3A_367 = arith.index_cast %add3A_366 : i32 to index
        %swap3A_368 = tpu.vector_load %arg8[%swap3A_367] {strides = array<i32>} : memref<16896xf32, #tpu.memory_space<vmem>>, vector<16xf32>,
        tpu.vector_store %arg8[%swap3A_367], %get3A_364 {strides = array<i32>} : memref<16896xf32, #tpu.memory_space<vmem>>, vector<16xf32>,
        %scan3A_369 = arith.constant 13 : i32
        %scan3A_370 = arith.addi %scan3A_164, %scan3A_369 : i32
        %mul3A_371 = arith.constant 33 : i32
        %mul3A_372 = arith.muli %scan3A_370, %mul3A_371 : i32
        %get3A_373 = arith.index_cast %scan3A_370 : i32 to index
        %get3A_374 = arith.constant 0 : index
        %get3A_375 = tpu.vector_load %arg7[%get3A_373, %get3A_374] {strides = array<i32>} : memref<512x32xf32, #tpu.memory_space<vmem>>, vector<16xf32>,
        %swap3A_376 = arith.index_cast %mul3A_372 : i32 to index
        %swap3A_377 = tpu.vector_load %arg8[%swap3A_376] {strides = array<i32>} : memref<16896xf32, #tpu.memory_space<vmem>>, vector<16xf32>,
        tpu.vector_store %arg8[%swap3A_376], %get3A_375 {strides = array<i32>} : memref<16896xf32, #tpu.memory_space<vmem>>, vector<16xf32>,
        %get3A_378 = arith.index_cast %scan3A_370 : i32 to index
        %get3A_379 = arith.constant 16 : index
        %get3A_380 = tpu.vector_load %arg7[%get3A_378, %get3A_379] {strides = array<i32>} : memref<512x32xf32, #tpu.memory_space<vmem>>, vector<16xf32>,
        %add3A_381 = arith.constant 16 : i32
        %add3A_382 = arith.addi %mul3A_372, %add3A_381 : i32
        %swap3A_383 = arith.index_cast %add3A_382 : i32 to index
        %swap3A_384 = tpu.vector_load %arg8[%swap3A_383] {strides = array<i32>} : memref<16896xf32, #tpu.memory_space<vmem>>, vector<16xf32>,
        tpu.vector_store %arg8[%swap3A_383], %get3A_380 {strides = array<i32>} : memref<16896xf32, #tpu.memory_space<vmem>>, vector<16xf32>,
        %scan3A_385 = arith.constant 14 : i32
        %scan3A_386 = arith.addi %scan3A_164, %scan3A_385 : i32
        %mul3A_387 = arith.constant 33 : i32
        %mul3A_388 = arith.muli %scan3A_386, %mul3A_387 : i32
        %get3A_389 = arith.index_cast %scan3A_386 : i32 to index
        %get3A_390 = arith.constant 0 : index
        %get3A_391 = tpu.vector_load %arg7[%get3A_389, %get3A_390] {strides = array<i32>} : memref<512x32xf32, #tpu.memory_space<vmem>>, vector<16xf32>,
        %swap3A_392 = arith.index_cast %mul3A_388 : i32 to index
        %swap3A_393 = tpu.vector_load %arg8[%swap3A_392] {strides = array<i32>} : memref<16896xf32, #tpu.memory_space<vmem>>, vector<16xf32>,
        tpu.vector_store %arg8[%swap3A_392], %get3A_391 {strides = array<i32>} : memref<16896xf32, #tpu.memory_space<vmem>>, vector<16xf32>,
        %get3A_394 = arith.index_cast %scan3A_386 : i32 to index
        %get3A_395 = arith.constant 16 : index
        %get3A_396 = tpu.vector_load %arg7[%get3A_394, %get3A_395] {strides = array<i32>} : memref<512x32xf32, #tpu.memory_space<vmem>>, vector<16xf32>,
        %add3A_397 = arith.constant 16 : i32
        %add3A_398 = arith.addi %mul3A_388, %add3A_397 : i32
        %swap3A_399 = arith.index_cast %add3A_398 : i32 to index
        %swap3A_400 = tpu.vector_load %arg8[%swap3A_399] {strides = array<i32>} : memref<16896xf32, #tpu.memory_space<vmem>>, vector<16xf32>,
        tpu.vector_store %arg8[%swap3A_399], %get3A_396 {strides = array<i32>} : memref<16896xf32, #tpu.memory_space<vmem>>, vector<16xf32>,
        %scan3A_401 = arith.constant 15 : i32
        %scan3A_402 = arith.addi %scan3A_164, %scan3A_401 : i32
        %mul3A_403 = arith.constant 33 : i32
        %mul3A_404 = arith.muli %scan3A_402, %mul3A_403 : i32
        %get3A_405 = arith.index_cast %scan3A_402 : i32 to index
        %get3A_406 = arith.constant 0 : index
        %get3A_407 = tpu.vector_load %arg7[%get3A_405, %get3A_406] {strides = array<i32>} : memref<512x32xf32, #tpu.memory_space<vmem>>, vector<16xf32>,
        %swap3A_408 = arith.index_cast %mul3A_404 : i32 to index
        %swap3A_409 = tpu.vector_load %arg8[%swap3A_408] {strides = array<i32>} : memref<16896xf32, #tpu.memory_space<vmem>>, vector<16xf32>,
        tpu.vector_store %arg8[%swap3A_408], %get3A_407 {strides = array<i32>} : memref<16896xf32, #tpu.memory_space<vmem>>, vector<16xf32>,
        %get3A_410 = arith.index_cast %scan3A_402 : i32 to index
        %get3A_411 = arith.constant 16 : index
        %get3A_412 = tpu.vector_load %arg7[%get3A_410, %get3A_411] {strides = array<i32>} : memref<512x32xf32, #tpu.memory_space<vmem>>, vector<16xf32>,
        %add3A_413 = arith.constant 16 : i32
        %add3A_414 = arith.addi %mul3A_404, %add3A_413 : i32
        %swap3A_415 = arith.index_cast %add3A_414 : i32 to index
        %swap3A_416 = tpu.vector_load %arg8[%swap3A_415] {strides = array<i32>} : memref<16896xf32, #tpu.memory_space<vmem>>, vector<16xf32>,
        tpu.vector_store %arg8[%swap3A_415], %get3A_412 {strides = array<i32>} : memref<16896xf32, #tpu.memory_space<vmem>>, vector<16xf32>,
      }
      %scan3A_151 = arith.constant 512 : i32
      %scan3A_152 = arith.constant 0 : i32
      %scan3A_153 = arith.constant 0 : i32
      %scan3A_154 = arith.constant 32 : i32
      %scan3A_155 = arith.addi %scan3A_153, %scan3A_154 : i32
      %scan3A_156 = arith.constant 4 : i32
      scf.for %scan3A_164 = %scan3A_153 to %scan3A_155 step %scan3A_156  : i32 {
        %mul3A_165 = arith.constant 16 : i32
        %mul3A_166 = arith.muli %scan3A_164, %mul3A_165 : i32
        %add3A_167 = vector.broadcast %mul3A_166 : i32 to vector<16xi32>
        %add3A_168 = arith.addi %add3A_167, %iota3A : vector<16xi32>
        %mul3A_169 = arith.constant 33 : i32
        %mul3A_170 = vector.broadcast %mul3A_169 : i32 to vector<16xi32>
        %mul3A_171 = arith.muli %add3A_168, %mul3A_170 : vector<16xi32>
        %mul3A_172 = arith.constant 16 : i32
        %mul3A_173 = arith.muli %scan3A_164, %mul3A_172 : i32
        %add3A_174 = arith.constant 0 : i32
        %add3A_175 = vector.broadcast %add3A_174 : i32 to vector<16xi32>
        %add3A_176 = arith.addi %mul3A_171, %add3A_175 : vector<16xi32>
        %gather3A = tpu.vector_load_idx %arg8[%add3A_176] : memref<16896xf32, #tpu.memory_space<vmem>>[vector<16xi32>], vector<16xf32>,
        %swap3A = arith.constant 0 : i32
        %swap3A_177 = arith.index_cast %swap3A : i32 to index
        %swap3A_178 = arith.index_cast %mul3A_173 : i32 to index
        %swap3A_179 = tpu.vector_load %arg10[%swap3A_177, %swap3A_178] {strides = array<i32>} : memref<32x512xf32, #tpu.memory_space<vmem>>, vector<16xf32>,
        tpu.vector_store %arg10[%swap3A_177, %swap3A_178], %gather3A {strides = array<i32>} : memref<32x512xf32, #tpu.memory_space<vmem>>, vector<16xf32>,
        %add3A_180 = arith.constant 1 : i32
        %add3A_181 = vector.broadcast %add3A_180 : i32 to vector<16xi32>
        %add3A_182 = arith.addi %mul3A_171, %add3A_181 : vector<16xi32>
        %gather3A_183 = tpu.vector_load_idx %arg8[%add3A_182] : memref<16896xf32, #tpu.memory_space<vmem>>[vector<16xi32>], vector<16xf32>,
        %swap3A_184 = arith.constant 1 : i32
        %swap3A_185 = arith.index_cast %swap3A_184 : i32 to index
        %swap3A_186 = arith.index_cast %mul3A_173 : i32 to index
        %swap3A_187 = tpu.vector_load %arg10[%swap3A_185, %swap3A_186] {strides = array<i32>} : memref<32x512xf32, #tpu.memory_space<vmem>>, vector<16xf32>,
        tpu.vector_store %arg10[%swap3A_185, %swap3A_186], %gather3A_183 {strides = array<i32>} : memref<32x512xf32, #tpu.memory_space<vmem>>, vector<16xf32>,
        %add3A_188 = arith.constant 2 : i32
        %add3A_189 = vector.broadcast %add3A_188 : i32 to vector<16xi32>
        %add3A_190 = arith.addi %mul3A_171, %add3A_189 : vector<16xi32>
        %gather3A_191 = tpu.vector_load_idx %arg8[%add3A_190] : memref<16896xf32, #tpu.memory_space<vmem>>[vector<16xi32>], vector<16xf32>,
        %swap3A_192 = arith.constant 2 : i32
        %swap3A_193 = arith.index_cast %swap3A_192 : i32 to index
        %swap3A_194 = arith.index_cast %mul3A_173 : i32 to index
        %swap3A_195 = tpu.vector_load %arg10[%swap3A_193, %swap3A_194] {strides = array<i32>} : memref<32x512xf32, #tpu.memory_space<vmem>>, vector<16xf32>,
        tpu.vector_store %arg10[%swap3A_193, %swap3A_194], %gather3A_191 {strides = array<i32>} : memref<32x512xf32, #tpu.memory_space<vmem>>, vector<16xf32>,
        %add3A_196 = arith.constant 3 : i32
        %add3A_197 = vector.broadcast %add3A_196 : i32 to vector<16xi32>
        %add3A_198 = arith.addi %mul3A_171, %add3A_197 : vector<16xi32>
        %gather3A_199 = tpu.vector_load_idx %arg8[%add3A_198] : memref<16896xf32, #tpu.memory_space<vmem>>[vector<16xi32>], vector<16xf32>,
        %swap3A_200 = arith.constant 3 : i32
        %swap3A_201 = arith.index_cast %swap3A_200 : i32 to index
        %swap3A_202 = arith.index_cast %mul3A_173 : i32 to index
        %swap3A_203 = tpu.vector_load %arg10[%swap3A_201, %swap3A_202] {strides = array<i32>} : memref<32x512xf32, #tpu.memory_space<vmem>>, vector<16xf32>,
        tpu.vector_store %arg10[%swap3A_201, %swap3A_202], %gather3A_199 {strides = array<i32>} : memref<32x512xf32, #tpu.memory_space<vmem>>, vector<16xf32>,
        %add3A_204 = arith.constant 4 : i32
        %add3A_205 = vector.broadcast %add3A_204 : i32 to vector<16xi32>
        %add3A_206 = arith.addi %mul3A_171, %add3A_205 : vector<16xi32>
        %gather3A_207 = tpu.vector_load_idx %arg8[%add3A_206] : memref<16896xf32, #tpu.memory_space<vmem>>[vector<16xi32>], vector<16xf32>,
        %swap3A_208 = arith.constant 4 : i32
        %swap3A_209 = arith.index_cast %swap3A_208 : i32 to index
        %swap3A_210 = arith.index_cast %mul3A_173 : i32 to index
        %swap3A_211 = tpu.vector_load %arg10[%swap3A_209, %swap3A_210] {strides = array<i32>} : memref<32x512xf32, #tpu.memory_space<vmem>>, vector<16xf32>,
        tpu.vector_store %arg10[%swap3A_209, %swap3A_210], %gather3A_207 {strides = array<i32>} : memref<32x512xf32, #tpu.memory_space<vmem>>, vector<16xf32>,
        %add3A_212 = arith.constant 5 : i32
        %add3A_213 = vector.broadcast %add3A_212 : i32 to vector<16xi32>
        %add3A_214 = arith.addi %mul3A_171, %add3A_213 : vector<16xi32>
        %gather3A_215 = tpu.vector_load_idx %arg8[%add3A_214] : memref<16896xf32, #tpu.memory_space<vmem>>[vector<16xi32>], vector<16xf32>,
        %swap3A_216 = arith.constant 5 : i32
        %swap3A_217 = arith.index_cast %swap3A_216 : i32 to index
        %swap3A_218 = arith.index_cast %mul3A_173 : i32 to index
        %swap3A_219 = tpu.vector_load %arg10[%swap3A_217, %swap3A_218] {strides = array<i32>} : memref<32x512xf32, #tpu.memory_space<vmem>>, vector<16xf32>,
        tpu.vector_store %arg10[%swap3A_217, %swap3A_218], %gather3A_215 {strides = array<i32>} : memref<32x512xf32, #tpu.memory_space<vmem>>, vector<16xf32>,
        %add3A_220 = arith.constant 6 : i32
        %add3A_221 = vector.broadcast %add3A_220 : i32 to vector<16xi32>
        %add3A_222 = arith.addi %mul3A_171, %add3A_221 : vector<16xi32>
        %gather3A_223 = tpu.vector_load_idx %arg8[%add3A_222] : memref<16896xf32, #tpu.memory_space<vmem>>[vector<16xi32>], vector<16xf32>,
        %swap3A_224 = arith.constant 6 : i32
        %swap3A_225 = arith.index_cast %swap3A_224 : i32 to index
        %swap3A_226 = arith.index_cast %mul3A_173 : i32 to index
        %swap3A_227 = tpu.vector_load %arg10[%swap3A_225, %swap3A_226] {strides = array<i32>} : memref<32x512xf32, #tpu.memory_space<vmem>>, vector<16xf32>,
        tpu.vector_store %arg10[%swap3A_225, %swap3A_226], %gather3A_223 {strides = array<i32>} : memref<32x512xf32, #tpu.memory_space<vmem>>, vector<16xf32>,
        %add3A_228 = arith.constant 7 : i32
        %add3A_229 = vector.broadcast %add3A_228 : i32 to vector<16xi32>
        %add3A_230 = arith.addi %mul3A_171, %add3A_229 : vector<16xi32>
        %gather3A_231 = tpu.vector_load_idx %arg8[%add3A_230] : memref<16896xf32, #tpu.memory_space<vmem>>[vector<16xi32>], vector<16xf32>,
        %swap3A_232 = arith.constant 7 : i32
        %swap3A_233 = arith.index_cast %swap3A_232 : i32 to index
        %swap3A_234 = arith.index_cast %mul3A_173 : i32 to index
        %swap3A_235 = tpu.vector_load %arg10[%swap3A_233, %swap3A_234] {strides = array<i32>} : memref<32x512xf32, #tpu.memory_space<vmem>>, vector<16xf32>,
        tpu.vector_store %arg10[%swap3A_233, %swap3A_234], %gather3A_231 {strides = array<i32>} : memref<32x512xf32, #tpu.memory_space<vmem>>, vector<16xf32>,
        %add3A_236 = arith.constant 8 : i32
        %add3A_237 = vector.broadcast %add3A_236 : i32 to vector<16xi32>
        %add3A_238 = arith.addi %mul3A_171, %add3A_237 : vector<16xi32>
        %gather3A_239 = tpu.vector_load_idx %arg8[%add3A_238] : memref<16896xf32, #tpu.memory_space<vmem>>[vector<16xi32>], vector<16xf32>,
        %swap3A_240 = arith.constant 8 : i32
        %swap3A_241 = arith.index_cast %swap3A_240 : i32 to index
        %swap3A_242 = arith.index_cast %mul3A_173 : i32 to index
        %swap3A_243 = tpu.vector_load %arg10[%swap3A_241, %swap3A_242] {strides = array<i32>} : memref<32x512xf32, #tpu.memory_space<vmem>>, vector<16xf32>,
        tpu.vector_store %arg10[%swap3A_241, %swap3A_242], %gather3A_239 {strides = array<i32>} : memref<32x512xf32, #tpu.memory_space<vmem>>, vector<16xf32>,
        %add3A_244 = arith.constant 9 : i32
        %add3A_245 = vector.broadcast %add3A_244 : i32 to vector<16xi32>
        %add3A_246 = arith.addi %mul3A_171, %add3A_245 : vector<16xi32>
        %gather3A_247 = tpu.vector_load_idx %arg8[%add3A_246] : memref<16896xf32, #tpu.memory_space<vmem>>[vector<16xi32>], vector<16xf32>,
        %swap3A_248 = arith.constant 9 : i32
        %swap3A_249 = arith.index_cast %swap3A_248 : i32 to index
        %swap3A_250 = arith.index_cast %mul3A_173 : i32 to index
        %swap3A_251 = tpu.vector_load %arg10[%swap3A_249, %swap3A_250] {strides = array<i32>} : memref<32x512xf32, #tpu.memory_space<vmem>>, vector<16xf32>,
        tpu.vector_store %arg10[%swap3A_249, %swap3A_250], %gather3A_247 {strides = array<i32>} : memref<32x512xf32, #tpu.memory_space<vmem>>, vector<16xf32>,
        %add3A_252 = arith.constant 10 : i32
        %add3A_253 = vector.broadcast %add3A_252 : i32 to vector<16xi32>
        %add3A_254 = arith.addi %mul3A_171, %add3A_253 : vector<16xi32>
        %gather3A_255 = tpu.vector_load_idx %arg8[%add3A_254] : memref<16896xf32, #tpu.memory_space<vmem>>[vector<16xi32>], vector<16xf32>,
        %swap3A_256 = arith.constant 10 : i32
        %swap3A_257 = arith.index_cast %swap3A_256 : i32 to index
        %swap3A_258 = arith.index_cast %mul3A_173 : i32 to index
        %swap3A_259 = tpu.vector_load %arg10[%swap3A_257, %swap3A_258] {strides = array<i32>} : memref<32x512xf32, #tpu.memory_space<vmem>>, vector<16xf32>,
        tpu.vector_store %arg10[%swap3A_257, %swap3A_258], %gather3A_255 {strides = array<i32>} : memref<32x512xf32, #tpu.memory_space<vmem>>, vector<16xf32>,
        %add3A_260 = arith.constant 11 : i32
        %add3A_261 = vector.broadcast %add3A_260 : i32 to vector<16xi32>
        %add3A_262 = arith.addi %mul3A_171, %add3A_261 : vector<16xi32>
        %gather3A_263 = tpu.vector_load_idx %arg8[%add3A_262] : memref<16896xf32, #tpu.memory_space<vmem>>[vector<16xi32>], vector<16xf32>,
        %swap3A_264 = arith.constant 11 : i32
        %swap3A_265 = arith.index_cast %swap3A_264 : i32 to index
        %swap3A_266 = arith.index_cast %mul3A_173 : i32 to index
        %swap3A_267 = tpu.vector_load %arg10[%swap3A_265, %swap3A_266] {strides = array<i32>} : memref<32x512xf32, #tpu.memory_space<vmem>>, vector<16xf32>,
        tpu.vector_store %arg10[%swap3A_265, %swap3A_266], %gather3A_263 {strides = array<i32>} : memref<32x512xf32, #tpu.memory_space<vmem>>, vector<16xf32>,
        %add3A_268 = arith.constant 12 : i32
        %add3A_269 = vector.broadcast %add3A_268 : i32 to vector<16xi32>
        %add3A_270 = arith.addi %mul3A_171, %add3A_269 : vector<16xi32>
        %gather3A_271 = tpu.vector_load_idx %arg8[%add3A_270] : memref<16896xf32, #tpu.memory_space<vmem>>[vector<16xi32>], vector<16xf32>,
        %swap3A_272 = arith.constant 12 : i32
        %swap3A_273 = arith.index_cast %swap3A_272 : i32 to index
        %swap3A_274 = arith.index_cast %mul3A_173 : i32 to index
        %swap3A_275 = tpu.vector_load %arg10[%swap3A_273, %swap3A_274] {strides = array<i32>} : memref<32x512xf32, #tpu.memory_space<vmem>>, vector<16xf32>,
        tpu.vector_store %arg10[%swap3A_273, %swap3A_274], %gather3A_271 {strides = array<i32>} : memref<32x512xf32, #tpu.memory_space<vmem>>, vector<16xf32>,
        %add3A_276 = arith.constant 13 : i32
        %add3A_277 = vector.broadcast %add3A_276 : i32 to vector<16xi32>
        %add3A_278 = arith.addi %mul3A_171, %add3A_277 : vector<16xi32>
        %gather3A_279 = tpu.vector_load_idx %arg8[%add3A_278] : memref<16896xf32, #tpu.memory_space<vmem>>[vector<16xi32>], vector<16xf32>,
        %swap3A_280 = arith.constant 13 : i32
        %swap3A_281 = arith.index_cast %swap3A_280 : i32 to index
        %swap3A_282 = arith.index_cast %mul3A_173 : i32 to index
        %swap3A_283 = tpu.vector_load %arg10[%swap3A_281, %swap3A_282] {strides = array<i32>} : memref<32x512xf32, #tpu.memory_space<vmem>>, vector<16xf32>,
        tpu.vector_store %arg10[%swap3A_281, %swap3A_282], %gather3A_279 {strides = array<i32>} : memref<32x512xf32, #tpu.memory_space<vmem>>, vector<16xf32>,
        %add3A_284 = arith.constant 14 : i32
        %add3A_285 = vector.broadcast %add3A_284 : i32 to vector<16xi32>
        %add3A_286 = arith.addi %mul3A_171, %add3A_285 : vector<16xi32>
        %gather3A_287 = tpu.vector_load_idx %arg8[%add3A_286] : memref<16896xf32, #tpu.memory_space<vmem>>[vector<16xi32>], vector<16xf32>,
        %swap3A_288 = arith.constant 14 : i32
        %swap3A_289 = arith.index_cast %swap3A_288 : i32 to index
        %swap3A_290 = arith.index_cast %mul3A_173 : i32 to index
        %swap3A_291 = tpu.vector_load %arg10[%swap3A_289, %swap3A_290] {strides = array<i32>} : memref<32x512xf32, #tpu.memory_space<vmem>>, vector<16xf32>,
        tpu.vector_store %arg10[%swap3A_289, %swap3A_290], %gather3A_287 {strides = array<i32>} : memref<32x512xf32, #tpu.memory_space<vmem>>, vector<16xf32>,
        %add3A_292 = arith.constant 15 : i32
        %add3A_293 = vector.broadcast %add3A_292 : i32 to vector<16xi32>
        %add3A_294 = arith.addi %mul3A_171, %add3A_293 : vector<16xi32>
        %gather3A_295 = tpu.vector_load_idx %arg8[%add3A_294] : memref<16896xf32, #tpu.memory_space<vmem>>[vector<16xi32>], vector<16xf32>,
        %swap3A_296 = arith.constant 15 : i32
        %swap3A_297 = arith.index_cast %swap3A_296 : i32 to index
        %swap3A_298 = arith.index_cast %mul3A_173 : i32 to index
        %swap3A_299 = tpu.vector_load %arg10[%swap3A_297, %swap3A_298] {strides = array<i32>} : memref<32x512xf32, #tpu.memory_space<vmem>>, vector<16xf32>,
        tpu.vector_store %arg10[%swap3A_297, %swap3A_298], %gather3A_295 {strides = array<i32>} : memref<32x512xf32, #tpu.memory_space<vmem>>, vector<16xf32>,
        %add3A_300 = arith.constant 16 : i32
        %add3A_301 = vector.broadcast %add3A_300 : i32 to vector<16xi32>
        %add3A_302 = arith.addi %mul3A_171, %add3A_301 : vector<16xi32>
        %gather3A_303 = tpu.vector_load_idx %arg8[%add3A_302] : memref<16896xf32, #tpu.memory_space<vmem>>[vector<16xi32>], vector<16xf32>,
        %swap3A_304 = arith.constant 16 : i32
        %swap3A_305 = arith.index_cast %swap3A_304 : i32 to index
        %swap3A_306 = arith.index_cast %mul3A_173 : i32 to index
        %swap3A_307 = tpu.vector_load %arg10[%swap3A_305, %swap3A_306] {strides = array<i32>} : memref<32x512xf32, #tpu.memory_space<vmem>>, vector<16xf32>,
        tpu.vector_store %arg10[%swap3A_305, %swap3A_306], %gather3A_303 {strides = array<i32>} : memref<32x512xf32, #tpu.memory_space<vmem>>, vector<16xf32>,
        %add3A_308 = arith.constant 17 : i32
        %add3A_309 = vector.broadcast %add3A_308 : i32 to vector<16xi32>
        %add3A_310 = arith.addi %mul3A_171, %add3A_309 : vector<16xi32>
        %gather3A_311 = tpu.vector_load_idx %arg8[%add3A_310] : memref<16896xf32, #tpu.memory_space<vmem>>[vector<16xi32>], vector<16xf32>,
        %swap3A_312 = arith.constant 17 : i32
        %swap3A_313 = arith.index_cast %swap3A_312 : i32 to index
        %swap3A_314 = arith.index_cast %mul3A_173 : i32 to index
        %swap3A_315 = tpu.vector_load %arg10[%swap3A_313, %swap3A_314] {strides = array<i32>} : memref<32x512xf32, #tpu.memory_space<vmem>>, vector<16xf32>,
        tpu.vector_store %arg10[%swap3A_313, %swap3A_314], %gather3A_311 {strides = array<i32>} : memref<32x512xf32, #tpu.memory_space<vmem>>, vector<16xf32>,
        %add3A_316 = arith.constant 18 : i32
        %add3A_317 = vector.broadcast %add3A_316 : i32 to vector<16xi32>
        %add3A_318 = arith.addi %mul3A_171, %add3A_317 : vector<16xi32>
        %gather3A_319 = tpu.vector_load_idx %arg8[%add3A_318] : memref<16896xf32, #tpu.memory_space<vmem>>[vector<16xi32>], vector<16xf32>,
        %swap3A_320 = arith.constant 18 : i32
        %swap3A_321 = arith.index_cast %swap3A_320 : i32 to index
        %swap3A_322 = arith.index_cast %mul3A_173 : i32 to index
        %swap3A_323 = tpu.vector_load %arg10[%swap3A_321, %swap3A_322] {strides = array<i32>} : memref<32x512xf32, #tpu.memory_space<vmem>>, vector<16xf32>,
        tpu.vector_store %arg10[%swap3A_321, %swap3A_322], %gather3A_319 {strides = array<i32>} : memref<32x512xf32, #tpu.memory_space<vmem>>, vector<16xf32>,
        %add3A_324 = arith.constant 19 : i32
        %add3A_325 = vector.broadcast %add3A_324 : i32 to vector<16xi32>
        %add3A_326 = arith.addi %mul3A_171, %add3A_325 : vector<16xi32>
        %gather3A_327 = tpu.vector_load_idx %arg8[%add3A_326] : memref<16896xf32, #tpu.memory_space<vmem>>[vector<16xi32>], vector<16xf32>,
        %swap3A_328 = arith.constant 19 : i32
        %swap3A_329 = arith.index_cast %swap3A_328 : i32 to index
        %swap3A_330 = arith.index_cast %mul3A_173 : i32 to index
        %swap3A_331 = tpu.vector_load %arg10[%swap3A_329, %swap3A_330] {strides = array<i32>} : memref<32x512xf32, #tpu.memory_space<vmem>>, vector<16xf32>,
        tpu.vector_store %arg10[%swap3A_329, %swap3A_330], %gather3A_327 {strides = array<i32>} : memref<32x512xf32, #tpu.memory_space<vmem>>, vector<16xf32>,
        %add3A_332 = arith.constant 20 : i32
        %add3A_333 = vector.broadcast %add3A_332 : i32 to vector<16xi32>
        %add3A_334 = arith.addi %mul3A_171, %add3A_333 : vector<16xi32>
        %gather3A_335 = tpu.vector_load_idx %arg8[%add3A_334] : memref<16896xf32, #tpu.memory_space<vmem>>[vector<16xi32>], vector<16xf32>,
        %swap3A_336 = arith.constant 20 : i32
        %swap3A_337 = arith.index_cast %swap3A_336 : i32 to index
        %swap3A_338 = arith.index_cast %mul3A_173 : i32 to index
        %swap3A_339 = tpu.vector_load %arg10[%swap3A_337, %swap3A_338] {strides = array<i32>} : memref<32x512xf32, #tpu.memory_space<vmem>>, vector<16xf32>,
        tpu.vector_store %arg10[%swap3A_337, %swap3A_338], %gather3A_335 {strides = array<i32>} : memref<32x512xf32, #tpu.memory_space<vmem>>, vector<16xf32>,
        %add3A_340 = arith.constant 21 : i32
        %add3A_341 = vector.broadcast %add3A_340 : i32 to vector<16xi32>
        %add3A_342 = arith.addi %mul3A_171, %add3A_341 : vector<16xi32>
        %gather3A_343 = tpu.vector_load_idx %arg8[%add3A_342] : memref<16896xf32, #tpu.memory_space<vmem>>[vector<16xi32>], vector<16xf32>,
        %swap3A_344 = arith.constant 21 : i32
        %swap3A_345 = arith.index_cast %swap3A_344 : i32 to index
        %swap3A_346 = arith.index_cast %mul3A_173 : i32 to index
        %swap3A_347 = tpu.vector_load %arg10[%swap3A_345, %swap3A_346] {strides = array<i32>} : memref<32x512xf32, #tpu.memory_space<vmem>>, vector<16xf32>,
        tpu.vector_store %arg10[%swap3A_345, %swap3A_346], %gather3A_343 {strides = array<i32>} : memref<32x512xf32, #tpu.memory_space<vmem>>, vector<16xf32>,
        %add3A_348 = arith.constant 22 : i32
        %add3A_349 = vector.broadcast %add3A_348 : i32 to vector<16xi32>
        %add3A_350 = arith.addi %mul3A_171, %add3A_349 : vector<16xi32>
        %gather3A_351 = tpu.vector_load_idx %arg8[%add3A_350] : memref<16896xf32, #tpu.memory_space<vmem>>[vector<16xi32>], vector<16xf32>,
        %swap3A_352 = arith.constant 22 : i32
        %swap3A_353 = arith.index_cast %swap3A_352 : i32 to index
        %swap3A_354 = arith.index_cast %mul3A_173 : i32 to index
        %swap3A_355 = tpu.vector_load %arg10[%swap3A_353, %swap3A_354] {strides = array<i32>} : memref<32x512xf32, #tpu.memory_space<vmem>>, vector<16xf32>,
        tpu.vector_store %arg10[%swap3A_353, %swap3A_354], %gather3A_351 {strides = array<i32>} : memref<32x512xf32, #tpu.memory_space<vmem>>, vector<16xf32>,
        %add3A_356 = arith.constant 23 : i32
        %add3A_357 = vector.broadcast %add3A_356 : i32 to vector<16xi32>
        %add3A_358 = arith.addi %mul3A_171, %add3A_357 : vector<16xi32>
        %gather3A_359 = tpu.vector_load_idx %arg8[%add3A_358] : memref<16896xf32, #tpu.memory_space<vmem>>[vector<16xi32>], vector<16xf32>,
        %swap3A_360 = arith.constant 23 : i32
        %swap3A_361 = arith.index_cast %swap3A_360 : i32 to index
        %swap3A_362 = arith.index_cast %mul3A_173 : i32 to index
        %swap3A_363 = tpu.vector_load %arg10[%swap3A_361, %swap3A_362] {strides = array<i32>} : memref<32x512xf32, #tpu.memory_space<vmem>>, vector<16xf32>,
        tpu.vector_store %arg10[%swap3A_361, %swap3A_362], %gather3A_359 {strides = array<i32>} : memref<32x512xf32, #tpu.memory_space<vmem>>, vector<16xf32>,
        %add3A_364 = arith.constant 24 : i32
        %add3A_365 = vector.broadcast %add3A_364 : i32 to vector<16xi32>
        %add3A_366 = arith.addi %mul3A_171, %add3A_365 : vector<16xi32>
        %gather3A_367 = tpu.vector_load_idx %arg8[%add3A_366] : memref<16896xf32, #tpu.memory_space<vmem>>[vector<16xi32>], vector<16xf32>,
        %swap3A_368 = arith.constant 24 : i32
        %swap3A_369 = arith.index_cast %swap3A_368 : i32 to index
        %swap3A_370 = arith.index_cast %mul3A_173 : i32 to index
        %swap3A_371 = tpu.vector_load %arg10[%swap3A_369, %swap3A_370] {strides = array<i32>} : memref<32x512xf32, #tpu.memory_space<vmem>>, vector<16xf32>,
        tpu.vector_store %arg10[%swap3A_369, %swap3A_370], %gather3A_367 {strides = array<i32>} : memref<32x512xf32, #tpu.memory_space<vmem>>, vector<16xf32>,
        %add3A_372 = arith.constant 25 : i32
        %add3A_373 = vector.broadcast %add3A_372 : i32 to vector<16xi32>
        %add3A_374 = arith.addi %mul3A_171, %add3A_373 : vector<16xi32>
        %gather3A_375 = tpu.vector_load_idx %arg8[%add3A_374] : memref<16896xf32, #tpu.memory_space<vmem>>[vector<16xi32>], vector<16xf32>,
        %swap3A_376 = arith.constant 25 : i32
        %swap3A_377 = arith.index_cast %swap3A_376 : i32 to index
        %swap3A_378 = arith.index_cast %mul3A_173 : i32 to index
        %swap3A_379 = tpu.vector_load %arg10[%swap3A_377, %swap3A_378] {strides = array<i32>} : memref<32x512xf32, #tpu.memory_space<vmem>>, vector<16xf32>,
        tpu.vector_store %arg10[%swap3A_377, %swap3A_378], %gather3A_375 {strides = array<i32>} : memref<32x512xf32, #tpu.memory_space<vmem>>, vector<16xf32>,
        %add3A_380 = arith.constant 26 : i32
        %add3A_381 = vector.broadcast %add3A_380 : i32 to vector<16xi32>
        %add3A_382 = arith.addi %mul3A_171, %add3A_381 : vector<16xi32>
        %gather3A_383 = tpu.vector_load_idx %arg8[%add3A_382] : memref<16896xf32, #tpu.memory_space<vmem>>[vector<16xi32>], vector<16xf32>,
        %swap3A_384 = arith.constant 26 : i32
        %swap3A_385 = arith.index_cast %swap3A_384 : i32 to index
        %swap3A_386 = arith.index_cast %mul3A_173 : i32 to index
        %swap3A_387 = tpu.vector_load %arg10[%swap3A_385, %swap3A_386] {strides = array<i32>} : memref<32x512xf32, #tpu.memory_space<vmem>>, vector<16xf32>,
        tpu.vector_store %arg10[%swap3A_385, %swap3A_386], %gather3A_383 {strides = array<i32>} : memref<32x512xf32, #tpu.memory_space<vmem>>, vector<16xf32>,
        %add3A_388 = arith.constant 27 : i32
        %add3A_389 = vector.broadcast %add3A_388 : i32 to vector<16xi32>
        %add3A_390 = arith.addi %mul3A_171, %add3A_389 : vector<16xi32>
        %gather3A_391 = tpu.vector_load_idx %arg8[%add3A_390] : memref<16896xf32, #tpu.memory_space<vmem>>[vector<16xi32>], vector<16xf32>,
        %swap3A_392 = arith.constant 27 : i32
        %swap3A_393 = arith.index_cast %swap3A_392 : i32 to index
        %swap3A_394 = arith.index_cast %mul3A_173 : i32 to index
        %swap3A_395 = tpu.vector_load %arg10[%swap3A_393, %swap3A_394] {strides = array<i32>} : memref<32x512xf32, #tpu.memory_space<vmem>>, vector<16xf32>,
        tpu.vector_store %arg10[%swap3A_393, %swap3A_394], %gather3A_391 {strides = array<i32>} : memref<32x512xf32, #tpu.memory_space<vmem>>, vector<16xf32>,
        %add3A_396 = arith.constant 28 : i32
        %add3A_397 = vector.broadcast %add3A_396 : i32 to vector<16xi32>
        %add3A_398 = arith.addi %mul3A_171, %add3A_397 : vector<16xi32>
        %gather3A_399 = tpu.vector_load_idx %arg8[%add3A_398] : memref<16896xf32, #tpu.memory_space<vmem>>[vector<16xi32>], vector<16xf32>,
        %swap3A_400 = arith.constant 28 : i32
        %swap3A_401 = arith.index_cast %swap3A_400 : i32 to index
        %swap3A_402 = arith.index_cast %mul3A_173 : i32 to index
        %swap3A_403 = tpu.vector_load %arg10[%swap3A_401, %swap3A_402] {strides = array<i32>} : memref<32x512xf32, #tpu.memory_space<vmem>>, vector<16xf32>,
        tpu.vector_store %arg10[%swap3A_401, %swap3A_402], %gather3A_399 {strides = array<i32>} : memref<32x512xf32, #tpu.memory_space<vmem>>, vector<16xf32>,
        %add3A_404 = arith.constant 29 : i32
        %add3A_405 = vector.broadcast %add3A_404 : i32 to vector<16xi32>
        %add3A_406 = arith.addi %mul3A_171, %add3A_405 : vector<16xi32>
        %gather3A_407 = tpu.vector_load_idx %arg8[%add3A_406] : memref<16896xf32, #tpu.memory_space<vmem>>[vector<16xi32>], vector<16xf32>,
        %swap3A_408 = arith.constant 29 : i32
        %swap3A_409 = arith.index_cast %swap3A_408 : i32 to index
        %swap3A_410 = arith.index_cast %mul3A_173 : i32 to index
        %swap3A_411 = tpu.vector_load %arg10[%swap3A_409, %swap3A_410] {strides = array<i32>} : memref<32x512xf32, #tpu.memory_space<vmem>>, vector<16xf32>,
        tpu.vector_store %arg10[%swap3A_409, %swap3A_410], %gather3A_407 {strides = array<i32>} : memref<32x512xf32, #tpu.memory_space<vmem>>, vector<16xf32>,
        %add3A_412 = arith.constant 30 : i32
        %add3A_413 = vector.broadcast %add3A_412 : i32 to vector<16xi32>
        %add3A_414 = arith.addi %mul3A_171, %add3A_413 : vector<16xi32>
        %gather3A_415 = tpu.vector_load_idx %arg8[%add3A_414] : memref<16896xf32, #tpu.memory_space<vmem>>[vector<16xi32>], vector<16xf32>,
        %swap3A_416 = arith.constant 30 : i32
        %swap3A_417 = arith.index_cast %swap3A_416 : i32 to index
        %swap3A_418 = arith.index_cast %mul3A_173 : i32 to index
        %swap3A_419 = tpu.vector_load %arg10[%swap3A_417, %swap3A_418] {strides = array<i32>} : memref<32x512xf32, #tpu.memory_space<vmem>>, vector<16xf32>,
        tpu.vector_store %arg10[%swap3A_417, %swap3A_418], %gather3A_415 {strides = array<i32>} : memref<32x512xf32, #tpu.memory_space<vmem>>, vector<16xf32>,
        %add3A_420 = arith.constant 31 : i32
        %add3A_421 = vector.broadcast %add3A_420 : i32 to vector<16xi32>
        %add3A_422 = arith.addi %mul3A_171, %add3A_421 : vector<16xi32>
        %gather3A_423 = tpu.vector_load_idx %arg8[%add3A_422] : memref<16896xf32, #tpu.memory_space<vmem>>[vector<16xi32>], vector<16xf32>,
        %swap3A_424 = arith.constant 31 : i32
        %swap3A_425 = arith.index_cast %swap3A_424 : i32 to index
        %swap3A_426 = arith.index_cast %mul3A_173 : i32 to index
        %swap3A_427 = tpu.vector_load %arg10[%swap3A_425, %swap3A_426] {strides = array<i32>} : memref<32x512xf32, #tpu.memory_space<vmem>>, vector<16xf32>,
        tpu.vector_store %arg10[%swap3A_425, %swap3A_426], %gather3A_423 {strides = array<i32>} : memref<32x512xf32, #tpu.memory_space<vmem>>, vector<16xf32>,
        %scan3A_428 = arith.constant 1 : i32
        %scan3A_429 = arith.addi %scan3A_164, %scan3A_428 : i32
        %mul3A_430 = arith.constant 16 : i32
        %mul3A_431 = arith.muli %scan3A_429, %mul3A_430 : i32
        %add3A_432 = vector.broadcast %mul3A_431 : i32 to vector<16xi32>
        %add3A_433 = arith.addi %add3A_432, %iota3A : vector<16xi32>
        %mul3A_434 = arith.constant 33 : i32
        %mul3A_435 = vector.broadcast %mul3A_434 : i32 to vector<16xi32>
        %mul3A_436 = arith.muli %add3A_433, %mul3A_435 : vector<16xi32>
        %mul3A_437 = arith.constant 16 : i32
        %mul3A_438 = arith.muli %scan3A_429, %mul3A_437 : i32
        %add3A_439 = arith.constant 0 : i32
        %add3A_440 = vector.broadcast %add3A_439 : i32 to vector<16xi32>
        %add3A_441 = arith.addi %mul3A_436, %add3A_440 : vector<16xi32>
        %gather3A_442 = tpu.vector_load_idx %arg8[%add3A_441] : memref<16896xf32, #tpu.memory_space<vmem>>[vector<16xi32>], vector<16xf32>,
        %swap3A_443 = arith.constant 0 : i32
        %swap3A_444 = arith.index_cast %swap3A_443 : i32 to index
        %swap3A_445 = arith.index_cast %mul3A_438 : i32 to index
        %swap3A_446 = tpu.vector_load %arg10[%swap3A_444, %swap3A_445] {strides = array<i32>} : memref<32x512xf32, #tpu.memory_space<vmem>>, vector<16xf32>,
        tpu.vector_store %arg10[%swap3A_444, %swap3A_445], %gather3A_442 {strides = array<i32>} : memref<32x512xf32, #tpu.memory_space<vmem>>, vector<16xf32>,
        %add3A_447 = arith.constant 1 : i32
        %add3A_448 = vector.broadcast %add3A_447 : i32 to vector<16xi32>
        %add3A_449 = arith.addi %mul3A_436, %add3A_448 : vector<16xi32>
        %gather3A_450 = tpu.vector_load_idx %arg8[%add3A_449] : memref<16896xf32, #tpu.memory_space<vmem>>[vector<16xi32>], vector<16xf32>,
        %swap3A_451 = arith.constant 1 : i32
        %swap3A_452 = arith.index_cast %swap3A_451 : i32 to index
        %swap3A_453 = arith.index_cast %mul3A_438 : i32 to index
        %swap3A_454 = tpu.vector_load %arg10[%swap3A_452, %swap3A_453] {strides = array<i32>} : memref<32x512xf32, #tpu.memory_space<vmem>>, vector<16xf32>,
        tpu.vector_store %arg10[%swap3A_452, %swap3A_453], %gather3A_450 {strides = array<i32>} : memref<32x512xf32, #tpu.memory_space<vmem>>, vector<16xf32>,
        %add3A_455 = arith.constant 2 : i32
        %add3A_456 = vector.broadcast %add3A_455 : i32 to vector<16xi32>
        %add3A_457 = arith.addi %mul3A_436, %add3A_456 : vector<16xi32>
        %gather3A_458 = tpu.vector_load_idx %arg8[%add3A_457] : memref<16896xf32, #tpu.memory_space<vmem>>[vector<16xi32>], vector<16xf32>,
        %swap3A_459 = arith.constant 2 : i32
        %swap3A_460 = arith.index_cast %swap3A_459 : i32 to index
        %swap3A_461 = arith.index_cast %mul3A_438 : i32 to index
        %swap3A_462 = tpu.vector_load %arg10[%swap3A_460, %swap3A_461] {strides = array<i32>} : memref<32x512xf32, #tpu.memory_space<vmem>>, vector<16xf32>,
        tpu.vector_store %arg10[%swap3A_460, %swap3A_461], %gather3A_458 {strides = array<i32>} : memref<32x512xf32, #tpu.memory_space<vmem>>, vector<16xf32>,
        %add3A_463 = arith.constant 3 : i32
        %add3A_464 = vector.broadcast %add3A_463 : i32 to vector<16xi32>
        %add3A_465 = arith.addi %mul3A_436, %add3A_464 : vector<16xi32>
        %gather3A_466 = tpu.vector_load_idx %arg8[%add3A_465] : memref<16896xf32, #tpu.memory_space<vmem>>[vector<16xi32>], vector<16xf32>,
        %swap3A_467 = arith.constant 3 : i32
        %swap3A_468 = arith.index_cast %swap3A_467 : i32 to index
        %swap3A_469 = arith.index_cast %mul3A_438 : i32 to index
        %swap3A_470 = tpu.vector_load %arg10[%swap3A_468, %swap3A_469] {strides = array<i32>} : memref<32x512xf32, #tpu.memory_space<vmem>>, vector<16xf32>,
        tpu.vector_store %arg10[%swap3A_468, %swap3A_469], %gather3A_466 {strides = array<i32>} : memref<32x512xf32, #tpu.memory_space<vmem>>, vector<16xf32>,
        %add3A_471 = arith.constant 4 : i32
        %add3A_472 = vector.broadcast %add3A_471 : i32 to vector<16xi32>
        %add3A_473 = arith.addi %mul3A_436, %add3A_472 : vector<16xi32>
        %gather3A_474 = tpu.vector_load_idx %arg8[%add3A_473] : memref<16896xf32, #tpu.memory_space<vmem>>[vector<16xi32>], vector<16xf32>,
        %swap3A_475 = arith.constant 4 : i32
        %swap3A_476 = arith.index_cast %swap3A_475 : i32 to index
        %swap3A_477 = arith.index_cast %mul3A_438 : i32 to index
        %swap3A_478 = tpu.vector_load %arg10[%swap3A_476, %swap3A_477] {strides = array<i32>} : memref<32x512xf32, #tpu.memory_space<vmem>>, vector<16xf32>,
        tpu.vector_store %arg10[%swap3A_476, %swap3A_477], %gather3A_474 {strides = array<i32>} : memref<32x512xf32, #tpu.memory_space<vmem>>, vector<16xf32>,
        %add3A_479 = arith.constant 5 : i32
        %add3A_480 = vector.broadcast %add3A_479 : i32 to vector<16xi32>
        %add3A_481 = arith.addi %mul3A_436, %add3A_480 : vector<16xi32>
        %gather3A_482 = tpu.vector_load_idx %arg8[%add3A_481] : memref<16896xf32, #tpu.memory_space<vmem>>[vector<16xi32>], vector<16xf32>,
        %swap3A_483 = arith.constant 5 : i32
        %swap3A_484 = arith.index_cast %swap3A_483 : i32 to index
        %swap3A_485 = arith.index_cast %mul3A_438 : i32 to index
        %swap3A_486 = tpu.vector_load %arg10[%swap3A_484, %swap3A_485] {strides = array<i32>} : memref<32x512xf32, #tpu.memory_space<vmem>>, vector<16xf32>,
        tpu.vector_store %arg10[%swap3A_484, %swap3A_485], %gather3A_482 {strides = array<i32>} : memref<32x512xf32, #tpu.memory_space<vmem>>, vector<16xf32>,
        %add3A_487 = arith.constant 6 : i32
        %add3A_488 = vector.broadcast %add3A_487 : i32 to vector<16xi32>
        %add3A_489 = arith.addi %mul3A_436, %add3A_488 : vector<16xi32>
        %gather3A_490 = tpu.vector_load_idx %arg8[%add3A_489] : memref<16896xf32, #tpu.memory_space<vmem>>[vector<16xi32>], vector<16xf32>,
        %swap3A_491 = arith.constant 6 : i32
        %swap3A_492 = arith.index_cast %swap3A_491 : i32 to index
        %swap3A_493 = arith.index_cast %mul3A_438 : i32 to index
        %swap3A_494 = tpu.vector_load %arg10[%swap3A_492, %swap3A_493] {strides = array<i32>} : memref<32x512xf32, #tpu.memory_space<vmem>>, vector<16xf32>,
        tpu.vector_store %arg10[%swap3A_492, %swap3A_493], %gather3A_490 {strides = array<i32>} : memref<32x512xf32, #tpu.memory_space<vmem>>, vector<16xf32>,
        %add3A_495 = arith.constant 7 : i32
        %add3A_496 = vector.broadcast %add3A_495 : i32 to vector<16xi32>
        %add3A_497 = arith.addi %mul3A_436, %add3A_496 : vector<16xi32>
        %gather3A_498 = tpu.vector_load_idx %arg8[%add3A_497] : memref<16896xf32, #tpu.memory_space<vmem>>[vector<16xi32>], vector<16xf32>,
        %swap3A_499 = arith.constant 7 : i32
        %swap3A_500 = arith.index_cast %swap3A_499 : i32 to index
        %swap3A_501 = arith.index_cast %mul3A_438 : i32 to index
        %swap3A_502 = tpu.vector_load %arg10[%swap3A_500, %swap3A_501] {strides = array<i32>} : memref<32x512xf32, #tpu.memory_space<vmem>>, vector<16xf32>,
        tpu.vector_store %arg10[%swap3A_500, %swap3A_501], %gather3A_498 {strides = array<i32>} : memref<32x512xf32, #tpu.memory_space<vmem>>, vector<16xf32>,
        %add3A_503 = arith.constant 8 : i32
        %add3A_504 = vector.broadcast %add3A_503 : i32 to vector<16xi32>
        %add3A_505 = arith.addi %mul3A_436, %add3A_504 : vector<16xi32>
        %gather3A_506 = tpu.vector_load_idx %arg8[%add3A_505] : memref<16896xf32, #tpu.memory_space<vmem>>[vector<16xi32>], vector<16xf32>,
        %swap3A_507 = arith.constant 8 : i32
        %swap3A_508 = arith.index_cast %swap3A_507 : i32 to index
        %swap3A_509 = arith.index_cast %mul3A_438 : i32 to index
        %swap3A_510 = tpu.vector_load %arg10[%swap3A_508, %swap3A_509] {strides = array<i32>} : memref<32x512xf32, #tpu.memory_space<vmem>>, vector<16xf32>,
        tpu.vector_store %arg10[%swap3A_508, %swap3A_509], %gather3A_506 {strides = array<i32>} : memref<32x512xf32, #tpu.memory_space<vmem>>, vector<16xf32>,
        %add3A_511 = arith.constant 9 : i32
        %add3A_512 = vector.broadcast %add3A_511 : i32 to vector<16xi32>
        %add3A_513 = arith.addi %mul3A_436, %add3A_512 : vector<16xi32>
        %gather3A_514 = tpu.vector_load_idx %arg8[%add3A_513] : memref<16896xf32, #tpu.memory_space<vmem>>[vector<16xi32>], vector<16xf32>,
        %swap3A_515 = arith.constant 9 : i32
        %swap3A_516 = arith.index_cast %swap3A_515 : i32 to index
        %swap3A_517 = arith.index_cast %mul3A_438 : i32 to index
        %swap3A_518 = tpu.vector_load %arg10[%swap3A_516, %swap3A_517] {strides = array<i32>} : memref<32x512xf32, #tpu.memory_space<vmem>>, vector<16xf32>,
        tpu.vector_store %arg10[%swap3A_516, %swap3A_517], %gather3A_514 {strides = array<i32>} : memref<32x512xf32, #tpu.memory_space<vmem>>, vector<16xf32>,
        %add3A_519 = arith.constant 10 : i32
        %add3A_520 = vector.broadcast %add3A_519 : i32 to vector<16xi32>
        %add3A_521 = arith.addi %mul3A_436, %add3A_520 : vector<16xi32>
        %gather3A_522 = tpu.vector_load_idx %arg8[%add3A_521] : memref<16896xf32, #tpu.memory_space<vmem>>[vector<16xi32>], vector<16xf32>,
        %swap3A_523 = arith.constant 10 : i32
        %swap3A_524 = arith.index_cast %swap3A_523 : i32 to index
        %swap3A_525 = arith.index_cast %mul3A_438 : i32 to index
        %swap3A_526 = tpu.vector_load %arg10[%swap3A_524, %swap3A_525] {strides = array<i32>} : memref<32x512xf32, #tpu.memory_space<vmem>>, vector<16xf32>,
        tpu.vector_store %arg10[%swap3A_524, %swap3A_525], %gather3A_522 {strides = array<i32>} : memref<32x512xf32, #tpu.memory_space<vmem>>, vector<16xf32>,
        %add3A_527 = arith.constant 11 : i32
        %add3A_528 = vector.broadcast %add3A_527 : i32 to vector<16xi32>
        %add3A_529 = arith.addi %mul3A_436, %add3A_528 : vector<16xi32>
        %gather3A_530 = tpu.vector_load_idx %arg8[%add3A_529] : memref<16896xf32, #tpu.memory_space<vmem>>[vector<16xi32>], vector<16xf32>,
        %swap3A_531 = arith.constant 11 : i32
        %swap3A_532 = arith.index_cast %swap3A_531 : i32 to index
        %swap3A_533 = arith.index_cast %mul3A_438 : i32 to index
        %swap3A_534 = tpu.vector_load %arg10[%swap3A_532, %swap3A_533] {strides = array<i32>} : memref<32x512xf32, #tpu.memory_space<vmem>>, vector<16xf32>,
        tpu.vector_store %arg10[%swap3A_532, %swap3A_533], %gather3A_530 {strides = array<i32>} : memref<32x512xf32, #tpu.memory_space<vmem>>, vector<16xf32>,
        %add3A_535 = arith.constant 12 : i32
        %add3A_536 = vector.broadcast %add3A_535 : i32 to vector<16xi32>
        %add3A_537 = arith.addi %mul3A_436, %add3A_536 : vector<16xi32>
        %gather3A_538 = tpu.vector_load_idx %arg8[%add3A_537] : memref<16896xf32, #tpu.memory_space<vmem>>[vector<16xi32>], vector<16xf32>,
        %swap3A_539 = arith.constant 12 : i32
        %swap3A_540 = arith.index_cast %swap3A_539 : i32 to index
        %swap3A_541 = arith.index_cast %mul3A_438 : i32 to index
        %swap3A_542 = tpu.vector_load %arg10[%swap3A_540, %swap3A_541] {strides = array<i32>} : memref<32x512xf32, #tpu.memory_space<vmem>>, vector<16xf32>,
        tpu.vector_store %arg10[%swap3A_540, %swap3A_541], %gather3A_538 {strides = array<i32>} : memref<32x512xf32, #tpu.memory_space<vmem>>, vector<16xf32>,
        %add3A_543 = arith.constant 13 : i32
        %add3A_544 = vector.broadcast %add3A_543 : i32 to vector<16xi32>
        %add3A_545 = arith.addi %mul3A_436, %add3A_544 : vector<16xi32>
        %gather3A_546 = tpu.vector_load_idx %arg8[%add3A_545] : memref<16896xf32, #tpu.memory_space<vmem>>[vector<16xi32>], vector<16xf32>,
        %swap3A_547 = arith.constant 13 : i32
        %swap3A_548 = arith.index_cast %swap3A_547 : i32 to index
        %swap3A_549 = arith.index_cast %mul3A_438 : i32 to index
        %swap3A_550 = tpu.vector_load %arg10[%swap3A_548, %swap3A_549] {strides = array<i32>} : memref<32x512xf32, #tpu.memory_space<vmem>>, vector<16xf32>,
        tpu.vector_store %arg10[%swap3A_548, %swap3A_549], %gather3A_546 {strides = array<i32>} : memref<32x512xf32, #tpu.memory_space<vmem>>, vector<16xf32>,
        %add3A_551 = arith.constant 14 : i32
        %add3A_552 = vector.broadcast %add3A_551 : i32 to vector<16xi32>
        %add3A_553 = arith.addi %mul3A_436, %add3A_552 : vector<16xi32>
        %gather3A_554 = tpu.vector_load_idx %arg8[%add3A_553] : memref<16896xf32, #tpu.memory_space<vmem>>[vector<16xi32>], vector<16xf32>,
        %swap3A_555 = arith.constant 14 : i32
        %swap3A_556 = arith.index_cast %swap3A_555 : i32 to index
        %swap3A_557 = arith.index_cast %mul3A_438 : i32 to index
        %swap3A_558 = tpu.vector_load %arg10[%swap3A_556, %swap3A_557] {strides = array<i32>} : memref<32x512xf32, #tpu.memory_space<vmem>>, vector<16xf32>,
        tpu.vector_store %arg10[%swap3A_556, %swap3A_557], %gather3A_554 {strides = array<i32>} : memref<32x512xf32, #tpu.memory_space<vmem>>, vector<16xf32>,
        %add3A_559 = arith.constant 15 : i32
        %add3A_560 = vector.broadcast %add3A_559 : i32 to vector<16xi32>
        %add3A_561 = arith.addi %mul3A_436, %add3A_560 : vector<16xi32>
        %gather3A_562 = tpu.vector_load_idx %arg8[%add3A_561] : memref<16896xf32, #tpu.memory_space<vmem>>[vector<16xi32>], vector<16xf32>,
        %swap3A_563 = arith.constant 15 : i32
        %swap3A_564 = arith.index_cast %swap3A_563 : i32 to index
        %swap3A_565 = arith.index_cast %mul3A_438 : i32 to index
        %swap3A_566 = tpu.vector_load %arg10[%swap3A_564, %swap3A_565] {strides = array<i32>} : memref<32x512xf32, #tpu.memory_space<vmem>>, vector<16xf32>,
        tpu.vector_store %arg10[%swap3A_564, %swap3A_565], %gather3A_562 {strides = array<i32>} : memref<32x512xf32, #tpu.memory_space<vmem>>, vector<16xf32>,
        %add3A_567 = arith.constant 16 : i32
        %add3A_568 = vector.broadcast %add3A_567 : i32 to vector<16xi32>
        %add3A_569 = arith.addi %mul3A_436, %add3A_568 : vector<16xi32>
        %gather3A_570 = tpu.vector_load_idx %arg8[%add3A_569] : memref<16896xf32, #tpu.memory_space<vmem>>[vector<16xi32>], vector<16xf32>,
        %swap3A_571 = arith.constant 16 : i32
        %swap3A_572 = arith.index_cast %swap3A_571 : i32 to index
        %swap3A_573 = arith.index_cast %mul3A_438 : i32 to index
        %swap3A_574 = tpu.vector_load %arg10[%swap3A_572, %swap3A_573] {strides = array<i32>} : memref<32x512xf32, #tpu.memory_space<vmem>>, vector<16xf32>,
        tpu.vector_store %arg10[%swap3A_572, %swap3A_573], %gather3A_570 {strides = array<i32>} : memref<32x512xf32, #tpu.memory_space<vmem>>, vector<16xf32>,
        %add3A_575 = arith.constant 17 : i32
        %add3A_576 = vector.broadcast %add3A_575 : i32 to vector<16xi32>
        %add3A_577 = arith.addi %mul3A_436, %add3A_576 : vector<16xi32>
        %gather3A_578 = tpu.vector_load_idx %arg8[%add3A_577] : memref<16896xf32, #tpu.memory_space<vmem>>[vector<16xi32>], vector<16xf32>,
        %swap3A_579 = arith.constant 17 : i32
        %swap3A_580 = arith.index_cast %swap3A_579 : i32 to index
        %swap3A_581 = arith.index_cast %mul3A_438 : i32 to index
        %swap3A_582 = tpu.vector_load %arg10[%swap3A_580, %swap3A_581] {strides = array<i32>} : memref<32x512xf32, #tpu.memory_space<vmem>>, vector<16xf32>,
        tpu.vector_store %arg10[%swap3A_580, %swap3A_581], %gather3A_578 {strides = array<i32>} : memref<32x512xf32, #tpu.memory_space<vmem>>, vector<16xf32>,
        %add3A_583 = arith.constant 18 : i32
        %add3A_584 = vector.broadcast %add3A_583 : i32 to vector<16xi32>
        %add3A_585 = arith.addi %mul3A_436, %add3A_584 : vector<16xi32>
        %gather3A_586 = tpu.vector_load_idx %arg8[%add3A_585] : memref<16896xf32, #tpu.memory_space<vmem>>[vector<16xi32>], vector<16xf32>,
        %swap3A_587 = arith.constant 18 : i32
        %swap3A_588 = arith.index_cast %swap3A_587 : i32 to index
        %swap3A_589 = arith.index_cast %mul3A_438 : i32 to index
        %swap3A_590 = tpu.vector_load %arg10[%swap3A_588, %swap3A_589] {strides = array<i32>} : memref<32x512xf32, #tpu.memory_space<vmem>>, vector<16xf32>,
        tpu.vector_store %arg10[%swap3A_588, %swap3A_589], %gather3A_586 {strides = array<i32>} : memref<32x512xf32, #tpu.memory_space<vmem>>, vector<16xf32>,
        %add3A_591 = arith.constant 19 : i32
        %add3A_592 = vector.broadcast %add3A_591 : i32 to vector<16xi32>
        %add3A_593 = arith.addi %mul3A_436, %add3A_592 : vector<16xi32>
        %gather3A_594 = tpu.vector_load_idx %arg8[%add3A_593] : memref<16896xf32, #tpu.memory_space<vmem>>[vector<16xi32>], vector<16xf32>,
        %swap3A_595 = arith.constant 19 : i32
        %swap3A_596 = arith.index_cast %swap3A_595 : i32 to index
        %swap3A_597 = arith.index_cast %mul3A_438 : i32 to index
        %swap3A_598 = tpu.vector_load %arg10[%swap3A_596, %swap3A_597] {strides = array<i32>} : memref<32x512xf32, #tpu.memory_space<vmem>>, vector<16xf32>,
        tpu.vector_store %arg10[%swap3A_596, %swap3A_597], %gather3A_594 {strides = array<i32>} : memref<32x512xf32, #tpu.memory_space<vmem>>, vector<16xf32>,
        %add3A_599 = arith.constant 20 : i32
        %add3A_600 = vector.broadcast %add3A_599 : i32 to vector<16xi32>
        %add3A_601 = arith.addi %mul3A_436, %add3A_600 : vector<16xi32>
        %gather3A_602 = tpu.vector_load_idx %arg8[%add3A_601] : memref<16896xf32, #tpu.memory_space<vmem>>[vector<16xi32>], vector<16xf32>,
        %swap3A_603 = arith.constant 20 : i32
        %swap3A_604 = arith.index_cast %swap3A_603 : i32 to index
        %swap3A_605 = arith.index_cast %mul3A_438 : i32 to index
        %swap3A_606 = tpu.vector_load %arg10[%swap3A_604, %swap3A_605] {strides = array<i32>} : memref<32x512xf32, #tpu.memory_space<vmem>>, vector<16xf32>,
        tpu.vector_store %arg10[%swap3A_604, %swap3A_605], %gather3A_602 {strides = array<i32>} : memref<32x512xf32, #tpu.memory_space<vmem>>, vector<16xf32>,
        %add3A_607 = arith.constant 21 : i32
        %add3A_608 = vector.broadcast %add3A_607 : i32 to vector<16xi32>
        %add3A_609 = arith.addi %mul3A_436, %add3A_608 : vector<16xi32>
        %gather3A_610 = tpu.vector_load_idx %arg8[%add3A_609] : memref<16896xf32, #tpu.memory_space<vmem>>[vector<16xi32>], vector<16xf32>,
        %swap3A_611 = arith.constant 21 : i32
        %swap3A_612 = arith.index_cast %swap3A_611 : i32 to index
        %swap3A_613 = arith.index_cast %mul3A_438 : i32 to index
        %swap3A_614 = tpu.vector_load %arg10[%swap3A_612, %swap3A_613] {strides = array<i32>} : memref<32x512xf32, #tpu.memory_space<vmem>>, vector<16xf32>,
        tpu.vector_store %arg10[%swap3A_612, %swap3A_613], %gather3A_610 {strides = array<i32>} : memref<32x512xf32, #tpu.memory_space<vmem>>, vector<16xf32>,
        %add3A_615 = arith.constant 22 : i32
        %add3A_616 = vector.broadcast %add3A_615 : i32 to vector<16xi32>
        %add3A_617 = arith.addi %mul3A_436, %add3A_616 : vector<16xi32>
        %gather3A_618 = tpu.vector_load_idx %arg8[%add3A_617] : memref<16896xf32, #tpu.memory_space<vmem>>[vector<16xi32>], vector<16xf32>,
        %swap3A_619 = arith.constant 22 : i32
        %swap3A_620 = arith.index_cast %swap3A_619 : i32 to index
        %swap3A_621 = arith.index_cast %mul3A_438 : i32 to index
        %swap3A_622 = tpu.vector_load %arg10[%swap3A_620, %swap3A_621] {strides = array<i32>} : memref<32x512xf32, #tpu.memory_space<vmem>>, vector<16xf32>,
        tpu.vector_store %arg10[%swap3A_620, %swap3A_621], %gather3A_618 {strides = array<i32>} : memref<32x512xf32, #tpu.memory_space<vmem>>, vector<16xf32>,
        %add3A_623 = arith.constant 23 : i32
        %add3A_624 = vector.broadcast %add3A_623 : i32 to vector<16xi32>
        %add3A_625 = arith.addi %mul3A_436, %add3A_624 : vector<16xi32>
        %gather3A_626 = tpu.vector_load_idx %arg8[%add3A_625] : memref<16896xf32, #tpu.memory_space<vmem>>[vector<16xi32>], vector<16xf32>,
        %swap3A_627 = arith.constant 23 : i32
        %swap3A_628 = arith.index_cast %swap3A_627 : i32 to index
        %swap3A_629 = arith.index_cast %mul3A_438 : i32 to index
        %swap3A_630 = tpu.vector_load %arg10[%swap3A_628, %swap3A_629] {strides = array<i32>} : memref<32x512xf32, #tpu.memory_space<vmem>>, vector<16xf32>,
        tpu.vector_store %arg10[%swap3A_628, %swap3A_629], %gather3A_626 {strides = array<i32>} : memref<32x512xf32, #tpu.memory_space<vmem>>, vector<16xf32>,
        %add3A_631 = arith.constant 24 : i32
        %add3A_632 = vector.broadcast %add3A_631 : i32 to vector<16xi32>
        %add3A_633 = arith.addi %mul3A_436, %add3A_632 : vector<16xi32>
        %gather3A_634 = tpu.vector_load_idx %arg8[%add3A_633] : memref<16896xf32, #tpu.memory_space<vmem>>[vector<16xi32>], vector<16xf32>,
        %swap3A_635 = arith.constant 24 : i32
        %swap3A_636 = arith.index_cast %swap3A_635 : i32 to index
        %swap3A_637 = arith.index_cast %mul3A_438 : i32 to index
        %swap3A_638 = tpu.vector_load %arg10[%swap3A_636, %swap3A_637] {strides = array<i32>} : memref<32x512xf32, #tpu.memory_space<vmem>>, vector<16xf32>,
        tpu.vector_store %arg10[%swap3A_636, %swap3A_637], %gather3A_634 {strides = array<i32>} : memref<32x512xf32, #tpu.memory_space<vmem>>, vector<16xf32>,
        %add3A_639 = arith.constant 25 : i32
        %add3A_640 = vector.broadcast %add3A_639 : i32 to vector<16xi32>
        %add3A_641 = arith.addi %mul3A_436, %add3A_640 : vector<16xi32>
        %gather3A_642 = tpu.vector_load_idx %arg8[%add3A_641] : memref<16896xf32, #tpu.memory_space<vmem>>[vector<16xi32>], vector<16xf32>,
        %swap3A_643 = arith.constant 25 : i32
        %swap3A_644 = arith.index_cast %swap3A_643 : i32 to index
        %swap3A_645 = arith.index_cast %mul3A_438 : i32 to index
        %swap3A_646 = tpu.vector_load %arg10[%swap3A_644, %swap3A_645] {strides = array<i32>} : memref<32x512xf32, #tpu.memory_space<vmem>>, vector<16xf32>,
        tpu.vector_store %arg10[%swap3A_644, %swap3A_645], %gather3A_642 {strides = array<i32>} : memref<32x512xf32, #tpu.memory_space<vmem>>, vector<16xf32>,
        %add3A_647 = arith.constant 26 : i32
        %add3A_648 = vector.broadcast %add3A_647 : i32 to vector<16xi32>
        %add3A_649 = arith.addi %mul3A_436, %add3A_648 : vector<16xi32>
        %gather3A_650 = tpu.vector_load_idx %arg8[%add3A_649] : memref<16896xf32, #tpu.memory_space<vmem>>[vector<16xi32>], vector<16xf32>,
        %swap3A_651 = arith.constant 26 : i32
        %swap3A_652 = arith.index_cast %swap3A_651 : i32 to index
        %swap3A_653 = arith.index_cast %mul3A_438 : i32 to index
        %swap3A_654 = tpu.vector_load %arg10[%swap3A_652, %swap3A_653] {strides = array<i32>} : memref<32x512xf32, #tpu.memory_space<vmem>>, vector<16xf32>,
        tpu.vector_store %arg10[%swap3A_652, %swap3A_653], %gather3A_650 {strides = array<i32>} : memref<32x512xf32, #tpu.memory_space<vmem>>, vector<16xf32>,
        %add3A_655 = arith.constant 27 : i32
        %add3A_656 = vector.broadcast %add3A_655 : i32 to vector<16xi32>
        %add3A_657 = arith.addi %mul3A_436, %add3A_656 : vector<16xi32>
        %gather3A_658 = tpu.vector_load_idx %arg8[%add3A_657] : memref<16896xf32, #tpu.memory_space<vmem>>[vector<16xi32>], vector<16xf32>,
        %swap3A_659 = arith.constant 27 : i32
        %swap3A_660 = arith.index_cast %swap3A_659 : i32 to index
        %swap3A_661 = arith.index_cast %mul3A_438 : i32 to index
        %swap3A_662 = tpu.vector_load %arg10[%swap3A_660, %swap3A_661] {strides = array<i32>} : memref<32x512xf32, #tpu.memory_space<vmem>>, vector<16xf32>,
        tpu.vector_store %arg10[%swap3A_660, %swap3A_661], %gather3A_658 {strides = array<i32>} : memref<32x512xf32, #tpu.memory_space<vmem>>, vector<16xf32>,
        %add3A_663 = arith.constant 28 : i32
        %add3A_664 = vector.broadcast %add3A_663 : i32 to vector<16xi32>
        %add3A_665 = arith.addi %mul3A_436, %add3A_664 : vector<16xi32>
        %gather3A_666 = tpu.vector_load_idx %arg8[%add3A_665] : memref<16896xf32, #tpu.memory_space<vmem>>[vector<16xi32>], vector<16xf32>,
        %swap3A_667 = arith.constant 28 : i32
        %swap3A_668 = arith.index_cast %swap3A_667 : i32 to index
        %swap3A_669 = arith.index_cast %mul3A_438 : i32 to index
        %swap3A_670 = tpu.vector_load %arg10[%swap3A_668, %swap3A_669] {strides = array<i32>} : memref<32x512xf32, #tpu.memory_space<vmem>>, vector<16xf32>,
        tpu.vector_store %arg10[%swap3A_668, %swap3A_669], %gather3A_666 {strides = array<i32>} : memref<32x512xf32, #tpu.memory_space<vmem>>, vector<16xf32>,
        %add3A_671 = arith.constant 29 : i32
        %add3A_672 = vector.broadcast %add3A_671 : i32 to vector<16xi32>
        %add3A_673 = arith.addi %mul3A_436, %add3A_672 : vector<16xi32>
        %gather3A_674 = tpu.vector_load_idx %arg8[%add3A_673] : memref<16896xf32, #tpu.memory_space<vmem>>[vector<16xi32>], vector<16xf32>,
        %swap3A_675 = arith.constant 29 : i32
        %swap3A_676 = arith.index_cast %swap3A_675 : i32 to index
        %swap3A_677 = arith.index_cast %mul3A_438 : i32 to index
        %swap3A_678 = tpu.vector_load %arg10[%swap3A_676, %swap3A_677] {strides = array<i32>} : memref<32x512xf32, #tpu.memory_space<vmem>>, vector<16xf32>,
        tpu.vector_store %arg10[%swap3A_676, %swap3A_677], %gather3A_674 {strides = array<i32>} : memref<32x512xf32, #tpu.memory_space<vmem>>, vector<16xf32>,
        %add3A_679 = arith.constant 30 : i32
        %add3A_680 = vector.broadcast %add3A_679 : i32 to vector<16xi32>
        %add3A_681 = arith.addi %mul3A_436, %add3A_680 : vector<16xi32>
        %gather3A_682 = tpu.vector_load_idx %arg8[%add3A_681] : memref<16896xf32, #tpu.memory_space<vmem>>[vector<16xi32>], vector<16xf32>,
        %swap3A_683 = arith.constant 30 : i32
        %swap3A_684 = arith.index_cast %swap3A_683 : i32 to index
        %swap3A_685 = arith.index_cast %mul3A_438 : i32 to index
        %swap3A_686 = tpu.vector_load %arg10[%swap3A_684, %swap3A_685] {strides = array<i32>} : memref<32x512xf32, #tpu.memory_space<vmem>>, vector<16xf32>,
        tpu.vector_store %arg10[%swap3A_684, %swap3A_685], %gather3A_682 {strides = array<i32>} : memref<32x512xf32, #tpu.memory_space<vmem>>, vector<16xf32>,
        %add3A_687 = arith.constant 31 : i32
        %add3A_688 = vector.broadcast %add3A_687 : i32 to vector<16xi32>
        %add3A_689 = arith.addi %mul3A_436, %add3A_688 : vector<16xi32>
        %gather3A_690 = tpu.vector_load_idx %arg8[%add3A_689] : memref<16896xf32, #tpu.memory_space<vmem>>[vector<16xi32>], vector<16xf32>,
        %swap3A_691 = arith.constant 31 : i32
        %swap3A_692 = arith.index_cast %swap3A_691 : i32 to index
        %swap3A_693 = arith.index_cast %mul3A_438 : i32 to index
        %swap3A_694 = tpu.vector_load %arg10[%swap3A_692, %swap3A_693] {strides = array<i32>} : memref<32x512xf32, #tpu.memory_space<vmem>>, vector<16xf32>,
        tpu.vector_store %arg10[%swap3A_692, %swap3A_693], %gather3A_690 {strides = array<i32>} : memref<32x512xf32, #tpu.memory_space<vmem>>, vector<16xf32>,
        %scan3A_695 = arith.constant 2 : i32
        %scan3A_696 = arith.addi %scan3A_164, %scan3A_695 : i32
        %mul3A_697 = arith.constant 16 : i32
        %mul3A_698 = arith.muli %scan3A_696, %mul3A_697 : i32
        %add3A_699 = vector.broadcast %mul3A_698 : i32 to vector<16xi32>
        %add3A_700 = arith.addi %add3A_699, %iota3A : vector<16xi32>
        %mul3A_701 = arith.constant 33 : i32
        %mul3A_702 = vector.broadcast %mul3A_701 : i32 to vector<16xi32>
        %mul3A_703 = arith.muli %add3A_700, %mul3A_702 : vector<16xi32>
        %mul3A_704 = arith.constant 16 : i32
        %mul3A_705 = arith.muli %scan3A_696, %mul3A_704 : i32
        %add3A_706 = arith.constant 0 : i32
        %add3A_707 = vector.broadcast %add3A_706 : i32 to vector<16xi32>
        %add3A_708 = arith.addi %mul3A_703, %add3A_707 : vector<16xi32>
        %gather3A_709 = tpu.vector_load_idx %arg8[%add3A_708] : memref<16896xf32, #tpu.memory_space<vmem>>[vector<16xi32>], vector<16xf32>,
        %swap3A_710 = arith.constant 0 : i32
        %swap3A_711 = arith.index_cast %swap3A_710 : i32 to index
        %swap3A_712 = arith.index_cast %mul3A_705 : i32 to index
        %swap3A_713 = tpu.vector_load %arg10[%swap3A_711, %swap3A_712] {strides = array<i32>} : memref<32x512xf32, #tpu.memory_space<vmem>>, vector<16xf32>,
        tpu.vector_store %arg10[%swap3A_711, %swap3A_712], %gather3A_709 {strides = array<i32>} : memref<32x512xf32, #tpu.memory_space<vmem>>, vector<16xf32>,
        %add3A_714 = arith.constant 1 : i32
        %add3A_715 = vector.broadcast %add3A_714 : i32 to vector<16xi32>
        %add3A_716 = arith.addi %mul3A_703, %add3A_715 : vector<16xi32>
        %gather3A_717 = tpu.vector_load_idx %arg8[%add3A_716] : memref<16896xf32, #tpu.memory_space<vmem>>[vector<16xi32>], vector<16xf32>,
        %swap3A_718 = arith.constant 1 : i32
        %swap3A_719 = arith.index_cast %swap3A_718 : i32 to index
        %swap3A_720 = arith.index_cast %mul3A_705 : i32 to index
        %swap3A_721 = tpu.vector_load %arg10[%swap3A_719, %swap3A_720] {strides = array<i32>} : memref<32x512xf32, #tpu.memory_space<vmem>>, vector<16xf32>,
        tpu.vector_store %arg10[%swap3A_719, %swap3A_720], %gather3A_717 {strides = array<i32>} : memref<32x512xf32, #tpu.memory_space<vmem>>, vector<16xf32>,
        %add3A_722 = arith.constant 2 : i32
        %add3A_723 = vector.broadcast %add3A_722 : i32 to vector<16xi32>
        %add3A_724 = arith.addi %mul3A_703, %add3A_723 : vector<16xi32>
        %gather3A_725 = tpu.vector_load_idx %arg8[%add3A_724] : memref<16896xf32, #tpu.memory_space<vmem>>[vector<16xi32>], vector<16xf32>,
        %swap3A_726 = arith.constant 2 : i32
        %swap3A_727 = arith.index_cast %swap3A_726 : i32 to index
        %swap3A_728 = arith.index_cast %mul3A_705 : i32 to index
        %swap3A_729 = tpu.vector_load %arg10[%swap3A_727, %swap3A_728] {strides = array<i32>} : memref<32x512xf32, #tpu.memory_space<vmem>>, vector<16xf32>,
        tpu.vector_store %arg10[%swap3A_727, %swap3A_728], %gather3A_725 {strides = array<i32>} : memref<32x512xf32, #tpu.memory_space<vmem>>, vector<16xf32>,
        %add3A_730 = arith.constant 3 : i32
        %add3A_731 = vector.broadcast %add3A_730 : i32 to vector<16xi32>
        %add3A_732 = arith.addi %mul3A_703, %add3A_731 : vector<16xi32>
        %gather3A_733 = tpu.vector_load_idx %arg8[%add3A_732] : memref<16896xf32, #tpu.memory_space<vmem>>[vector<16xi32>], vector<16xf32>,
        %swap3A_734 = arith.constant 3 : i32
        %swap3A_735 = arith.index_cast %swap3A_734 : i32 to index
        %swap3A_736 = arith.index_cast %mul3A_705 : i32 to index
        %swap3A_737 = tpu.vector_load %arg10[%swap3A_735, %swap3A_736] {strides = array<i32>} : memref<32x512xf32, #tpu.memory_space<vmem>>, vector<16xf32>,
        tpu.vector_store %arg10[%swap3A_735, %swap3A_736], %gather3A_733 {strides = array<i32>} : memref<32x512xf32, #tpu.memory_space<vmem>>, vector<16xf32>,
        %add3A_738 = arith.constant 4 : i32
        %add3A_739 = vector.broadcast %add3A_738 : i32 to vector<16xi32>
        %add3A_740 = arith.addi %mul3A_703, %add3A_739 : vector<16xi32>
        %gather3A_741 = tpu.vector_load_idx %arg8[%add3A_740] : memref<16896xf32, #tpu.memory_space<vmem>>[vector<16xi32>], vector<16xf32>,
        %swap3A_742 = arith.constant 4 : i32
        %swap3A_743 = arith.index_cast %swap3A_742 : i32 to index
        %swap3A_744 = arith.index_cast %mul3A_705 : i32 to index
        %swap3A_745 = tpu.vector_load %arg10[%swap3A_743, %swap3A_744] {strides = array<i32>} : memref<32x512xf32, #tpu.memory_space<vmem>>, vector<16xf32>,
        tpu.vector_store %arg10[%swap3A_743, %swap3A_744], %gather3A_741 {strides = array<i32>} : memref<32x512xf32, #tpu.memory_space<vmem>>, vector<16xf32>,
        %add3A_746 = arith.constant 5 : i32
        %add3A_747 = vector.broadcast %add3A_746 : i32 to vector<16xi32>
        %add3A_748 = arith.addi %mul3A_703, %add3A_747 : vector<16xi32>
        %gather3A_749 = tpu.vector_load_idx %arg8[%add3A_748] : memref<16896xf32, #tpu.memory_space<vmem>>[vector<16xi32>], vector<16xf32>,
        %swap3A_750 = arith.constant 5 : i32
        %swap3A_751 = arith.index_cast %swap3A_750 : i32 to index
        %swap3A_752 = arith.index_cast %mul3A_705 : i32 to index
        %swap3A_753 = tpu.vector_load %arg10[%swap3A_751, %swap3A_752] {strides = array<i32>} : memref<32x512xf32, #tpu.memory_space<vmem>>, vector<16xf32>,
        tpu.vector_store %arg10[%swap3A_751, %swap3A_752], %gather3A_749 {strides = array<i32>} : memref<32x512xf32, #tpu.memory_space<vmem>>, vector<16xf32>,
        %add3A_754 = arith.constant 6 : i32
        %add3A_755 = vector.broadcast %add3A_754 : i32 to vector<16xi32>
        %add3A_756 = arith.addi %mul3A_703, %add3A_755 : vector<16xi32>
        %gather3A_757 = tpu.vector_load_idx %arg8[%add3A_756] : memref<16896xf32, #tpu.memory_space<vmem>>[vector<16xi32>], vector<16xf32>,
        %swap3A_758 = arith.constant 6 : i32
        %swap3A_759 = arith.index_cast %swap3A_758 : i32 to index
        %swap3A_760 = arith.index_cast %mul3A_705 : i32 to index
        %swap3A_761 = tpu.vector_load %arg10[%swap3A_759, %swap3A_760] {strides = array<i32>} : memref<32x512xf32, #tpu.memory_space<vmem>>, vector<16xf32>,
        tpu.vector_store %arg10[%swap3A_759, %swap3A_760], %gather3A_757 {strides = array<i32>} : memref<32x512xf32, #tpu.memory_space<vmem>>, vector<16xf32>,
        %add3A_762 = arith.constant 7 : i32
        %add3A_763 = vector.broadcast %add3A_762 : i32 to vector<16xi32>
        %add3A_764 = arith.addi %mul3A_703, %add3A_763 : vector<16xi32>
        %gather3A_765 = tpu.vector_load_idx %arg8[%add3A_764] : memref<16896xf32, #tpu.memory_space<vmem>>[vector<16xi32>], vector<16xf32>,
        %swap3A_766 = arith.constant 7 : i32
        %swap3A_767 = arith.index_cast %swap3A_766 : i32 to index
        %swap3A_768 = arith.index_cast %mul3A_705 : i32 to index
        %swap3A_769 = tpu.vector_load %arg10[%swap3A_767, %swap3A_768] {strides = array<i32>} : memref<32x512xf32, #tpu.memory_space<vmem>>, vector<16xf32>,
        tpu.vector_store %arg10[%swap3A_767, %swap3A_768], %gather3A_765 {strides = array<i32>} : memref<32x512xf32, #tpu.memory_space<vmem>>, vector<16xf32>,
        %add3A_770 = arith.constant 8 : i32
        %add3A_771 = vector.broadcast %add3A_770 : i32 to vector<16xi32>
        %add3A_772 = arith.addi %mul3A_703, %add3A_771 : vector<16xi32>
        %gather3A_773 = tpu.vector_load_idx %arg8[%add3A_772] : memref<16896xf32, #tpu.memory_space<vmem>>[vector<16xi32>], vector<16xf32>,
        %swap3A_774 = arith.constant 8 : i32
        %swap3A_775 = arith.index_cast %swap3A_774 : i32 to index
        %swap3A_776 = arith.index_cast %mul3A_705 : i32 to index
        %swap3A_777 = tpu.vector_load %arg10[%swap3A_775, %swap3A_776] {strides = array<i32>} : memref<32x512xf32, #tpu.memory_space<vmem>>, vector<16xf32>,
        tpu.vector_store %arg10[%swap3A_775, %swap3A_776], %gather3A_773 {strides = array<i32>} : memref<32x512xf32, #tpu.memory_space<vmem>>, vector<16xf32>,
        %add3A_778 = arith.constant 9 : i32
        %add3A_779 = vector.broadcast %add3A_778 : i32 to vector<16xi32>
        %add3A_780 = arith.addi %mul3A_703, %add3A_779 : vector<16xi32>
        %gather3A_781 = tpu.vector_load_idx %arg8[%add3A_780] : memref<16896xf32, #tpu.memory_space<vmem>>[vector<16xi32>], vector<16xf32>,
        %swap3A_782 = arith.constant 9 : i32
        %swap3A_783 = arith.index_cast %swap3A_782 : i32 to index
        %swap3A_784 = arith.index_cast %mul3A_705 : i32 to index
        %swap3A_785 = tpu.vector_load %arg10[%swap3A_783, %swap3A_784] {strides = array<i32>} : memref<32x512xf32, #tpu.memory_space<vmem>>, vector<16xf32>,
        tpu.vector_store %arg10[%swap3A_783, %swap3A_784], %gather3A_781 {strides = array<i32>} : memref<32x512xf32, #tpu.memory_space<vmem>>, vector<16xf32>,
        %add3A_786 = arith.constant 10 : i32
        %add3A_787 = vector.broadcast %add3A_786 : i32 to vector<16xi32>
        %add3A_788 = arith.addi %mul3A_703, %add3A_787 : vector<16xi32>
        %gather3A_789 = tpu.vector_load_idx %arg8[%add3A_788] : memref<16896xf32, #tpu.memory_space<vmem>>[vector<16xi32>], vector<16xf32>,
        %swap3A_790 = arith.constant 10 : i32
        %swap3A_791 = arith.index_cast %swap3A_790 : i32 to index
        %swap3A_792 = arith.index_cast %mul3A_705 : i32 to index
        %swap3A_793 = tpu.vector_load %arg10[%swap3A_791, %swap3A_792] {strides = array<i32>} : memref<32x512xf32, #tpu.memory_space<vmem>>, vector<16xf32>,
        tpu.vector_store %arg10[%swap3A_791, %swap3A_792], %gather3A_789 {strides = array<i32>} : memref<32x512xf32, #tpu.memory_space<vmem>>, vector<16xf32>,
        %add3A_794 = arith.constant 11 : i32
        %add3A_795 = vector.broadcast %add3A_794 : i32 to vector<16xi32>
        %add3A_796 = arith.addi %mul3A_703, %add3A_795 : vector<16xi32>
        %gather3A_797 = tpu.vector_load_idx %arg8[%add3A_796] : memref<16896xf32, #tpu.memory_space<vmem>>[vector<16xi32>], vector<16xf32>,
        %swap3A_798 = arith.constant 11 : i32
        %swap3A_799 = arith.index_cast %swap3A_798 : i32 to index
        %swap3A_800 = arith.index_cast %mul3A_705 : i32 to index
        %swap3A_801 = tpu.vector_load %arg10[%swap3A_799, %swap3A_800] {strides = array<i32>} : memref<32x512xf32, #tpu.memory_space<vmem>>, vector<16xf32>,
        tpu.vector_store %arg10[%swap3A_799, %swap3A_800], %gather3A_797 {strides = array<i32>} : memref<32x512xf32, #tpu.memory_space<vmem>>, vector<16xf32>,
        %add3A_802 = arith.constant 12 : i32
        %add3A_803 = vector.broadcast %add3A_802 : i32 to vector<16xi32>
        %add3A_804 = arith.addi %mul3A_703, %add3A_803 : vector<16xi32>
        %gather3A_805 = tpu.vector_load_idx %arg8[%add3A_804] : memref<16896xf32, #tpu.memory_space<vmem>>[vector<16xi32>], vector<16xf32>,
        %swap3A_806 = arith.constant 12 : i32
        %swap3A_807 = arith.index_cast %swap3A_806 : i32 to index
        %swap3A_808 = arith.index_cast %mul3A_705 : i32 to index
        %swap3A_809 = tpu.vector_load %arg10[%swap3A_807, %swap3A_808] {strides = array<i32>} : memref<32x512xf32, #tpu.memory_space<vmem>>, vector<16xf32>,
        tpu.vector_store %arg10[%swap3A_807, %swap3A_808], %gather3A_805 {strides = array<i32>} : memref<32x512xf32, #tpu.memory_space<vmem>>, vector<16xf32>,
        %add3A_810 = arith.constant 13 : i32
        %add3A_811 = vector.broadcast %add3A_810 : i32 to vector<16xi32>
        %add3A_812 = arith.addi %mul3A_703, %add3A_811 : vector<16xi32>
        %gather3A_813 = tpu.vector_load_idx %arg8[%add3A_812] : memref<16896xf32, #tpu.memory_space<vmem>>[vector<16xi32>], vector<16xf32>,
        %swap3A_814 = arith.constant 13 : i32
        %swap3A_815 = arith.index_cast %swap3A_814 : i32 to index
        %swap3A_816 = arith.index_cast %mul3A_705 : i32 to index
        %swap3A_817 = tpu.vector_load %arg10[%swap3A_815, %swap3A_816] {strides = array<i32>} : memref<32x512xf32, #tpu.memory_space<vmem>>, vector<16xf32>,
        tpu.vector_store %arg10[%swap3A_815, %swap3A_816], %gather3A_813 {strides = array<i32>} : memref<32x512xf32, #tpu.memory_space<vmem>>, vector<16xf32>,
        %add3A_818 = arith.constant 14 : i32
        %add3A_819 = vector.broadcast %add3A_818 : i32 to vector<16xi32>
        %add3A_820 = arith.addi %mul3A_703, %add3A_819 : vector<16xi32>
        %gather3A_821 = tpu.vector_load_idx %arg8[%add3A_820] : memref<16896xf32, #tpu.memory_space<vmem>>[vector<16xi32>], vector<16xf32>,
        %swap3A_822 = arith.constant 14 : i32
        %swap3A_823 = arith.index_cast %swap3A_822 : i32 to index
        %swap3A_824 = arith.index_cast %mul3A_705 : i32 to index
        %swap3A_825 = tpu.vector_load %arg10[%swap3A_823, %swap3A_824] {strides = array<i32>} : memref<32x512xf32, #tpu.memory_space<vmem>>, vector<16xf32>,
        tpu.vector_store %arg10[%swap3A_823, %swap3A_824], %gather3A_821 {strides = array<i32>} : memref<32x512xf32, #tpu.memory_space<vmem>>, vector<16xf32>,
        %add3A_826 = arith.constant 15 : i32
        %add3A_827 = vector.broadcast %add3A_826 : i32 to vector<16xi32>
        %add3A_828 = arith.addi %mul3A_703, %add3A_827 : vector<16xi32>
        %gather3A_829 = tpu.vector_load_idx %arg8[%add3A_828] : memref<16896xf32, #tpu.memory_space<vmem>>[vector<16xi32>], vector<16xf32>,
        %swap3A_830 = arith.constant 15 : i32
        %swap3A_831 = arith.index_cast %swap3A_830 : i32 to index
        %swap3A_832 = arith.index_cast %mul3A_705 : i32 to index
        %swap3A_833 = tpu.vector_load %arg10[%swap3A_831, %swap3A_832] {strides = array<i32>} : memref<32x512xf32, #tpu.memory_space<vmem>>, vector<16xf32>,
        tpu.vector_store %arg10[%swap3A_831, %swap3A_832], %gather3A_829 {strides = array<i32>} : memref<32x512xf32, #tpu.memory_space<vmem>>, vector<16xf32>,
        %add3A_834 = arith.constant 16 : i32
        %add3A_835 = vector.broadcast %add3A_834 : i32 to vector<16xi32>
        %add3A_836 = arith.addi %mul3A_703, %add3A_835 : vector<16xi32>
        %gather3A_837 = tpu.vector_load_idx %arg8[%add3A_836] : memref<16896xf32, #tpu.memory_space<vmem>>[vector<16xi32>], vector<16xf32>,
        %swap3A_838 = arith.constant 16 : i32
        %swap3A_839 = arith.index_cast %swap3A_838 : i32 to index
        %swap3A_840 = arith.index_cast %mul3A_705 : i32 to index
        %swap3A_841 = tpu.vector_load %arg10[%swap3A_839, %swap3A_840] {strides = array<i32>} : memref<32x512xf32, #tpu.memory_space<vmem>>, vector<16xf32>,
        tpu.vector_store %arg10[%swap3A_839, %swap3A_840], %gather3A_837 {strides = array<i32>} : memref<32x512xf32, #tpu.memory_space<vmem>>, vector<16xf32>,
        %add3A_842 = arith.constant 17 : i32
        %add3A_843 = vector.broadcast %add3A_842 : i32 to vector<16xi32>
        %add3A_844 = arith.addi %mul3A_703, %add3A_843 : vector<16xi32>
        %gather3A_845 = tpu.vector_load_idx %arg8[%add3A_844] : memref<16896xf32, #tpu.memory_space<vmem>>[vector<16xi32>], vector<16xf32>,
        %swap3A_846 = arith.constant 17 : i32
        %swap3A_847 = arith.index_cast %swap3A_846 : i32 to index
        %swap3A_848 = arith.index_cast %mul3A_705 : i32 to index
        %swap3A_849 = tpu.vector_load %arg10[%swap3A_847, %swap3A_848] {strides = array<i32>} : memref<32x512xf32, #tpu.memory_space<vmem>>, vector<16xf32>,
        tpu.vector_store %arg10[%swap3A_847, %swap3A_848], %gather3A_845 {strides = array<i32>} : memref<32x512xf32, #tpu.memory_space<vmem>>, vector<16xf32>,
        %add3A_850 = arith.constant 18 : i32
        %add3A_851 = vector.broadcast %add3A_850 : i32 to vector<16xi32>
        %add3A_852 = arith.addi %mul3A_703, %add3A_851 : vector<16xi32>
        %gather3A_853 = tpu.vector_load_idx %arg8[%add3A_852] : memref<16896xf32, #tpu.memory_space<vmem>>[vector<16xi32>], vector<16xf32>,
        %swap3A_854 = arith.constant 18 : i32
        %swap3A_855 = arith.index_cast %swap3A_854 : i32 to index
        %swap3A_856 = arith.index_cast %mul3A_705 : i32 to index
        %swap3A_857 = tpu.vector_load %arg10[%swap3A_855, %swap3A_856] {strides = array<i32>} : memref<32x512xf32, #tpu.memory_space<vmem>>, vector<16xf32>,
        tpu.vector_store %arg10[%swap3A_855, %swap3A_856], %gather3A_853 {strides = array<i32>} : memref<32x512xf32, #tpu.memory_space<vmem>>, vector<16xf32>,
        %add3A_858 = arith.constant 19 : i32
        %add3A_859 = vector.broadcast %add3A_858 : i32 to vector<16xi32>
        %add3A_860 = arith.addi %mul3A_703, %add3A_859 : vector<16xi32>
        %gather3A_861 = tpu.vector_load_idx %arg8[%add3A_860] : memref<16896xf32, #tpu.memory_space<vmem>>[vector<16xi32>], vector<16xf32>,
        %swap3A_862 = arith.constant 19 : i32
        %swap3A_863 = arith.index_cast %swap3A_862 : i32 to index
        %swap3A_864 = arith.index_cast %mul3A_705 : i32 to index
        %swap3A_865 = tpu.vector_load %arg10[%swap3A_863, %swap3A_864] {strides = array<i32>} : memref<32x512xf32, #tpu.memory_space<vmem>>, vector<16xf32>,
        tpu.vector_store %arg10[%swap3A_863, %swap3A_864], %gather3A_861 {strides = array<i32>} : memref<32x512xf32, #tpu.memory_space<vmem>>, vector<16xf32>,
        %add3A_866 = arith.constant 20 : i32
        %add3A_867 = vector.broadcast %add3A_866 : i32 to vector<16xi32>
        %add3A_868 = arith.addi %mul3A_703, %add3A_867 : vector<16xi32>
        %gather3A_869 = tpu.vector_load_idx %arg8[%add3A_868] : memref<16896xf32, #tpu.memory_space<vmem>>[vector<16xi32>], vector<16xf32>,
        %swap3A_870 = arith.constant 20 : i32
        %swap3A_871 = arith.index_cast %swap3A_870 : i32 to index
        %swap3A_872 = arith.index_cast %mul3A_705 : i32 to index
        %swap3A_873 = tpu.vector_load %arg10[%swap3A_871, %swap3A_872] {strides = array<i32>} : memref<32x512xf32, #tpu.memory_space<vmem>>, vector<16xf32>,
        tpu.vector_store %arg10[%swap3A_871, %swap3A_872], %gather3A_869 {strides = array<i32>} : memref<32x512xf32, #tpu.memory_space<vmem>>, vector<16xf32>,
        %add3A_874 = arith.constant 21 : i32
        %add3A_875 = vector.broadcast %add3A_874 : i32 to vector<16xi32>
        %add3A_876 = arith.addi %mul3A_703, %add3A_875 : vector<16xi32>
        %gather3A_877 = tpu.vector_load_idx %arg8[%add3A_876] : memref<16896xf32, #tpu.memory_space<vmem>>[vector<16xi32>], vector<16xf32>,
        %swap3A_878 = arith.constant 21 : i32
        %swap3A_879 = arith.index_cast %swap3A_878 : i32 to index
        %swap3A_880 = arith.index_cast %mul3A_705 : i32 to index
        %swap3A_881 = tpu.vector_load %arg10[%swap3A_879, %swap3A_880] {strides = array<i32>} : memref<32x512xf32, #tpu.memory_space<vmem>>, vector<16xf32>,
        tpu.vector_store %arg10[%swap3A_879, %swap3A_880], %gather3A_877 {strides = array<i32>} : memref<32x512xf32, #tpu.memory_space<vmem>>, vector<16xf32>,
        %add3A_882 = arith.constant 22 : i32
        %add3A_883 = vector.broadcast %add3A_882 : i32 to vector<16xi32>
        %add3A_884 = arith.addi %mul3A_703, %add3A_883 : vector<16xi32>
        %gather3A_885 = tpu.vector_load_idx %arg8[%add3A_884] : memref<16896xf32, #tpu.memory_space<vmem>>[vector<16xi32>], vector<16xf32>,
        %swap3A_886 = arith.constant 22 : i32
        %swap3A_887 = arith.index_cast %swap3A_886 : i32 to index
        %swap3A_888 = arith.index_cast %mul3A_705 : i32 to index
        %swap3A_889 = tpu.vector_load %arg10[%swap3A_887, %swap3A_888] {strides = array<i32>} : memref<32x512xf32, #tpu.memory_space<vmem>>, vector<16xf32>,
        tpu.vector_store %arg10[%swap3A_887, %swap3A_888], %gather3A_885 {strides = array<i32>} : memref<32x512xf32, #tpu.memory_space<vmem>>, vector<16xf32>,
        %add3A_890 = arith.constant 23 : i32
        %add3A_891 = vector.broadcast %add3A_890 : i32 to vector<16xi32>
        %add3A_892 = arith.addi %mul3A_703, %add3A_891 : vector<16xi32>
        %gather3A_893 = tpu.vector_load_idx %arg8[%add3A_892] : memref<16896xf32, #tpu.memory_space<vmem>>[vector<16xi32>], vector<16xf32>,
        %swap3A_894 = arith.constant 23 : i32
        %swap3A_895 = arith.index_cast %swap3A_894 : i32 to index
        %swap3A_896 = arith.index_cast %mul3A_705 : i32 to index
        %swap3A_897 = tpu.vector_load %arg10[%swap3A_895, %swap3A_896] {strides = array<i32>} : memref<32x512xf32, #tpu.memory_space<vmem>>, vector<16xf32>,
        tpu.vector_store %arg10[%swap3A_895, %swap3A_896], %gather3A_893 {strides = array<i32>} : memref<32x512xf32, #tpu.memory_space<vmem>>, vector<16xf32>,
        %add3A_898 = arith.constant 24 : i32
        %add3A_899 = vector.broadcast %add3A_898 : i32 to vector<16xi32>
        %add3A_900 = arith.addi %mul3A_703, %add3A_899 : vector<16xi32>
        %gather3A_901 = tpu.vector_load_idx %arg8[%add3A_900] : memref<16896xf32, #tpu.memory_space<vmem>>[vector<16xi32>], vector<16xf32>,
        %swap3A_902 = arith.constant 24 : i32
        %swap3A_903 = arith.index_cast %swap3A_902 : i32 to index
        %swap3A_904 = arith.index_cast %mul3A_705 : i32 to index
        %swap3A_905 = tpu.vector_load %arg10[%swap3A_903, %swap3A_904] {strides = array<i32>} : memref<32x512xf32, #tpu.memory_space<vmem>>, vector<16xf32>,
        tpu.vector_store %arg10[%swap3A_903, %swap3A_904], %gather3A_901 {strides = array<i32>} : memref<32x512xf32, #tpu.memory_space<vmem>>, vector<16xf32>,
        %add3A_906 = arith.constant 25 : i32
        %add3A_907 = vector.broadcast %add3A_906 : i32 to vector<16xi32>
        %add3A_908 = arith.addi %mul3A_703, %add3A_907 : vector<16xi32>
        %gather3A_909 = tpu.vector_load_idx %arg8[%add3A_908] : memref<16896xf32, #tpu.memory_space<vmem>>[vector<16xi32>], vector<16xf32>,
        %swap3A_910 = arith.constant 25 : i32
        %swap3A_911 = arith.index_cast %swap3A_910 : i32 to index
        %swap3A_912 = arith.index_cast %mul3A_705 : i32 to index
        %swap3A_913 = tpu.vector_load %arg10[%swap3A_911, %swap3A_912] {strides = array<i32>} : memref<32x512xf32, #tpu.memory_space<vmem>>, vector<16xf32>,
        tpu.vector_store %arg10[%swap3A_911, %swap3A_912], %gather3A_909 {strides = array<i32>} : memref<32x512xf32, #tpu.memory_space<vmem>>, vector<16xf32>,
        %add3A_914 = arith.constant 26 : i32
        %add3A_915 = vector.broadcast %add3A_914 : i32 to vector<16xi32>
        %add3A_916 = arith.addi %mul3A_703, %add3A_915 : vector<16xi32>
        %gather3A_917 = tpu.vector_load_idx %arg8[%add3A_916] : memref<16896xf32, #tpu.memory_space<vmem>>[vector<16xi32>], vector<16xf32>,
        %swap3A_918 = arith.constant 26 : i32
        %swap3A_919 = arith.index_cast %swap3A_918 : i32 to index
        %swap3A_920 = arith.index_cast %mul3A_705 : i32 to index
        %swap3A_921 = tpu.vector_load %arg10[%swap3A_919, %swap3A_920] {strides = array<i32>} : memref<32x512xf32, #tpu.memory_space<vmem>>, vector<16xf32>,
        tpu.vector_store %arg10[%swap3A_919, %swap3A_920], %gather3A_917 {strides = array<i32>} : memref<32x512xf32, #tpu.memory_space<vmem>>, vector<16xf32>,
        %add3A_922 = arith.constant 27 : i32
        %add3A_923 = vector.broadcast %add3A_922 : i32 to vector<16xi32>
        %add3A_924 = arith.addi %mul3A_703, %add3A_923 : vector<16xi32>
        %gather3A_925 = tpu.vector_load_idx %arg8[%add3A_924] : memref<16896xf32, #tpu.memory_space<vmem>>[vector<16xi32>], vector<16xf32>,
        %swap3A_926 = arith.constant 27 : i32
        %swap3A_927 = arith.index_cast %swap3A_926 : i32 to index
        %swap3A_928 = arith.index_cast %mul3A_705 : i32 to index
        %swap3A_929 = tpu.vector_load %arg10[%swap3A_927, %swap3A_928] {strides = array<i32>} : memref<32x512xf32, #tpu.memory_space<vmem>>, vector<16xf32>,
        tpu.vector_store %arg10[%swap3A_927, %swap3A_928], %gather3A_925 {strides = array<i32>} : memref<32x512xf32, #tpu.memory_space<vmem>>, vector<16xf32>,
        %add3A_930 = arith.constant 28 : i32
        %add3A_931 = vector.broadcast %add3A_930 : i32 to vector<16xi32>
        %add3A_932 = arith.addi %mul3A_703, %add3A_931 : vector<16xi32>
        %gather3A_933 = tpu.vector_load_idx %arg8[%add3A_932] : memref<16896xf32, #tpu.memory_space<vmem>>[vector<16xi32>], vector<16xf32>,
        %swap3A_934 = arith.constant 28 : i32
        %swap3A_935 = arith.index_cast %swap3A_934 : i32 to index
        %swap3A_936 = arith.index_cast %mul3A_705 : i32 to index
        %swap3A_937 = tpu.vector_load %arg10[%swap3A_935, %swap3A_936] {strides = array<i32>} : memref<32x512xf32, #tpu.memory_space<vmem>>, vector<16xf32>,
        tpu.vector_store %arg10[%swap3A_935, %swap3A_936], %gather3A_933 {strides = array<i32>} : memref<32x512xf32, #tpu.memory_space<vmem>>, vector<16xf32>,
        %add3A_938 = arith.constant 29 : i32
        %add3A_939 = vector.broadcast %add3A_938 : i32 to vector<16xi32>
        %add3A_940 = arith.addi %mul3A_703, %add3A_939 : vector<16xi32>
        %gather3A_941 = tpu.vector_load_idx %arg8[%add3A_940] : memref<16896xf32, #tpu.memory_space<vmem>>[vector<16xi32>], vector<16xf32>,
        %swap3A_942 = arith.constant 29 : i32
        %swap3A_943 = arith.index_cast %swap3A_942 : i32 to index
        %swap3A_944 = arith.index_cast %mul3A_705 : i32 to index
        %swap3A_945 = tpu.vector_load %arg10[%swap3A_943, %swap3A_944] {strides = array<i32>} : memref<32x512xf32, #tpu.memory_space<vmem>>, vector<16xf32>,
        tpu.vector_store %arg10[%swap3A_943, %swap3A_944], %gather3A_941 {strides = array<i32>} : memref<32x512xf32, #tpu.memory_space<vmem>>, vector<16xf32>,
        %add3A_946 = arith.constant 30 : i32
        %add3A_947 = vector.broadcast %add3A_946 : i32 to vector<16xi32>
        %add3A_948 = arith.addi %mul3A_703, %add3A_947 : vector<16xi32>
        %gather3A_949 = tpu.vector_load_idx %arg8[%add3A_948] : memref<16896xf32, #tpu.memory_space<vmem>>[vector<16xi32>], vector<16xf32>,
        %swap3A_950 = arith.constant 30 : i32
        %swap3A_951 = arith.index_cast %swap3A_950 : i32 to index
        %swap3A_952 = arith.index_cast %mul3A_705 : i32 to index
        %swap3A_953 = tpu.vector_load %arg10[%swap3A_951, %swap3A_952] {strides = array<i32>} : memref<32x512xf32, #tpu.memory_space<vmem>>, vector<16xf32>,
        tpu.vector_store %arg10[%swap3A_951, %swap3A_952], %gather3A_949 {strides = array<i32>} : memref<32x512xf32, #tpu.memory_space<vmem>>, vector<16xf32>,
        %add3A_954 = arith.constant 31 : i32
        %add3A_955 = vector.broadcast %add3A_954 : i32 to vector<16xi32>
        %add3A_956 = arith.addi %mul3A_703, %add3A_955 : vector<16xi32>
        %gather3A_957 = tpu.vector_load_idx %arg8[%add3A_956] : memref<16896xf32, #tpu.memory_space<vmem>>[vector<16xi32>], vector<16xf32>,
        %swap3A_958 = arith.constant 31 : i32
        %swap3A_959 = arith.index_cast %swap3A_958 : i32 to index
        %swap3A_960 = arith.index_cast %mul3A_705 : i32 to index
        %swap3A_961 = tpu.vector_load %arg10[%swap3A_959, %swap3A_960] {strides = array<i32>} : memref<32x512xf32, #tpu.memory_space<vmem>>, vector<16xf32>,
        tpu.vector_store %arg10[%swap3A_959, %swap3A_960], %gather3A_957 {strides = array<i32>} : memref<32x512xf32, #tpu.memory_space<vmem>>, vector<16xf32>,
        %scan3A_962 = arith.constant 3 : i32
        %scan3A_963 = arith.addi %scan3A_164, %scan3A_962 : i32
        %mul3A_964 = arith.constant 16 : i32
        %mul3A_965 = arith.muli %scan3A_963, %mul3A_964 : i32
        %add3A_966 = vector.broadcast %mul3A_965 : i32 to vector<16xi32>
        %add3A_967 = arith.addi %add3A_966, %iota3A : vector<16xi32>
        %mul3A_968 = arith.constant 33 : i32
        %mul3A_969 = vector.broadcast %mul3A_968 : i32 to vector<16xi32>
        %mul3A_970 = arith.muli %add3A_967, %mul3A_969 : vector<16xi32>
        %mul3A_971 = arith.constant 16 : i32
        %mul3A_972 = arith.muli %scan3A_963, %mul3A_971 : i32
        %add3A_973 = arith.constant 0 : i32
        %add3A_974 = vector.broadcast %add3A_973 : i32 to vector<16xi32>
        %add3A_975 = arith.addi %mul3A_970, %add3A_974 : vector<16xi32>
        %gather3A_976 = tpu.vector_load_idx %arg8[%add3A_975] : memref<16896xf32, #tpu.memory_space<vmem>>[vector<16xi32>], vector<16xf32>,
        %swap3A_977 = arith.constant 0 : i32
        %swap3A_978 = arith.index_cast %swap3A_977 : i32 to index
        %swap3A_979 = arith.index_cast %mul3A_972 : i32 to index
        %swap3A_980 = tpu.vector_load %arg10[%swap3A_978, %swap3A_979] {strides = array<i32>} : memref<32x512xf32, #tpu.memory_space<vmem>>, vector<16xf32>,
        tpu.vector_store %arg10[%swap3A_978, %swap3A_979], %gather3A_976 {strides = array<i32>} : memref<32x512xf32, #tpu.memory_space<vmem>>, vector<16xf32>,
        %add3A_981 = arith.constant 1 : i32
        %add3A_982 = vector.broadcast %add3A_981 : i32 to vector<16xi32>
        %add3A_983 = arith.addi %mul3A_970, %add3A_982 : vector<16xi32>
        %gather3A_984 = tpu.vector_load_idx %arg8[%add3A_983] : memref<16896xf32, #tpu.memory_space<vmem>>[vector<16xi32>], vector<16xf32>,
        %swap3A_985 = arith.constant 1 : i32
        %swap3A_986 = arith.index_cast %swap3A_985 : i32 to index
        %swap3A_987 = arith.index_cast %mul3A_972 : i32 to index
        %swap3A_988 = tpu.vector_load %arg10[%swap3A_986, %swap3A_987] {strides = array<i32>} : memref<32x512xf32, #tpu.memory_space<vmem>>, vector<16xf32>,
        tpu.vector_store %arg10[%swap3A_986, %swap3A_987], %gather3A_984 {strides = array<i32>} : memref<32x512xf32, #tpu.memory_space<vmem>>, vector<16xf32>,
        %add3A_989 = arith.constant 2 : i32
        %add3A_990 = vector.broadcast %add3A_989 : i32 to vector<16xi32>
        %add3A_991 = arith.addi %mul3A_970, %add3A_990 : vector<16xi32>
        %gather3A_992 = tpu.vector_load_idx %arg8[%add3A_991] : memref<16896xf32, #tpu.memory_space<vmem>>[vector<16xi32>], vector<16xf32>,
        %swap3A_993 = arith.constant 2 : i32
        %swap3A_994 = arith.index_cast %swap3A_993 : i32 to index
        %swap3A_995 = arith.index_cast %mul3A_972 : i32 to index
        %swap3A_996 = tpu.vector_load %arg10[%swap3A_994, %swap3A_995] {strides = array<i32>} : memref<32x512xf32, #tpu.memory_space<vmem>>, vector<16xf32>,
        tpu.vector_store %arg10[%swap3A_994, %swap3A_995], %gather3A_992 {strides = array<i32>} : memref<32x512xf32, #tpu.memory_space<vmem>>, vector<16xf32>,
        %add3A_997 = arith.constant 3 : i32
        %add3A_998 = vector.broadcast %add3A_997 : i32 to vector<16xi32>
        %add3A_999 = arith.addi %mul3A_970, %add3A_998 : vector<16xi32>
        %gather3A_1000 = tpu.vector_load_idx %arg8[%add3A_999] : memref<16896xf32, #tpu.memory_space<vmem>>[vector<16xi32>], vector<16xf32>,
        %swap3A_1001 = arith.constant 3 : i32
        %swap3A_1002 = arith.index_cast %swap3A_1001 : i32 to index
        %swap3A_1003 = arith.index_cast %mul3A_972 : i32 to index
        %swap3A_1004 = tpu.vector_load %arg10[%swap3A_1002, %swap3A_1003] {strides = array<i32>} : memref<32x512xf32, #tpu.memory_space<vmem>>, vector<16xf32>,
        tpu.vector_store %arg10[%swap3A_1002, %swap3A_1003], %gather3A_1000 {strides = array<i32>} : memref<32x512xf32, #tpu.memory_space<vmem>>, vector<16xf32>,
        %add3A_1005 = arith.constant 4 : i32
        %add3A_1006 = vector.broadcast %add3A_1005 : i32 to vector<16xi32>
        %add3A_1007 = arith.addi %mul3A_970, %add3A_1006 : vector<16xi32>
        %gather3A_1008 = tpu.vector_load_idx %arg8[%add3A_1007] : memref<16896xf32, #tpu.memory_space<vmem>>[vector<16xi32>], vector<16xf32>,
        %swap3A_1009 = arith.constant 4 : i32
        %swap3A_1010 = arith.index_cast %swap3A_1009 : i32 to index
        %swap3A_1011 = arith.index_cast %mul3A_972 : i32 to index
        %swap3A_1012 = tpu.vector_load %arg10[%swap3A_1010, %swap3A_1011] {strides = array<i32>} : memref<32x512xf32, #tpu.memory_space<vmem>>, vector<16xf32>,
        tpu.vector_store %arg10[%swap3A_1010, %swap3A_1011], %gather3A_1008 {strides = array<i32>} : memref<32x512xf32, #tpu.memory_space<vmem>>, vector<16xf32>,
        %add3A_1013 = arith.constant 5 : i32
        %add3A_1014 = vector.broadcast %add3A_1013 : i32 to vector<16xi32>
        %add3A_1015 = arith.addi %mul3A_970, %add3A_1014 : vector<16xi32>
        %gather3A_1016 = tpu.vector_load_idx %arg8[%add3A_1015] : memref<16896xf32, #tpu.memory_space<vmem>>[vector<16xi32>], vector<16xf32>,
        %swap3A_1017 = arith.constant 5 : i32
        %swap3A_1018 = arith.index_cast %swap3A_1017 : i32 to index
        %swap3A_1019 = arith.index_cast %mul3A_972 : i32 to index
        %swap3A_1020 = tpu.vector_load %arg10[%swap3A_1018, %swap3A_1019] {strides = array<i32>} : memref<32x512xf32, #tpu.memory_space<vmem>>, vector<16xf32>,
        tpu.vector_store %arg10[%swap3A_1018, %swap3A_1019], %gather3A_1016 {strides = array<i32>} : memref<32x512xf32, #tpu.memory_space<vmem>>, vector<16xf32>,
        %add3A_1021 = arith.constant 6 : i32
        %add3A_1022 = vector.broadcast %add3A_1021 : i32 to vector<16xi32>
        %add3A_1023 = arith.addi %mul3A_970, %add3A_1022 : vector<16xi32>
        %gather3A_1024 = tpu.vector_load_idx %arg8[%add3A_1023] : memref<16896xf32, #tpu.memory_space<vmem>>[vector<16xi32>], vector<16xf32>,
        %swap3A_1025 = arith.constant 6 : i32
        %swap3A_1026 = arith.index_cast %swap3A_1025 : i32 to index
        %swap3A_1027 = arith.index_cast %mul3A_972 : i32 to index
        %swap3A_1028 = tpu.vector_load %arg10[%swap3A_1026, %swap3A_1027] {strides = array<i32>} : memref<32x512xf32, #tpu.memory_space<vmem>>, vector<16xf32>,
        tpu.vector_store %arg10[%swap3A_1026, %swap3A_1027], %gather3A_1024 {strides = array<i32>} : memref<32x512xf32, #tpu.memory_space<vmem>>, vector<16xf32>,
        %add3A_1029 = arith.constant 7 : i32
        %add3A_1030 = vector.broadcast %add3A_1029 : i32 to vector<16xi32>
        %add3A_1031 = arith.addi %mul3A_970, %add3A_1030 : vector<16xi32>
        %gather3A_1032 = tpu.vector_load_idx %arg8[%add3A_1031] : memref<16896xf32, #tpu.memory_space<vmem>>[vector<16xi32>], vector<16xf32>,
        %swap3A_1033 = arith.constant 7 : i32
        %swap3A_1034 = arith.index_cast %swap3A_1033 : i32 to index
        %swap3A_1035 = arith.index_cast %mul3A_972 : i32 to index
        %swap3A_1036 = tpu.vector_load %arg10[%swap3A_1034, %swap3A_1035] {strides = array<i32>} : memref<32x512xf32, #tpu.memory_space<vmem>>, vector<16xf32>,
        tpu.vector_store %arg10[%swap3A_1034, %swap3A_1035], %gather3A_1032 {strides = array<i32>} : memref<32x512xf32, #tpu.memory_space<vmem>>, vector<16xf32>,
        %add3A_1037 = arith.constant 8 : i32
        %add3A_1038 = vector.broadcast %add3A_1037 : i32 to vector<16xi32>
        %add3A_1039 = arith.addi %mul3A_970, %add3A_1038 : vector<16xi32>
        %gather3A_1040 = tpu.vector_load_idx %arg8[%add3A_1039] : memref<16896xf32, #tpu.memory_space<vmem>>[vector<16xi32>], vector<16xf32>,
        %swap3A_1041 = arith.constant 8 : i32
        %swap3A_1042 = arith.index_cast %swap3A_1041 : i32 to index
        %swap3A_1043 = arith.index_cast %mul3A_972 : i32 to index
        %swap3A_1044 = tpu.vector_load %arg10[%swap3A_1042, %swap3A_1043] {strides = array<i32>} : memref<32x512xf32, #tpu.memory_space<vmem>>, vector<16xf32>,
        tpu.vector_store %arg10[%swap3A_1042, %swap3A_1043], %gather3A_1040 {strides = array<i32>} : memref<32x512xf32, #tpu.memory_space<vmem>>, vector<16xf32>,
        %add3A_1045 = arith.constant 9 : i32
        %add3A_1046 = vector.broadcast %add3A_1045 : i32 to vector<16xi32>
        %add3A_1047 = arith.addi %mul3A_970, %add3A_1046 : vector<16xi32>
        %gather3A_1048 = tpu.vector_load_idx %arg8[%add3A_1047] : memref<16896xf32, #tpu.memory_space<vmem>>[vector<16xi32>], vector<16xf32>,
        %swap3A_1049 = arith.constant 9 : i32
        %swap3A_1050 = arith.index_cast %swap3A_1049 : i32 to index
        %swap3A_1051 = arith.index_cast %mul3A_972 : i32 to index
        %swap3A_1052 = tpu.vector_load %arg10[%swap3A_1050, %swap3A_1051] {strides = array<i32>} : memref<32x512xf32, #tpu.memory_space<vmem>>, vector<16xf32>,
        tpu.vector_store %arg10[%swap3A_1050, %swap3A_1051], %gather3A_1048 {strides = array<i32>} : memref<32x512xf32, #tpu.memory_space<vmem>>, vector<16xf32>,
        %add3A_1053 = arith.constant 10 : i32
        %add3A_1054 = vector.broadcast %add3A_1053 : i32 to vector<16xi32>
        %add3A_1055 = arith.addi %mul3A_970, %add3A_1054 : vector<16xi32>
        %gather3A_1056 = tpu.vector_load_idx %arg8[%add3A_1055] : memref<16896xf32, #tpu.memory_space<vmem>>[vector<16xi32>], vector<16xf32>,
        %swap3A_1057 = arith.constant 10 : i32
        %swap3A_1058 = arith.index_cast %swap3A_1057 : i32 to index
        %swap3A_1059 = arith.index_cast %mul3A_972 : i32 to index
        %swap3A_1060 = tpu.vector_load %arg10[%swap3A_1058, %swap3A_1059] {strides = array<i32>} : memref<32x512xf32, #tpu.memory_space<vmem>>, vector<16xf32>,
        tpu.vector_store %arg10[%swap3A_1058, %swap3A_1059], %gather3A_1056 {strides = array<i32>} : memref<32x512xf32, #tpu.memory_space<vmem>>, vector<16xf32>,
        %add3A_1061 = arith.constant 11 : i32
        %add3A_1062 = vector.broadcast %add3A_1061 : i32 to vector<16xi32>
        %add3A_1063 = arith.addi %mul3A_970, %add3A_1062 : vector<16xi32>
        %gather3A_1064 = tpu.vector_load_idx %arg8[%add3A_1063] : memref<16896xf32, #tpu.memory_space<vmem>>[vector<16xi32>], vector<16xf32>,
        %swap3A_1065 = arith.constant 11 : i32
        %swap3A_1066 = arith.index_cast %swap3A_1065 : i32 to index
        %swap3A_1067 = arith.index_cast %mul3A_972 : i32 to index
        %swap3A_1068 = tpu.vector_load %arg10[%swap3A_1066, %swap3A_1067] {strides = array<i32>} : memref<32x512xf32, #tpu.memory_space<vmem>>, vector<16xf32>,
        tpu.vector_store %arg10[%swap3A_1066, %swap3A_1067], %gather3A_1064 {strides = array<i32>} : memref<32x512xf32, #tpu.memory_space<vmem>>, vector<16xf32>,
        %add3A_1069 = arith.constant 12 : i32
        %add3A_1070 = vector.broadcast %add3A_1069 : i32 to vector<16xi32>
        %add3A_1071 = arith.addi %mul3A_970, %add3A_1070 : vector<16xi32>
        %gather3A_1072 = tpu.vector_load_idx %arg8[%add3A_1071] : memref<16896xf32, #tpu.memory_space<vmem>>[vector<16xi32>], vector<16xf32>,
        %swap3A_1073 = arith.constant 12 : i32
        %swap3A_1074 = arith.index_cast %swap3A_1073 : i32 to index
        %swap3A_1075 = arith.index_cast %mul3A_972 : i32 to index
        %swap3A_1076 = tpu.vector_load %arg10[%swap3A_1074, %swap3A_1075] {strides = array<i32>} : memref<32x512xf32, #tpu.memory_space<vmem>>, vector<16xf32>,
        tpu.vector_store %arg10[%swap3A_1074, %swap3A_1075], %gather3A_1072 {strides = array<i32>} : memref<32x512xf32, #tpu.memory_space<vmem>>, vector<16xf32>,
        %add3A_1077 = arith.constant 13 : i32
        %add3A_1078 = vector.broadcast %add3A_1077 : i32 to vector<16xi32>
        %add3A_1079 = arith.addi %mul3A_970, %add3A_1078 : vector<16xi32>
        %gather3A_1080 = tpu.vector_load_idx %arg8[%add3A_1079] : memref<16896xf32, #tpu.memory_space<vmem>>[vector<16xi32>], vector<16xf32>,
        %swap3A_1081 = arith.constant 13 : i32
        %swap3A_1082 = arith.index_cast %swap3A_1081 : i32 to index
        %swap3A_1083 = arith.index_cast %mul3A_972 : i32 to index
        %swap3A_1084 = tpu.vector_load %arg10[%swap3A_1082, %swap3A_1083] {strides = array<i32>} : memref<32x512xf32, #tpu.memory_space<vmem>>, vector<16xf32>,
        tpu.vector_store %arg10[%swap3A_1082, %swap3A_1083], %gather3A_1080 {strides = array<i32>} : memref<32x512xf32, #tpu.memory_space<vmem>>, vector<16xf32>,
        %add3A_1085 = arith.constant 14 : i32
        %add3A_1086 = vector.broadcast %add3A_1085 : i32 to vector<16xi32>
        %add3A_1087 = arith.addi %mul3A_970, %add3A_1086 : vector<16xi32>
        %gather3A_1088 = tpu.vector_load_idx %arg8[%add3A_1087] : memref<16896xf32, #tpu.memory_space<vmem>>[vector<16xi32>], vector<16xf32>,
        %swap3A_1089 = arith.constant 14 : i32
        %swap3A_1090 = arith.index_cast %swap3A_1089 : i32 to index
        %swap3A_1091 = arith.index_cast %mul3A_972 : i32 to index
        %swap3A_1092 = tpu.vector_load %arg10[%swap3A_1090, %swap3A_1091] {strides = array<i32>} : memref<32x512xf32, #tpu.memory_space<vmem>>, vector<16xf32>,
        tpu.vector_store %arg10[%swap3A_1090, %swap3A_1091], %gather3A_1088 {strides = array<i32>} : memref<32x512xf32, #tpu.memory_space<vmem>>, vector<16xf32>,
        %add3A_1093 = arith.constant 15 : i32
        %add3A_1094 = vector.broadcast %add3A_1093 : i32 to vector<16xi32>
        %add3A_1095 = arith.addi %mul3A_970, %add3A_1094 : vector<16xi32>
        %gather3A_1096 = tpu.vector_load_idx %arg8[%add3A_1095] : memref<16896xf32, #tpu.memory_space<vmem>>[vector<16xi32>], vector<16xf32>,
        %swap3A_1097 = arith.constant 15 : i32
        %swap3A_1098 = arith.index_cast %swap3A_1097 : i32 to index
        %swap3A_1099 = arith.index_cast %mul3A_972 : i32 to index
        %swap3A_1100 = tpu.vector_load %arg10[%swap3A_1098, %swap3A_1099] {strides = array<i32>} : memref<32x512xf32, #tpu.memory_space<vmem>>, vector<16xf32>,
        tpu.vector_store %arg10[%swap3A_1098, %swap3A_1099], %gather3A_1096 {strides = array<i32>} : memref<32x512xf32, #tpu.memory_space<vmem>>, vector<16xf32>,
        %add3A_1101 = arith.constant 16 : i32
        %add3A_1102 = vector.broadcast %add3A_1101 : i32 to vector<16xi32>
        %add3A_1103 = arith.addi %mul3A_970, %add3A_1102 : vector<16xi32>
        %gather3A_1104 = tpu.vector_load_idx %arg8[%add3A_1103] : memref<16896xf32, #tpu.memory_space<vmem>>[vector<16xi32>], vector<16xf32>,
        %swap3A_1105 = arith.constant 16 : i32
        %swap3A_1106 = arith.index_cast %swap3A_1105 : i32 to index
        %swap3A_1107 = arith.index_cast %mul3A_972 : i32 to index
        %swap3A_1108 = tpu.vector_load %arg10[%swap3A_1106, %swap3A_1107] {strides = array<i32>} : memref<32x512xf32, #tpu.memory_space<vmem>>, vector<16xf32>,
        tpu.vector_store %arg10[%swap3A_1106, %swap3A_1107], %gather3A_1104 {strides = array<i32>} : memref<32x512xf32, #tpu.memory_space<vmem>>, vector<16xf32>,
        %add3A_1109 = arith.constant 17 : i32
        %add3A_1110 = vector.broadcast %add3A_1109 : i32 to vector<16xi32>
        %add3A_1111 = arith.addi %mul3A_970, %add3A_1110 : vector<16xi32>
        %gather3A_1112 = tpu.vector_load_idx %arg8[%add3A_1111] : memref<16896xf32, #tpu.memory_space<vmem>>[vector<16xi32>], vector<16xf32>,
        %swap3A_1113 = arith.constant 17 : i32
        %swap3A_1114 = arith.index_cast %swap3A_1113 : i32 to index
        %swap3A_1115 = arith.index_cast %mul3A_972 : i32 to index
        %swap3A_1116 = tpu.vector_load %arg10[%swap3A_1114, %swap3A_1115] {strides = array<i32>} : memref<32x512xf32, #tpu.memory_space<vmem>>, vector<16xf32>,
        tpu.vector_store %arg10[%swap3A_1114, %swap3A_1115], %gather3A_1112 {strides = array<i32>} : memref<32x512xf32, #tpu.memory_space<vmem>>, vector<16xf32>,
        %add3A_1117 = arith.constant 18 : i32
        %add3A_1118 = vector.broadcast %add3A_1117 : i32 to vector<16xi32>
        %add3A_1119 = arith.addi %mul3A_970, %add3A_1118 : vector<16xi32>
        %gather3A_1120 = tpu.vector_load_idx %arg8[%add3A_1119] : memref<16896xf32, #tpu.memory_space<vmem>>[vector<16xi32>], vector<16xf32>,
        %swap3A_1121 = arith.constant 18 : i32
        %swap3A_1122 = arith.index_cast %swap3A_1121 : i32 to index
        %swap3A_1123 = arith.index_cast %mul3A_972 : i32 to index
        %swap3A_1124 = tpu.vector_load %arg10[%swap3A_1122, %swap3A_1123] {strides = array<i32>} : memref<32x512xf32, #tpu.memory_space<vmem>>, vector<16xf32>,
        tpu.vector_store %arg10[%swap3A_1122, %swap3A_1123], %gather3A_1120 {strides = array<i32>} : memref<32x512xf32, #tpu.memory_space<vmem>>, vector<16xf32>,
        %add3A_1125 = arith.constant 19 : i32
        %add3A_1126 = vector.broadcast %add3A_1125 : i32 to vector<16xi32>
        %add3A_1127 = arith.addi %mul3A_970, %add3A_1126 : vector<16xi32>
        %gather3A_1128 = tpu.vector_load_idx %arg8[%add3A_1127] : memref<16896xf32, #tpu.memory_space<vmem>>[vector<16xi32>], vector<16xf32>,
        %swap3A_1129 = arith.constant 19 : i32
        %swap3A_1130 = arith.index_cast %swap3A_1129 : i32 to index
        %swap3A_1131 = arith.index_cast %mul3A_972 : i32 to index
        %swap3A_1132 = tpu.vector_load %arg10[%swap3A_1130, %swap3A_1131] {strides = array<i32>} : memref<32x512xf32, #tpu.memory_space<vmem>>, vector<16xf32>,
        tpu.vector_store %arg10[%swap3A_1130, %swap3A_1131], %gather3A_1128 {strides = array<i32>} : memref<32x512xf32, #tpu.memory_space<vmem>>, vector<16xf32>,
        %add3A_1133 = arith.constant 20 : i32
        %add3A_1134 = vector.broadcast %add3A_1133 : i32 to vector<16xi32>
        %add3A_1135 = arith.addi %mul3A_970, %add3A_1134 : vector<16xi32>
        %gather3A_1136 = tpu.vector_load_idx %arg8[%add3A_1135] : memref<16896xf32, #tpu.memory_space<vmem>>[vector<16xi32>], vector<16xf32>,
        %swap3A_1137 = arith.constant 20 : i32
        %swap3A_1138 = arith.index_cast %swap3A_1137 : i32 to index
        %swap3A_1139 = arith.index_cast %mul3A_972 : i32 to index
        %swap3A_1140 = tpu.vector_load %arg10[%swap3A_1138, %swap3A_1139] {strides = array<i32>} : memref<32x512xf32, #tpu.memory_space<vmem>>, vector<16xf32>,
        tpu.vector_store %arg10[%swap3A_1138, %swap3A_1139], %gather3A_1136 {strides = array<i32>} : memref<32x512xf32, #tpu.memory_space<vmem>>, vector<16xf32>,
        %add3A_1141 = arith.constant 21 : i32
        %add3A_1142 = vector.broadcast %add3A_1141 : i32 to vector<16xi32>
        %add3A_1143 = arith.addi %mul3A_970, %add3A_1142 : vector<16xi32>
        %gather3A_1144 = tpu.vector_load_idx %arg8[%add3A_1143] : memref<16896xf32, #tpu.memory_space<vmem>>[vector<16xi32>], vector<16xf32>,
        %swap3A_1145 = arith.constant 21 : i32
        %swap3A_1146 = arith.index_cast %swap3A_1145 : i32 to index
        %swap3A_1147 = arith.index_cast %mul3A_972 : i32 to index
        %swap3A_1148 = tpu.vector_load %arg10[%swap3A_1146, %swap3A_1147] {strides = array<i32>} : memref<32x512xf32, #tpu.memory_space<vmem>>, vector<16xf32>,
        tpu.vector_store %arg10[%swap3A_1146, %swap3A_1147], %gather3A_1144 {strides = array<i32>} : memref<32x512xf32, #tpu.memory_space<vmem>>, vector<16xf32>,
        %add3A_1149 = arith.constant 22 : i32
        %add3A_1150 = vector.broadcast %add3A_1149 : i32 to vector<16xi32>
        %add3A_1151 = arith.addi %mul3A_970, %add3A_1150 : vector<16xi32>
        %gather3A_1152 = tpu.vector_load_idx %arg8[%add3A_1151] : memref<16896xf32, #tpu.memory_space<vmem>>[vector<16xi32>], vector<16xf32>,
        %swap3A_1153 = arith.constant 22 : i32
        %swap3A_1154 = arith.index_cast %swap3A_1153 : i32 to index
        %swap3A_1155 = arith.index_cast %mul3A_972 : i32 to index
        %swap3A_1156 = tpu.vector_load %arg10[%swap3A_1154, %swap3A_1155] {strides = array<i32>} : memref<32x512xf32, #tpu.memory_space<vmem>>, vector<16xf32>,
        tpu.vector_store %arg10[%swap3A_1154, %swap3A_1155], %gather3A_1152 {strides = array<i32>} : memref<32x512xf32, #tpu.memory_space<vmem>>, vector<16xf32>,
        %add3A_1157 = arith.constant 23 : i32
        %add3A_1158 = vector.broadcast %add3A_1157 : i32 to vector<16xi32>
        %add3A_1159 = arith.addi %mul3A_970, %add3A_1158 : vector<16xi32>
        %gather3A_1160 = tpu.vector_load_idx %arg8[%add3A_1159] : memref<16896xf32, #tpu.memory_space<vmem>>[vector<16xi32>], vector<16xf32>,
        %swap3A_1161 = arith.constant 23 : i32
        %swap3A_1162 = arith.index_cast %swap3A_1161 : i32 to index
        %swap3A_1163 = arith.index_cast %mul3A_972 : i32 to index
        %swap3A_1164 = tpu.vector_load %arg10[%swap3A_1162, %swap3A_1163] {strides = array<i32>} : memref<32x512xf32, #tpu.memory_space<vmem>>, vector<16xf32>,
        tpu.vector_store %arg10[%swap3A_1162, %swap3A_1163], %gather3A_1160 {strides = array<i32>} : memref<32x512xf32, #tpu.memory_space<vmem>>, vector<16xf32>,
        %add3A_1165 = arith.constant 24 : i32
        %add3A_1166 = vector.broadcast %add3A_1165 : i32 to vector<16xi32>
        %add3A_1167 = arith.addi %mul3A_970, %add3A_1166 : vector<16xi32>
        %gather3A_1168 = tpu.vector_load_idx %arg8[%add3A_1167] : memref<16896xf32, #tpu.memory_space<vmem>>[vector<16xi32>], vector<16xf32>,
        %swap3A_1169 = arith.constant 24 : i32
        %swap3A_1170 = arith.index_cast %swap3A_1169 : i32 to index
        %swap3A_1171 = arith.index_cast %mul3A_972 : i32 to index
        %swap3A_1172 = tpu.vector_load %arg10[%swap3A_1170, %swap3A_1171] {strides = array<i32>} : memref<32x512xf32, #tpu.memory_space<vmem>>, vector<16xf32>,
        tpu.vector_store %arg10[%swap3A_1170, %swap3A_1171], %gather3A_1168 {strides = array<i32>} : memref<32x512xf32, #tpu.memory_space<vmem>>, vector<16xf32>,
        %add3A_1173 = arith.constant 25 : i32
        %add3A_1174 = vector.broadcast %add3A_1173 : i32 to vector<16xi32>
        %add3A_1175 = arith.addi %mul3A_970, %add3A_1174 : vector<16xi32>
        %gather3A_1176 = tpu.vector_load_idx %arg8[%add3A_1175] : memref<16896xf32, #tpu.memory_space<vmem>>[vector<16xi32>], vector<16xf32>,
        %swap3A_1177 = arith.constant 25 : i32
        %swap3A_1178 = arith.index_cast %swap3A_1177 : i32 to index
        %swap3A_1179 = arith.index_cast %mul3A_972 : i32 to index
        %swap3A_1180 = tpu.vector_load %arg10[%swap3A_1178, %swap3A_1179] {strides = array<i32>} : memref<32x512xf32, #tpu.memory_space<vmem>>, vector<16xf32>,
        tpu.vector_store %arg10[%swap3A_1178, %swap3A_1179], %gather3A_1176 {strides = array<i32>} : memref<32x512xf32, #tpu.memory_space<vmem>>, vector<16xf32>,
        %add3A_1181 = arith.constant 26 : i32
        %add3A_1182 = vector.broadcast %add3A_1181 : i32 to vector<16xi32>
        %add3A_1183 = arith.addi %mul3A_970, %add3A_1182 : vector<16xi32>
        %gather3A_1184 = tpu.vector_load_idx %arg8[%add3A_1183] : memref<16896xf32, #tpu.memory_space<vmem>>[vector<16xi32>], vector<16xf32>,
        %swap3A_1185 = arith.constant 26 : i32
        %swap3A_1186 = arith.index_cast %swap3A_1185 : i32 to index
        %swap3A_1187 = arith.index_cast %mul3A_972 : i32 to index
        %swap3A_1188 = tpu.vector_load %arg10[%swap3A_1186, %swap3A_1187] {strides = array<i32>} : memref<32x512xf32, #tpu.memory_space<vmem>>, vector<16xf32>,
        tpu.vector_store %arg10[%swap3A_1186, %swap3A_1187], %gather3A_1184 {strides = array<i32>} : memref<32x512xf32, #tpu.memory_space<vmem>>, vector<16xf32>,
        %add3A_1189 = arith.constant 27 : i32
        %add3A_1190 = vector.broadcast %add3A_1189 : i32 to vector<16xi32>
        %add3A_1191 = arith.addi %mul3A_970, %add3A_1190 : vector<16xi32>
        %gather3A_1192 = tpu.vector_load_idx %arg8[%add3A_1191] : memref<16896xf32, #tpu.memory_space<vmem>>[vector<16xi32>], vector<16xf32>,
        %swap3A_1193 = arith.constant 27 : i32
        %swap3A_1194 = arith.index_cast %swap3A_1193 : i32 to index
        %swap3A_1195 = arith.index_cast %mul3A_972 : i32 to index
        %swap3A_1196 = tpu.vector_load %arg10[%swap3A_1194, %swap3A_1195] {strides = array<i32>} : memref<32x512xf32, #tpu.memory_space<vmem>>, vector<16xf32>,
        tpu.vector_store %arg10[%swap3A_1194, %swap3A_1195], %gather3A_1192 {strides = array<i32>} : memref<32x512xf32, #tpu.memory_space<vmem>>, vector<16xf32>,
        %add3A_1197 = arith.constant 28 : i32
        %add3A_1198 = vector.broadcast %add3A_1197 : i32 to vector<16xi32>
        %add3A_1199 = arith.addi %mul3A_970, %add3A_1198 : vector<16xi32>
        %gather3A_1200 = tpu.vector_load_idx %arg8[%add3A_1199] : memref<16896xf32, #tpu.memory_space<vmem>>[vector<16xi32>], vector<16xf32>,
        %swap3A_1201 = arith.constant 28 : i32
        %swap3A_1202 = arith.index_cast %swap3A_1201 : i32 to index
        %swap3A_1203 = arith.index_cast %mul3A_972 : i32 to index
        %swap3A_1204 = tpu.vector_load %arg10[%swap3A_1202, %swap3A_1203] {strides = array<i32>} : memref<32x512xf32, #tpu.memory_space<vmem>>, vector<16xf32>,
        tpu.vector_store %arg10[%swap3A_1202, %swap3A_1203], %gather3A_1200 {strides = array<i32>} : memref<32x512xf32, #tpu.memory_space<vmem>>, vector<16xf32>,
        %add3A_1205 = arith.constant 29 : i32
        %add3A_1206 = vector.broadcast %add3A_1205 : i32 to vector<16xi32>
        %add3A_1207 = arith.addi %mul3A_970, %add3A_1206 : vector<16xi32>
        %gather3A_1208 = tpu.vector_load_idx %arg8[%add3A_1207] : memref<16896xf32, #tpu.memory_space<vmem>>[vector<16xi32>], vector<16xf32>,
        %swap3A_1209 = arith.constant 29 : i32
        %swap3A_1210 = arith.index_cast %swap3A_1209 : i32 to index
        %swap3A_1211 = arith.index_cast %mul3A_972 : i32 to index
        %swap3A_1212 = tpu.vector_load %arg10[%swap3A_1210, %swap3A_1211] {strides = array<i32>} : memref<32x512xf32, #tpu.memory_space<vmem>>, vector<16xf32>,
        tpu.vector_store %arg10[%swap3A_1210, %swap3A_1211], %gather3A_1208 {strides = array<i32>} : memref<32x512xf32, #tpu.memory_space<vmem>>, vector<16xf32>,
        %add3A_1213 = arith.constant 30 : i32
        %add3A_1214 = vector.broadcast %add3A_1213 : i32 to vector<16xi32>
        %add3A_1215 = arith.addi %mul3A_970, %add3A_1214 : vector<16xi32>
        %gather3A_1216 = tpu.vector_load_idx %arg8[%add3A_1215] : memref<16896xf32, #tpu.memory_space<vmem>>[vector<16xi32>], vector<16xf32>,
        %swap3A_1217 = arith.constant 30 : i32
        %swap3A_1218 = arith.index_cast %swap3A_1217 : i32 to index
        %swap3A_1219 = arith.index_cast %mul3A_972 : i32 to index
        %swap3A_1220 = tpu.vector_load %arg10[%swap3A_1218, %swap3A_1219] {strides = array<i32>} : memref<32x512xf32, #tpu.memory_space<vmem>>, vector<16xf32>,
        tpu.vector_store %arg10[%swap3A_1218, %swap3A_1219], %gather3A_1216 {strides = array<i32>} : memref<32x512xf32, #tpu.memory_space<vmem>>, vector<16xf32>,
        %add3A_1221 = arith.constant 31 : i32
        %add3A_1222 = vector.broadcast %add3A_1221 : i32 to vector<16xi32>
        %add3A_1223 = arith.addi %mul3A_970, %add3A_1222 : vector<16xi32>
        %gather3A_1224 = tpu.vector_load_idx %arg8[%add3A_1223] : memref<16896xf32, #tpu.memory_space<vmem>>[vector<16xi32>], vector<16xf32>,
        %swap3A_1225 = arith.constant 31 : i32
        %swap3A_1226 = arith.index_cast %swap3A_1225 : i32 to index
        %swap3A_1227 = arith.index_cast %mul3A_972 : i32 to index
        %swap3A_1228 = tpu.vector_load %arg10[%swap3A_1226, %swap3A_1227] {strides = array<i32>} : memref<32x512xf32, #tpu.memory_space<vmem>>, vector<16xf32>,
        tpu.vector_store %arg10[%swap3A_1226, %swap3A_1227], %gather3A_1224 {strides = array<i32>} : memref<32x512xf32, #tpu.memory_space<vmem>>, vector<16xf32>,
      }
      %scan3A_157 = arith.constant 32 : i32
      %dma_start3A_158 = arith.constant 0 : i32
      %dma_start3A_159 = tpu.memref_slice %arg4[%add3A_68, %dma_start3A_158, %mul3A_2] : memref<50x32x16384xf32, #tpu.memory_space<hbm>> -> memref<1x32x512xf32, #tpu.memory_space<hbm>>
      %dma_start3A_160 = tpu.memref_squeeze %dma_start3A_159 : memref<1x32x512xf32, #tpu.memory_space<hbm>> -> memref<32x512xf32, #tpu.memory_space<hbm>>
      %dma_start3A_161 = arith.constant 0 : i32
      %dma_start3A_162 = tpu.memref_slice %arg4[%add3A_68, %dma_start3A_161, %mul3A_2] : memref<50x32x16384xf32, #tpu.memory_space<hbm>> -> memref<1x32x512xf32, #tpu.memory_space<hbm>>
      %dma_start3A_163 = tpu.memref_squeeze %dma_start3A_162 : memref<1x32x512xf32, #tpu.memory_space<hbm>> -> memref<32x512xf32, #tpu.memory_space<hbm>>
      tpu.enqueue_dma source(%arg10 : memref<32x512xf32, #tpu.memory_space<vmem>>) target(%dma_start3A_163 : memref<32x512xf32, #tpu.memory_space<hbm>>) target_semaphore(%arg13 : memref<!tpu.dma_semaphore, #tpu.memory_space<semaphore_mem>>)
    }
    %scan3A_46 = arith.constant 25 : i32
    %dma_wait3A = arith.constant 0 : i32
    %dma_wait3A_47 = arith.constant 0 : i32
    %dma_wait3A_48 = arith.constant 0 : i32
    %dma_wait3A_49 = tpu.memref_slice %arg4[%dma_wait3A, %dma_wait3A_47, %dma_wait3A_48] : memref<50x32x16384xf32, #tpu.memory_space<hbm>> -> memref<1x32x512xf32, #tpu.memory_space<hbm>>
    %dma_wait3A_50 = tpu.memref_squeeze %dma_wait3A_49 : memref<1x32x512xf32, #tpu.memory_space<hbm>> -> memref<32x512xf32, #tpu.memory_space<hbm>>
    %dma_wait3A_51 = arith.constant 0 : i32
    %dma_wait3A_52 = arith.constant 0 : i32
    %dma_wait3A_53 = tpu.memref_slice %arg4[%dma_wait3A, %dma_wait3A_51, %dma_wait3A_52] : memref<50x32x16384xf32, #tpu.memory_space<hbm>> -> memref<1x32x512xf32, #tpu.memory_space<hbm>>
    %dma_wait3A_54 = tpu.memref_squeeze %dma_wait3A_53 : memref<1x32x512xf32, #tpu.memory_space<hbm>> -> memref<32x512xf32, #tpu.memory_space<hbm>>
    tpu.wait_dma2 semaphore(%arg12 : memref<!tpu.dma_semaphore, #tpu.memory_space<semaphore_mem>>) src(%dma_wait3A_54 : memref<32x512xf32, #tpu.memory_space<hbm>>) dst(%arg9 : memref<32x512xf32, #tpu.memory_space<vmem>>)
    %dma_wait3A_55 = arith.constant 0 : i32
    %dma_wait3A_56 = arith.constant 0 : i32
    %dma_wait3A_57 = arith.constant 0 : i32
    %dma_wait3A_58 = tpu.memref_slice %arg4[%dma_wait3A_55, %dma_wait3A_56, %dma_wait3A_57] : memref<50x32x16384xf32, #tpu.memory_space<hbm>> -> memref<1x32x512xf32, #tpu.memory_space<hbm>>
    %dma_wait3A_59 = tpu.memref_squeeze %dma_wait3A_58 : memref<1x32x512xf32, #tpu.memory_space<hbm>> -> memref<32x512xf32, #tpu.memory_space<hbm>>
    %dma_wait3A_60 = arith.constant 0 : i32
    %dma_wait3A_61 = arith.constant 0 : i32
    %dma_wait3A_62 = tpu.memref_slice %arg4[%dma_wait3A_55, %dma_wait3A_60, %dma_wait3A_61] : memref<50x32x16384xf32, #tpu.memory_space<hbm>> -> memref<1x32x512xf32, #tpu.memory_space<hbm>>
    %dma_wait3A_63 = tpu.memref_squeeze %dma_wait3A_62 : memref<1x32x512xf32, #tpu.memory_space<hbm>> -> memref<32x512xf32, #tpu.memory_space<hbm>>
    tpu.wait_dma2 semaphore(%arg13 : memref<!tpu.dma_semaphore, #tpu.memory_space<semaphore_mem>>) src(%dma_wait3A_63 : memref<32x512xf32, #tpu.memory_space<hbm>>) dst(%arg10 : memref<32x512xf32, #tpu.memory_space<vmem>>)
    return
  }
}

</mosaic_0001>

<sc_bundles>
// kernel: kernel.3.cloned.1.call-start
scs
__scs_entry_jumppad:
0x0: {  	(pc) =	sbr.rel $0x88, $3  }
0x1: {  	(tag) =	ssettag $0x0;
	lr =	simm.s32 $0x1  }
0x2: {  	[smem:$0x3F9F] =	sst lr;
	_ =	strace $0xD0000000  }
0x3: {  	_ = 	snop  }
0x4: {  	_ = 	snop  }
0x5: {  	_ = 	snop  }
0x6: {  	_ = 	snop  }
0x7: {  	_ = 	snop  }
__scs_overlays_trampoline_lowered:
0x8: {  	[smem:$0x3FAE] =	sst s0  }
0x9: {  	[smem:$0x3FAF] =	sst s1  }
0xa: {  	[smem:$0x3FB0] =	sst s2  }
0xb: {  	[smem:$0x3FB1] =	sst s3  }
0xc: {  	[smem:$0x3FB2] =	sst s4  }
0xd: {  	[smem:$0x3FB3] =	sst s5  }
0xe: {  	[smem:$0x3FB4] =	sst s6  }
0xf: {  	[smem:$0x3FB5] =	sst s7  }
0x10: {  	[smem:$0x3FB6] =	sst s8  }
0x11: {  	[smem:$0x3FB7] =	sst s9;
	s0 =	simm.s32 @!p0 $0x0  }
0x12: {  	s1 =	sld [smem:$0x3F9D];
	s0 =	simm.s32 @p0 $0x1  }
0x13: {  	[smem:$0x3FB8] =	sst s0;
	s0 =	simm.s32 @!p1 $0x0  }
0x14: {  	s2 =	sld [smem:$0x3F9C];
	s0 =	simm.s32 @p1 $0x1  }
0x15: {  	[smem:$0x3FB9] =	sst s0;
	s0 =	simm.s32 @!p2 $0x0  }
0x16: {  	s3 =	sld [smem:$0x3FDB];
	s0 =	simm.s32 @p2 $0x1  }
0x17: {  	s4 =	simm.s32 $0x1BF5;
	[smem:$0x3FBB] =	sst s0  }
0x18: {  	s0 =	sld [smem:$0x3F9E];
	_ =	swait.ge [sflag:s4], $0x0  }
0x19: {  	s7 =	sld [smem:$0x3F9F]  }
0x1a: {  	s8 =	sadd.s32 $0xFFFFE003, lr  }
0x1b: {  	s9 =	sadd.s32 $0xFFFFFEF7, lr;
	s5 =	simm.s32 $0xFFFFFFFF;
	p2 =	slt.u32 s8, $0xFFFFF086  }
0x1c: {  	p1 =	slt.u32 s9, $0xF7A;
	s5 =	simm.s32 @!p2 $0x0  }
0x1d: {  	s5 =	simm.s32 @p1 $0x1;
	p0 =	seq.s32 s7, s2  }
0x1e: {  	s7 =	smul.u32 @!p0 $0xF7A, s2;
	p2 =	seq.s32 @!p0 s5, $0x0  }
0x1f: {  	s9 =	smul.u32 $0xF7A, s1;
	s8 =	simm.s32 @!p0 $0x1BF5;
	p2 =	por !p2, p0  }
0x20: {  	[sflag:s8] =	ssyncset.s32 @!p0 $0xFFFFF086;
	s6 =	sadd.s32 @!p0 s3, s7;
	s7 =	simm.s32 @!p0 $0x108  }
0x21: {  	s3 =	sadd.s32 s3, s9;
	s6 =	sadd.s32 @!p0 $0x88, s6;
	s7 =	simm.s32 @p2 $0x1082  }
0x22: {  	[simem:s7], [sflag:s8] =	dma.local @!p0 [hbm:s6], $0xF7A  }
0x23: {  	s9 =	sor.u32 $0xD0000000, s2;
	s6 =	simm.s32 $0x108;
	_ =	swait.ge @!p0 [sflag:s8], $0x0  }
0x24: {  	s3 =	sadd.s32 $0x88, s3;
	s6 =	simm.s32 @!p1 $0x1082;
	[sflag:s4] =	ssyncset.s32 $0xFFFFF086  }
0x25: {  	[simem:s6], [sflag:s4] =	dma.local [hbm:s3], $0xF7A  }
0x26: {  	[smem:$0x3F9F] =	sst s1;
	(tag) =	ssettag s2;
	_ =	strace s9  }
0x27: {  	s1 =	sld [smem:$0x3FAF]  }
0x28: {  	s2 =	sld [smem:$0x3FB0]  }
0x29: {  	s4 =	sld [smem:$0x3FB2]  }
0x2a: {  	p0 =	seq.s32 s5, $0x0;
	s5 =	sld [smem:$0x3FB3]  }
0x2b: {  	s6 =	sld [smem:$0x3FB4]  }
0x2c: {  	s7 =	sld [smem:$0x3FB5]  }
0x2d: {  	s3 =	simm.s32 $0x108;
	s8 =	sld [smem:$0x3FB6]  }
0x2e: {  	s3 =	simm.s32 @!p0 $0x1082;
	s9 =	sld [smem:$0x3FB7]  }
0x2f: {  	lr =	sadd.s32 s0, s3;
	s0 =	sld [smem:$0x3FAE]  }
0x30: {  	s3 =	sld [smem:$0x3FB1]  }
0x31: {  	[smem:$0x3FBA] =	sst s10  }
0x32: {  	s10 =	sld [smem:$0x3FB8];
	_ =	sdelay $0x3  }
0x33: {  	p0 =	seq.s32 s10, $0x1;
	s10 =	sld [smem:$0x3FBA];
	_ =	sdelay $0x3  }
0x34: {  	[smem:$0x3FBA] =	sst s10  }
0x35: {  	s10 =	sld [smem:$0x3FB9];
	_ =	sdelay $0x3  }
0x36: {  	p1 =	seq.s32 s10, $0x1;
	s10 =	sld [smem:$0x3FBA];
	_ =	sdelay $0x3  }
0x37: {  	[smem:$0x3FBA] =	sst s10  }
0x38: {  	s10 =	sld [smem:$0x3FBB]  }
0x39: {  	_ = 	snop;
	(pc) =	sbr.ind lr, $3  }
0x3a: {  	_ = 	snop  }
0x3b: {  	_ = 	snop  }
0x3c: {  	p2 =	seq.s32 s10, $0x1;
	s10 =	sld [smem:$0x3FBA]  }
0x3d: {  	_ =	shalt  }
0x3e: {  	_ =	shalt  }
0x3f: {  	_ =	shalt  }
0x40: {  	_ =	shalt  }
0x41: {  	_ =	shalt  }
0x42: {  	_ =	shalt  }
0x43: {  	_ =	shalt  }
0x44: {  	_ =	shalt  }
0x45: {  	_ =	shalt  }
0x46: {  	_ =	shalt  }
0x47: {  	_ =	shalt  }
0x48: {  	_ =	shalt  }
0x49: {  	_ =	shalt  }
0x4a: {  	_ =	shalt  }
0x4b: {  	_ =	shalt  }
0x4c: {  	_ =	shalt  }
0x4d: {  	_ =	shalt  }
0x4e: {  	_ =	shalt  }
0x4f: {  	_ =	shalt  }
0x50: {  	_ =	shalt  }
0x51: {  	_ =	shalt  }
0x52: {  	_ =	shalt  }
0x53: {  	_ =	shalt  }
0x54: {  	_ =	shalt  }
0x55: {  	_ =	shalt  }
0x56: {  	_ =	shalt  }
0x57: {  	_ =	shalt  }
0x58: {  	_ =	shalt  }
0x59: {  	_ =	shalt  }
0x5a: {  	_ =	shalt  }
0x5b: {  	_ =	shalt  }
0x5c: {  	_ =	shalt  }
0x5d: {  	_ =	shalt  }
0x5e: {  	_ =	shalt  }
0x5f: {  	_ =	shalt  }
0x60: {  	_ =	shalt  }
0x61: {  	_ =	shalt  }
0x62: {  	_ =	shalt  }
0x63: {  	_ =	shalt  }
0x64: {  	_ =	shalt  }
0x65: {  	_ =	shalt  }
0x66: {  	_ =	shalt  }
0x67: {  	_ =	shalt  }
0x68: {  	_ =	shalt  }
0x69: {  	_ =	shalt  }
0x6a: {  	_ =	shalt  }
0x6b: {  	_ =	shalt  }
0x6c: {  	_ =	shalt  }
0x6d: {  	_ =	shalt  }
0x6e: {  	_ =	shalt  }
0x6f: {  	_ =	shalt  }
0x70: {  	_ =	shalt  }
0x71: {  	_ =	shalt  }
0x72: {  	_ =	shalt  }
0x73: {  	_ =	shalt  }
0x74: {  	_ =	shalt  }
0x75: {  	_ =	shalt  }
0x76: {  	_ =	shalt  }
0x77: {  	_ =	shalt  }
0x78: {  	_ =	shalt  }
0x79: {  	_ =	shalt  }
0x7a: {  	_ =	shalt  }
0x7b: {  	_ =	shalt  }
0x7c: {  	_ =	shalt  }
0x7d: {  	_ =	shalt  }
0x7e: {  	_ =	shalt  }
0x7f: {  	_ =	shalt  }
0x80: {  	_ =	shalt  }
0x81: {  	_ =	shalt  }
0x82: {  	_ =	shalt  }
0x83: {  	_ =	shalt  }
0x84: {  	_ =	shalt  }
0x85: {  	_ =	shalt  }
0x86: {  	_ =	shalt  }
0x87: {  	_ =	shalt  }
.Lfunc_end0:
.L_simem_size_0:
called_computation_lowered:
.L_overlay_start_0:
0x88: {  	s2 =	sld [smem:$0x3FD9]  }
0x89: {  	s3 =	sld [smem:$0x3FFE];
	_ =	sdelay $0x1  }
0x8a: {  	s1 =	srdreg.scid  }
0x8b: {  	s0 =	sand.u32 $0x1, s1  }
0x8c: {  	s17 =	sshll.u32 s0, $0xA;
	s2 =	sadd.s32 s3, s2  }
0x8d: {  	s2 =	sadd.s32 s2, s17  }
0x8e: {  	[smem:$0x3FC6] =	sst s2  }
0x8f: {  	_ = 	snop  }
0x90: {  	s2 =	sld [smem:$0x3FD0];
	(tm) =	ssettm $0x1  }
0x91: {  	s18 =	sld [smem:$0x3FFB];
	_ =	sdelay $0x3  }
0x92: {  	_ =	strace s18  }
0x93: {  	s3 =	sld [smem:$0x3FFC];
	_ =	sdelay $0x3  }
0x94: {  	_ =	strace s3  }
0x95: {  	s3 =	sld [smem:$0x3FFD];
	_ =	sdelay $0x3  }
0x96: {  	_ =	strace s3  }
0x97: {  	_ =	strace $0x8FFFFFFF  }
0x98: {  	s19 =	sld [smem:$0x3FDB];
	_ =	sdelay $0x1  }
0x99: {  	s4 =	simm.s32 $_scs_section_size  }
0x9a: {  	s5 =	simm.s32 $_size__tile_overlayer_lowered;
	s6 =	simm.s32 $_tile_overlayer_lowered  }
0x9b: {  	s22 =	simm.s32 $0x1BFF;
	s21 =	sshll.u32 s6, $0x1;
	s3 =	sadd.s32 s4, s19  }
0x9c: {  	s7 =	simm.s32 $0x0;
	s20 =	sshll.u32 s5, $0x1;
	s5 =	sadd.s32 s21, s3  }
0x9d: {  	[timem:s7], [sflag:s22] =	dma.local [hbm:s5], s20  }
0x9e: {  	_ =	swait.ge [sflag:s22], s20  }
0x9f: {  	s4 =	ssub.s32 $0x0, s20;
	[sflag:s22] =	ssyncset.done $0x0  }
0xa0: {  	[sflag:s22] =	ssyncadd.s32 s4;
	_ =	sdelay $0x1  }
0xa1: {  	s23 =	simm.s32 $0x1B8B  }
0xa2: {  	_ =	swait.ge [sflag:s23], $0x1  }
0xa3: {  	[sflag:s23] =	ssyncset.done $0x0  }
0xa4: {  	s25 =	simm.s32 $0x1B8E;
	s24 =	sld [smem:$0x3FFE];
	[sflag:s23] =	ssyncadd.s32 $0xFFFFFFFF  }
0xa5: {  	s26 =	simm.s32 $execute0_lowered;
	[smem:$0x3FD2] =	sst s25  }
0xa6: {  	s5 =	sshll.u32 s26, $0x1;
	_ =	strace $0x80000046;
	[dreg:$0x1] =	wrdreg $0xFFFFFFFF  }
0xa7: {  	s28 =	simm.s32 $_size_execute0_lowered;
	s3 =	sadd.s32 s3, s5;
	[dreg:$0x0] =	wrdreg $0x0  }
0xa8: {  	s5 =	sshll.u32 s28, $0x1;
	[dreg:$0x2] =	wrdreg s3  }
0xa9: {  	[dreg:$0x3] =	wrdreg s5  }
0xaa: {  	[dreg:$0x4] =	wrdreg $0xC0  }
0xab: {  	_ =	task [dreg:s7], $0x5FFFF  }
0xac: {  	[dreg:$0x1] =	wrdreg $0xFFFFFFFF  }
0xad: {  	[dreg:$0x0] =	wrdreg $0x60  }
0xae: {  	[dreg:$0x2] =	wrdreg s2  }
0xaf: {  	[dreg:$0x3] =	wrdreg s24  }
0xb0: {  	[dreg:$0x4] =	wrdreg $0x9  }
0xb1: {  	_ =	task.clear_ibuf [dreg:s7], $0x5FFFF;
	_ =	strace $0x90000046  }
0xb2: {  	s29 =	simm.s32 $0x9;
	_ =	strace $0x80000048  }
0xb3: {  	_ =	swait.ge [sflag:s29], $0x1  }
0xb4: {  	[sflag:s29] =	ssyncadd.s32 $0xFFFFFFFF  }
0xb5: {  	_ =	strace $0x90000048  }
0xb6: {  	_ =	sfence  }
0xb7: {  	s30 =	sld [smem:$0x0];
	_ =	sdelay $0x2  }
0xb8: {  	s31 =	sshll.u32 s1, $0xD;
	s1 =	sshrl.u32 s1, $0x2  }
0xb9: {  	s3 =	sand.u32 $0x4000, s31;
	s1 =	sadd.s32 s1, s30  }
0xba: {  	s0 =	sor.u32 s3, s0;
	s1 =	sshll.u32 s1, $0x11  }
0xbb: {  	s0 =	sor.u32 s1, s0  }
0xbc: {  	s0 =	sadd.s32 $0x8F2B, s0  }
0xbd: {  	[sflag:s0] =	ssyncadd.remote.s32 $0x1  }
0xbe: {  	_ =	sfence.sel $0xFFFF  }
0xbf: {  	[dreg:$0x0] =	wrdreg $0xFFFFFFFF;
	(pc) =	sbr.abs _section_cstart, $3  }
0xc0: {  	[dreg:$0x1] =	wrdreg $0xFFFFFFFF  }
0xc1: {  	_ =	task.clear_ibuf [dreg:s7], $0x2FFFF;
	_ =	strace $0x9FFFFFFF  }
0xc2: {  	(tm) =	ssettm $0x7FFFFFFF  }
0xc3: {  	_ =	shalt  }
tec
execute0_lowered:
.L_overlay_start_1:
0x0: {  	(tag) =	ssettag $0x1  }
0x1: {  	v1 =	vlaneseq.u32  }
0x2: {  	v2 =	vimm.s32 $0x7654321;
	v3 =	vimm.s32 $0x10765432;
	v9 =	vimm.s32 $0x32107654  }
0x3: {  	v10 =	vimm.s32 $0x43210765;
	v12 =	vimm.s32 $0x65432107;
	v0 =	vmul.u32 $0x21, v1  }
0x4: {  	v4 =	vunpack.c.l.s4.s8 v2;
	v5 =	vunpack.c.l.s4.s8 v3;
	v3 =	vimm.s32 $0x21076543  }
0x5: {  	v1 =	vand.u32 $0x7, v1;
	v9 =	vunpack.c.l.s4.s8 v9;
	v11 =	vunpack.c.l.s4.s8 v10  }
0x6: {  	v10 =	vimm.s32 $0x54321076;
	v15 =	vunpack.c.l.s4.s8 v12;
	v7 =	vunpack.c.l.s4.s8 v3  }
0x7: {  	s0 =	rddreg [dreg:$0x0];
	v13 =	vunpack.c.l.s4.s8 v10;
	v2 =	vadd.s32 $0x1, v0;
	v3 =	vunpack.c.0.s8.s32 v4  }
0x8: {  	s2 =	rddreg [dreg:$0x1];
	s1 =	simm.s32 $0x0;
	s3 =	srdreg.scid;
	v4 =	vadd.s32 $0x2, v0;
	v5 =	vunpack.c.0.s8.s32 v5;
	v6 =	vadd.s32 $0x3, v0  }
0x9: {  	s4 =	stileid.u32;
	s8 =	simm.s32 $0x200;
	s9 =	simm.s32 $0x4000;
	v8 =	vadd.s32 $0x4, v0;
	v9 =	vunpack.c.0.s8.s32 v9;
	v10 =	vadd.s32 $0x5, v0  }
0xa: {  	s10 =	simm.s32 $0x4;
	s11 =	simm.s32 $0x80;
	s15 =	simm.s32 $0x8400;
	v11 =	vunpack.c.0.s8.s32 v11;
	v12 =	vadd.s32 $0x6, v0;
	v14 =	vadd.s32 $0x7, v0  }
0xb: {  	s16 =	simm.s32 $0x180;
	s17 =	simm.s32 $0x9400;
	s18 =	simm.s32 $0x1;
	v15 =	vunpack.c.0.s8.s32 v15;
	v16 =	vadd.s32 $0x8, v0;
	v17 =	vadd.s32 $0x9, v0  }
0xc: {  	s19 =	simm.s32 $0xA400;
	s20 =	simm.s32 $0xB400;
	s21 =	simm.s32 $0xC400;
	v18 =	vadd.s32 $0xA, v0;
	v19 =	vadd.s32 $0xB, v0;
	v20 =	vadd.s32 $0xC, v0  }
0xd: {  	s22 =	simm.s32 $0xD400;
	s23 =	simm.s32 $0xE400;
	s24 =	simm.s32 $0x12600;
	v21 =	vadd.s32 $0xD, v0;
	v22 =	vadd.s32 $0xE, v0;
	v23 =	vadd.s32 $0xF, v0  }
0xe: {  	s25 =	simm.s32 $0x16600;
	s26 =	simm.s32 $0x2;
	s28 =	simm.s32 $0x3;
	v24 =	vadd.s32 $0x10, v0;
	v25 =	vadd.s32 $0x11, v0;
	v26 =	vadd.s32 $0x12, v0  }
0xf: {  	s29 =	simm.s32 $0x0;
	[smem:$0x7FF] =	sst s1;
	s3 =	sand.u32 $0x1, s3;
	v27 =	vadd.s32 $0x13, v0;
	v28 =	vadd.s32 $0x14, v0;
	v29 =	vadd.s32 $0x15, v0  }
0x10: {  	s4 =	sshll.u32 s4, $0xA;
	s5 =	ssub.s32 $0x2, s3;
	s3 =	sshll.u32 s3, $0x9;
	v30 =	vadd.s32 $0x16, v0;
	v31 =	vadd.s32 $0x17, v0;
	v32 =	vadd.s32 $0x18, v0  }
0x11: {  	_ =	strace $0x80000047;
	s6 =	sshrl.u32 s5, $0x1;
	s3 =	sor.u32 s3, s4;
	v33 =	vadd.s32 $0x19, v0;
	v34 =	vadd.s32 $0x1A, v0;
	v35 =	vadd.s32 $0x1B, v0  }
0x12: {  	s4 =	sadd.s32 $0xF42A00, s2;
	v36 =	vadd.s32 $0x1C, v0;
	v37 =	vadd.s32 $0x1D, v0;
	v38 =	vadd.s32 $0x1E, v0;
	s7 =	ssub.s32 s5, s6;
	s31 =	sshrl.u32 s3, $0x3  }
0x13: {  	v39 =	vadd.s32 $0x1F, v0;
	v7 =	vunpack.c.0.s8.s32 v7;
	v13 =	vunpack.c.0.s8.s32 v13;
	s5 =	sadd.s32 $0x600, s2;
	s6 =	sadd.s32 s0, s31;
	s7 =	smax.u32 s7, $0x1  }
.LBB2_1:
0x14: {  	[tilespmem:s1], [sflag:$0x4] =	stream.strided.gather [hbm4b:s6+s8], $0x6400, s9, s8, $0x38;
	[tilespmem:$0x1A600] =	vst v63  }
0x15: {  	_ =	swait.ge [sflag:s10], $0x6400  }
0x16: {  	[sflag:s10] =	ssyncset.done $0x0  }
0x17: {  	s0 =	simm.s32 $0x6400;
	[sflag:s10] =	ssyncadd.s32 $0xFFFF9C00  }
0x18: {  	[tilespmem:s0], [sflag:$0x1] =	stream.indirect.gather [hbm4b:s4+s11], $0x20, s1, s11, $0xb8;
	[tilespmem:$0x1A600] =	vst v63  }
0x19: {  	s14 =	simm.s32 $0x7400  }
0x1a: {  	[tilespmem:s14], [sflag:$0x1] =	stream.indirect.gather [hbm4b:s4+s11], $0x20, s11, s11, $0xb8;
	[tilespmem:$0x1A600] =	vst v63  }
0x1b: {  	s31 =	simm.s32 $0x100  }
0x1c: {  	[tilespmem:s15], [sflag:$0x1] =	stream.indirect.gather [hbm4b:s4+s11], $0x20, s31, s11, $0xb8;
	[tilespmem:$0x1A600] =	vst v63  }
0x1d: {  	s30 =	simm.s32 $0x0  }
0x1e: {  	[tilespmem:s17], [sflag:$0x1] =	stream.indirect.gather [hbm4b:s4+s11], $0x20, s16, s11, $0xb8;
	[tilespmem:$0x1A600] =	vst v63  }
.LBB2_2:
0x1f: {  	s31 =	sshllo.u32 s30, $0x1;
	_ =	swait.ge [sflag:s18], $0x4000  }
0x20: {  	[sflag:s18] =	ssyncset.done $0x0;
	s0 =	sshll.u32 s31, $0x9  }
0x21: {  	[sflag:s18] =	ssyncadd.s32 $0xFFFFC000;
	s0 =	sand.u32 $0x3FFFFE00, s0  }
0x22: {  	[tilespmem:s19], [sflag:$0x1] =	stream.indirect.gather [hbm4b:s4+s11], $0x20, s0, s11, $0xb8;
	[tilespmem:$0x1A600] =	vst v63  }
0x23: {  	s2 =	sor.u32 $0x80, s0  }
0x24: {  	[tilespmem:s20], [sflag:$0x1] =	stream.indirect.gather [hbm4b:s4+s11], $0x20, s2, s11, $0xb8;
	[tilespmem:$0x1A600] =	vst v63  }
0x25: {  	s13 =	sor.u32 $0x100, s0  }
0x26: {  	[tilespmem:s21], [sflag:$0x1] =	stream.indirect.gather [hbm4b:s4+s11], $0x20, s13, s11, $0xb8;
	[tilespmem:$0x1A600] =	vst v63  }
0x27: {  	p0 =	seq.s32 s30, $0x0;
	s0 =	sor.u32 $0x180, s0  }
0x28: {  	[tilespmem:s22], [sflag:$0x1] =	stream.indirect.gather [hbm4b:s4+s11], $0x20, s0, s11, $0xb8;
	[tilespmem:$0x1A600] =	vst v63  }
0x29: {  	s0 =	simm.s32 @!p0 $0x2  }
0x2a: {  	_ =	swait.ge @!p0 [sflag:s0], $0x4000  }
0x2b: {  	[sflag:s0] =	ssyncset.done @!p0 $0x0  }
0x2c: {  	s14 =	simm.s32 $0x6500;
	[sflag:s0] =	ssyncadd.s32 @!p0 $0xFFFFC000  }
0x2d: {  	v40 =	vld [tilespmem:s14+$0xFFFFFF00];
	_ =	sdelay $0x3  }
0x2e: {  	s2 =	simm.s32 $0xE508  }
0x2f: {  	[tilespmem:s2+$0xFFFFFEF8] =	vst v40  }
0x30: {  	v40 =	vld [tilespmem:s14+$0xFFFFFF10];
	_ =	sdelay $0x4  }
0x31: {  	[tilespmem:s2+$0xFFFFFF08] =	vst v40  }
0x32: {  	v40 =	vld [tilespmem:s14+$0xFFFFFF20];
	_ =	sdelay $0x4  }
0x33: {  	[tilespmem:s2+$0xFFFFFF19] =	vst v40  }
0x34: {  	v40 =	vld [tilespmem:s14+$0xFFFFFF30];
	_ =	sdelay $0x4  }
0x35: {  	[tilespmem:s2+$0xFFFFFF29] =	vst v40  }
0x36: {  	v40 =	vld [tilespmem:s14+$0xFFFFFF40];
	_ =	sdelay $0x4  }
0x37: {  	[tilespmem:s2+$0xFFFFFF3A] =	vst v40  }
0x38: {  	v40 =	vld [tilespmem:s14+$0xFFFFFF50];
	_ =	sdelay $0x4  }
0x39: {  	[tilespmem:s2+$0xFFFFFF4A] =	vst v40  }
0x3a: {  	v40 =	vld [tilespmem:s14+$0xFFFFFF60];
	_ =	sdelay $0x4  }
0x3b: {  	[tilespmem:s2+$0xFFFFFF5B] =	vst v40  }
0x3c: {  	v40 =	vld [tilespmem:s14+$0xFFFFFF70];
	_ =	sdelay $0x4  }
0x3d: {  	[tilespmem:s2+$0xFFFFFF6B] =	vst v40  }
0x3e: {  	v40 =	vld [tilespmem:s14+$0xFFFFFF80];
	_ =	sdelay $0x4  }
0x3f: {  	[tilespmem:s2+$0xFFFFFF7C] =	vst v40  }
0x40: {  	v40 =	vld [tilespmem:s14+$0xFFFFFF90];
	_ =	sdelay $0x4  }
0x41: {  	[tilespmem:s2+$0xFFFFFF8C] =	vst v40  }
0x42: {  	v40 =	vld [tilespmem:s14+$0xFFFFFFA0];
	_ =	sdelay $0x4  }
0x43: {  	[tilespmem:s2+$0xFFFFFF9D] =	vst v40  }
0x44: {  	v40 =	vld [tilespmem:s14+$0xFFFFFFB0];
	_ =	sdelay $0x4  }
0x45: {  	[tilespmem:s2+$0xFFFFFFAD] =	vst v40  }
0x46: {  	v40 =	vld [tilespmem:s14+$0xFFFFFFC0];
	_ =	sdelay $0x4  }
0x47: {  	[tilespmem:s2+$0xFFFFFFBE] =	vst v40  }
0x48: {  	v40 =	vld [tilespmem:s14+$0xFFFFFFD0];
	_ =	sdelay $0x4  }
0x49: {  	[tilespmem:s2+$0xFFFFFFCE] =	vst v40  }
0x4a: {  	v40 =	vld [tilespmem:s14+$0xFFFFFFE0];
	_ =	sdelay $0x4  }
0x4b: {  	[tilespmem:s2+$0xFFFFFFDF] =	vst v40  }
0x4c: {  	v40 =	vld [tilespmem:s14+$0xFFFFFFF0];
	_ =	sdelay $0x4  }
0x4d: {  	[tilespmem:s2+$0xFFFFFFEF] =	vst v40  }
0x4e: {  	v40 =	vld [tilespmem:s14+$0x0];
	_ =	sdelay $0x4  }
0x4f: {  	[tilespmem:s2+$0x0] =	vst v40  }
0x50: {  	v40 =	vld [tilespmem:s14+$0x10];
	_ =	sdelay $0x4  }
0x51: {  	[tilespmem:s2+$0x10] =	vst v40  }
0x52: {  	v40 =	vld [tilespmem:s14+$0x20];
	_ =	sdelay $0x4  }
0x53: {  	[tilespmem:s2+$0x21] =	vst v40  }
0x54: {  	v40 =	vld [tilespmem:s14+$0x30];
	_ =	sdelay $0x4  }
0x55: {  	[tilespmem:s2+$0x31] =	vst v40  }
0x56: {  	v40 =	vld [tilespmem:s14+$0x40];
	_ =	sdelay $0x4  }
0x57: {  	[tilespmem:s2+$0x42] =	vst v40  }
0x58: {  	v40 =	vld [tilespmem:s14+$0x50];
	_ =	sdelay $0x4  }
0x59: {  	[tilespmem:s2+$0x52] =	vst v40  }
0x5a: {  	v40 =	vld [tilespmem:s14+$0x60];
	_ =	sdelay $0x4  }
0x5b: {  	[tilespmem:s2+$0x63] =	vst v40  }
0x5c: {  	v40 =	vld [tilespmem:s14+$0x70];
	_ =	sdelay $0x4  }
0x5d: {  	[tilespmem:s2+$0x73] =	vst v40  }
0x5e: {  	v40 =	vld [tilespmem:s14+$0x80];
	_ =	sdelay $0x4  }
0x5f: {  	[tilespmem:s2+$0x84] =	vst v40  }
0x60: {  	v40 =	vld [tilespmem:s14+$0x90];
	_ =	sdelay $0x4  }
0x61: {  	[tilespmem:s2+$0x94] =	vst v40  }
0x62: {  	v40 =	vld [tilespmem:s14+$0xA0];
	_ =	sdelay $0x4  }
0x63: {  	[tilespmem:s2+$0xA5] =	vst v40  }
0x64: {  	v40 =	vld [tilespmem:s14+$0xB0];
	_ =	sdelay $0x4  }
0x65: {  	[tilespmem:s2+$0xB5] =	vst v40  }
0x66: {  	v40 =	vld [tilespmem:s14+$0xC0];
	_ =	sdelay $0x4  }
0x67: {  	[tilespmem:s2+$0xC6] =	vst v40  }
0x68: {  	v40 =	vld [tilespmem:s14+$0xD0];
	_ =	sdelay $0x4  }
0x69: {  	[tilespmem:s2+$0xD6] =	vst v40  }
0x6a: {  	v40 =	vld [tilespmem:s14+$0xE0];
	_ =	sdelay $0x4  }
0x6b: {  	[tilespmem:s2+$0xE7] =	vst v40  }
0x6c: {  	v40 =	vld [tilespmem:s14+$0xF0];
	_ =	sdelay $0x4  }
0x6d: {  	s12 =	simm.s32 $0x0;
	s13 =	simm.s32 $0x6700;
	s0 =	simm.s32 $0x14600;
	[tilespmem:s2+$0xF7] =	vst v40  }
.LBB2_3:
0x6e: {  	v40 =	vld [tilespmem:s13+$0xFFFFFF00];
	s12 =	sadd.s32 $0x10, s12  }
0x6f: {  	p0 =	slt.u32 s12, $0x1F0;
	_ =	sdelay $0x2  }
0x70: {  	s2 =	sadd.s32 $0x210, s2  }
0x71: {  	[tilespmem:s2+$0xFFFFFEF8] =	vst v40  }
0x72: {  	v40 =	vld [tilespmem:s13+$0xFFFFFF10];
	_ =	sdelay $0x4  }
0x73: {  	[tilespmem:s2+$0xFFFFFF08] =	vst v40  }
0x74: {  	v40 =	vld [tilespmem:s13+$0xFFFFFF20];
	_ =	sdelay $0x4  }
0x75: {  	[tilespmem:s2+$0xFFFFFF19] =	vst v40  }
0x76: {  	v40 =	vld [tilespmem:s13+$0xFFFFFF30];
	_ =	sdelay $0x4  }
0x77: {  	[tilespmem:s2+$0xFFFFFF29] =	vst v40  }
0x78: {  	v40 =	vld [tilespmem:s13+$0xFFFFFF40];
	_ =	sdelay $0x4  }
0x79: {  	[tilespmem:s2+$0xFFFFFF3A] =	vst v40  }
0x7a: {  	v40 =	vld [tilespmem:s13+$0xFFFFFF50];
	_ =	sdelay $0x4  }
0x7b: {  	[tilespmem:s2+$0xFFFFFF4A] =	vst v40  }
0x7c: {  	v40 =	vld [tilespmem:s13+$0xFFFFFF60];
	_ =	sdelay $0x4  }
0x7d: {  	[tilespmem:s2+$0xFFFFFF5B] =	vst v40  }
0x7e: {  	v40 =	vld [tilespmem:s13+$0xFFFFFF70];
	_ =	sdelay $0x4  }
0x7f: {  	[tilespmem:s2+$0xFFFFFF6B] =	vst v40  }
0x80: {  	v40 =	vld [tilespmem:s13+$0xFFFFFF80];
	_ =	sdelay $0x4  }
0x81: {  	[tilespmem:s2+$0xFFFFFF7C] =	vst v40  }
0x82: {  	v40 =	vld [tilespmem:s13+$0xFFFFFF90];
	_ =	sdelay $0x4  }
0x83: {  	[tilespmem:s2+$0xFFFFFF8C] =	vst v40  }
0x84: {  	v40 =	vld [tilespmem:s13+$0xFFFFFFA0];
	_ =	sdelay $0x4  }
0x85: {  	[tilespmem:s2+$0xFFFFFF9D] =	vst v40  }
0x86: {  	v40 =	vld [tilespmem:s13+$0xFFFFFFB0];
	_ =	sdelay $0x4  }
0x87: {  	[tilespmem:s2+$0xFFFFFFAD] =	vst v40  }
0x88: {  	v40 =	vld [tilespmem:s13+$0xFFFFFFC0];
	_ =	sdelay $0x4  }
0x89: {  	[tilespmem:s2+$0xFFFFFFBE] =	vst v40  }
0x8a: {  	v40 =	vld [tilespmem:s13+$0xFFFFFFD0];
	_ =	sdelay $0x4  }
0x8b: {  	[tilespmem:s2+$0xFFFFFFCE] =	vst v40  }
0x8c: {  	v40 =	vld [tilespmem:s13+$0xFFFFFFE0];
	_ =	sdelay $0x4  }
0x8d: {  	[tilespmem:s2+$0xFFFFFFDF] =	vst v40  }
0x8e: {  	v40 =	vld [tilespmem:s13+$0xFFFFFFF0];
	_ =	sdelay $0x4  }
0x8f: {  	[tilespmem:s2+$0xFFFFFFEF] =	vst v40  }
0x90: {  	v40 =	vld [tilespmem:s13+$0x0];
	_ =	sdelay $0x4  }
0x91: {  	[tilespmem:s2+$0x0] =	vst v40  }
0x92: {  	v40 =	vld [tilespmem:s13+$0x10];
	_ =	sdelay $0x4  }
0x93: {  	[tilespmem:s2+$0x10] =	vst v40  }
0x94: {  	v40 =	vld [tilespmem:s13+$0x20];
	_ =	sdelay $0x4  }
0x95: {  	[tilespmem:s2+$0x21] =	vst v40  }
0x96: {  	v40 =	vld [tilespmem:s13+$0x30];
	_ =	sdelay $0x4  }
0x97: {  	[tilespmem:s2+$0x31] =	vst v40  }
0x98: {  	v40 =	vld [tilespmem:s13+$0x40];
	_ =	sdelay $0x4  }
0x99: {  	[tilespmem:s2+$0x42] =	vst v40  }
0x9a: {  	v40 =	vld [tilespmem:s13+$0x50];
	_ =	sdelay $0x4  }
0x9b: {  	[tilespmem:s2+$0x52] =	vst v40  }
0x9c: {  	v40 =	vld [tilespmem:s13+$0x60];
	_ =	sdelay $0x4  }
0x9d: {  	[tilespmem:s2+$0x63] =	vst v40  }
0x9e: {  	v40 =	vld [tilespmem:s13+$0x70];
	_ =	sdelay $0x4  }
0x9f: {  	[tilespmem:s2+$0x73] =	vst v40  }
0xa0: {  	v40 =	vld [tilespmem:s13+$0x80];
	_ =	sdelay $0x4  }
0xa1: {  	[tilespmem:s2+$0x84] =	vst v40  }
0xa2: {  	v40 =	vld [tilespmem:s13+$0x90];
	_ =	sdelay $0x4  }
0xa3: {  	[tilespmem:s2+$0x94] =	vst v40  }
0xa4: {  	v40 =	vld [tilespmem:s13+$0xA0];
	_ =	sdelay $0x4  }
0xa5: {  	[tilespmem:s2+$0xA5] =	vst v40  }
0xa6: {  	v40 =	vld [tilespmem:s13+$0xB0];
	_ =	sdelay $0x4  }
0xa7: {  	[tilespmem:s2+$0xB5] =	vst v40  }
0xa8: {  	v40 =	vld [tilespmem:s13+$0xC0];
	_ =	sdelay $0x4  }
0xa9: {  	[tilespmem:s2+$0xC6] =	vst v40  }
0xaa: {  	v40 =	vld [tilespmem:s13+$0xD0];
	_ =	sdelay $0x4  }
0xab: {  	[tilespmem:s2+$0xD6] =	vst v40  }
0xac: {  	v40 =	vld [tilespmem:s13+$0xE0];
	_ =	sdelay $0x4  }
0xad: {  	[tilespmem:s2+$0xE7] =	vst v40  }
0xae: {  	v40 =	vld [tilespmem:s13+$0xF0]  }
.Ltmp0:
0xaf: {  	(pc) =	sbr.rel @p0 .LBB2_3-.Ltmp0, $2  }
0xb0: {  	_ =	sdelay $0x2  }
0xb1: {  	s14 =	simm.s32 $0x0;
	s13 =	sadd.s32 $0x200, s13;
	[tilespmem:s2+$0xF7] =	vst v40  }
0xb2: {  	v40 =	vmov s14  }
0xb3: {  	v40 =	vmul.u32 $0x21, v40;
	_ =	sdelay $0x1  }
0xb4: {  	v40 =	vbroadcast v40, $0x0;
	_ =	sdelay $0x1  }
0xb5: {  	v41 =	vadd.s32 v0, v40  }
0xb6: {  	v41 =	vand.u32 $0xFFFFFFF8, v41  }
0xb7: {  	v41 =	vor.u32 v1, v41;
	_ =	sdelay $0x3  }
0xb8: {  	v42 =	vadd.s32 v2, v40  }
0xb9: {  	v42 =	vand.u32 $0xFFFFFFF8, v42;
	v41 =	vld.idx.msk [tilespmem:v41+s23+$0x0], $0xffff  }
0xba: {  	v42 =	vor.u32 v3, v42;
	_ =	sdelay $0x3  }
0xbb: {  	v54 =	vadd.s32 v4, v40;
	[tilespmem:s0+$0xFFFFE000] =	vst v41  }
0xbc: {  	v41 =	vand.u32 $0xFFFFFFF8, v54;
	v42 =	vld.idx.msk [tilespmem:v42+s23+$0x0], $0xffff  }
0xbd: {  	v41 =	vor.u32 v5, v41;
	_ =	sdelay $0x3  }
0xbe: {  	v55 =	vadd.s32 v6, v40;
	[tilespmem:s0+$0xFFFFE200] =	vst v42  }
0xbf: {  	v42 =	vand.u32 $0xFFFFFFF8, v55;
	v41 =	vld.idx.msk [tilespmem:v41+s23+$0x0], $0xffff  }
0xc0: {  	v42 =	vor.u32 v7, v42;
	_ =	sdelay $0x3  }
0xc1: {  	v56 =	vadd.s32 v8, v40;
	[tilespmem:s0+$0xFFFFE400] =	vst v41  }
0xc2: {  	v41 =	vand.u32 $0xFFFFFFF8, v56;
	v42 =	vld.idx.msk [tilespmem:v42+s23+$0x0], $0xffff  }
0xc3: {  	v41 =	vor.u32 v9, v41;
	_ =	sdelay $0x3  }
0xc4: {  	v57 =	vadd.s32 v10, v40;
	[tilespmem:s0+$0xFFFFE600] =	vst v42  }
0xc5: {  	v42 =	vand.u32 $0xFFFFFFF8, v57;
	v41 =	vld.idx.msk [tilespmem:v41+s23+$0x0], $0xffff  }
0xc6: {  	v42 =	vor.u32 v11, v42;
	_ =	sdelay $0x3  }
0xc7: {  	v58 =	vadd.s32 v12, v40;
	[tilespmem:s0+$0xFFFFE800] =	vst v41  }
0xc8: {  	v41 =	vand.u32 $0xFFFFFFF8, v58;
	v42 =	vld.idx.msk [tilespmem:v42+s23+$0x0], $0xffff  }
0xc9: {  	v41 =	vor.u32 v13, v41;
	_ =	sdelay $0x3  }
0xca: {  	v59 =	vadd.s32 v14, v40;
	[tilespmem:s0+$0xFFFFEA00] =	vst v42  }
0xcb: {  	v42 =	vand.u32 $0xFFFFFFF8, v59;
	v41 =	vld.idx.msk [tilespmem:v41+s23+$0x0], $0xffff  }
0xcc: {  	v42 =	vor.u32 v15, v42;
	_ =	sdelay $0x3  }
0xcd: {  	v60 =	vadd.s32 v16, v40;
	[tilespmem:s0+$0xFFFFEC00] =	vst v41  }
0xce: {  	v41 =	vand.u32 $0xFFFFFFF8, v60;
	v42 =	vld.idx.msk [tilespmem:v42+s23+$0x0], $0xffff  }
0xcf: {  	v41 =	vor.u32 v1, v41;
	_ =	sdelay $0x3  }
0xd0: {  	v61 =	vadd.s32 v17, v40;
	[tilespmem:s0+$0xFFFFEE00] =	vst v42  }
0xd1: {  	v42 =	vand.u32 $0xFFFFFFF8, v61;
	v41 =	vld.idx.msk [tilespmem:v41+s23+$0x0], $0xffff  }
0xd2: {  	v42 =	vor.u32 v3, v42;
	_ =	sdelay $0x3  }
0xd3: {  	v62 =	vadd.s32 v18, v40;
	[tilespmem:s0+$0xFFFFF000] =	vst v41  }
0xd4: {  	v41 =	vand.u32 $0xFFFFFFF8, v62;
	v42 =	vld.idx.msk [tilespmem:v42+s23+$0x0], $0xffff  }
0xd5: {  	v41 =	vor.u32 v5, v41;
	_ =	sdelay $0x3  }
0xd6: {  	v63 =	vadd.s32 v19, v40;
	[tilespmem:s0+$0xFFFFF200] =	vst v42  }
0xd7: {  	v42 =	vand.u32 $0xFFFFFFF8, v63;
	v41 =	vld.idx.msk [tilespmem:v41+s23+$0x0], $0xffff  }
0xd8: {  	v42 =	vor.u32 v7, v42;
	_ =	sdelay $0x3  }
0xd9: {  	v45 =	vadd.s32 v20, v40;
	[tilespmem:s0+$0xFFFFF400] =	vst v41  }
0xda: {  	v41 =	vand.u32 $0xFFFFFFF8, v45;
	v42 =	vld.idx.msk [tilespmem:v42+s23+$0x0], $0xffff  }
0xdb: {  	v41 =	vor.u32 v9, v41;
	_ =	sdelay $0x3  }
0xdc: {  	v46 =	vadd.s32 v21, v40;
	[tilespmem:s0+$0xFFFFF600] =	vst v42  }
0xdd: {  	v42 =	vand.u32 $0xFFFFFFF8, v46;
	v41 =	vld.idx.msk [tilespmem:v41+s23+$0x0], $0xffff  }
0xde: {  	v42 =	vor.u32 v11, v42;
	_ =	sdelay $0x3  }
0xdf: {  	v47 =	vadd.s32 v22, v40;
	[tilespmem:s0+$0xFFFFF800] =	vst v41  }
0xe0: {  	v41 =	vand.u32 $0xFFFFFFF8, v47;
	v42 =	vld.idx.msk [tilespmem:v42+s23+$0x0], $0xffff  }
0xe1: {  	v41 =	vor.u32 v13, v41;
	_ =	sdelay $0x3  }
0xe2: {  	v48 =	vadd.s32 v23, v40;
	[tilespmem:s0+$0xFFFFFA00] =	vst v42  }
0xe3: {  	v42 =	vand.u32 $0xFFFFFFF8, v48;
	v41 =	vld.idx.msk [tilespmem:v41+s23+$0x0], $0xffff  }
0xe4: {  	v42 =	vor.u32 v15, v42;
	_ =	sdelay $0x3  }
0xe5: {  	v49 =	vadd.s32 v24, v40;
	[tilespmem:s0+$0xFFFFFC00] =	vst v41  }
0xe6: {  	v41 =	vand.u32 $0xFFFFFFF8, v49;
	v42 =	vld.idx.msk [tilespmem:v42+s23+$0x0], $0xffff  }
0xe7: {  	v41 =	vor.u32 v1, v41;
	_ =	sdelay $0x3  }
0xe8: {  	v50 =	vadd.s32 v25, v40;
	[tilespmem:s0+$0xFFFFFE00] =	vst v42  }
0xe9: {  	v42 =	vand.u32 $0xFFFFFFF8, v50;
	v41 =	vld.idx.msk [tilespmem:v41+s23+$0x0], $0xffff  }
0xea: {  	v42 =	vor.u32 v3, v42;
	_ =	sdelay $0x3  }
0xeb: {  	v51 =	vadd.s32 v26, v40;
	[tilespmem:s0+$0x0] =	vst v41  }
0xec: {  	v41 =	vand.u32 $0xFFFFFFF8, v51;
	v42 =	vld.idx.msk [tilespmem:v42+s23+$0x0], $0xffff  }
0xed: {  	v41 =	vor.u32 v5, v41;
	_ =	sdelay $0x3  }
0xee: {  	v52 =	vadd.s32 v27, v40;
	[tilespmem:s0+$0x200] =	vst v42  }
0xef: {  	v42 =	vand.u32 $0xFFFFFFF8, v52;
	v41 =	vld.idx.msk [tilespmem:v41+s23+$0x0], $0xffff  }
0xf0: {  	v42 =	vor.u32 v7, v42;
	_ =	sdelay $0x3  }
0xf1: {  	v53 =	vadd.s32 v28, v40;
	[tilespmem:s0+$0x400] =	vst v41  }
0xf2: {  	v41 =	vand.u32 $0xFFFFFFF8, v53;
	v42 =	vld.idx.msk [tilespmem:v42+s23+$0x0], $0xffff  }
0xf3: {  	v41 =	vor.u32 v9, v41;
	_ =	sdelay $0x3  }
0xf4: {  	v54 =	vadd.s32 v29, v40;
	[tilespmem:s0+$0x600] =	vst v42  }
0xf5: {  	v42 =	vand.u32 $0xFFFFFFF8, v54;
	v41 =	vld.idx.msk [tilespmem:v41+s23+$0x0], $0xffff  }
0xf6: {  	v42 =	vor.u32 v11, v42;
	_ =	sdelay $0x3  }
0xf7: {  	v55 =	vadd.s32 v30, v40;
	[tilespmem:s0+$0x800] =	vst v41  }
0xf8: {  	v41 =	vand.u32 $0xFFFFFFF8, v55;
	v42 =	vld.idx.msk [tilespmem:v42+s23+$0x0], $0xffff  }
0xf9: {  	v41 =	vor.u32 v13, v41;
	_ =	sdelay $0x3  }
0xfa: {  	v56 =	vadd.s32 v31, v40;
	[tilespmem:s0+$0xA00] =	vst v42  }
0xfb: {  	v42 =	vand.u32 $0xFFFFFFF8, v56;
	v41 =	vld.idx.msk [tilespmem:v41+s23+$0x0], $0xffff  }
0xfc: {  	v42 =	vor.u32 v15, v42;
	_ =	sdelay $0x3  }
0xfd: {  	v57 =	vadd.s32 v32, v40;
	[tilespmem:s0+$0xC00] =	vst v41  }
0xfe: {  	v41 =	vand.u32 $0xFFFFFFF8, v57;
	v42 =	vld.idx.msk [tilespmem:v42+s23+$0x0], $0xffff  }
0xff: {  	v41 =	vor.u32 v1, v41;
	_ =	sdelay $0x3  }
0x100: {  	v58 =	vadd.s32 v33, v40;
	[tilespmem:s0+$0xE00] =	vst v42  }
0x101: {  	v42 =	vand.u32 $0xFFFFFFF8, v58;
	v41 =	vld.idx.msk [tilespmem:v41+s23+$0x0], $0xffff  }
0x102: {  	v42 =	vor.u32 v3, v42;
	_ =	sdelay $0x3  }
0x103: {  	v59 =	vadd.s32 v34, v40;
	[tilespmem:s0+$0x1000] =	vst v41  }
0x104: {  	v41 =	vand.u32 $0xFFFFFFF8, v59;
	v42 =	vld.idx.msk [tilespmem:v42+s23+$0x0], $0xffff  }
0x105: {  	v41 =	vor.u32 v5, v41;
	_ =	sdelay $0x3  }
0x106: {  	v60 =	vadd.s32 v35, v40;
	[tilespmem:s0+$0x1200] =	vst v42  }
0x107: {  	v42 =	vand.u32 $0xFFFFFFF8, v60;
	v41 =	vld.idx.msk [tilespmem:v41+s23+$0x0], $0xffff  }
0x108: {  	v42 =	vor.u32 v7, v42;
	_ =	sdelay $0x3  }
0x109: {  	v61 =	vadd.s32 v36, v40;
	[tilespmem:s0+$0x1400] =	vst v41  }
0x10a: {  	v41 =	vand.u32 $0xFFFFFFF8, v61;
	v42 =	vld.idx.msk [tilespmem:v42+s23+$0x0], $0xffff  }
0x10b: {  	v41 =	vor.u32 v9, v41;
	_ =	sdelay $0x3  }
0x10c: {  	v62 =	vadd.s32 v37, v40;
	[tilespmem:s0+$0x1600] =	vst v42  }
0x10d: {  	v42 =	vand.u32 $0xFFFFFFF8, v62;
	v41 =	vld.idx.msk [tilespmem:v41+s23+$0x0], $0xffff  }
0x10e: {  	v42 =	vor.u32 v11, v42;
	_ =	sdelay $0x3  }
0x10f: {  	v63 =	vadd.s32 v38, v40;
	[tilespmem:s0+$0x1800] =	vst v41  }
0x110: {  	v41 =	vand.u32 $0xFFFFFFF8, v63;
	v42 =	vld.idx.msk [tilespmem:v42+s23+$0x0], $0xffff  }
0x111: {  	v41 =	vor.u32 v13, v41;
	_ =	sdelay $0x3  }
0x112: {  	v40 =	vadd.s32 v39, v40;
	[tilespmem:s0+$0x1A00] =	vst v42  }
0x113: {  	v40 =	vand.u32 $0xFFFFFFF8, v40;
	v41 =	vld.idx.msk [tilespmem:v41+s23+$0x0], $0xffff  }
0x114: {  	s2 =	simm.s32 $0x10;
	v40 =	vor.u32 v15, v40  }
0x115: {  	v45 =	vmov s2  }
0x116: {  	v42 =	vmul.u32 $0x21, v45;
	_ =	sdelay $0x1  }
0x117: {  	[tilespmem:s0+$0x1C00] =	vst v41;
	v41 =	vbroadcast v42, $0x0  }
0x118: {  	v40 =	vld.idx.msk [tilespmem:v40+s23+$0x0], $0xffff  }
0x119: {  	v42 =	vadd.s32 v0, v41;
	_ =	sdelay $0x3  }
0x11a: {  	[tilespmem:s0+$0x1E00] =	vst v40  }
0x11b: {  	v40 =	vld.idx.msk [tilespmem:v42+s23+$0x0], $0xffff  }
0x11c: {  	v46 =	vadd.s32 v2, v41;
	_ =	sdelay $0x3  }
0x11d: {  	[tilespmem:s0+$0xFFFFE010] =	vst v40  }
0x11e: {  	v40 =	vld.idx.msk [tilespmem:v46+s23+$0x0], $0xffff  }
0x11f: {  	v47 =	vadd.s32 v4, v41;
	_ =	sdelay $0x3  }
0x120: {  	[tilespmem:s0+$0xFFFFE210] =	vst v40  }
0x121: {  	v40 =	vld.idx.msk [tilespmem:v47+s23+$0x0], $0xffff  }
0x122: {  	v48 =	vadd.s32 v6, v41;
	_ =	sdelay $0x3  }
0x123: {  	[tilespmem:s0+$0xFFFFE410] =	vst v40  }
0x124: {  	v40 =	vld.idx.msk [tilespmem:v48+s23+$0x0], $0xffff  }
0x125: {  	v49 =	vadd.s32 v8, v41;
	_ =	sdelay $0x3  }
0x126: {  	[tilespmem:s0+$0xFFFFE610] =	vst v40  }
0x127: {  	v40 =	vld.idx.msk [tilespmem:v49+s23+$0x0], $0xffff  }
0x128: {  	v50 =	vadd.s32 v10, v41;
	_ =	sdelay $0x3  }
0x129: {  	[tilespmem:s0+$0xFFFFE810] =	vst v40  }
0x12a: {  	v40 =	vld.idx.msk [tilespmem:v50+s23+$0x0], $0xffff  }
0x12b: {  	v51 =	vadd.s32 v12, v41;
	_ =	sdelay $0x3  }
0x12c: {  	[tilespmem:s0+$0xFFFFEA10] =	vst v40  }
0x12d: {  	v40 =	vld.idx.msk [tilespmem:v51+s23+$0x0], $0xffff  }
0x12e: {  	v52 =	vadd.s32 v14, v41;
	_ =	sdelay $0x3  }
0x12f: {  	[tilespmem:s0+$0xFFFFEC10] =	vst v40  }
0x130: {  	v40 =	vld.idx.msk [tilespmem:v52+s23+$0x0], $0xffff  }
0x131: {  	v53 =	vadd.s32 v16, v41;
	_ =	sdelay $0x3  }
0x132: {  	[tilespmem:s0+$0xFFFFEE10] =	vst v40  }
0x133: {  	v40 =	vld.idx.msk [tilespmem:v53+s23+$0x0], $0xffff  }
0x134: {  	v54 =	vadd.s32 v17, v41;
	_ =	sdelay $0x3  }
0x135: {  	[tilespmem:s0+$0xFFFFF010] =	vst v40  }
0x136: {  	v40 =	vld.idx.msk [tilespmem:v54+s23+$0x0], $0xffff  }
0x137: {  	v55 =	vadd.s32 v18, v41;
	_ =	sdelay $0x3  }
0x138: {  	[tilespmem:s0+$0xFFFFF210] =	vst v40  }
0x139: {  	v40 =	vld.idx.msk [tilespmem:v55+s23+$0x0], $0xffff  }
0x13a: {  	v56 =	vadd.s32 v19, v41;
	_ =	sdelay $0x3  }
0x13b: {  	[tilespmem:s0+$0xFFFFF410] =	vst v40  }
0x13c: {  	v40 =	vld.idx.msk [tilespmem:v56+s23+$0x0], $0xffff  }
0x13d: {  	v57 =	vadd.s32 v20, v41;
	_ =	sdelay $0x3  }
0x13e: {  	[tilespmem:s0+$0xFFFFF610] =	vst v40  }
0x13f: {  	v40 =	vld.idx.msk [tilespmem:v57+s23+$0x0], $0xffff  }
0x140: {  	v58 =	vadd.s32 v21, v41;
	_ =	sdelay $0x3  }
0x141: {  	[tilespmem:s0+$0xFFFFF810] =	vst v40  }
0x142: {  	v40 =	vld.idx.msk [tilespmem:v58+s23+$0x0], $0xffff  }
0x143: {  	v59 =	vadd.s32 v22, v41;
	_ =	sdelay $0x3  }
0x144: {  	[tilespmem:s0+$0xFFFFFA10] =	vst v40  }
0x145: {  	v40 =	vld.idx.msk [tilespmem:v59+s23+$0x0], $0xffff  }
0x146: {  	v60 =	vadd.s32 v23, v41;
	_ =	sdelay $0x3  }
0x147: {  	[tilespmem:s0+$0xFFFFFC10] =	vst v40  }
0x148: {  	v40 =	vld.idx.msk [tilespmem:v60+s23+$0x0], $0xffff  }
0x149: {  	v61 =	vadd.s32 v24, v41;
	_ =	sdelay $0x3  }
0x14a: {  	[tilespmem:s0+$0xFFFFFE10] =	vst v40  }
0x14b: {  	v40 =	vld.idx.msk [tilespmem:v61+s23+$0x0], $0xffff  }
0x14c: {  	v62 =	vadd.s32 v25, v41;
	_ =	sdelay $0x3  }
0x14d: {  	[tilespmem:s0+$0x10] =	vst v40  }
0x14e: {  	v40 =	vld.idx.msk [tilespmem:v62+s23+$0x0], $0xffff  }
0x14f: {  	v63 =	vadd.s32 v26, v41;
	_ =	sdelay $0x3  }
0x150: {  	[tilespmem:s0+$0x210] =	vst v40  }
0x151: {  	v40 =	vld.idx.msk [tilespmem:v63+s23+$0x0], $0xffff  }
0x152: {  	v45 =	vadd.s32 v27, v41;
	_ =	sdelay $0x3  }
0x153: {  	[tilespmem:s0+$0x410] =	vst v40  }
0x154: {  	v40 =	vld.idx.msk [tilespmem:v45+s23+$0x0], $0xffff  }
0x155: {  	v46 =	vadd.s32 v28, v41;
	_ =	sdelay $0x3  }
0x156: {  	[tilespmem:s0+$0x610] =	vst v40  }
0x157: {  	v40 =	vld.idx.msk [tilespmem:v46+s23+$0x0], $0xffff  }
0x158: {  	v47 =	vadd.s32 v29, v41;
	_ =	sdelay $0x3  }
0x159: {  	[tilespmem:s0+$0x810] =	vst v40  }
0x15a: {  	v40 =	vld.idx.msk [tilespmem:v47+s23+$0x0], $0xffff  }
0x15b: {  	v48 =	vadd.s32 v30, v41;
	_ =	sdelay $0x3  }
0x15c: {  	[tilespmem:s0+$0xA10] =	vst v40  }
0x15d: {  	v40 =	vld.idx.msk [tilespmem:v48+s23+$0x0], $0xffff  }
0x15e: {  	v49 =	vadd.s32 v31, v41;
	_ =	sdelay $0x3  }
0x15f: {  	[tilespmem:s0+$0xC10] =	vst v40  }
0x160: {  	v40 =	vld.idx.msk [tilespmem:v49+s23+$0x0], $0xffff  }
0x161: {  	v50 =	vadd.s32 v32, v41;
	_ =	sdelay $0x3  }
0x162: {  	[tilespmem:s0+$0xE10] =	vst v40  }
0x163: {  	v40 =	vld.idx.msk [tilespmem:v50+s23+$0x0], $0xffff  }
0x164: {  	v51 =	vadd.s32 v33, v41;
	_ =	sdelay $0x3  }
0x165: {  	[tilespmem:s0+$0x1010] =	vst v40  }
0x166: {  	v40 =	vld.idx.msk [tilespmem:v51+s23+$0x0], $0xffff  }
0x167: {  	v52 =	vadd.s32 v34, v41;
	_ =	sdelay $0x3  }
0x168: {  	[tilespmem:s0+$0x1210] =	vst v40  }
0x169: {  	v40 =	vld.idx.msk [tilespmem:v52+s23+$0x0], $0xffff  }
0x16a: {  	v53 =	vadd.s32 v35, v41;
	_ =	sdelay $0x3  }
0x16b: {  	[tilespmem:s0+$0x1410] =	vst v40  }
0x16c: {  	v40 =	vld.idx.msk [tilespmem:v53+s23+$0x0], $0xffff  }
0x16d: {  	v54 =	vadd.s32 v36, v41;
	_ =	sdelay $0x3  }
0x16e: {  	[tilespmem:s0+$0x1610] =	vst v40  }
0x16f: {  	v40 =	vld.idx.msk [tilespmem:v54+s23+$0x0], $0xffff  }
0x170: {  	v55 =	vadd.s32 v37, v41;
	_ =	sdelay $0x3  }
0x171: {  	[tilespmem:s0+$0x1810] =	vst v40  }
0x172: {  	v40 =	vld.idx.msk [tilespmem:v55+s23+$0x0], $0xffff  }
0x173: {  	v56 =	vadd.s32 v38, v41;
	_ =	sdelay $0x3  }
0x174: {  	[tilespmem:s0+$0x1A10] =	vst v40  }
0x175: {  	v40 =	vld.idx.msk [tilespmem:v56+s23+$0x0], $0xffff  }
0x176: {  	s13 =	simm.s32 $0x20;
	v41 =	vadd.s32 v39, v41  }
0x177: {  	v57 =	vmov s13  }
0x178: {  	v42 =	vmul.u32 $0x21, v57;
	_ =	sdelay $0x1  }
0x179: {  	[tilespmem:s0+$0x1C10] =	vst v40;
	v40 =	vbroadcast v42, $0x0  }
0x17a: {  	v41 =	vld.idx.msk [tilespmem:v41+s23+$0x0], $0xffff  }
0x17b: {  	v42 =	vadd.s32 v0, v40;
	_ =	sdelay $0x3  }
0x17c: {  	[tilespmem:s0+$0x1E10] =	vst v41  }
0x17d: {  	v41 =	vld.idx.msk [tilespmem:v42+s23+$0x0], $0xffff  }
0x17e: {  	v58 =	vadd.s32 v2, v40;
	_ =	sdelay $0x3  }
0x17f: {  	[tilespmem:s0+$0xFFFFE020] =	vst v41  }
0x180: {  	v41 =	vld.idx.msk [tilespmem:v58+s23+$0x0], $0xffff  }
0x181: {  	v59 =	vadd.s32 v4, v40;
	_ =	sdelay $0x3  }
0x182: {  	[tilespmem:s0+$0xFFFFE220] =	vst v41  }
0x183: {  	v41 =	vld.idx.msk [tilespmem:v59+s23+$0x0], $0xffff  }
0x184: {  	v60 =	vadd.s32 v6, v40;
	_ =	sdelay $0x3  }
0x185: {  	[tilespmem:s0+$0xFFFFE420] =	vst v41  }
0x186: {  	v41 =	vld.idx.msk [tilespmem:v60+s23+$0x0], $0xffff  }
0x187: {  	v61 =	vadd.s32 v8, v40;
	_ =	sdelay $0x3  }
0x188: {  	[tilespmem:s0+$0xFFFFE620] =	vst v41  }
0x189: {  	v41 =	vld.idx.msk [tilespmem:v61+s23+$0x0], $0xffff  }
0x18a: {  	v62 =	vadd.s32 v10, v40;
	_ =	sdelay $0x3  }
0x18b: {  	[tilespmem:s0+$0xFFFFE820] =	vst v41  }
0x18c: {  	v41 =	vld.idx.msk [tilespmem:v62+s23+$0x0], $0xffff  }
0x18d: {  	v63 =	vadd.s32 v12, v40;
	_ =	sdelay $0x3  }
0x18e: {  	[tilespmem:s0+$0xFFFFEA20] =	vst v41  }
0x18f: {  	v41 =	vld.idx.msk [tilespmem:v63+s23+$0x0], $0xffff  }
0x190: {  	v45 =	vadd.s32 v14, v40;
	_ =	sdelay $0x3  }
0x191: {  	[tilespmem:s0+$0xFFFFEC20] =	vst v41  }
0x192: {  	v41 =	vld.idx.msk [tilespmem:v45+s23+$0x0], $0xffff  }
0x193: {  	v46 =	vadd.s32 v16, v40;
	_ =	sdelay $0x3  }
0x194: {  	[tilespmem:s0+$0xFFFFEE20] =	vst v41  }
0x195: {  	v41 =	vld.idx.msk [tilespmem:v46+s23+$0x0], $0xffff  }
0x196: {  	v47 =	vadd.s32 v17, v40;
	_ =	sdelay $0x3  }
0x197: {  	[tilespmem:s0+$0xFFFFF020] =	vst v41  }
0x198: {  	v41 =	vld.idx.msk [tilespmem:v47+s23+$0x0], $0xffff  }
0x199: {  	v48 =	vadd.s32 v18, v40;
	_ =	sdelay $0x3  }
0x19a: {  	[tilespmem:s0+$0xFFFFF220] =	vst v41  }
0x19b: {  	v41 =	vld.idx.msk [tilespmem:v48+s23+$0x0], $0xffff  }
0x19c: {  	v49 =	vadd.s32 v19, v40;
	_ =	sdelay $0x3  }
0x19d: {  	[tilespmem:s0+$0xFFFFF420] =	vst v41  }
0x19e: {  	v41 =	vld.idx.msk [tilespmem:v49+s23+$0x0], $0xffff  }
0x19f: {  	v50 =	vadd.s32 v20, v40;
	_ =	sdelay $0x3  }
0x1a0: {  	[tilespmem:s0+$0xFFFFF620] =	vst v41  }
0x1a1: {  	v41 =	vld.idx.msk [tilespmem:v50+s23+$0x0], $0xffff  }
0x1a2: {  	v51 =	vadd.s32 v21, v40;
	_ =	sdelay $0x3  }
0x1a3: {  	[tilespmem:s0+$0xFFFFF820] =	vst v41  }
0x1a4: {  	v41 =	vld.idx.msk [tilespmem:v51+s23+$0x0], $0xffff  }
0x1a5: {  	v52 =	vadd.s32 v22, v40;
	_ =	sdelay $0x3  }
0x1a6: {  	[tilespmem:s0+$0xFFFFFA20] =	vst v41  }
0x1a7: {  	v41 =	vld.idx.msk [tilespmem:v52+s23+$0x0], $0xffff  }
0x1a8: {  	v53 =	vadd.s32 v23, v40;
	_ =	sdelay $0x3  }
0x1a9: {  	[tilespmem:s0+$0xFFFFFC20] =	vst v41  }
0x1aa: {  	v41 =	vld.idx.msk [tilespmem:v53+s23+$0x0], $0xffff  }
0x1ab: {  	v54 =	vadd.s32 v24, v40;
	_ =	sdelay $0x3  }
0x1ac: {  	[tilespmem:s0+$0xFFFFFE20] =	vst v41  }
0x1ad: {  	v41 =	vld.idx.msk [tilespmem:v54+s23+$0x0], $0xffff  }
0x1ae: {  	v55 =	vadd.s32 v25, v40;
	_ =	sdelay $0x3  }
0x1af: {  	[tilespmem:s0+$0x20] =	vst v41  }
0x1b0: {  	v41 =	vld.idx.msk [tilespmem:v55+s23+$0x0], $0xffff  }
0x1b1: {  	v56 =	vadd.s32 v26, v40;
	_ =	sdelay $0x3  }
0x1b2: {  	[tilespmem:s0+$0x220] =	vst v41  }
0x1b3: {  	v41 =	vld.idx.msk [tilespmem:v56+s23+$0x0], $0xffff  }
0x1b4: {  	v57 =	vadd.s32 v27, v40;
	_ =	sdelay $0x3  }
0x1b5: {  	[tilespmem:s0+$0x420] =	vst v41  }
0x1b6: {  	v41 =	vld.idx.msk [tilespmem:v57+s23+$0x0], $0xffff  }
0x1b7: {  	v58 =	vadd.s32 v28, v40;
	_ =	sdelay $0x3  }
0x1b8: {  	[tilespmem:s0+$0x620] =	vst v41  }
0x1b9: {  	v41 =	vld.idx.msk [tilespmem:v58+s23+$0x0], $0xffff  }
0x1ba: {  	v59 =	vadd.s32 v29, v40;
	_ =	sdelay $0x3  }
0x1bb: {  	[tilespmem:s0+$0x820] =	vst v41  }
0x1bc: {  	v41 =	vld.idx.msk [tilespmem:v59+s23+$0x0], $0xffff  }
0x1bd: {  	v60 =	vadd.s32 v30, v40;
	_ =	sdelay $0x3  }
0x1be: {  	[tilespmem:s0+$0xA20] =	vst v41  }
0x1bf: {  	v41 =	vld.idx.msk [tilespmem:v60+s23+$0x0], $0xffff  }
0x1c0: {  	v61 =	vadd.s32 v31, v40;
	_ =	sdelay $0x3  }
0x1c1: {  	[tilespmem:s0+$0xC20] =	vst v41  }
0x1c2: {  	v41 =	vld.idx.msk [tilespmem:v61+s23+$0x0], $0xffff  }
0x1c3: {  	v62 =	vadd.s32 v32, v40;
	_ =	sdelay $0x3  }
0x1c4: {  	[tilespmem:s0+$0xE20] =	vst v41  }
0x1c5: {  	v41 =	vld.idx.msk [tilespmem:v62+s23+$0x0], $0xffff  }
0x1c6: {  	v63 =	vadd.s32 v33, v40;
	_ =	sdelay $0x3  }
0x1c7: {  	[tilespmem:s0+$0x1020] =	vst v41  }
0x1c8: {  	v41 =	vld.idx.msk [tilespmem:v63+s23+$0x0], $0xffff  }
0x1c9: {  	v45 =	vadd.s32 v34, v40;
	_ =	sdelay $0x3  }
0x1ca: {  	[tilespmem:s0+$0x1220] =	vst v41  }
0x1cb: {  	v41 =	vld.idx.msk [tilespmem:v45+s23+$0x0], $0xffff  }
0x1cc: {  	v46 =	vadd.s32 v35, v40;
	_ =	sdelay $0x3  }
0x1cd: {  	[tilespmem:s0+$0x1420] =	vst v41  }
0x1ce: {  	v41 =	vld.idx.msk [tilespmem:v46+s23+$0x0], $0xffff  }
0x1cf: {  	v47 =	vadd.s32 v36, v40;
	_ =	sdelay $0x3  }
0x1d0: {  	[tilespmem:s0+$0x1620] =	vst v41  }
0x1d1: {  	v41 =	vld.idx.msk [tilespmem:v47+s23+$0x0], $0xffff  }
0x1d2: {  	v48 =	vadd.s32 v37, v40;
	_ =	sdelay $0x3  }
0x1d3: {  	[tilespmem:s0+$0x1820] =	vst v41  }
0x1d4: {  	v41 =	vld.idx.msk [tilespmem:v48+s23+$0x0], $0xffff  }
0x1d5: {  	v49 =	vadd.s32 v38, v40;
	_ =	sdelay $0x3  }
0x1d6: {  	[tilespmem:s0+$0x1A20] =	vst v41  }
0x1d7: {  	v41 =	vld.idx.msk [tilespmem:v49+s23+$0x0], $0xffff  }
0x1d8: {  	s14 =	simm.s32 $0x30;
	v50 =	vadd.s32 v39, v40  }
0x1d9: {  	v51 =	vmov s14  }
0x1da: {  	v40 =	vmul.u32 $0x21, v51;
	_ =	sdelay $0x1  }
0x1db: {  	v40 =	vbroadcast v40, $0x0;
	[tilespmem:s0+$0x1C20] =	vst v41  }
0x1dc: {  	v41 =	vld.idx.msk [tilespmem:v50+s23+$0x0], $0xffff  }
0x1dd: {  	v52 =	vadd.s32 v0, v40;
	_ =	sdelay $0x3  }
0x1de: {  	[tilespmem:s0+$0x1E20] =	vst v41  }
0x1df: {  	v41 =	vld.idx.msk [tilespmem:v52+s23+$0x0], $0xffff  }
0x1e0: {  	v53 =	vadd.s32 v2, v40;
	_ =	sdelay $0x3  }
0x1e1: {  	[tilespmem:s0+$0xFFFFE030] =	vst v41  }
0x1e2: {  	v41 =	vld.idx.msk [tilespmem:v53+s23+$0x0], $0xffff  }
0x1e3: {  	v54 =	vadd.s32 v4, v40;
	_ =	sdelay $0x3  }
0x1e4: {  	[tilespmem:s0+$0xFFFFE230] =	vst v41  }
0x1e5: {  	v41 =	vld.idx.msk [tilespmem:v54+s23+$0x0], $0xffff  }
0x1e6: {  	v55 =	vadd.s32 v6, v40;
	_ =	sdelay $0x3  }
0x1e7: {  	[tilespmem:s0+$0xFFFFE430] =	vst v41  }
0x1e8: {  	v41 =	vld.idx.msk [tilespmem:v55+s23+$0x0], $0xffff  }
0x1e9: {  	v56 =	vadd.s32 v8, v40;
	_ =	sdelay $0x3  }
0x1ea: {  	[tilespmem:s0+$0xFFFFE630] =	vst v41  }
0x1eb: {  	v41 =	vld.idx.msk [tilespmem:v56+s23+$0x0], $0xffff  }
0x1ec: {  	v57 =	vadd.s32 v10, v40;
	_ =	sdelay $0x3  }
0x1ed: {  	[tilespmem:s0+$0xFFFFE830] =	vst v41  }
0x1ee: {  	v41 =	vld.idx.msk [tilespmem:v57+s23+$0x0], $0xffff  }
0x1ef: {  	v58 =	vadd.s32 v12, v40;
	_ =	sdelay $0x3  }
0x1f0: {  	[tilespmem:s0+$0xFFFFEA30] =	vst v41  }
0x1f1: {  	v41 =	vld.idx.msk [tilespmem:v58+s23+$0x0], $0xffff  }
0x1f2: {  	v59 =	vadd.s32 v14, v40;
	_ =	sdelay $0x3  }
0x1f3: {  	[tilespmem:s0+$0xFFFFEC30] =	vst v41  }
0x1f4: {  	v41 =	vld.idx.msk [tilespmem:v59+s23+$0x0], $0xffff  }
0x1f5: {  	v60 =	vadd.s32 v16, v40;
	_ =	sdelay $0x3  }
0x1f6: {  	[tilespmem:s0+$0xFFFFEE30] =	vst v41  }
0x1f7: {  	v41 =	vld.idx.msk [tilespmem:v60+s23+$0x0], $0xffff  }
0x1f8: {  	v61 =	vadd.s32 v17, v40;
	_ =	sdelay $0x3  }
0x1f9: {  	[tilespmem:s0+$0xFFFFF030] =	vst v41  }
0x1fa: {  	v41 =	vld.idx.msk [tilespmem:v61+s23+$0x0], $0xffff  }
0x1fb: {  	v62 =	vadd.s32 v18, v40;
	_ =	sdelay $0x3  }
0x1fc: {  	[tilespmem:s0+$0xFFFFF230] =	vst v41  }
0x1fd: {  	v41 =	vld.idx.msk [tilespmem:v62+s23+$0x0], $0xffff  }
0x1fe: {  	v63 =	vadd.s32 v19, v40;
	_ =	sdelay $0x3  }
0x1ff: {  	[tilespmem:s0+$0xFFFFF430] =	vst v41  }
0x200: {  	v41 =	vld.idx.msk [tilespmem:v63+s23+$0x0], $0xffff  }
0x201: {  	v45 =	vadd.s32 v20, v40;
	_ =	sdelay $0x3  }
0x202: {  	[tilespmem:s0+$0xFFFFF630] =	vst v41  }
0x203: {  	v41 =	vld.idx.msk [tilespmem:v45+s23+$0x0], $0xffff  }
0x204: {  	v46 =	vadd.s32 v21, v40;
	_ =	sdelay $0x3  }
0x205: {  	[tilespmem:s0+$0xFFFFF830] =	vst v41  }
0x206: {  	v41 =	vld.idx.msk [tilespmem:v46+s23+$0x0], $0xffff  }
0x207: {  	v47 =	vadd.s32 v22, v40;
	_ =	sdelay $0x3  }
0x208: {  	[tilespmem:s0+$0xFFFFFA30] =	vst v41  }
0x209: {  	v41 =	vld.idx.msk [tilespmem:v47+s23+$0x0], $0xffff  }
0x20a: {  	v48 =	vadd.s32 v23, v40;
	_ =	sdelay $0x3  }
0x20b: {  	[tilespmem:s0+$0xFFFFFC30] =	vst v41  }
0x20c: {  	v41 =	vld.idx.msk [tilespmem:v48+s23+$0x0], $0xffff  }
0x20d: {  	v49 =	vadd.s32 v24, v40;
	_ =	sdelay $0x3  }
0x20e: {  	[tilespmem:s0+$0xFFFFFE30] =	vst v41  }
0x20f: {  	v41 =	vld.idx.msk [tilespmem:v49+s23+$0x0], $0xffff  }
0x210: {  	v50 =	vadd.s32 v25, v40;
	_ =	sdelay $0x3  }
0x211: {  	[tilespmem:s0+$0x30] =	vst v41  }
0x212: {  	v41 =	vld.idx.msk [tilespmem:v50+s23+$0x0], $0xffff  }
0x213: {  	v51 =	vadd.s32 v26, v40;
	_ =	sdelay $0x3  }
0x214: {  	[tilespmem:s0+$0x230] =	vst v41  }
0x215: {  	v41 =	vld.idx.msk [tilespmem:v51+s23+$0x0], $0xffff  }
0x216: {  	v52 =	vadd.s32 v27, v40;
	_ =	sdelay $0x3  }
0x217: {  	[tilespmem:s0+$0x430] =	vst v41  }
0x218: {  	v41 =	vld.idx.msk [tilespmem:v52+s23+$0x0], $0xffff  }
0x219: {  	v53 =	vadd.s32 v28, v40;
	_ =	sdelay $0x3  }
0x21a: {  	[tilespmem:s0+$0x630] =	vst v41  }
0x21b: {  	v41 =	vld.idx.msk [tilespmem:v53+s23+$0x0], $0xffff  }
0x21c: {  	v54 =	vadd.s32 v29, v40;
	_ =	sdelay $0x3  }
0x21d: {  	[tilespmem:s0+$0x830] =	vst v41  }
0x21e: {  	v41 =	vld.idx.msk [tilespmem:v54+s23+$0x0], $0xffff  }
0x21f: {  	v55 =	vadd.s32 v30, v40;
	_ =	sdelay $0x3  }
0x220: {  	[tilespmem:s0+$0xA30] =	vst v41  }
0x221: {  	v41 =	vld.idx.msk [tilespmem:v55+s23+$0x0], $0xffff  }
0x222: {  	v56 =	vadd.s32 v31, v40;
	_ =	sdelay $0x3  }
0x223: {  	[tilespmem:s0+$0xC30] =	vst v41  }
0x224: {  	v41 =	vld.idx.msk [tilespmem:v56+s23+$0x0], $0xffff  }
0x225: {  	v57 =	vadd.s32 v32, v40;
	_ =	sdelay $0x3  }
0x226: {  	[tilespmem:s0+$0xE30] =	vst v41  }
0x227: {  	v41 =	vld.idx.msk [tilespmem:v57+s23+$0x0], $0xffff  }
0x228: {  	v58 =	vadd.s32 v33, v40;
	_ =	sdelay $0x3  }
0x229: {  	[tilespmem:s0+$0x1030] =	vst v41  }
0x22a: {  	v41 =	vld.idx.msk [tilespmem:v58+s23+$0x0], $0xffff  }
0x22b: {  	v59 =	vadd.s32 v34, v40;
	_ =	sdelay $0x3  }
0x22c: {  	[tilespmem:s0+$0x1230] =	vst v41  }
0x22d: {  	v41 =	vld.idx.msk [tilespmem:v59+s23+$0x0], $0xffff  }
0x22e: {  	v60 =	vadd.s32 v35, v40;
	_ =	sdelay $0x3  }
0x22f: {  	[tilespmem:s0+$0x1430] =	vst v41  }
0x230: {  	v41 =	vld.idx.msk [tilespmem:v60+s23+$0x0], $0xffff  }
0x231: {  	v61 =	vadd.s32 v36, v40;
	_ =	sdelay $0x3  }
0x232: {  	[tilespmem:s0+$0x1630] =	vst v41  }
0x233: {  	v41 =	vld.idx.msk [tilespmem:v61+s23+$0x0], $0xffff  }
0x234: {  	v62 =	vadd.s32 v37, v40;
	_ =	sdelay $0x3  }
0x235: {  	[tilespmem:s0+$0x1830] =	vst v41  }
0x236: {  	v41 =	vld.idx.msk [tilespmem:v62+s23+$0x0], $0xffff  }
0x237: {  	v63 =	vadd.s32 v38, v40;
	_ =	sdelay $0x3  }
0x238: {  	[tilespmem:s0+$0x1A30] =	vst v41  }
0x239: {  	s12 =	simm.s32 $0x40;
	s2 =	simm.s32 $0x0;
	v41 =	vld.idx.msk [tilespmem:v63+s23+$0x0], $0xffff  }
.LBB2_5:
0x23a: {  	v42 =	vmov s12;
	s2 =	sadd.s32 $0x4, s2;
	v43 =	vadd.s32 v39, v40  }
0x23b: {  	v40 =	vmul.u32 $0x21, v42;
	p0 =	slt.u32 s2, $0x1C;
	_ =	sdelay $0x1  }
0x23c: {  	v40 =	vbroadcast v40, $0x0  }
0x23d: {  	[tilespmem:s0+$0x1C30] =	vst v41  }
0x23e: {  	v41 =	vadd.s32 v0, v40;
	v42 =	vld.idx.msk [tilespmem:v43+s23+$0x0], $0xffff  }
0x23f: {  	v41 =	vand.u32 $0xFFFFFFF8, v41  }
0x240: {  	v41 =	vor.u32 v1, v41;
	_ =	sdelay $0x3  }
0x241: {  	[tilespmem:s0+$0x1E30] =	vst v42  }
0x242: {  	v42 =	vadd.s32 v2, v40;
	v41 =	vld.idx.msk [tilespmem:v41+s23+$0x0], $0xffff  }
0x243: {  	v42 =	vand.u32 $0xFFFFFFF8, v42  }
0x244: {  	v42 =	vor.u32 v3, v42;
	_ =	sdelay $0x2  }
0x245: {  	s0 =	sadd.s32 $0x40, s0  }
0x246: {  	[tilespmem:s0+$0xFFFFE000] =	vst v41  }
0x247: {  	v41 =	vld.idx.msk [tilespmem:v42+s23+$0x0], $0xffff;
	v42 =	vadd.s32 v4, v40  }
0x248: {  	v42 =	vand.u32 $0xFFFFFFF8, v42  }
0x249: {  	v42 =	vor.u32 v5, v42;
	_ =	sdelay $0x3  }
0x24a: {  	[tilespmem:s0+$0xFFFFE200] =	vst v41  }
0x24b: {  	v41 =	vld.idx.msk [tilespmem:v42+s23+$0x0], $0xffff;
	v42 =	vadd.s32 v6, v40  }
0x24c: {  	v42 =	vand.u32 $0xFFFFFFF8, v42  }
0x24d: {  	v42 =	vor.u32 v7, v42;
	_ =	sdelay $0x3  }
0x24e: {  	[tilespmem:s0+$0xFFFFE400] =	vst v41  }
0x24f: {  	v41 =	vld.idx.msk [tilespmem:v42+s23+$0x0], $0xffff;
	v42 =	vadd.s32 v8, v40  }
0x250: {  	v42 =	vand.u32 $0xFFFFFFF8, v42  }
0x251: {  	v42 =	vor.u32 v9, v42;
	_ =	sdelay $0x3  }
0x252: {  	[tilespmem:s0+$0xFFFFE600] =	vst v41  }
0x253: {  	v41 =	vld.idx.msk [tilespmem:v42+s23+$0x0], $0xffff;
	v42 =	vadd.s32 v10, v40  }
0x254: {  	v42 =	vand.u32 $0xFFFFFFF8, v42  }
0x255: {  	v42 =	vor.u32 v11, v42;
	_ =	sdelay $0x3  }
0x256: {  	[tilespmem:s0+$0xFFFFE800] =	vst v41  }
0x257: {  	v41 =	vld.idx.msk [tilespmem:v42+s23+$0x0], $0xffff;
	v42 =	vadd.s32 v12, v40  }
0x258: {  	v42 =	vand.u32 $0xFFFFFFF8, v42  }
0x259: {  	v42 =	vor.u32 v13, v42;
	_ =	sdelay $0x3  }
0x25a: {  	[tilespmem:s0+$0xFFFFEA00] =	vst v41  }
0x25b: {  	v41 =	vld.idx.msk [tilespmem:v42+s23+$0x0], $0xffff;
	v42 =	vadd.s32 v14, v40  }
0x25c: {  	v42 =	vand.u32 $0xFFFFFFF8, v42  }
0x25d: {  	v42 =	vor.u32 v15, v42;
	_ =	sdelay $0x3  }
0x25e: {  	[tilespmem:s0+$0xFFFFEC00] =	vst v41  }
0x25f: {  	v41 =	vld.idx.msk [tilespmem:v42+s23+$0x0], $0xffff;
	v42 =	vadd.s32 v16, v40  }
0x260: {  	v42 =	vand.u32 $0xFFFFFFF8, v42  }
0x261: {  	v42 =	vor.u32 v1, v42;
	_ =	sdelay $0x3  }
0x262: {  	[tilespmem:s0+$0xFFFFEE00] =	vst v41  }
0x263: {  	v41 =	vld.idx.msk [tilespmem:v42+s23+$0x0], $0xffff;
	v42 =	vadd.s32 v17, v40  }
0x264: {  	v42 =	vand.u32 $0xFFFFFFF8, v42  }
0x265: {  	v42 =	vor.u32 v3, v42;
	_ =	sdelay $0x3  }
0x266: {  	[tilespmem:s0+$0xFFFFF000] =	vst v41  }
0x267: {  	v41 =	vld.idx.msk [tilespmem:v42+s23+$0x0], $0xffff;
	v42 =	vadd.s32 v18, v40  }
0x268: {  	v42 =	vand.u32 $0xFFFFFFF8, v42  }
0x269: {  	v42 =	vor.u32 v5, v42;
	_ =	sdelay $0x3  }
0x26a: {  	[tilespmem:s0+$0xFFFFF200] =	vst v41  }
0x26b: {  	v41 =	vld.idx.msk [tilespmem:v42+s23+$0x0], $0xffff;
	v42 =	vadd.s32 v19, v40  }
0x26c: {  	v42 =	vand.u32 $0xFFFFFFF8, v42  }
0x26d: {  	v42 =	vor.u32 v7, v42;
	_ =	sdelay $0x3  }
0x26e: {  	[tilespmem:s0+$0xFFFFF400] =	vst v41  }
0x26f: {  	v41 =	vld.idx.msk [tilespmem:v42+s23+$0x0], $0xffff;
	v42 =	vadd.s32 v20, v40  }
0x270: {  	v42 =	vand.u32 $0xFFFFFFF8, v42  }
0x271: {  	v42 =	vor.u32 v9, v42;
	_ =	sdelay $0x3  }
0x272: {  	[tilespmem:s0+$0xFFFFF600] =	vst v41  }
0x273: {  	v41 =	vld.idx.msk [tilespmem:v42+s23+$0x0], $0xffff;
	v42 =	vadd.s32 v21, v40  }
0x274: {  	v42 =	vand.u32 $0xFFFFFFF8, v42  }
0x275: {  	v42 =	vor.u32 v11, v42;
	_ =	sdelay $0x3  }
0x276: {  	[tilespmem:s0+$0xFFFFF800] =	vst v41  }
0x277: {  	v41 =	vld.idx.msk [tilespmem:v42+s23+$0x0], $0xffff;
	v42 =	vadd.s32 v22, v40  }
0x278: {  	v42 =	vand.u32 $0xFFFFFFF8, v42  }
0x279: {  	v42 =	vor.u32 v13, v42;
	_ =	sdelay $0x3  }
0x27a: {  	[tilespmem:s0+$0xFFFFFA00] =	vst v41  }
0x27b: {  	v41 =	vld.idx.msk [tilespmem:v42+s23+$0x0], $0xffff;
	v42 =	vadd.s32 v23, v40  }
0x27c: {  	v42 =	vand.u32 $0xFFFFFFF8, v42  }
0x27d: {  	v42 =	vor.u32 v15, v42;
	_ =	sdelay $0x3  }
0x27e: {  	[tilespmem:s0+$0xFFFFFC00] =	vst v41  }
0x27f: {  	v41 =	vld.idx.msk [tilespmem:v42+s23+$0x0], $0xffff;
	v42 =	vadd.s32 v24, v40  }
0x280: {  	v42 =	vand.u32 $0xFFFFFFF8, v42  }
0x281: {  	v42 =	vor.u32 v1, v42;
	_ =	sdelay $0x3  }
0x282: {  	[tilespmem:s0+$0xFFFFFE00] =	vst v41  }
0x283: {  	v41 =	vld.idx.msk [tilespmem:v42+s23+$0x0], $0xffff;
	v42 =	vadd.s32 v25, v40  }
0x284: {  	v42 =	vand.u32 $0xFFFFFFF8, v42  }
0x285: {  	v42 =	vor.u32 v3, v42;
	_ =	sdelay $0x3  }
0x286: {  	[tilespmem:s0+$0x0] =	vst v41  }
0x287: {  	v41 =	vld.idx.msk [tilespmem:v42+s23+$0x0], $0xffff;
	v42 =	vadd.s32 v26, v40  }
0x288: {  	v42 =	vand.u32 $0xFFFFFFF8, v42  }
0x289: {  	v42 =	vor.u32 v5, v42;
	_ =	sdelay $0x3  }
0x28a: {  	[tilespmem:s0+$0x200] =	vst v41  }
0x28b: {  	v41 =	vld.idx.msk [tilespmem:v42+s23+$0x0], $0xffff;
	v42 =	vadd.s32 v27, v40  }
0x28c: {  	v42 =	vand.u32 $0xFFFFFFF8, v42  }
0x28d: {  	v42 =	vor.u32 v7, v42;
	_ =	sdelay $0x3  }
0x28e: {  	[tilespmem:s0+$0x400] =	vst v41  }
0x28f: {  	v41 =	vld.idx.msk [tilespmem:v42+s23+$0x0], $0xffff;
	v42 =	vadd.s32 v28, v40  }
0x290: {  	v42 =	vand.u32 $0xFFFFFFF8, v42  }
0x291: {  	v42 =	vor.u32 v9, v42;
	_ =	sdelay $0x3  }
0x292: {  	[tilespmem:s0+$0x600] =	vst v41  }
0x293: {  	v41 =	vld.idx.msk [tilespmem:v42+s23+$0x0], $0xffff;
	v42 =	vadd.s32 v29, v40  }
0x294: {  	v42 =	vand.u32 $0xFFFFFFF8, v42  }
0x295: {  	v42 =	vor.u32 v11, v42;
	_ =	sdelay $0x3  }
0x296: {  	[tilespmem:s0+$0x800] =	vst v41  }
0x297: {  	v41 =	vld.idx.msk [tilespmem:v42+s23+$0x0], $0xffff;
	v42 =	vadd.s32 v30, v40  }
0x298: {  	v42 =	vand.u32 $0xFFFFFFF8, v42  }
0x299: {  	v42 =	vor.u32 v13, v42;
	_ =	sdelay $0x3  }
0x29a: {  	[tilespmem:s0+$0xA00] =	vst v41  }
0x29b: {  	v41 =	vld.idx.msk [tilespmem:v42+s23+$0x0], $0xffff;
	v42 =	vadd.s32 v31, v40  }
0x29c: {  	v42 =	vand.u32 $0xFFFFFFF8, v42  }
0x29d: {  	v42 =	vor.u32 v15, v42;
	_ =	sdelay $0x3  }
0x29e: {  	[tilespmem:s0+$0xC00] =	vst v41  }
0x29f: {  	v41 =	vld.idx.msk [tilespmem:v42+s23+$0x0], $0xffff;
	v42 =	vadd.s32 v32, v40  }
0x2a0: {  	v42 =	vand.u32 $0xFFFFFFF8, v42  }
0x2a1: {  	v42 =	vor.u32 v1, v42;
	_ =	sdelay $0x3  }
0x2a2: {  	[tilespmem:s0+$0xE00] =	vst v41  }
0x2a3: {  	v41 =	vld.idx.msk [tilespmem:v42+s23+$0x0], $0xffff;
	v42 =	vadd.s32 v33, v40  }
0x2a4: {  	v42 =	vand.u32 $0xFFFFFFF8, v42  }
0x2a5: {  	v42 =	vor.u32 v3, v42;
	_ =	sdelay $0x3  }
0x2a6: {  	[tilespmem:s0+$0x1000] =	vst v41  }
0x2a7: {  	v41 =	vld.idx.msk [tilespmem:v42+s23+$0x0], $0xffff;
	v42 =	vadd.s32 v34, v40  }
0x2a8: {  	v42 =	vand.u32 $0xFFFFFFF8, v42  }
0x2a9: {  	v42 =	vor.u32 v5, v42;
	_ =	sdelay $0x3  }
0x2aa: {  	[tilespmem:s0+$0x1200] =	vst v41  }
0x2ab: {  	v41 =	vld.idx.msk [tilespmem:v42+s23+$0x0], $0xffff;
	v42 =	vadd.s32 v35, v40  }
0x2ac: {  	v42 =	vand.u32 $0xFFFFFFF8, v42  }
0x2ad: {  	v42 =	vor.u32 v7, v42;
	_ =	sdelay $0x3  }
0x2ae: {  	[tilespmem:s0+$0x1400] =	vst v41  }
0x2af: {  	v41 =	vld.idx.msk [tilespmem:v42+s23+$0x0], $0xffff;
	v42 =	vadd.s32 v36, v40  }
0x2b0: {  	v42 =	vand.u32 $0xFFFFFFF8, v42  }
0x2b1: {  	v42 =	vor.u32 v9, v42;
	_ =	sdelay $0x3  }
0x2b2: {  	[tilespmem:s0+$0x1600] =	vst v41  }
0x2b3: {  	v41 =	vld.idx.msk [tilespmem:v42+s23+$0x0], $0xffff;
	v42 =	vadd.s32 v37, v40  }
0x2b4: {  	v42 =	vand.u32 $0xFFFFFFF8, v42  }
0x2b5: {  	v42 =	vor.u32 v11, v42;
	_ =	sdelay $0x3  }
0x2b6: {  	[tilespmem:s0+$0x1800] =	vst v41  }
0x2b7: {  	v41 =	vld.idx.msk [tilespmem:v42+s23+$0x0], $0xffff;
	v42 =	vadd.s32 v38, v40  }
0x2b8: {  	v42 =	vand.u32 $0xFFFFFFF8, v42  }
0x2b9: {  	v42 =	vor.u32 v13, v42;
	_ =	sdelay $0x3  }
0x2ba: {  	[tilespmem:s0+$0x1A00] =	vst v41  }
0x2bb: {  	v40 =	vadd.s32 v39, v40;
	v41 =	vld.idx.msk [tilespmem:v42+s23+$0x0], $0xffff  }
0x2bc: {  	v40 =	vand.u32 $0xFFFFFFF8, v40  }
0x2bd: {  	v40 =	vor.u32 v15, v40  }
0x2be: {  	s13 =	sadd.s32 $0x10, s12  }
0x2bf: {  	v42 =	vmov s13  }
0x2c0: {  	v42 =	vmul.u32 $0x21, v42  }
0x2c1: {  	[tilespmem:s0+$0x1C00] =	vst v41  }
0x2c2: {  	v41 =	vld.idx.msk [tilespmem:v40+s23+$0x0], $0xffff;
	v40 =	vbroadcast v42, $0x0;
	_ =	sdelay $0x1  }
0x2c3: {  	v42 =	vadd.s32 v0, v40;
	_ =	sdelay $0x3  }
0x2c4: {  	[tilespmem:s0+$0x1E00] =	vst v41  }
0x2c5: {  	v41 =	vld.idx.msk [tilespmem:v42+s23+$0x0], $0xffff;
	_ =	sdelay $0x1  }
0x2c6: {  	v42 =	vadd.s32 v2, v40;
	_ =	sdelay $0x3  }
0x2c7: {  	[tilespmem:s0+$0xFFFFE010] =	vst v41  }
0x2c8: {  	v41 =	vld.idx.msk [tilespmem:v42+s23+$0x0], $0xffff;
	_ =	sdelay $0x1  }
0x2c9: {  	v42 =	vadd.s32 v4, v40;
	_ =	sdelay $0x3  }
0x2ca: {  	[tilespmem:s0+$0xFFFFE210] =	vst v41  }
0x2cb: {  	v41 =	vld.idx.msk [tilespmem:v42+s23+$0x0], $0xffff;
	_ =	sdelay $0x1  }
0x2cc: {  	v42 =	vadd.s32 v6, v40;
	_ =	sdelay $0x3  }
0x2cd: {  	[tilespmem:s0+$0xFFFFE410] =	vst v41  }
0x2ce: {  	v41 =	vld.idx.msk [tilespmem:v42+s23+$0x0], $0xffff;
	_ =	sdelay $0x1  }
0x2cf: {  	v42 =	vadd.s32 v8, v40;
	_ =	sdelay $0x3  }
0x2d0: {  	[tilespmem:s0+$0xFFFFE610] =	vst v41  }
0x2d1: {  	v41 =	vld.idx.msk [tilespmem:v42+s23+$0x0], $0xffff;
	_ =	sdelay $0x1  }
0x2d2: {  	v42 =	vadd.s32 v10, v40;
	_ =	sdelay $0x3  }
0x2d3: {  	[tilespmem:s0+$0xFFFFE810] =	vst v41  }
0x2d4: {  	v41 =	vld.idx.msk [tilespmem:v42+s23+$0x0], $0xffff;
	_ =	sdelay $0x1  }
0x2d5: {  	v42 =	vadd.s32 v12, v40;
	_ =	sdelay $0x3  }
0x2d6: {  	[tilespmem:s0+$0xFFFFEA10] =	vst v41  }
0x2d7: {  	v41 =	vld.idx.msk [tilespmem:v42+s23+$0x0], $0xffff;
	_ =	sdelay $0x1  }
0x2d8: {  	v42 =	vadd.s32 v14, v40;
	_ =	sdelay $0x3  }
0x2d9: {  	[tilespmem:s0+$0xFFFFEC10] =	vst v41  }
0x2da: {  	v41 =	vld.idx.msk [tilespmem:v42+s23+$0x0], $0xffff;
	_ =	sdelay $0x1  }
0x2db: {  	v42 =	vadd.s32 v16, v40;
	_ =	sdelay $0x3  }
0x2dc: {  	[tilespmem:s0+$0xFFFFEE10] =	vst v41  }
0x2dd: {  	v41 =	vld.idx.msk [tilespmem:v42+s23+$0x0], $0xffff;
	_ =	sdelay $0x1  }
0x2de: {  	v42 =	vadd.s32 v17, v40;
	_ =	sdelay $0x3  }
0x2df: {  	[tilespmem:s0+$0xFFFFF010] =	vst v41  }
0x2e0: {  	v41 =	vld.idx.msk [tilespmem:v42+s23+$0x0], $0xffff;
	_ =	sdelay $0x1  }
0x2e1: {  	v42 =	vadd.s32 v18, v40;
	_ =	sdelay $0x3  }
0x2e2: {  	[tilespmem:s0+$0xFFFFF210] =	vst v41  }
0x2e3: {  	v41 =	vld.idx.msk [tilespmem:v42+s23+$0x0], $0xffff;
	_ =	sdelay $0x1  }
0x2e4: {  	v42 =	vadd.s32 v19, v40;
	_ =	sdelay $0x3  }
0x2e5: {  	[tilespmem:s0+$0xFFFFF410] =	vst v41  }
0x2e6: {  	v41 =	vld.idx.msk [tilespmem:v42+s23+$0x0], $0xffff;
	_ =	sdelay $0x1  }
0x2e7: {  	v42 =	vadd.s32 v20, v40;
	_ =	sdelay $0x3  }
0x2e8: {  	[tilespmem:s0+$0xFFFFF610] =	vst v41  }
0x2e9: {  	v41 =	vld.idx.msk [tilespmem:v42+s23+$0x0], $0xffff;
	_ =	sdelay $0x1  }
0x2ea: {  	v42 =	vadd.s32 v21, v40;
	_ =	sdelay $0x3  }
0x2eb: {  	[tilespmem:s0+$0xFFFFF810] =	vst v41  }
0x2ec: {  	v41 =	vld.idx.msk [tilespmem:v42+s23+$0x0], $0xffff;
	_ =	sdelay $0x1  }
0x2ed: {  	v42 =	vadd.s32 v22, v40;
	_ =	sdelay $0x3  }
0x2ee: {  	[tilespmem:s0+$0xFFFFFA10] =	vst v41  }
0x2ef: {  	v41 =	vld.idx.msk [tilespmem:v42+s23+$0x0], $0xffff;
	_ =	sdelay $0x1  }
0x2f0: {  	v42 =	vadd.s32 v23, v40;
	_ =	sdelay $0x3  }
0x2f1: {  	[tilespmem:s0+$0xFFFFFC10] =	vst v41  }
0x2f2: {  	v41 =	vld.idx.msk [tilespmem:v42+s23+$0x0], $0xffff;
	_ =	sdelay $0x1  }
0x2f3: {  	v42 =	vadd.s32 v24, v40;
	_ =	sdelay $0x3  }
0x2f4: {  	[tilespmem:s0+$0xFFFFFE10] =	vst v41  }
0x2f5: {  	v41 =	vld.idx.msk [tilespmem:v42+s23+$0x0], $0xffff;
	_ =	sdelay $0x1  }
0x2f6: {  	v42 =	vadd.s32 v25, v40;
	_ =	sdelay $0x3  }
0x2f7: {  	[tilespmem:s0+$0x10] =	vst v41  }
0x2f8: {  	v41 =	vld.idx.msk [tilespmem:v42+s23+$0x0], $0xffff;
	_ =	sdelay $0x1  }
0x2f9: {  	v42 =	vadd.s32 v26, v40;
	_ =	sdelay $0x3  }
0x2fa: {  	[tilespmem:s0+$0x210] =	vst v41  }
0x2fb: {  	v41 =	vld.idx.msk [tilespmem:v42+s23+$0x0], $0xffff;
	_ =	sdelay $0x1  }
0x2fc: {  	v42 =	vadd.s32 v27, v40;
	_ =	sdelay $0x3  }
0x2fd: {  	[tilespmem:s0+$0x410] =	vst v41  }
0x2fe: {  	v41 =	vld.idx.msk [tilespmem:v42+s23+$0x0], $0xffff;
	_ =	sdelay $0x1  }
0x2ff: {  	v42 =	vadd.s32 v28, v40;
	_ =	sdelay $0x3  }
0x300: {  	[tilespmem:s0+$0x610] =	vst v41  }
0x301: {  	v41 =	vld.idx.msk [tilespmem:v42+s23+$0x0], $0xffff;
	_ =	sdelay $0x1  }
0x302: {  	v42 =	vadd.s32 v29, v40;
	_ =	sdelay $0x3  }
0x303: {  	[tilespmem:s0+$0x810] =	vst v41  }
0x304: {  	v41 =	vld.idx.msk [tilespmem:v42+s23+$0x0], $0xffff;
	_ =	sdelay $0x1  }
0x305: {  	v42 =	vadd.s32 v30, v40;
	_ =	sdelay $0x3  }
0x306: {  	[tilespmem:s0+$0xA10] =	vst v41  }
0x307: {  	v41 =	vld.idx.msk [tilespmem:v42+s23+$0x0], $0xffff;
	_ =	sdelay $0x1  }
0x308: {  	v42 =	vadd.s32 v31, v40;
	_ =	sdelay $0x3  }
0x309: {  	[tilespmem:s0+$0xC10] =	vst v41  }
0x30a: {  	v41 =	vld.idx.msk [tilespmem:v42+s23+$0x0], $0xffff;
	_ =	sdelay $0x1  }
0x30b: {  	v42 =	vadd.s32 v32, v40;
	_ =	sdelay $0x3  }
0x30c: {  	[tilespmem:s0+$0xE10] =	vst v41  }
0x30d: {  	v41 =	vld.idx.msk [tilespmem:v42+s23+$0x0], $0xffff;
	_ =	sdelay $0x1  }
0x30e: {  	v42 =	vadd.s32 v33, v40;
	_ =	sdelay $0x3  }
0x30f: {  	[tilespmem:s0+$0x1010] =	vst v41  }
0x310: {  	v41 =	vld.idx.msk [tilespmem:v42+s23+$0x0], $0xffff;
	_ =	sdelay $0x1  }
0x311: {  	v42 =	vadd.s32 v34, v40;
	_ =	sdelay $0x3  }
0x312: {  	[tilespmem:s0+$0x1210] =	vst v41  }
0x313: {  	v41 =	vld.idx.msk [tilespmem:v42+s23+$0x0], $0xffff;
	_ =	sdelay $0x1  }
0x314: {  	v42 =	vadd.s32 v35, v40;
	_ =	sdelay $0x3  }
0x315: {  	[tilespmem:s0+$0x1410] =	vst v41  }
0x316: {  	v41 =	vld.idx.msk [tilespmem:v42+s23+$0x0], $0xffff;
	_ =	sdelay $0x1  }
0x317: {  	v42 =	vadd.s32 v36, v40;
	_ =	sdelay $0x3  }
0x318: {  	[tilespmem:s0+$0x1610] =	vst v41  }
0x319: {  	v41 =	vld.idx.msk [tilespmem:v42+s23+$0x0], $0xffff;
	_ =	sdelay $0x1  }
0x31a: {  	v42 =	vadd.s32 v37, v40;
	_ =	sdelay $0x3  }
0x31b: {  	[tilespmem:s0+$0x1810] =	vst v41  }
0x31c: {  	v41 =	vld.idx.msk [tilespmem:v42+s23+$0x0], $0xffff;
	_ =	sdelay $0x1  }
0x31d: {  	v42 =	vadd.s32 v38, v40;
	_ =	sdelay $0x3  }
0x31e: {  	[tilespmem:s0+$0x1A10] =	vst v41  }
0x31f: {  	v41 =	vld.idx.msk [tilespmem:v42+s23+$0x0], $0xffff;
	_ =	sdelay $0x1  }
0x320: {  	v40 =	vadd.s32 v39, v40  }
0x321: {  	s13 =	sadd.s32 $0x20, s12  }
0x322: {  	v42 =	vmov s13  }
0x323: {  	v42 =	vmul.u32 $0x21, v42  }
0x324: {  	[tilespmem:s0+$0x1C10] =	vst v41  }
0x325: {  	v41 =	vld.idx.msk [tilespmem:v40+s23+$0x0], $0xffff;
	v40 =	vbroadcast v42, $0x0;
	_ =	sdelay $0x1  }
0x326: {  	v42 =	vadd.s32 v0, v40;
	_ =	sdelay $0x3  }
0x327: {  	[tilespmem:s0+$0x1E10] =	vst v41  }
0x328: {  	v41 =	vld.idx.msk [tilespmem:v42+s23+$0x0], $0xffff;
	_ =	sdelay $0x1  }
0x329: {  	v42 =	vadd.s32 v2, v40;
	_ =	sdelay $0x3  }
0x32a: {  	[tilespmem:s0+$0xFFFFE020] =	vst v41  }
0x32b: {  	v41 =	vld.idx.msk [tilespmem:v42+s23+$0x0], $0xffff;
	_ =	sdelay $0x1  }
0x32c: {  	v42 =	vadd.s32 v4, v40;
	_ =	sdelay $0x3  }
0x32d: {  	[tilespmem:s0+$0xFFFFE220] =	vst v41  }
0x32e: {  	v41 =	vld.idx.msk [tilespmem:v42+s23+$0x0], $0xffff;
	_ =	sdelay $0x1  }
0x32f: {  	v42 =	vadd.s32 v6, v40;
	_ =	sdelay $0x3  }
0x330: {  	[tilespmem:s0+$0xFFFFE420] =	vst v41  }
0x331: {  	v41 =	vld.idx.msk [tilespmem:v42+s23+$0x0], $0xffff;
	_ =	sdelay $0x1  }
0x332: {  	v42 =	vadd.s32 v8, v40;
	_ =	sdelay $0x3  }
0x333: {  	[tilespmem:s0+$0xFFFFE620] =	vst v41  }
0x334: {  	v41 =	vld.idx.msk [tilespmem:v42+s23+$0x0], $0xffff;
	_ =	sdelay $0x1  }
0x335: {  	v42 =	vadd.s32 v10, v40;
	_ =	sdelay $0x3  }
0x336: {  	[tilespmem:s0+$0xFFFFE820] =	vst v41  }
0x337: {  	v41 =	vld.idx.msk [tilespmem:v42+s23+$0x0], $0xffff;
	_ =	sdelay $0x1  }
0x338: {  	v42 =	vadd.s32 v12, v40;
	_ =	sdelay $0x3  }
0x339: {  	[tilespmem:s0+$0xFFFFEA20] =	vst v41  }
0x33a: {  	v41 =	vld.idx.msk [tilespmem:v42+s23+$0x0], $0xffff;
	_ =	sdelay $0x1  }
0x33b: {  	v42 =	vadd.s32 v14, v40;
	_ =	sdelay $0x3  }
0x33c: {  	[tilespmem:s0+$0xFFFFEC20] =	vst v41  }
0x33d: {  	v41 =	vld.idx.msk [tilespmem:v42+s23+$0x0], $0xffff;
	_ =	sdelay $0x1  }
0x33e: {  	v42 =	vadd.s32 v16, v40;
	_ =	sdelay $0x3  }
0x33f: {  	[tilespmem:s0+$0xFFFFEE20] =	vst v41  }
0x340: {  	v41 =	vld.idx.msk [tilespmem:v42+s23+$0x0], $0xffff;
	_ =	sdelay $0x1  }
0x341: {  	v42 =	vadd.s32 v17, v40;
	_ =	sdelay $0x3  }
0x342: {  	[tilespmem:s0+$0xFFFFF020] =	vst v41  }
0x343: {  	v41 =	vld.idx.msk [tilespmem:v42+s23+$0x0], $0xffff;
	_ =	sdelay $0x1  }
0x344: {  	v42 =	vadd.s32 v18, v40;
	_ =	sdelay $0x3  }
0x345: {  	[tilespmem:s0+$0xFFFFF220] =	vst v41  }
0x346: {  	v41 =	vld.idx.msk [tilespmem:v42+s23+$0x0], $0xffff;
	_ =	sdelay $0x1  }
0x347: {  	v42 =	vadd.s32 v19, v40;
	_ =	sdelay $0x3  }
0x348: {  	[tilespmem:s0+$0xFFFFF420] =	vst v41  }
0x349: {  	v41 =	vld.idx.msk [tilespmem:v42+s23+$0x0], $0xffff;
	_ =	sdelay $0x1  }
0x34a: {  	v42 =	vadd.s32 v20, v40;
	_ =	sdelay $0x3  }
0x34b: {  	[tilespmem:s0+$0xFFFFF620] =	vst v41  }
0x34c: {  	v41 =	vld.idx.msk [tilespmem:v42+s23+$0x0], $0xffff;
	_ =	sdelay $0x1  }
0x34d: {  	v42 =	vadd.s32 v21, v40;
	_ =	sdelay $0x3  }
0x34e: {  	[tilespmem:s0+$0xFFFFF820] =	vst v41  }
0x34f: {  	v41 =	vld.idx.msk [tilespmem:v42+s23+$0x0], $0xffff;
	_ =	sdelay $0x1  }
0x350: {  	v42 =	vadd.s32 v22, v40;
	_ =	sdelay $0x3  }
0x351: {  	[tilespmem:s0+$0xFFFFFA20] =	vst v41  }
0x352: {  	v41 =	vld.idx.msk [tilespmem:v42+s23+$0x0], $0xffff;
	_ =	sdelay $0x1  }
0x353: {  	v42 =	vadd.s32 v23, v40;
	_ =	sdelay $0x3  }
0x354: {  	[tilespmem:s0+$0xFFFFFC20] =	vst v41  }
0x355: {  	v41 =	vld.idx.msk [tilespmem:v42+s23+$0x0], $0xffff;
	_ =	sdelay $0x1  }
0x356: {  	v42 =	vadd.s32 v24, v40;
	_ =	sdelay $0x3  }
0x357: {  	[tilespmem:s0+$0xFFFFFE20] =	vst v41  }
0x358: {  	v41 =	vld.idx.msk [tilespmem:v42+s23+$0x0], $0xffff;
	_ =	sdelay $0x1  }
0x359: {  	v42 =	vadd.s32 v25, v40;
	_ =	sdelay $0x3  }
0x35a: {  	[tilespmem:s0+$0x20] =	vst v41  }
0x35b: {  	v41 =	vld.idx.msk [tilespmem:v42+s23+$0x0], $0xffff;
	_ =	sdelay $0x1  }
0x35c: {  	v42 =	vadd.s32 v26, v40;
	_ =	sdelay $0x3  }
0x35d: {  	[tilespmem:s0+$0x220] =	vst v41  }
0x35e: {  	v41 =	vld.idx.msk [tilespmem:v42+s23+$0x0], $0xffff;
	_ =	sdelay $0x1  }
0x35f: {  	v42 =	vadd.s32 v27, v40;
	_ =	sdelay $0x3  }
0x360: {  	[tilespmem:s0+$0x420] =	vst v41  }
0x361: {  	v41 =	vld.idx.msk [tilespmem:v42+s23+$0x0], $0xffff;
	_ =	sdelay $0x1  }
0x362: {  	v42 =	vadd.s32 v28, v40;
	_ =	sdelay $0x3  }
0x363: {  	[tilespmem:s0+$0x620] =	vst v41  }
0x364: {  	v41 =	vld.idx.msk [tilespmem:v42+s23+$0x0], $0xffff;
	_ =	sdelay $0x1  }
0x365: {  	v42 =	vadd.s32 v29, v40;
	_ =	sdelay $0x3  }
0x366: {  	[tilespmem:s0+$0x820] =	vst v41  }
0x367: {  	v41 =	vld.idx.msk [tilespmem:v42+s23+$0x0], $0xffff;
	_ =	sdelay $0x1  }
0x368: {  	v42 =	vadd.s32 v30, v40;
	_ =	sdelay $0x3  }
0x369: {  	[tilespmem:s0+$0xA20] =	vst v41  }
0x36a: {  	v41 =	vld.idx.msk [tilespmem:v42+s23+$0x0], $0xffff;
	_ =	sdelay $0x1  }
0x36b: {  	v42 =	vadd.s32 v31, v40;
	_ =	sdelay $0x3  }
0x36c: {  	[tilespmem:s0+$0xC20] =	vst v41  }
0x36d: {  	v41 =	vld.idx.msk [tilespmem:v42+s23+$0x0], $0xffff;
	_ =	sdelay $0x1  }
0x36e: {  	v42 =	vadd.s32 v32, v40;
	_ =	sdelay $0x3  }
0x36f: {  	[tilespmem:s0+$0xE20] =	vst v41  }
0x370: {  	v41 =	vld.idx.msk [tilespmem:v42+s23+$0x0], $0xffff;
	_ =	sdelay $0x1  }
0x371: {  	v42 =	vadd.s32 v33, v40;
	_ =	sdelay $0x3  }
0x372: {  	[tilespmem:s0+$0x1020] =	vst v41  }
0x373: {  	v41 =	vld.idx.msk [tilespmem:v42+s23+$0x0], $0xffff;
	_ =	sdelay $0x1  }
0x374: {  	v42 =	vadd.s32 v34, v40;
	_ =	sdelay $0x3  }
0x375: {  	[tilespmem:s0+$0x1220] =	vst v41  }
0x376: {  	v41 =	vld.idx.msk [tilespmem:v42+s23+$0x0], $0xffff;
	_ =	sdelay $0x1  }
0x377: {  	v42 =	vadd.s32 v35, v40;
	_ =	sdelay $0x3  }
0x378: {  	[tilespmem:s0+$0x1420] =	vst v41  }
0x379: {  	v41 =	vld.idx.msk [tilespmem:v42+s23+$0x0], $0xffff;
	_ =	sdelay $0x1  }
0x37a: {  	v42 =	vadd.s32 v36, v40;
	_ =	sdelay $0x3  }
0x37b: {  	[tilespmem:s0+$0x1620] =	vst v41  }
0x37c: {  	v41 =	vld.idx.msk [tilespmem:v42+s23+$0x0], $0xffff;
	_ =	sdelay $0x1  }
0x37d: {  	v42 =	vadd.s32 v37, v40;
	_ =	sdelay $0x3  }
0x37e: {  	[tilespmem:s0+$0x1820] =	vst v41  }
0x37f: {  	v41 =	vld.idx.msk [tilespmem:v42+s23+$0x0], $0xffff;
	_ =	sdelay $0x1  }
0x380: {  	v42 =	vadd.s32 v38, v40;
	_ =	sdelay $0x3  }
0x381: {  	[tilespmem:s0+$0x1A20] =	vst v41  }
0x382: {  	v41 =	vld.idx.msk [tilespmem:v42+s23+$0x0], $0xffff;
	_ =	sdelay $0x1  }
0x383: {  	v40 =	vadd.s32 v39, v40  }
0x384: {  	s13 =	sadd.s32 $0x30, s12  }
0x385: {  	v42 =	vmov s13  }
0x386: {  	v42 =	vmul.u32 $0x21, v42  }
0x387: {  	[tilespmem:s0+$0x1C20] =	vst v41  }
0x388: {  	v41 =	vld.idx.msk [tilespmem:v40+s23+$0x0], $0xffff;
	v40 =	vbroadcast v42, $0x0;
	_ =	sdelay $0x1  }
0x389: {  	v42 =	vadd.s32 v0, v40;
	_ =	sdelay $0x3  }
0x38a: {  	[tilespmem:s0+$0x1E20] =	vst v41  }
0x38b: {  	v41 =	vld.idx.msk [tilespmem:v42+s23+$0x0], $0xffff;
	_ =	sdelay $0x1  }
0x38c: {  	v42 =	vadd.s32 v2, v40;
	_ =	sdelay $0x3  }
0x38d: {  	[tilespmem:s0+$0xFFFFE030] =	vst v41  }
0x38e: {  	v41 =	vld.idx.msk [tilespmem:v42+s23+$0x0], $0xffff;
	_ =	sdelay $0x1  }
0x38f: {  	v42 =	vadd.s32 v4, v40;
	_ =	sdelay $0x3  }
0x390: {  	[tilespmem:s0+$0xFFFFE230] =	vst v41  }
0x391: {  	v41 =	vld.idx.msk [tilespmem:v42+s23+$0x0], $0xffff;
	_ =	sdelay $0x1  }
0x392: {  	v42 =	vadd.s32 v6, v40;
	_ =	sdelay $0x3  }
0x393: {  	[tilespmem:s0+$0xFFFFE430] =	vst v41  }
0x394: {  	v41 =	vld.idx.msk [tilespmem:v42+s23+$0x0], $0xffff;
	_ =	sdelay $0x1  }
0x395: {  	v42 =	vadd.s32 v8, v40;
	_ =	sdelay $0x3  }
0x396: {  	[tilespmem:s0+$0xFFFFE630] =	vst v41  }
0x397: {  	v41 =	vld.idx.msk [tilespmem:v42+s23+$0x0], $0xffff;
	_ =	sdelay $0x1  }
0x398: {  	v42 =	vadd.s32 v10, v40;
	_ =	sdelay $0x3  }
0x399: {  	[tilespmem:s0+$0xFFFFE830] =	vst v41  }
0x39a: {  	v41 =	vld.idx.msk [tilespmem:v42+s23+$0x0], $0xffff;
	_ =	sdelay $0x1  }
0x39b: {  	v42 =	vadd.s32 v12, v40;
	_ =	sdelay $0x3  }
0x39c: {  	[tilespmem:s0+$0xFFFFEA30] =	vst v41  }
0x39d: {  	v41 =	vld.idx.msk [tilespmem:v42+s23+$0x0], $0xffff;
	_ =	sdelay $0x1  }
0x39e: {  	v42 =	vadd.s32 v14, v40;
	_ =	sdelay $0x3  }
0x39f: {  	[tilespmem:s0+$0xFFFFEC30] =	vst v41  }
0x3a0: {  	v41 =	vld.idx.msk [tilespmem:v42+s23+$0x0], $0xffff;
	_ =	sdelay $0x1  }
0x3a1: {  	v42 =	vadd.s32 v16, v40;
	_ =	sdelay $0x3  }
0x3a2: {  	[tilespmem:s0+$0xFFFFEE30] =	vst v41  }
0x3a3: {  	v41 =	vld.idx.msk [tilespmem:v42+s23+$0x0], $0xffff;
	_ =	sdelay $0x1  }
0x3a4: {  	v42 =	vadd.s32 v17, v40;
	_ =	sdelay $0x3  }
0x3a5: {  	[tilespmem:s0+$0xFFFFF030] =	vst v41  }
0x3a6: {  	v41 =	vld.idx.msk [tilespmem:v42+s23+$0x0], $0xffff;
	_ =	sdelay $0x1  }
0x3a7: {  	v42 =	vadd.s32 v18, v40;
	_ =	sdelay $0x3  }
0x3a8: {  	[tilespmem:s0+$0xFFFFF230] =	vst v41  }
0x3a9: {  	v41 =	vld.idx.msk [tilespmem:v42+s23+$0x0], $0xffff;
	_ =	sdelay $0x1  }
0x3aa: {  	v42 =	vadd.s32 v19, v40;
	_ =	sdelay $0x3  }
0x3ab: {  	[tilespmem:s0+$0xFFFFF430] =	vst v41  }
0x3ac: {  	v41 =	vld.idx.msk [tilespmem:v42+s23+$0x0], $0xffff;
	_ =	sdelay $0x1  }
0x3ad: {  	v42 =	vadd.s32 v20, v40;
	_ =	sdelay $0x3  }
0x3ae: {  	[tilespmem:s0+$0xFFFFF630] =	vst v41  }
0x3af: {  	v41 =	vld.idx.msk [tilespmem:v42+s23+$0x0], $0xffff;
	_ =	sdelay $0x1  }
0x3b0: {  	v42 =	vadd.s32 v21, v40;
	_ =	sdelay $0x3  }
0x3b1: {  	[tilespmem:s0+$0xFFFFF830] =	vst v41  }
0x3b2: {  	v41 =	vld.idx.msk [tilespmem:v42+s23+$0x0], $0xffff;
	_ =	sdelay $0x1  }
0x3b3: {  	v42 =	vadd.s32 v22, v40;
	_ =	sdelay $0x3  }
0x3b4: {  	[tilespmem:s0+$0xFFFFFA30] =	vst v41  }
0x3b5: {  	v41 =	vld.idx.msk [tilespmem:v42+s23+$0x0], $0xffff;
	_ =	sdelay $0x1  }
0x3b6: {  	v42 =	vadd.s32 v23, v40;
	_ =	sdelay $0x3  }
0x3b7: {  	[tilespmem:s0+$0xFFFFFC30] =	vst v41  }
0x3b8: {  	v41 =	vld.idx.msk [tilespmem:v42+s23+$0x0], $0xffff;
	_ =	sdelay $0x1  }
0x3b9: {  	v42 =	vadd.s32 v24, v40;
	_ =	sdelay $0x3  }
0x3ba: {  	[tilespmem:s0+$0xFFFFFE30] =	vst v41  }
0x3bb: {  	v41 =	vld.idx.msk [tilespmem:v42+s23+$0x0], $0xffff;
	_ =	sdelay $0x1  }
0x3bc: {  	v42 =	vadd.s32 v25, v40;
	_ =	sdelay $0x3  }
0x3bd: {  	[tilespmem:s0+$0x30] =	vst v41  }
0x3be: {  	v41 =	vld.idx.msk [tilespmem:v42+s23+$0x0], $0xffff;
	_ =	sdelay $0x1  }
0x3bf: {  	v42 =	vadd.s32 v26, v40;
	_ =	sdelay $0x3  }
0x3c0: {  	[tilespmem:s0+$0x230] =	vst v41  }
0x3c1: {  	v41 =	vld.idx.msk [tilespmem:v42+s23+$0x0], $0xffff;
	_ =	sdelay $0x1  }
0x3c2: {  	v42 =	vadd.s32 v27, v40;
	_ =	sdelay $0x3  }
0x3c3: {  	[tilespmem:s0+$0x430] =	vst v41  }
0x3c4: {  	v41 =	vld.idx.msk [tilespmem:v42+s23+$0x0], $0xffff;
	_ =	sdelay $0x1  }
0x3c5: {  	v42 =	vadd.s32 v28, v40;
	_ =	sdelay $0x3  }
0x3c6: {  	[tilespmem:s0+$0x630] =	vst v41  }
0x3c7: {  	v41 =	vld.idx.msk [tilespmem:v42+s23+$0x0], $0xffff;
	_ =	sdelay $0x1  }
0x3c8: {  	v42 =	vadd.s32 v29, v40;
	_ =	sdelay $0x3  }
0x3c9: {  	[tilespmem:s0+$0x830] =	vst v41  }
0x3ca: {  	v41 =	vld.idx.msk [tilespmem:v42+s23+$0x0], $0xffff;
	_ =	sdelay $0x1  }
0x3cb: {  	v42 =	vadd.s32 v30, v40;
	_ =	sdelay $0x3  }
0x3cc: {  	[tilespmem:s0+$0xA30] =	vst v41  }
0x3cd: {  	v41 =	vld.idx.msk [tilespmem:v42+s23+$0x0], $0xffff;
	_ =	sdelay $0x1  }
0x3ce: {  	v42 =	vadd.s32 v31, v40;
	_ =	sdelay $0x3  }
0x3cf: {  	[tilespmem:s0+$0xC30] =	vst v41  }
0x3d0: {  	v41 =	vld.idx.msk [tilespmem:v42+s23+$0x0], $0xffff;
	_ =	sdelay $0x1  }
0x3d1: {  	v42 =	vadd.s32 v32, v40;
	_ =	sdelay $0x3  }
0x3d2: {  	[tilespmem:s0+$0xE30] =	vst v41  }
0x3d3: {  	v41 =	vld.idx.msk [tilespmem:v42+s23+$0x0], $0xffff;
	_ =	sdelay $0x1  }
0x3d4: {  	v42 =	vadd.s32 v33, v40;
	_ =	sdelay $0x3  }
0x3d5: {  	[tilespmem:s0+$0x1030] =	vst v41  }
0x3d6: {  	v41 =	vld.idx.msk [tilespmem:v42+s23+$0x0], $0xffff;
	_ =	sdelay $0x1  }
0x3d7: {  	v42 =	vadd.s32 v34, v40;
	_ =	sdelay $0x3  }
0x3d8: {  	[tilespmem:s0+$0x1230] =	vst v41  }
0x3d9: {  	v41 =	vld.idx.msk [tilespmem:v42+s23+$0x0], $0xffff;
	_ =	sdelay $0x1  }
0x3da: {  	v42 =	vadd.s32 v35, v40;
	_ =	sdelay $0x3  }
0x3db: {  	[tilespmem:s0+$0x1430] =	vst v41  }
0x3dc: {  	v41 =	vld.idx.msk [tilespmem:v42+s23+$0x0], $0xffff;
	_ =	sdelay $0x1  }
0x3dd: {  	v42 =	vadd.s32 v36, v40;
	_ =	sdelay $0x3  }
0x3de: {  	[tilespmem:s0+$0x1630] =	vst v41  }
0x3df: {  	v41 =	vld.idx.msk [tilespmem:v42+s23+$0x0], $0xffff;
	_ =	sdelay $0x1  }
0x3e0: {  	v42 =	vadd.s32 v37, v40;
	_ =	sdelay $0x3  }
0x3e1: {  	[tilespmem:s0+$0x1830] =	vst v41  }
0x3e2: {  	v41 =	vld.idx.msk [tilespmem:v42+s23+$0x0], $0xffff;
	_ =	sdelay $0x1  }
0x3e3: {  	v42 =	vadd.s32 v38, v40;
	_ =	sdelay $0x1  }
.Ltmp1:
0x3e4: {  	(pc) =	sbr.rel @p0 .LBB2_5-.Ltmp1, $4  }
0x3e5: {  	_ = 	snop  }
0x3e6: {  	[tilespmem:s0+$0x1A30] =	vst v41  }
0x3e7: {  	v41 =	vld.idx.msk [tilespmem:v42+s23+$0x0], $0xffff  }
0x3e8: {  	s12 =	sadd.s32 $0x40, s12  }
0x3e9: {  	v40 =	vadd.s32 v39, v40;
	_ =	sdelay $0x3  }
0x3ea: {  	[tilespmem:s0+$0x1C30] =	vst v41  }
0x3eb: {  	v40 =	vld.idx.msk [tilespmem:v40+s23+$0x0], $0xffff;
	_ =	sdelay $0x1  }
0x3ec: {  	s2 =	sshll.u32 s30, $0x14  }
0x3ed: {  	s2 =	sor.u32 s3, s2  }
0x3ee: {  	s2 =	sshrl.u32 s2, $0x3  }
0x3ef: {  	p0 =	seq.s32 s30, $0x18;
	s13 =	sadd.s32 s5, s2;
	[tilespmem:s0+$0x1E30] =	vst v40  }
0x3f0: {  	[hbm4b:s13+s8] =	stream.strided.scatter [tilespmem:s24], [sflag:$0x2], $0x4000, s9, s8, $0x38;
	[tilespmem:$0x1A600] =	vst v63  }
0x3f1: {  	s0 =	sshll.u32 @!p0 s30, $0xA;
	_ =	swait.ge [sflag:s18], $0x4000  }
0x3f2: {  	s12 =	simm.s32 @!p0 $0x80;
	s0 =	sand.u32 @!p0 $0x3FFFFC00, s0;
	[sflag:s18] =	ssyncset.done $0x0  }
0x3f3: {  	s13 =	simm.s32 @!p0 $0x6400;
	s2 =	sadd.s32 @!p0 $0x400, s0;
	[sflag:s18] =	ssyncadd.s32 $0xFFFFC000  }
0x3f4: {  	[tilespmem:s13], [sflag:$0x1] =	stream.indirect.gather @!p0 [hbm4b:s4+s12], $0x20, s2, s12, $0xb8;
	[tilespmem:$0x1A600] =	vst v63  }
0x3f5: {  	s2 =	sadd.s32 @!p0 $0x480, s0;
	s13 =	simm.s32 @!p0 $0x7400  }
0x3f6: {  	[tilespmem:s13], [sflag:$0x1] =	stream.indirect.gather @!p0 [hbm4b:s4+s12], $0x20, s2, s12, $0xb8;
	[tilespmem:$0x1A600] =	vst v63  }
0x3f7: {  	s2 =	sadd.s32 @!p0 $0x500, s0;
	s13 =	simm.s32 @!p0 $0x8400  }
0x3f8: {  	[tilespmem:s13], [sflag:$0x1] =	stream.indirect.gather @!p0 [hbm4b:s4+s12], $0x20, s2, s12, $0xb8;
	[tilespmem:$0x1A600] =	vst v63  }
0x3f9: {  	p1 =	seq.s32 @!p0 s30, $0x0;
	s0 =	sadd.s32 @!p0 $0x580, s0;
	s2 =	simm.s32 @!p0 $0x9400  }
0x3fa: {  	[tilespmem:s2], [sflag:$0x1] =	stream.indirect.gather @!p0 [hbm4b:s4+s12], $0x20, s0, s12, $0xb8;
	[tilespmem:$0x1A600] =	vst v63  }
0x3fb: {  	p0 =	por p0, !p1  }
0x3fc: {  	_ =	swait.ge @p0 [sflag:s28], $0x4000  }
0x3fd: {  	[sflag:s28] =	ssyncset.done @p0 $0x0  }
0x3fe: {  	s14 =	simm.s32 $0xA500;
	[sflag:s28] =	ssyncadd.s32 @p0 $0xFFFFC000  }
0x3ff: {  	v63 =	vld [tilespmem:s14+$0xFFFFFF00];
	_ =	sdelay $0x3  }
0x400: {  	s2 =	simm.s32 $0xE508  }
0x401: {  	[tilespmem:s2+$0xFFFFFEF8] =	vst v63  }
0x402: {  	v40 =	vld [tilespmem:s14+$0xFFFFFF10];
	_ =	sdelay $0x4  }
0x403: {  	[tilespmem:s2+$0xFFFFFF08] =	vst v40  }
0x404: {  	v40 =	vld [tilespmem:s14+$0xFFFFFF20];
	_ =	sdelay $0x4  }
0x405: {  	[tilespmem:s2+$0xFFFFFF19] =	vst v40  }
0x406: {  	v40 =	vld [tilespmem:s14+$0xFFFFFF30];
	_ =	sdelay $0x4  }
0x407: {  	[tilespmem:s2+$0xFFFFFF29] =	vst v40  }
0x408: {  	v40 =	vld [tilespmem:s14+$0xFFFFFF40];
	_ =	sdelay $0x4  }
0x409: {  	[tilespmem:s2+$0xFFFFFF3A] =	vst v40  }
0x40a: {  	v40 =	vld [tilespmem:s14+$0xFFFFFF50];
	_ =	sdelay $0x4  }
0x40b: {  	[tilespmem:s2+$0xFFFFFF4A] =	vst v40  }
0x40c: {  	v40 =	vld [tilespmem:s14+$0xFFFFFF60];
	_ =	sdelay $0x4  }
0x40d: {  	[tilespmem:s2+$0xFFFFFF5B] =	vst v40  }
0x40e: {  	v40 =	vld [tilespmem:s14+$0xFFFFFF70];
	_ =	sdelay $0x4  }
0x40f: {  	[tilespmem:s2+$0xFFFFFF6B] =	vst v40  }
0x410: {  	v40 =	vld [tilespmem:s14+$0xFFFFFF80];
	_ =	sdelay $0x4  }
0x411: {  	[tilespmem:s2+$0xFFFFFF7C] =	vst v40  }
0x412: {  	v40 =	vld [tilespmem:s14+$0xFFFFFF90];
	_ =	sdelay $0x4  }
0x413: {  	[tilespmem:s2+$0xFFFFFF8C] =	vst v40  }
0x414: {  	v40 =	vld [tilespmem:s14+$0xFFFFFFA0];
	_ =	sdelay $0x4  }
0x415: {  	[tilespmem:s2+$0xFFFFFF9D] =	vst v40  }
0x416: {  	v40 =	vld [tilespmem:s14+$0xFFFFFFB0];
	_ =	sdelay $0x4  }
0x417: {  	[tilespmem:s2+$0xFFFFFFAD] =	vst v40  }
0x418: {  	v40 =	vld [tilespmem:s14+$0xFFFFFFC0];
	_ =	sdelay $0x4  }
0x419: {  	[tilespmem:s2+$0xFFFFFFBE] =	vst v40  }
0x41a: {  	v40 =	vld [tilespmem:s14+$0xFFFFFFD0];
	_ =	sdelay $0x4  }
0x41b: {  	[tilespmem:s2+$0xFFFFFFCE] =	vst v40  }
0x41c: {  	v40 =	vld [tilespmem:s14+$0xFFFFFFE0];
	_ =	sdelay $0x4  }
0x41d: {  	[tilespmem:s2+$0xFFFFFFDF] =	vst v40  }
0x41e: {  	v40 =	vld [tilespmem:s14+$0xFFFFFFF0];
	_ =	sdelay $0x4  }
0x41f: {  	[tilespmem:s2+$0xFFFFFFEF] =	vst v40  }
0x420: {  	v40 =	vld [tilespmem:s14+$0x0];
	_ =	sdelay $0x4  }
0x421: {  	[tilespmem:s2+$0x0] =	vst v40  }
0x422: {  	v40 =	vld [tilespmem:s14+$0x10];
	_ =	sdelay $0x4  }
0x423: {  	[tilespmem:s2+$0x10] =	vst v40  }
0x424: {  	v40 =	vld [tilespmem:s14+$0x20];
	_ =	sdelay $0x4  }
0x425: {  	[tilespmem:s2+$0x21] =	vst v40  }
0x426: {  	v40 =	vld [tilespmem:s14+$0x30];
	_ =	sdelay $0x4  }
0x427: {  	[tilespmem:s2+$0x31] =	vst v40  }
0x428: {  	v40 =	vld [tilespmem:s14+$0x40];
	_ =	sdelay $0x4  }
0x429: {  	[tilespmem:s2+$0x42] =	vst v40  }
0x42a: {  	v40 =	vld [tilespmem:s14+$0x50];
	_ =	sdelay $0x4  }
0x42b: {  	[tilespmem:s2+$0x52] =	vst v40  }
0x42c: {  	v40 =	vld [tilespmem:s14+$0x60];
	_ =	sdelay $0x4  }
0x42d: {  	[tilespmem:s2+$0x63] =	vst v40  }
0x42e: {  	v40 =	vld [tilespmem:s14+$0x70];
	_ =	sdelay $0x4  }
0x42f: {  	[tilespmem:s2+$0x73] =	vst v40  }
0x430: {  	v40 =	vld [tilespmem:s14+$0x80];
	_ =	sdelay $0x4  }
0x431: {  	[tilespmem:s2+$0x84] =	vst v40  }
0x432: {  	v40 =	vld [tilespmem:s14+$0x90];
	_ =	sdelay $0x4  }
0x433: {  	[tilespmem:s2+$0x94] =	vst v40  }
0x434: {  	v40 =	vld [tilespmem:s14+$0xA0];
	_ =	sdelay $0x4  }
0x435: {  	[tilespmem:s2+$0xA5] =	vst v40  }
0x436: {  	v40 =	vld [tilespmem:s14+$0xB0];
	_ =	sdelay $0x4  }
0x437: {  	[tilespmem:s2+$0xB5] =	vst v40  }
0x438: {  	v40 =	vld [tilespmem:s14+$0xC0];
	_ =	sdelay $0x4  }
0x439: {  	[tilespmem:s2+$0xC6] =	vst v40  }
0x43a: {  	v40 =	vld [tilespmem:s14+$0xD0];
	_ =	sdelay $0x4  }
0x43b: {  	[tilespmem:s2+$0xD6] =	vst v40  }
0x43c: {  	v40 =	vld [tilespmem:s14+$0xE0];
	_ =	sdelay $0x4  }
0x43d: {  	[tilespmem:s2+$0xE7] =	vst v40  }
0x43e: {  	v40 =	vld [tilespmem:s14+$0xF0];
	_ =	sdelay $0x4  }
0x43f: {  	s13 =	simm.s32 $0xA700;
	s12 =	simm.s32 $0x0;
	s0 =	simm.s32 $0x18600;
	[tilespmem:s2+$0xF7] =	vst v40  }
.LBB2_7:
0x440: {  	v40 =	vld [tilespmem:s13+$0xFFFFFF00];
	s12 =	sadd.s32 $0x10, s12  }
0x441: {  	p0 =	slt.u32 s12, $0x1F0;
	_ =	sdelay $0x2  }
0x442: {  	s2 =	sadd.s32 $0x210, s2  }
0x443: {  	[tilespmem:s2+$0xFFFFFEF8] =	vst v40  }
0x444: {  	v40 =	vld [tilespmem:s13+$0xFFFFFF10];
	_ =	sdelay $0x4  }
0x445: {  	[tilespmem:s2+$0xFFFFFF08] =	vst v40  }
0x446: {  	v40 =	vld [tilespmem:s13+$0xFFFFFF20];
	_ =	sdelay $0x4  }
0x447: {  	[tilespmem:s2+$0xFFFFFF19] =	vst v40  }
0x448: {  	v40 =	vld [tilespmem:s13+$0xFFFFFF30];
	_ =	sdelay $0x4  }
0x449: {  	[tilespmem:s2+$0xFFFFFF29] =	vst v40  }
0x44a: {  	v40 =	vld [tilespmem:s13+$0xFFFFFF40];
	_ =	sdelay $0x4  }
0x44b: {  	[tilespmem:s2+$0xFFFFFF3A] =	vst v40  }
0x44c: {  	v40 =	vld [tilespmem:s13+$0xFFFFFF50];
	_ =	sdelay $0x4  }
0x44d: {  	[tilespmem:s2+$0xFFFFFF4A] =	vst v40  }
0x44e: {  	v40 =	vld [tilespmem:s13+$0xFFFFFF60];
	_ =	sdelay $0x4  }
0x44f: {  	[tilespmem:s2+$0xFFFFFF5B] =	vst v40  }
0x450: {  	v40 =	vld [tilespmem:s13+$0xFFFFFF70];
	_ =	sdelay $0x4  }
0x451: {  	[tilespmem:s2+$0xFFFFFF6B] =	vst v40  }
0x452: {  	v40 =	vld [tilespmem:s13+$0xFFFFFF80];
	_ =	sdelay $0x4  }
0x453: {  	[tilespmem:s2+$0xFFFFFF7C] =	vst v40  }
0x454: {  	v40 =	vld [tilespmem:s13+$0xFFFFFF90];
	_ =	sdelay $0x4  }
0x455: {  	[tilespmem:s2+$0xFFFFFF8C] =	vst v40  }
0x456: {  	v40 =	vld [tilespmem:s13+$0xFFFFFFA0];
	_ =	sdelay $0x4  }
0x457: {  	[tilespmem:s2+$0xFFFFFF9D] =	vst v40  }
0x458: {  	v40 =	vld [tilespmem:s13+$0xFFFFFFB0];
	_ =	sdelay $0x4  }
0x459: {  	[tilespmem:s2+$0xFFFFFFAD] =	vst v40  }
0x45a: {  	v40 =	vld [tilespmem:s13+$0xFFFFFFC0];
	_ =	sdelay $0x4  }
0x45b: {  	[tilespmem:s2+$0xFFFFFFBE] =	vst v40  }
0x45c: {  	v40 =	vld [tilespmem:s13+$0xFFFFFFD0];
	_ =	sdelay $0x4  }
0x45d: {  	[tilespmem:s2+$0xFFFFFFCE] =	vst v40  }
0x45e: {  	v40 =	vld [tilespmem:s13+$0xFFFFFFE0];
	_ =	sdelay $0x4  }
0x45f: {  	[tilespmem:s2+$0xFFFFFFDF] =	vst v40  }
0x460: {  	v40 =	vld [tilespmem:s13+$0xFFFFFFF0];
	_ =	sdelay $0x4  }
0x461: {  	[tilespmem:s2+$0xFFFFFFEF] =	vst v40  }
0x462: {  	v40 =	vld [tilespmem:s13+$0x0];
	_ =	sdelay $0x4  }
0x463: {  	[tilespmem:s2+$0x0] =	vst v40  }
0x464: {  	v40 =	vld [tilespmem:s13+$0x10];
	_ =	sdelay $0x4  }
0x465: {  	[tilespmem:s2+$0x10] =	vst v40  }
0x466: {  	v40 =	vld [tilespmem:s13+$0x20];
	_ =	sdelay $0x4  }
0x467: {  	[tilespmem:s2+$0x21] =	vst v40  }
0x468: {  	v40 =	vld [tilespmem:s13+$0x30];
	_ =	sdelay $0x4  }
0x469: {  	[tilespmem:s2+$0x31] =	vst v40  }
0x46a: {  	v40 =	vld [tilespmem:s13+$0x40];
	_ =	sdelay $0x4  }
0x46b: {  	[tilespmem:s2+$0x42] =	vst v40  }
0x46c: {  	v40 =	vld [tilespmem:s13+$0x50];
	_ =	sdelay $0x4  }
0x46d: {  	[tilespmem:s2+$0x52] =	vst v40  }
0x46e: {  	v40 =	vld [tilespmem:s13+$0x60];
	_ =	sdelay $0x4  }
0x46f: {  	[tilespmem:s2+$0x63] =	vst v40  }
0x470: {  	v40 =	vld [tilespmem:s13+$0x70];
	_ =	sdelay $0x4  }
0x471: {  	[tilespmem:s2+$0x73] =	vst v40  }
0x472: {  	v40 =	vld [tilespmem:s13+$0x80];
	_ =	sdelay $0x4  }
0x473: {  	[tilespmem:s2+$0x84] =	vst v40  }
0x474: {  	v40 =	vld [tilespmem:s13+$0x90];
	_ =	sdelay $0x4  }
0x475: {  	[tilespmem:s2+$0x94] =	vst v40  }
0x476: {  	v40 =	vld [tilespmem:s13+$0xA0];
	_ =	sdelay $0x4  }
0x477: {  	[tilespmem:s2+$0xA5] =	vst v40  }
0x478: {  	v40 =	vld [tilespmem:s13+$0xB0];
	_ =	sdelay $0x4  }
0x479: {  	[tilespmem:s2+$0xB5] =	vst v40  }
0x47a: {  	v40 =	vld [tilespmem:s13+$0xC0];
	_ =	sdelay $0x4  }
0x47b: {  	[tilespmem:s2+$0xC6] =	vst v40  }
0x47c: {  	v40 =	vld [tilespmem:s13+$0xD0];
	_ =	sdelay $0x4  }
0x47d: {  	[tilespmem:s2+$0xD6] =	vst v40  }
0x47e: {  	v40 =	vld [tilespmem:s13+$0xE0];
	_ =	sdelay $0x4  }
0x47f: {  	[tilespmem:s2+$0xE7] =	vst v40  }
0x480: {  	v40 =	vld [tilespmem:s13+$0xF0]  }
.Ltmp2:
0x481: {  	(pc) =	sbr.rel @p0 .LBB2_7-.Ltmp2, $2  }
0x482: {  	_ =	sdelay $0x2  }
0x483: {  	s14 =	simm.s32 $0x0;
	s13 =	sadd.s32 $0x200, s13;
	[tilespmem:s2+$0xF7] =	vst v40  }
0x484: {  	v40 =	vmov s14  }
0x485: {  	v40 =	vmul.u32 $0x21, v40;
	_ =	sdelay $0x1  }
0x486: {  	v40 =	vbroadcast v40, $0x0;
	_ =	sdelay $0x1  }
0x487: {  	v41 =	vadd.s32 v0, v40  }
0x488: {  	v41 =	vand.u32 $0xFFFFFFF8, v41  }
0x489: {  	v41 =	vor.u32 v1, v41;
	_ =	sdelay $0x3  }
0x48a: {  	v42 =	vadd.s32 v2, v40  }
0x48b: {  	v42 =	vand.u32 $0xFFFFFFF8, v42;
	v41 =	vld.idx.msk [tilespmem:v41+s23+$0x0], $0xffff  }
0x48c: {  	v42 =	vor.u32 v3, v42;
	_ =	sdelay $0x3  }
0x48d: {  	v54 =	vadd.s32 v4, v40;
	[tilespmem:s0+$0xFFFFE000] =	vst v41  }
0x48e: {  	v41 =	vand.u32 $0xFFFFFFF8, v54;
	v42 =	vld.idx.msk [tilespmem:v42+s23+$0x0], $0xffff  }
0x48f: {  	v41 =	vor.u32 v5, v41;
	_ =	sdelay $0x3  }
0x490: {  	v55 =	vadd.s32 v6, v40;
	[tilespmem:s0+$0xFFFFE200] =	vst v42  }
0x491: {  	v42 =	vand.u32 $0xFFFFFFF8, v55;
	v41 =	vld.idx.msk [tilespmem:v41+s23+$0x0], $0xffff  }
0x492: {  	v42 =	vor.u32 v7, v42;
	_ =	sdelay $0x3  }
0x493: {  	v56 =	vadd.s32 v8, v40;
	[tilespmem:s0+$0xFFFFE400] =	vst v41  }
0x494: {  	v41 =	vand.u32 $0xFFFFFFF8, v56;
	v42 =	vld.idx.msk [tilespmem:v42+s23+$0x0], $0xffff  }
0x495: {  	v41 =	vor.u32 v9, v41;
	_ =	sdelay $0x3  }
0x496: {  	v57 =	vadd.s32 v10, v40;
	[tilespmem:s0+$0xFFFFE600] =	vst v42  }
0x497: {  	v42 =	vand.u32 $0xFFFFFFF8, v57;
	v41 =	vld.idx.msk [tilespmem:v41+s23+$0x0], $0xffff  }
0x498: {  	v42 =	vor.u32 v11, v42;
	_ =	sdelay $0x3  }
0x499: {  	v58 =	vadd.s32 v12, v40;
	[tilespmem:s0+$0xFFFFE800] =	vst v41  }
0x49a: {  	v41 =	vand.u32 $0xFFFFFFF8, v58;
	v42 =	vld.idx.msk [tilespmem:v42+s23+$0x0], $0xffff  }
0x49b: {  	v41 =	vor.u32 v13, v41;
	_ =	sdelay $0x3  }
0x49c: {  	v59 =	vadd.s32 v14, v40;
	[tilespmem:s0+$0xFFFFEA00] =	vst v42  }
0x49d: {  	v42 =	vand.u32 $0xFFFFFFF8, v59;
	v41 =	vld.idx.msk [tilespmem:v41+s23+$0x0], $0xffff  }
0x49e: {  	v42 =	vor.u32 v15, v42;
	_ =	sdelay $0x3  }
0x49f: {  	v60 =	vadd.s32 v16, v40;
	[tilespmem:s0+$0xFFFFEC00] =	vst v41  }
0x4a0: {  	v41 =	vand.u32 $0xFFFFFFF8, v60;
	v42 =	vld.idx.msk [tilespmem:v42+s23+$0x0], $0xffff  }
0x4a1: {  	v41 =	vor.u32 v1, v41;
	_ =	sdelay $0x3  }
0x4a2: {  	v61 =	vadd.s32 v17, v40;
	[tilespmem:s0+$0xFFFFEE00] =	vst v42  }
0x4a3: {  	v42 =	vand.u32 $0xFFFFFFF8, v61;
	v41 =	vld.idx.msk [tilespmem:v41+s23+$0x0], $0xffff  }
0x4a4: {  	v42 =	vor.u32 v3, v42;
	_ =	sdelay $0x3  }
0x4a5: {  	v62 =	vadd.s32 v18, v40;
	[tilespmem:s0+$0xFFFFF000] =	vst v41  }
0x4a6: {  	v41 =	vand.u32 $0xFFFFFFF8, v62;
	v42 =	vld.idx.msk [tilespmem:v42+s23+$0x0], $0xffff  }
0x4a7: {  	v41 =	vor.u32 v5, v41;
	_ =	sdelay $0x3  }
0x4a8: {  	v63 =	vadd.s32 v19, v40;
	[tilespmem:s0+$0xFFFFF200] =	vst v42  }
0x4a9: {  	v42 =	vand.u32 $0xFFFFFFF8, v63;
	v41 =	vld.idx.msk [tilespmem:v41+s23+$0x0], $0xffff  }
0x4aa: {  	v42 =	vor.u32 v7, v42;
	_ =	sdelay $0x3  }
0x4ab: {  	v45 =	vadd.s32 v20, v40;
	[tilespmem:s0+$0xFFFFF400] =	vst v41  }
0x4ac: {  	v41 =	vand.u32 $0xFFFFFFF8, v45;
	v42 =	vld.idx.msk [tilespmem:v42+s23+$0x0], $0xffff  }
0x4ad: {  	v41 =	vor.u32 v9, v41;
	_ =	sdelay $0x3  }
0x4ae: {  	v46 =	vadd.s32 v21, v40;
	[tilespmem:s0+$0xFFFFF600] =	vst v42  }
0x4af: {  	v42 =	vand.u32 $0xFFFFFFF8, v46;
	v41 =	vld.idx.msk [tilespmem:v41+s23+$0x0], $0xffff  }
0x4b0: {  	v42 =	vor.u32 v11, v42;
	_ =	sdelay $0x3  }
0x4b1: {  	v47 =	vadd.s32 v22, v40;
	[tilespmem:s0+$0xFFFFF800] =	vst v41  }
0x4b2: {  	v41 =	vand.u32 $0xFFFFFFF8, v47;
	v42 =	vld.idx.msk [tilespmem:v42+s23+$0x0], $0xffff  }
0x4b3: {  	v41 =	vor.u32 v13, v41;
	_ =	sdelay $0x3  }
0x4b4: {  	v48 =	vadd.s32 v23, v40;
	[tilespmem:s0+$0xFFFFFA00] =	vst v42  }
0x4b5: {  	v42 =	vand.u32 $0xFFFFFFF8, v48;
	v41 =	vld.idx.msk [tilespmem:v41+s23+$0x0], $0xffff  }
0x4b6: {  	v42 =	vor.u32 v15, v42;
	_ =	sdelay $0x3  }
0x4b7: {  	v49 =	vadd.s32 v24, v40;
	[tilespmem:s0+$0xFFFFFC00] =	vst v41  }
0x4b8: {  	v41 =	vand.u32 $0xFFFFFFF8, v49;
	v42 =	vld.idx.msk [tilespmem:v42+s23+$0x0], $0xffff  }
0x4b9: {  	v41 =	vor.u32 v1, v41;
	_ =	sdelay $0x3  }
0x4ba: {  	v50 =	vadd.s32 v25, v40;
	[tilespmem:s0+$0xFFFFFE00] =	vst v42  }
0x4bb: {  	v42 =	vand.u32 $0xFFFFFFF8, v50;
	v41 =	vld.idx.msk [tilespmem:v41+s23+$0x0], $0xffff  }
0x4bc: {  	v42 =	vor.u32 v3, v42;
	_ =	sdelay $0x3  }
0x4bd: {  	v51 =	vadd.s32 v26, v40;
	[tilespmem:s0+$0x0] =	vst v41  }
0x4be: {  	v41 =	vand.u32 $0xFFFFFFF8, v51;
	v42 =	vld.idx.msk [tilespmem:v42+s23+$0x0], $0xffff  }
0x4bf: {  	v41 =	vor.u32 v5, v41;
	_ =	sdelay $0x3  }
0x4c0: {  	v52 =	vadd.s32 v27, v40;
	[tilespmem:s0+$0x200] =	vst v42  }
0x4c1: {  	v42 =	vand.u32 $0xFFFFFFF8, v52;
	v41 =	vld.idx.msk [tilespmem:v41+s23+$0x0], $0xffff  }
0x4c2: {  	v42 =	vor.u32 v7, v42;
	_ =	sdelay $0x3  }
0x4c3: {  	v53 =	vadd.s32 v28, v40;
	[tilespmem:s0+$0x400] =	vst v41  }
0x4c4: {  	v41 =	vand.u32 $0xFFFFFFF8, v53;
	v42 =	vld.idx.msk [tilespmem:v42+s23+$0x0], $0xffff  }
0x4c5: {  	v41 =	vor.u32 v9, v41;
	_ =	sdelay $0x3  }
0x4c6: {  	v54 =	vadd.s32 v29, v40;
	[tilespmem:s0+$0x600] =	vst v42  }
0x4c7: {  	v42 =	vand.u32 $0xFFFFFFF8, v54;
	v41 =	vld.idx.msk [tilespmem:v41+s23+$0x0], $0xffff  }
0x4c8: {  	v42 =	vor.u32 v11, v42;
	_ =	sdelay $0x3  }
0x4c9: {  	v55 =	vadd.s32 v30, v40;
	[tilespmem:s0+$0x800] =	vst v41  }
0x4ca: {  	v41 =	vand.u32 $0xFFFFFFF8, v55;
	v42 =	vld.idx.msk [tilespmem:v42+s23+$0x0], $0xffff  }
0x4cb: {  	v41 =	vor.u32 v13, v41;
	_ =	sdelay $0x3  }
0x4cc: {  	v56 =	vadd.s32 v31, v40;
	[tilespmem:s0+$0xA00] =	vst v42  }
0x4cd: {  	v42 =	vand.u32 $0xFFFFFFF8, v56;
	v41 =	vld.idx.msk [tilespmem:v41+s23+$0x0], $0xffff  }
0x4ce: {  	v42 =	vor.u32 v15, v42;
	_ =	sdelay $0x3  }
0x4cf: {  	v57 =	vadd.s32 v32, v40;
	[tilespmem:s0+$0xC00] =	vst v41  }
0x4d0: {  	v41 =	vand.u32 $0xFFFFFFF8, v57;
	v42 =	vld.idx.msk [tilespmem:v42+s23+$0x0], $0xffff  }
0x4d1: {  	v41 =	vor.u32 v1, v41;
	_ =	sdelay $0x3  }
0x4d2: {  	v58 =	vadd.s32 v33, v40;
	[tilespmem:s0+$0xE00] =	vst v42  }
0x4d3: {  	v42 =	vand.u32 $0xFFFFFFF8, v58;
	v41 =	vld.idx.msk [tilespmem:v41+s23+$0x0], $0xffff  }
0x4d4: {  	v42 =	vor.u32 v3, v42;
	_ =	sdelay $0x3  }
0x4d5: {  	v59 =	vadd.s32 v34, v40;
	[tilespmem:s0+$0x1000] =	vst v41  }
0x4d6: {  	v41 =	vand.u32 $0xFFFFFFF8, v59;
	v42 =	vld.idx.msk [tilespmem:v42+s23+$0x0], $0xffff  }
0x4d7: {  	v41 =	vor.u32 v5, v41;
	_ =	sdelay $0x3  }
0x4d8: {  	v60 =	vadd.s32 v35, v40;
	[tilespmem:s0+$0x1200] =	vst v42  }
0x4d9: {  	v42 =	vand.u32 $0xFFFFFFF8, v60;
	v41 =	vld.idx.msk [tilespmem:v41+s23+$0x0], $0xffff  }
0x4da: {  	v42 =	vor.u32 v7, v42;
	_ =	sdelay $0x3  }
0x4db: {  	v61 =	vadd.s32 v36, v40;
	[tilespmem:s0+$0x1400] =	vst v41  }
0x4dc: {  	v41 =	vand.u32 $0xFFFFFFF8, v61;
	v42 =	vld.idx.msk [tilespmem:v42+s23+$0x0], $0xffff  }
0x4dd: {  	v41 =	vor.u32 v9, v41;
	_ =	sdelay $0x3  }
0x4de: {  	v62 =	vadd.s32 v37, v40;
	[tilespmem:s0+$0x1600] =	vst v42  }
0x4df: {  	v42 =	vand.u32 $0xFFFFFFF8, v62;
	v41 =	vld.idx.msk [tilespmem:v41+s23+$0x0], $0xffff  }
0x4e0: {  	v42 =	vor.u32 v11, v42;
	_ =	sdelay $0x3  }
0x4e1: {  	v63 =	vadd.s32 v38, v40;
	[tilespmem:s0+$0x1800] =	vst v41  }
0x4e2: {  	v41 =	vand.u32 $0xFFFFFFF8, v63;
	v42 =	vld.idx.msk [tilespmem:v42+s23+$0x0], $0xffff  }
0x4e3: {  	v41 =	vor.u32 v13, v41;
	_ =	sdelay $0x3  }
0x4e4: {  	v40 =	vadd.s32 v39, v40;
	[tilespmem:s0+$0x1A00] =	vst v42  }
0x4e5: {  	v40 =	vand.u32 $0xFFFFFFF8, v40;
	v41 =	vld.idx.msk [tilespmem:v41+s23+$0x0], $0xffff  }
0x4e6: {  	s2 =	simm.s32 $0x10;
	v40 =	vor.u32 v15, v40  }
0x4e7: {  	v45 =	vmov s2  }
0x4e8: {  	v42 =	vmul.u32 $0x21, v45;
	_ =	sdelay $0x1  }
0x4e9: {  	[tilespmem:s0+$0x1C00] =	vst v41;
	v41 =	vbroadcast v42, $0x0  }
0x4ea: {  	v40 =	vld.idx.msk [tilespmem:v40+s23+$0x0], $0xffff  }
0x4eb: {  	v42 =	vadd.s32 v0, v41;
	_ =	sdelay $0x3  }
0x4ec: {  	[tilespmem:s0+$0x1E00] =	vst v40  }
0x4ed: {  	v40 =	vld.idx.msk [tilespmem:v42+s23+$0x0], $0xffff  }
0x4ee: {  	v46 =	vadd.s32 v2, v41;
	_ =	sdelay $0x3  }
0x4ef: {  	[tilespmem:s0+$0xFFFFE010] =	vst v40  }
0x4f0: {  	v40 =	vld.idx.msk [tilespmem:v46+s23+$0x0], $0xffff  }
0x4f1: {  	v47 =	vadd.s32 v4, v41;
	_ =	sdelay $0x3  }
0x4f2: {  	[tilespmem:s0+$0xFFFFE210] =	vst v40  }
0x4f3: {  	v40 =	vld.idx.msk [tilespmem:v47+s23+$0x0], $0xffff  }
0x4f4: {  	v48 =	vadd.s32 v6, v41;
	_ =	sdelay $0x3  }
0x4f5: {  	[tilespmem:s0+$0xFFFFE410] =	vst v40  }
0x4f6: {  	v40 =	vld.idx.msk [tilespmem:v48+s23+$0x0], $0xffff  }
0x4f7: {  	v49 =	vadd.s32 v8, v41;
	_ =	sdelay $0x3  }
0x4f8: {  	[tilespmem:s0+$0xFFFFE610] =	vst v40  }
0x4f9: {  	v40 =	vld.idx.msk [tilespmem:v49+s23+$0x0], $0xffff  }
0x4fa: {  	v50 =	vadd.s32 v10, v41;
	_ =	sdelay $0x3  }
0x4fb: {  	[tilespmem:s0+$0xFFFFE810] =	vst v40  }
0x4fc: {  	v40 =	vld.idx.msk [tilespmem:v50+s23+$0x0], $0xffff  }
0x4fd: {  	v51 =	vadd.s32 v12, v41;
	_ =	sdelay $0x3  }
0x4fe: {  	[tilespmem:s0+$0xFFFFEA10] =	vst v40  }
0x4ff: {  	v40 =	vld.idx.msk [tilespmem:v51+s23+$0x0], $0xffff  }
0x500: {  	v52 =	vadd.s32 v14, v41;
	_ =	sdelay $0x3  }
0x501: {  	[tilespmem:s0+$0xFFFFEC10] =	vst v40  }
0x502: {  	v40 =	vld.idx.msk [tilespmem:v52+s23+$0x0], $0xffff  }
0x503: {  	v53 =	vadd.s32 v16, v41;
	_ =	sdelay $0x3  }
0x504: {  	[tilespmem:s0+$0xFFFFEE10] =	vst v40  }
0x505: {  	v40 =	vld.idx.msk [tilespmem:v53+s23+$0x0], $0xffff  }
0x506: {  	v54 =	vadd.s32 v17, v41;
	_ =	sdelay $0x3  }
0x507: {  	[tilespmem:s0+$0xFFFFF010] =	vst v40  }
0x508: {  	v40 =	vld.idx.msk [tilespmem:v54+s23+$0x0], $0xffff  }
0x509: {  	v55 =	vadd.s32 v18, v41;
	_ =	sdelay $0x3  }
0x50a: {  	[tilespmem:s0+$0xFFFFF210] =	vst v40  }
0x50b: {  	v40 =	vld.idx.msk [tilespmem:v55+s23+$0x0], $0xffff  }
0x50c: {  	v56 =	vadd.s32 v19, v41;
	_ =	sdelay $0x3  }
0x50d: {  	[tilespmem:s0+$0xFFFFF410] =	vst v40  }
0x50e: {  	v40 =	vld.idx.msk [tilespmem:v56+s23+$0x0], $0xffff  }
0x50f: {  	v57 =	vadd.s32 v20, v41;
	_ =	sdelay $0x3  }
0x510: {  	[tilespmem:s0+$0xFFFFF610] =	vst v40  }
0x511: {  	v40 =	vld.idx.msk [tilespmem:v57+s23+$0x0], $0xffff  }
0x512: {  	v58 =	vadd.s32 v21, v41;
	_ =	sdelay $0x3  }
0x513: {  	[tilespmem:s0+$0xFFFFF810] =	vst v40  }
0x514: {  	v40 =	vld.idx.msk [tilespmem:v58+s23+$0x0], $0xffff  }
0x515: {  	v59 =	vadd.s32 v22, v41;
	_ =	sdelay $0x3  }
0x516: {  	[tilespmem:s0+$0xFFFFFA10] =	vst v40  }
0x517: {  	v40 =	vld.idx.msk [tilespmem:v59+s23+$0x0], $0xffff  }
0x518: {  	v60 =	vadd.s32 v23, v41;
	_ =	sdelay $0x3  }
0x519: {  	[tilespmem:s0+$0xFFFFFC10] =	vst v40  }
0x51a: {  	v40 =	vld.idx.msk [tilespmem:v60+s23+$0x0], $0xffff  }
0x51b: {  	v61 =	vadd.s32 v24, v41;
	_ =	sdelay $0x3  }
0x51c: {  	[tilespmem:s0+$0xFFFFFE10] =	vst v40  }
0x51d: {  	v40 =	vld.idx.msk [tilespmem:v61+s23+$0x0], $0xffff  }
0x51e: {  	v62 =	vadd.s32 v25, v41;
	_ =	sdelay $0x3  }
0x51f: {  	[tilespmem:s0+$0x10] =	vst v40  }
0x520: {  	v40 =	vld.idx.msk [tilespmem:v62+s23+$0x0], $0xffff  }
0x521: {  	v63 =	vadd.s32 v26, v41;
	_ =	sdelay $0x3  }
0x522: {  	[tilespmem:s0+$0x210] =	vst v40  }
0x523: {  	v40 =	vld.idx.msk [tilespmem:v63+s23+$0x0], $0xffff  }
0x524: {  	v45 =	vadd.s32 v27, v41;
	_ =	sdelay $0x3  }
0x525: {  	[tilespmem:s0+$0x410] =	vst v40  }
0x526: {  	v40 =	vld.idx.msk [tilespmem:v45+s23+$0x0], $0xffff  }
0x527: {  	v46 =	vadd.s32 v28, v41;
	_ =	sdelay $0x3  }
0x528: {  	[tilespmem:s0+$0x610] =	vst v40  }
0x529: {  	v40 =	vld.idx.msk [tilespmem:v46+s23+$0x0], $0xffff  }
0x52a: {  	v47 =	vadd.s32 v29, v41;
	_ =	sdelay $0x3  }
0x52b: {  	[tilespmem:s0+$0x810] =	vst v40  }
0x52c: {  	v40 =	vld.idx.msk [tilespmem:v47+s23+$0x0], $0xffff  }
0x52d: {  	v48 =	vadd.s32 v30, v41;
	_ =	sdelay $0x3  }
0x52e: {  	[tilespmem:s0+$0xA10] =	vst v40  }
0x52f: {  	v40 =	vld.idx.msk [tilespmem:v48+s23+$0x0], $0xffff  }
0x530: {  	v49 =	vadd.s32 v31, v41;
	_ =	sdelay $0x3  }
0x531: {  	[tilespmem:s0+$0xC10] =	vst v40  }
0x532: {  	v40 =	vld.idx.msk [tilespmem:v49+s23+$0x0], $0xffff  }
0x533: {  	v50 =	vadd.s32 v32, v41;
	_ =	sdelay $0x3  }
0x534: {  	[tilespmem:s0+$0xE10] =	vst v40  }
0x535: {  	v40 =	vld.idx.msk [tilespmem:v50+s23+$0x0], $0xffff  }
0x536: {  	v51 =	vadd.s32 v33, v41;
	_ =	sdelay $0x3  }
0x537: {  	[tilespmem:s0+$0x1010] =	vst v40  }
0x538: {  	v40 =	vld.idx.msk [tilespmem:v51+s23+$0x0], $0xffff  }
0x539: {  	v52 =	vadd.s32 v34, v41;
	_ =	sdelay $0x3  }
0x53a: {  	[tilespmem:s0+$0x1210] =	vst v40  }
0x53b: {  	v40 =	vld.idx.msk [tilespmem:v52+s23+$0x0], $0xffff  }
0x53c: {  	v53 =	vadd.s32 v35, v41;
	_ =	sdelay $0x3  }
0x53d: {  	[tilespmem:s0+$0x1410] =	vst v40  }
0x53e: {  	v40 =	vld.idx.msk [tilespmem:v53+s23+$0x0], $0xffff  }
0x53f: {  	v54 =	vadd.s32 v36, v41;
	_ =	sdelay $0x3  }
0x540: {  	[tilespmem:s0+$0x1610] =	vst v40  }
0x541: {  	v40 =	vld.idx.msk [tilespmem:v54+s23+$0x0], $0xffff  }
0x542: {  	v55 =	vadd.s32 v37, v41;
	_ =	sdelay $0x3  }
0x543: {  	[tilespmem:s0+$0x1810] =	vst v40  }
0x544: {  	v40 =	vld.idx.msk [tilespmem:v55+s23+$0x0], $0xffff  }
0x545: {  	v56 =	vadd.s32 v38, v41;
	_ =	sdelay $0x3  }
0x546: {  	[tilespmem:s0+$0x1A10] =	vst v40  }
0x547: {  	v40 =	vld.idx.msk [tilespmem:v56+s23+$0x0], $0xffff  }
0x548: {  	s13 =	simm.s32 $0x20;
	v41 =	vadd.s32 v39, v41  }
0x549: {  	v57 =	vmov s13  }
0x54a: {  	v42 =	vmul.u32 $0x21, v57;
	_ =	sdelay $0x1  }
0x54b: {  	[tilespmem:s0+$0x1C10] =	vst v40;
	v40 =	vbroadcast v42, $0x0  }
0x54c: {  	v41 =	vld.idx.msk [tilespmem:v41+s23+$0x0], $0xffff  }
0x54d: {  	v42 =	vadd.s32 v0, v40;
	_ =	sdelay $0x3  }
0x54e: {  	[tilespmem:s0+$0x1E10] =	vst v41  }
0x54f: {  	v41 =	vld.idx.msk [tilespmem:v42+s23+$0x0], $0xffff  }
0x550: {  	v58 =	vadd.s32 v2, v40;
	_ =	sdelay $0x3  }
0x551: {  	[tilespmem:s0+$0xFFFFE020] =	vst v41  }
0x552: {  	v41 =	vld.idx.msk [tilespmem:v58+s23+$0x0], $0xffff  }
0x553: {  	v59 =	vadd.s32 v4, v40;
	_ =	sdelay $0x3  }
0x554: {  	[tilespmem:s0+$0xFFFFE220] =	vst v41  }
0x555: {  	v41 =	vld.idx.msk [tilespmem:v59+s23+$0x0], $0xffff  }
0x556: {  	v60 =	vadd.s32 v6, v40;
	_ =	sdelay $0x3  }
0x557: {  	[tilespmem:s0+$0xFFFFE420] =	vst v41  }
0x558: {  	v41 =	vld.idx.msk [tilespmem:v60+s23+$0x0], $0xffff  }
0x559: {  	v61 =	vadd.s32 v8, v40;
	_ =	sdelay $0x3  }
0x55a: {  	[tilespmem:s0+$0xFFFFE620] =	vst v41  }
0x55b: {  	v41 =	vld.idx.msk [tilespmem:v61+s23+$0x0], $0xffff  }
0x55c: {  	v62 =	vadd.s32 v10, v40;
	_ =	sdelay $0x3  }
0x55d: {  	[tilespmem:s0+$0xFFFFE820] =	vst v41  }
0x55e: {  	v41 =	vld.idx.msk [tilespmem:v62+s23+$0x0], $0xffff  }
0x55f: {  	v63 =	vadd.s32 v12, v40;
	_ =	sdelay $0x3  }
0x560: {  	[tilespmem:s0+$0xFFFFEA20] =	vst v41  }
0x561: {  	v41 =	vld.idx.msk [tilespmem:v63+s23+$0x0], $0xffff  }
0x562: {  	v45 =	vadd.s32 v14, v40;
	_ =	sdelay $0x3  }
0x563: {  	[tilespmem:s0+$0xFFFFEC20] =	vst v41  }
0x564: {  	v41 =	vld.idx.msk [tilespmem:v45+s23+$0x0], $0xffff  }
0x565: {  	v46 =	vadd.s32 v16, v40;
	_ =	sdelay $0x3  }
0x566: {  	[tilespmem:s0+$0xFFFFEE20] =	vst v41  }
0x567: {  	v41 =	vld.idx.msk [tilespmem:v46+s23+$0x0], $0xffff  }
0x568: {  	v47 =	vadd.s32 v17, v40;
	_ =	sdelay $0x3  }
0x569: {  	[tilespmem:s0+$0xFFFFF020] =	vst v41  }
0x56a: {  	v41 =	vld.idx.msk [tilespmem:v47+s23+$0x0], $0xffff  }
0x56b: {  	v48 =	vadd.s32 v18, v40;
	_ =	sdelay $0x3  }
0x56c: {  	[tilespmem:s0+$0xFFFFF220] =	vst v41  }
0x56d: {  	v41 =	vld.idx.msk [tilespmem:v48+s23+$0x0], $0xffff  }
0x56e: {  	v49 =	vadd.s32 v19, v40;
	_ =	sdelay $0x3  }
0x56f: {  	[tilespmem:s0+$0xFFFFF420] =	vst v41  }
0x570: {  	v41 =	vld.idx.msk [tilespmem:v49+s23+$0x0], $0xffff  }
0x571: {  	v50 =	vadd.s32 v20, v40;
	_ =	sdelay $0x3  }
0x572: {  	[tilespmem:s0+$0xFFFFF620] =	vst v41  }
0x573: {  	v41 =	vld.idx.msk [tilespmem:v50+s23+$0x0], $0xffff  }
0x574: {  	v51 =	vadd.s32 v21, v40;
	_ =	sdelay $0x3  }
0x575: {  	[tilespmem:s0+$0xFFFFF820] =	vst v41  }
0x576: {  	v41 =	vld.idx.msk [tilespmem:v51+s23+$0x0], $0xffff  }
0x577: {  	v52 =	vadd.s32 v22, v40;
	_ =	sdelay $0x3  }
0x578: {  	[tilespmem:s0+$0xFFFFFA20] =	vst v41  }
0x579: {  	v41 =	vld.idx.msk [tilespmem:v52+s23+$0x0], $0xffff  }
0x57a: {  	v53 =	vadd.s32 v23, v40;
	_ =	sdelay $0x3  }
0x57b: {  	[tilespmem:s0+$0xFFFFFC20] =	vst v41  }
0x57c: {  	v41 =	vld.idx.msk [tilespmem:v53+s23+$0x0], $0xffff  }
0x57d: {  	v54 =	vadd.s32 v24, v40;
	_ =	sdelay $0x3  }
0x57e: {  	[tilespmem:s0+$0xFFFFFE20] =	vst v41  }
0x57f: {  	v41 =	vld.idx.msk [tilespmem:v54+s23+$0x0], $0xffff  }
0x580: {  	v55 =	vadd.s32 v25, v40;
	_ =	sdelay $0x3  }
0x581: {  	[tilespmem:s0+$0x20] =	vst v41  }
0x582: {  	v41 =	vld.idx.msk [tilespmem:v55+s23+$0x0], $0xffff  }
0x583: {  	v56 =	vadd.s32 v26, v40;
	_ =	sdelay $0x3  }
0x584: {  	[tilespmem:s0+$0x220] =	vst v41  }
0x585: {  	v41 =	vld.idx.msk [tilespmem:v56+s23+$0x0], $0xffff  }
0x586: {  	v57 =	vadd.s32 v27, v40;
	_ =	sdelay $0x3  }
0x587: {  	[tilespmem:s0+$0x420] =	vst v41  }
0x588: {  	v41 =	vld.idx.msk [tilespmem:v57+s23+$0x0], $0xffff  }
0x589: {  	v58 =	vadd.s32 v28, v40;
	_ =	sdelay $0x3  }
0x58a: {  	[tilespmem:s0+$0x620] =	vst v41  }
0x58b: {  	v41 =	vld.idx.msk [tilespmem:v58+s23+$0x0], $0xffff  }
0x58c: {  	v59 =	vadd.s32 v29, v40;
	_ =	sdelay $0x3  }
0x58d: {  	[tilespmem:s0+$0x820] =	vst v41  }
0x58e: {  	v41 =	vld.idx.msk [tilespmem:v59+s23+$0x0], $0xffff  }
0x58f: {  	v60 =	vadd.s32 v30, v40;
	_ =	sdelay $0x3  }
0x590: {  	[tilespmem:s0+$0xA20] =	vst v41  }
0x591: {  	v41 =	vld.idx.msk [tilespmem:v60+s23+$0x0], $0xffff  }
0x592: {  	v61 =	vadd.s32 v31, v40;
	_ =	sdelay $0x3  }
0x593: {  	[tilespmem:s0+$0xC20] =	vst v41  }
0x594: {  	v41 =	vld.idx.msk [tilespmem:v61+s23+$0x0], $0xffff  }
0x595: {  	v62 =	vadd.s32 v32, v40;
	_ =	sdelay $0x3  }
0x596: {  	[tilespmem:s0+$0xE20] =	vst v41  }
0x597: {  	v41 =	vld.idx.msk [tilespmem:v62+s23+$0x0], $0xffff  }
0x598: {  	v63 =	vadd.s32 v33, v40;
	_ =	sdelay $0x3  }
0x599: {  	[tilespmem:s0+$0x1020] =	vst v41  }
0x59a: {  	v41 =	vld.idx.msk [tilespmem:v63+s23+$0x0], $0xffff  }
0x59b: {  	v45 =	vadd.s32 v34, v40;
	_ =	sdelay $0x3  }
0x59c: {  	[tilespmem:s0+$0x1220] =	vst v41  }
0x59d: {  	v41 =	vld.idx.msk [tilespmem:v45+s23+$0x0], $0xffff  }
0x59e: {  	v46 =	vadd.s32 v35, v40;
	_ =	sdelay $0x3  }
0x59f: {  	[tilespmem:s0+$0x1420] =	vst v41  }
0x5a0: {  	v41 =	vld.idx.msk [tilespmem:v46+s23+$0x0], $0xffff  }
0x5a1: {  	v47 =	vadd.s32 v36, v40;
	_ =	sdelay $0x3  }
0x5a2: {  	[tilespmem:s0+$0x1620] =	vst v41  }
0x5a3: {  	v41 =	vld.idx.msk [tilespmem:v47+s23+$0x0], $0xffff  }
0x5a4: {  	v48 =	vadd.s32 v37, v40;
	_ =	sdelay $0x3  }
0x5a5: {  	[tilespmem:s0+$0x1820] =	vst v41  }
0x5a6: {  	v41 =	vld.idx.msk [tilespmem:v48+s23+$0x0], $0xffff  }
0x5a7: {  	v49 =	vadd.s32 v38, v40;
	_ =	sdelay $0x3  }
0x5a8: {  	[tilespmem:s0+$0x1A20] =	vst v41  }
0x5a9: {  	v41 =	vld.idx.msk [tilespmem:v49+s23+$0x0], $0xffff  }
0x5aa: {  	s14 =	simm.s32 $0x30;
	v50 =	vadd.s32 v39, v40  }
0x5ab: {  	v51 =	vmov s14  }
0x5ac: {  	v40 =	vmul.u32 $0x21, v51;
	_ =	sdelay $0x1  }
0x5ad: {  	v40 =	vbroadcast v40, $0x0;
	[tilespmem:s0+$0x1C20] =	vst v41  }
0x5ae: {  	v41 =	vld.idx.msk [tilespmem:v50+s23+$0x0], $0xffff  }
0x5af: {  	v52 =	vadd.s32 v0, v40;
	_ =	sdelay $0x3  }
0x5b0: {  	[tilespmem:s0+$0x1E20] =	vst v41  }
0x5b1: {  	v41 =	vld.idx.msk [tilespmem:v52+s23+$0x0], $0xffff  }
0x5b2: {  	v53 =	vadd.s32 v2, v40;
	_ =	sdelay $0x3  }
0x5b3: {  	[tilespmem:s0+$0xFFFFE030] =	vst v41  }
0x5b4: {  	v41 =	vld.idx.msk [tilespmem:v53+s23+$0x0], $0xffff  }
0x5b5: {  	v54 =	vadd.s32 v4, v40;
	_ =	sdelay $0x3  }
0x5b6: {  	[tilespmem:s0+$0xFFFFE230] =	vst v41  }
0x5b7: {  	v41 =	vld.idx.msk [tilespmem:v54+s23+$0x0], $0xffff  }
0x5b8: {  	v55 =	vadd.s32 v6, v40;
	_ =	sdelay $0x3  }
0x5b9: {  	[tilespmem:s0+$0xFFFFE430] =	vst v41  }
0x5ba: {  	v41 =	vld.idx.msk [tilespmem:v55+s23+$0x0], $0xffff  }
0x5bb: {  	v56 =	vadd.s32 v8, v40;
	_ =	sdelay $0x3  }
0x5bc: {  	[tilespmem:s0+$0xFFFFE630] =	vst v41  }
0x5bd: {  	v41 =	vld.idx.msk [tilespmem:v56+s23+$0x0], $0xffff  }
0x5be: {  	v57 =	vadd.s32 v10, v40;
	_ =	sdelay $0x3  }
0x5bf: {  	[tilespmem:s0+$0xFFFFE830] =	vst v41  }
0x5c0: {  	v41 =	vld.idx.msk [tilespmem:v57+s23+$0x0], $0xffff  }
0x5c1: {  	v58 =	vadd.s32 v12, v40;
	_ =	sdelay $0x3  }
0x5c2: {  	[tilespmem:s0+$0xFFFFEA30] =	vst v41  }
0x5c3: {  	v41 =	vld.idx.msk [tilespmem:v58+s23+$0x0], $0xffff  }
0x5c4: {  	v59 =	vadd.s32 v14, v40;
	_ =	sdelay $0x3  }
0x5c5: {  	[tilespmem:s0+$0xFFFFEC30] =	vst v41  }
0x5c6: {  	v41 =	vld.idx.msk [tilespmem:v59+s23+$0x0], $0xffff  }
0x5c7: {  	v60 =	vadd.s32 v16, v40;
	_ =	sdelay $0x3  }
0x5c8: {  	[tilespmem:s0+$0xFFFFEE30] =	vst v41  }
0x5c9: {  	v41 =	vld.idx.msk [tilespmem:v60+s23+$0x0], $0xffff  }
0x5ca: {  	v61 =	vadd.s32 v17, v40;
	_ =	sdelay $0x3  }
0x5cb: {  	[tilespmem:s0+$0xFFFFF030] =	vst v41  }
0x5cc: {  	v41 =	vld.idx.msk [tilespmem:v61+s23+$0x0], $0xffff  }
0x5cd: {  	v62 =	vadd.s32 v18, v40;
	_ =	sdelay $0x3  }
0x5ce: {  	[tilespmem:s0+$0xFFFFF230] =	vst v41  }
0x5cf: {  	v41 =	vld.idx.msk [tilespmem:v62+s23+$0x0], $0xffff  }
0x5d0: {  	v63 =	vadd.s32 v19, v40;
	_ =	sdelay $0x3  }
0x5d1: {  	[tilespmem:s0+$0xFFFFF430] =	vst v41  }
0x5d2: {  	v41 =	vld.idx.msk [tilespmem:v63+s23+$0x0], $0xffff  }
0x5d3: {  	v45 =	vadd.s32 v20, v40;
	_ =	sdelay $0x3  }
0x5d4: {  	[tilespmem:s0+$0xFFFFF630] =	vst v41  }
0x5d5: {  	v41 =	vld.idx.msk [tilespmem:v45+s23+$0x0], $0xffff  }
0x5d6: {  	v46 =	vadd.s32 v21, v40;
	_ =	sdelay $0x3  }
0x5d7: {  	[tilespmem:s0+$0xFFFFF830] =	vst v41  }
0x5d8: {  	v41 =	vld.idx.msk [tilespmem:v46+s23+$0x0], $0xffff  }
0x5d9: {  	v47 =	vadd.s32 v22, v40;
	_ =	sdelay $0x3  }
0x5da: {  	[tilespmem:s0+$0xFFFFFA30] =	vst v41  }
0x5db: {  	v41 =	vld.idx.msk [tilespmem:v47+s23+$0x0], $0xffff  }
0x5dc: {  	v48 =	vadd.s32 v23, v40;
	_ =	sdelay $0x3  }
0x5dd: {  	[tilespmem:s0+$0xFFFFFC30] =	vst v41  }
0x5de: {  	v41 =	vld.idx.msk [tilespmem:v48+s23+$0x0], $0xffff  }
0x5df: {  	v49 =	vadd.s32 v24, v40;
	_ =	sdelay $0x3  }
0x5e0: {  	[tilespmem:s0+$0xFFFFFE30] =	vst v41  }
0x5e1: {  	v41 =	vld.idx.msk [tilespmem:v49+s23+$0x0], $0xffff  }
0x5e2: {  	v50 =	vadd.s32 v25, v40;
	_ =	sdelay $0x3  }
0x5e3: {  	[tilespmem:s0+$0x30] =	vst v41  }
0x5e4: {  	v41 =	vld.idx.msk [tilespmem:v50+s23+$0x0], $0xffff  }
0x5e5: {  	v51 =	vadd.s32 v26, v40;
	_ =	sdelay $0x3  }
0x5e6: {  	[tilespmem:s0+$0x230] =	vst v41  }
0x5e7: {  	v41 =	vld.idx.msk [tilespmem:v51+s23+$0x0], $0xffff  }
0x5e8: {  	v52 =	vadd.s32 v27, v40;
	_ =	sdelay $0x3  }
0x5e9: {  	[tilespmem:s0+$0x430] =	vst v41  }
0x5ea: {  	v41 =	vld.idx.msk [tilespmem:v52+s23+$0x0], $0xffff  }
0x5eb: {  	v53 =	vadd.s32 v28, v40;
	_ =	sdelay $0x3  }
0x5ec: {  	[tilespmem:s0+$0x630] =	vst v41  }
0x5ed: {  	v41 =	vld.idx.msk [tilespmem:v53+s23+$0x0], $0xffff  }
0x5ee: {  	v54 =	vadd.s32 v29, v40;
	_ =	sdelay $0x3  }
0x5ef: {  	[tilespmem:s0+$0x830] =	vst v41  }
0x5f0: {  	v41 =	vld.idx.msk [tilespmem:v54+s23+$0x0], $0xffff  }
0x5f1: {  	v55 =	vadd.s32 v30, v40;
	_ =	sdelay $0x3  }
0x5f2: {  	[tilespmem:s0+$0xA30] =	vst v41  }
0x5f3: {  	v41 =	vld.idx.msk [tilespmem:v55+s23+$0x0], $0xffff  }
0x5f4: {  	v56 =	vadd.s32 v31, v40;
	_ =	sdelay $0x3  }
0x5f5: {  	[tilespmem:s0+$0xC30] =	vst v41  }
0x5f6: {  	v41 =	vld.idx.msk [tilespmem:v56+s23+$0x0], $0xffff  }
0x5f7: {  	v57 =	vadd.s32 v32, v40;
	_ =	sdelay $0x3  }
0x5f8: {  	[tilespmem:s0+$0xE30] =	vst v41  }
0x5f9: {  	v41 =	vld.idx.msk [tilespmem:v57+s23+$0x0], $0xffff  }
0x5fa: {  	v58 =	vadd.s32 v33, v40;
	_ =	sdelay $0x3  }
0x5fb: {  	[tilespmem:s0+$0x1030] =	vst v41  }
0x5fc: {  	v41 =	vld.idx.msk [tilespmem:v58+s23+$0x0], $0xffff  }
0x5fd: {  	v59 =	vadd.s32 v34, v40;
	_ =	sdelay $0x3  }
0x5fe: {  	[tilespmem:s0+$0x1230] =	vst v41  }
0x5ff: {  	v41 =	vld.idx.msk [tilespmem:v59+s23+$0x0], $0xffff  }
0x600: {  	v60 =	vadd.s32 v35, v40;
	_ =	sdelay $0x3  }
0x601: {  	[tilespmem:s0+$0x1430] =	vst v41  }
0x602: {  	v41 =	vld.idx.msk [tilespmem:v60+s23+$0x0], $0xffff  }
0x603: {  	v61 =	vadd.s32 v36, v40;
	_ =	sdelay $0x3  }
0x604: {  	[tilespmem:s0+$0x1630] =	vst v41  }
0x605: {  	v41 =	vld.idx.msk [tilespmem:v61+s23+$0x0], $0xffff  }
0x606: {  	v62 =	vadd.s32 v37, v40;
	_ =	sdelay $0x3  }
0x607: {  	[tilespmem:s0+$0x1830] =	vst v41  }
0x608: {  	v41 =	vld.idx.msk [tilespmem:v62+s23+$0x0], $0xffff  }
0x609: {  	v63 =	vadd.s32 v38, v40;
	_ =	sdelay $0x3  }
0x60a: {  	[tilespmem:s0+$0x1A30] =	vst v41  }
0x60b: {  	s12 =	simm.s32 $0x40;
	s2 =	simm.s32 $0x0;
	v41 =	vld.idx.msk [tilespmem:v63+s23+$0x0], $0xffff  }
.LBB2_9:
0x60c: {  	v42 =	vmov s12;
	s2 =	sadd.s32 $0x4, s2;
	v43 =	vadd.s32 v39, v40  }
0x60d: {  	v40 =	vmul.u32 $0x21, v42;
	p0 =	slt.u32 s2, $0x1C;
	_ =	sdelay $0x1  }
0x60e: {  	v40 =	vbroadcast v40, $0x0  }
0x60f: {  	[tilespmem:s0+$0x1C30] =	vst v41  }
0x610: {  	v41 =	vadd.s32 v0, v40;
	v42 =	vld.idx.msk [tilespmem:v43+s23+$0x0], $0xffff  }
0x611: {  	v41 =	vand.u32 $0xFFFFFFF8, v41  }
0x612: {  	v41 =	vor.u32 v1, v41;
	_ =	sdelay $0x3  }
0x613: {  	[tilespmem:s0+$0x1E30] =	vst v42  }
0x614: {  	v42 =	vadd.s32 v2, v40;
	v41 =	vld.idx.msk [tilespmem:v41+s23+$0x0], $0xffff  }
0x615: {  	v42 =	vand.u32 $0xFFFFFFF8, v42  }
0x616: {  	v42 =	vor.u32 v3, v42;
	_ =	sdelay $0x2  }
0x617: {  	s0 =	sadd.s32 $0x40, s0  }
0x618: {  	[tilespmem:s0+$0xFFFFE000] =	vst v41  }
0x619: {  	v41 =	vld.idx.msk [tilespmem:v42+s23+$0x0], $0xffff;
	v42 =	vadd.s32 v4, v40  }
0x61a: {  	v42 =	vand.u32 $0xFFFFFFF8, v42  }
0x61b: {  	v42 =	vor.u32 v5, v42;
	_ =	sdelay $0x3  }
0x61c: {  	[tilespmem:s0+$0xFFFFE200] =	vst v41  }
0x61d: {  	v41 =	vld.idx.msk [tilespmem:v42+s23+$0x0], $0xffff;
	v42 =	vadd.s32 v6, v40  }
0x61e: {  	v42 =	vand.u32 $0xFFFFFFF8, v42  }
0x61f: {  	v42 =	vor.u32 v7, v42;
	_ =	sdelay $0x3  }
0x620: {  	[tilespmem:s0+$0xFFFFE400] =	vst v41  }
0x621: {  	v41 =	vld.idx.msk [tilespmem:v42+s23+$0x0], $0xffff;
	v42 =	vadd.s32 v8, v40  }
0x622: {  	v42 =	vand.u32 $0xFFFFFFF8, v42  }
0x623: {  	v42 =	vor.u32 v9, v42;
	_ =	sdelay $0x3  }
0x624: {  	[tilespmem:s0+$0xFFFFE600] =	vst v41  }
0x625: {  	v41 =	vld.idx.msk [tilespmem:v42+s23+$0x0], $0xffff;
	v42 =	vadd.s32 v10, v40  }
0x626: {  	v42 =	vand.u32 $0xFFFFFFF8, v42  }
0x627: {  	v42 =	vor.u32 v11, v42;
	_ =	sdelay $0x3  }
0x628: {  	[tilespmem:s0+$0xFFFFE800] =	vst v41  }
0x629: {  	v41 =	vld.idx.msk [tilespmem:v42+s23+$0x0], $0xffff;
	v42 =	vadd.s32 v12, v40  }
0x62a: {  	v42 =	vand.u32 $0xFFFFFFF8, v42  }
0x62b: {  	v42 =	vor.u32 v13, v42;
	_ =	sdelay $0x3  }
0x62c: {  	[tilespmem:s0+$0xFFFFEA00] =	vst v41  }
0x62d: {  	v41 =	vld.idx.msk [tilespmem:v42+s23+$0x0], $0xffff;
	v42 =	vadd.s32 v14, v40  }
0x62e: {  	v42 =	vand.u32 $0xFFFFFFF8, v42  }
0x62f: {  	v42 =	vor.u32 v15, v42;
	_ =	sdelay $0x3  }
0x630: {  	[tilespmem:s0+$0xFFFFEC00] =	vst v41  }
0x631: {  	v41 =	vld.idx.msk [tilespmem:v42+s23+$0x0], $0xffff;
	v42 =	vadd.s32 v16, v40  }
0x632: {  	v42 =	vand.u32 $0xFFFFFFF8, v42  }
0x633: {  	v42 =	vor.u32 v1, v42;
	_ =	sdelay $0x3  }
0x634: {  	[tilespmem:s0+$0xFFFFEE00] =	vst v41  }
0x635: {  	v41 =	vld.idx.msk [tilespmem:v42+s23+$0x0], $0xffff;
	v42 =	vadd.s32 v17, v40  }
0x636: {  	v42 =	vand.u32 $0xFFFFFFF8, v42  }
0x637: {  	v42 =	vor.u32 v3, v42;
	_ =	sdelay $0x3  }
0x638: {  	[tilespmem:s0+$0xFFFFF000] =	vst v41  }
0x639: {  	v41 =	vld.idx.msk [tilespmem:v42+s23+$0x0], $0xffff;
	v42 =	vadd.s32 v18, v40  }
0x63a: {  	v42 =	vand.u32 $0xFFFFFFF8, v42  }
0x63b: {  	v42 =	vor.u32 v5, v42;
	_ =	sdelay $0x3  }
0x63c: {  	[tilespmem:s0+$0xFFFFF200] =	vst v41  }
0x63d: {  	v41 =	vld.idx.msk [tilespmem:v42+s23+$0x0], $0xffff;
	v42 =	vadd.s32 v19, v40  }
0x63e: {  	v42 =	vand.u32 $0xFFFFFFF8, v42  }
0x63f: {  	v42 =	vor.u32 v7, v42;
	_ =	sdelay $0x3  }
0x640: {  	[tilespmem:s0+$0xFFFFF400] =	vst v41  }
0x641: {  	v41 =	vld.idx.msk [tilespmem:v42+s23+$0x0], $0xffff;
	v42 =	vadd.s32 v20, v40  }
0x642: {  	v42 =	vand.u32 $0xFFFFFFF8, v42  }
0x643: {  	v42 =	vor.u32 v9, v42;
	_ =	sdelay $0x3  }
0x644: {  	[tilespmem:s0+$0xFFFFF600] =	vst v41  }
0x645: {  	v41 =	vld.idx.msk [tilespmem:v42+s23+$0x0], $0xffff;
	v42 =	vadd.s32 v21, v40  }
0x646: {  	v42 =	vand.u32 $0xFFFFFFF8, v42  }
0x647: {  	v42 =	vor.u32 v11, v42;
	_ =	sdelay $0x3  }
0x648: {  	[tilespmem:s0+$0xFFFFF800] =	vst v41  }
0x649: {  	v41 =	vld.idx.msk [tilespmem:v42+s23+$0x0], $0xffff;
	v42 =	vadd.s32 v22, v40  }
0x64a: {  	v42 =	vand.u32 $0xFFFFFFF8, v42  }
0x64b: {  	v42 =	vor.u32 v13, v42;
	_ =	sdelay $0x3  }
0x64c: {  	[tilespmem:s0+$0xFFFFFA00] =	vst v41  }
0x64d: {  	v41 =	vld.idx.msk [tilespmem:v42+s23+$0x0], $0xffff;
	v42 =	vadd.s32 v23, v40  }
0x64e: {  	v42 =	vand.u32 $0xFFFFFFF8, v42  }
0x64f: {  	v42 =	vor.u32 v15, v42;
	_ =	sdelay $0x3  }
0x650: {  	[tilespmem:s0+$0xFFFFFC00] =	vst v41  }
0x651: {  	v41 =	vld.idx.msk [tilespmem:v42+s23+$0x0], $0xffff;
	v42 =	vadd.s32 v24, v40  }
0x652: {  	v42 =	vand.u32 $0xFFFFFFF8, v42  }
0x653: {  	v42 =	vor.u32 v1, v42;
	_ =	sdelay $0x3  }
0x654: {  	[tilespmem:s0+$0xFFFFFE00] =	vst v41  }
0x655: {  	v41 =	vld.idx.msk [tilespmem:v42+s23+$0x0], $0xffff;
	v42 =	vadd.s32 v25, v40  }
0x656: {  	v42 =	vand.u32 $0xFFFFFFF8, v42  }
0x657: {  	v42 =	vor.u32 v3, v42;
	_ =	sdelay $0x3  }
0x658: {  	[tilespmem:s0+$0x0] =	vst v41  }
0x659: {  	v41 =	vld.idx.msk [tilespmem:v42+s23+$0x0], $0xffff;
	v42 =	vadd.s32 v26, v40  }
0x65a: {  	v42 =	vand.u32 $0xFFFFFFF8, v42  }
0x65b: {  	v42 =	vor.u32 v5, v42;
	_ =	sdelay $0x3  }
0x65c: {  	[tilespmem:s0+$0x200] =	vst v41  }
0x65d: {  	v41 =	vld.idx.msk [tilespmem:v42+s23+$0x0], $0xffff;
	v42 =	vadd.s32 v27, v40  }
0x65e: {  	v42 =	vand.u32 $0xFFFFFFF8, v42  }
0x65f: {  	v42 =	vor.u32 v7, v42;
	_ =	sdelay $0x3  }
0x660: {  	[tilespmem:s0+$0x400] =	vst v41  }
0x661: {  	v41 =	vld.idx.msk [tilespmem:v42+s23+$0x0], $0xffff;
	v42 =	vadd.s32 v28, v40  }
0x662: {  	v42 =	vand.u32 $0xFFFFFFF8, v42  }
0x663: {  	v42 =	vor.u32 v9, v42;
	_ =	sdelay $0x3  }
0x664: {  	[tilespmem:s0+$0x600] =	vst v41  }
0x665: {  	v41 =	vld.idx.msk [tilespmem:v42+s23+$0x0], $0xffff;
	v42 =	vadd.s32 v29, v40  }
0x666: {  	v42 =	vand.u32 $0xFFFFFFF8, v42  }
0x667: {  	v42 =	vor.u32 v11, v42;
	_ =	sdelay $0x3  }
0x668: {  	[tilespmem:s0+$0x800] =	vst v41  }
0x669: {  	v41 =	vld.idx.msk [tilespmem:v42+s23+$0x0], $0xffff;
	v42 =	vadd.s32 v30, v40  }
0x66a: {  	v42 =	vand.u32 $0xFFFFFFF8, v42  }
0x66b: {  	v42 =	vor.u32 v13, v42;
	_ =	sdelay $0x3  }
0x66c: {  	[tilespmem:s0+$0xA00] =	vst v41  }
0x66d: {  	v41 =	vld.idx.msk [tilespmem:v42+s23+$0x0], $0xffff;
	v42 =	vadd.s32 v31, v40  }
0x66e: {  	v42 =	vand.u32 $0xFFFFFFF8, v42  }
0x66f: {  	v42 =	vor.u32 v15, v42;
	_ =	sdelay $0x3  }
0x670: {  	[tilespmem:s0+$0xC00] =	vst v41  }
0x671: {  	v41 =	vld.idx.msk [tilespmem:v42+s23+$0x0], $0xffff;
	v42 =	vadd.s32 v32, v40  }
0x672: {  	v42 =	vand.u32 $0xFFFFFFF8, v42  }
0x673: {  	v42 =	vor.u32 v1, v42;
	_ =	sdelay $0x3  }
0x674: {  	[tilespmem:s0+$0xE00] =	vst v41  }
0x675: {  	v41 =	vld.idx.msk [tilespmem:v42+s23+$0x0], $0xffff;
	v42 =	vadd.s32 v33, v40  }
0x676: {  	v42 =	vand.u32 $0xFFFFFFF8, v42  }
0x677: {  	v42 =	vor.u32 v3, v42;
	_ =	sdelay $0x3  }
0x678: {  	[tilespmem:s0+$0x1000] =	vst v41  }
0x679: {  	v41 =	vld.idx.msk [tilespmem:v42+s23+$0x0], $0xffff;
	v42 =	vadd.s32 v34, v40  }
0x67a: {  	v42 =	vand.u32 $0xFFFFFFF8, v42  }
0x67b: {  	v42 =	vor.u32 v5, v42;
	_ =	sdelay $0x3  }
0x67c: {  	[tilespmem:s0+$0x1200] =	vst v41  }
0x67d: {  	v41 =	vld.idx.msk [tilespmem:v42+s23+$0x0], $0xffff;
	v42 =	vadd.s32 v35, v40  }
0x67e: {  	v42 =	vand.u32 $0xFFFFFFF8, v42  }
0x67f: {  	v42 =	vor.u32 v7, v42;
	_ =	sdelay $0x3  }
0x680: {  	[tilespmem:s0+$0x1400] =	vst v41  }
0x681: {  	v41 =	vld.idx.msk [tilespmem:v42+s23+$0x0], $0xffff;
	v42 =	vadd.s32 v36, v40  }
0x682: {  	v42 =	vand.u32 $0xFFFFFFF8, v42  }
0x683: {  	v42 =	vor.u32 v9, v42;
	_ =	sdelay $0x3  }
0x684: {  	[tilespmem:s0+$0x1600] =	vst v41  }
0x685: {  	v41 =	vld.idx.msk [tilespmem:v42+s23+$0x0], $0xffff;
	v42 =	vadd.s32 v37, v40  }
0x686: {  	v42 =	vand.u32 $0xFFFFFFF8, v42  }
0x687: {  	v42 =	vor.u32 v11, v42;
	_ =	sdelay $0x3  }
0x688: {  	[tilespmem:s0+$0x1800] =	vst v41  }
0x689: {  	v41 =	vld.idx.msk [tilespmem:v42+s23+$0x0], $0xffff;
	v42 =	vadd.s32 v38, v40  }
0x68a: {  	v42 =	vand.u32 $0xFFFFFFF8, v42  }
0x68b: {  	v42 =	vor.u32 v13, v42;
	_ =	sdelay $0x3  }
0x68c: {  	[tilespmem:s0+$0x1A00] =	vst v41  }
0x68d: {  	v40 =	vadd.s32 v39, v40;
	v41 =	vld.idx.msk [tilespmem:v42+s23+$0x0], $0xffff  }
0x68e: {  	v40 =	vand.u32 $0xFFFFFFF8, v40  }
0x68f: {  	v40 =	vor.u32 v15, v40  }
0x690: {  	s13 =	sadd.s32 $0x10, s12  }
0x691: {  	v42 =	vmov s13  }
0x692: {  	v42 =	vmul.u32 $0x21, v42  }
0x693: {  	[tilespmem:s0+$0x1C00] =	vst v41  }
0x694: {  	v41 =	vld.idx.msk [tilespmem:v40+s23+$0x0], $0xffff;
	v40 =	vbroadcast v42, $0x0;
	_ =	sdelay $0x1  }
0x695: {  	v42 =	vadd.s32 v0, v40;
	_ =	sdelay $0x3  }
0x696: {  	[tilespmem:s0+$0x1E00] =	vst v41  }
0x697: {  	v41 =	vld.idx.msk [tilespmem:v42+s23+$0x0], $0xffff;
	_ =	sdelay $0x1  }
0x698: {  	v42 =	vadd.s32 v2, v40;
	_ =	sdelay $0x3  }
0x699: {  	[tilespmem:s0+$0xFFFFE010] =	vst v41  }
0x69a: {  	v41 =	vld.idx.msk [tilespmem:v42+s23+$0x0], $0xffff;
	_ =	sdelay $0x1  }
0x69b: {  	v42 =	vadd.s32 v4, v40;
	_ =	sdelay $0x3  }
0x69c: {  	[tilespmem:s0+$0xFFFFE210] =	vst v41  }
0x69d: {  	v41 =	vld.idx.msk [tilespmem:v42+s23+$0x0], $0xffff;
	_ =	sdelay $0x1  }
0x69e: {  	v42 =	vadd.s32 v6, v40;
	_ =	sdelay $0x3  }
0x69f: {  	[tilespmem:s0+$0xFFFFE410] =	vst v41  }
0x6a0: {  	v41 =	vld.idx.msk [tilespmem:v42+s23+$0x0], $0xffff;
	_ =	sdelay $0x1  }
0x6a1: {  	v42 =	vadd.s32 v8, v40;
	_ =	sdelay $0x3  }
0x6a2: {  	[tilespmem:s0+$0xFFFFE610] =	vst v41  }
0x6a3: {  	v41 =	vld.idx.msk [tilespmem:v42+s23+$0x0], $0xffff;
	_ =	sdelay $0x1  }
0x6a4: {  	v42 =	vadd.s32 v10, v40;
	_ =	sdelay $0x3  }
0x6a5: {  	[tilespmem:s0+$0xFFFFE810] =	vst v41  }
0x6a6: {  	v41 =	vld.idx.msk [tilespmem:v42+s23+$0x0], $0xffff;
	_ =	sdelay $0x1  }
0x6a7: {  	v42 =	vadd.s32 v12, v40;
	_ =	sdelay $0x3  }
0x6a8: {  	[tilespmem:s0+$0xFFFFEA10] =	vst v41  }
0x6a9: {  	v41 =	vld.idx.msk [tilespmem:v42+s23+$0x0], $0xffff;
	_ =	sdelay $0x1  }
0x6aa: {  	v42 =	vadd.s32 v14, v40;
	_ =	sdelay $0x3  }
0x6ab: {  	[tilespmem:s0+$0xFFFFEC10] =	vst v41  }
0x6ac: {  	v41 =	vld.idx.msk [tilespmem:v42+s23+$0x0], $0xffff;
	_ =	sdelay $0x1  }
0x6ad: {  	v42 =	vadd.s32 v16, v40;
	_ =	sdelay $0x3  }
0x6ae: {  	[tilespmem:s0+$0xFFFFEE10] =	vst v41  }
0x6af: {  	v41 =	vld.idx.msk [tilespmem:v42+s23+$0x0], $0xffff;
	_ =	sdelay $0x1  }
0x6b0: {  	v42 =	vadd.s32 v17, v40;
	_ =	sdelay $0x3  }
0x6b1: {  	[tilespmem:s0+$0xFFFFF010] =	vst v41  }
0x6b2: {  	v41 =	vld.idx.msk [tilespmem:v42+s23+$0x0], $0xffff;
	_ =	sdelay $0x1  }
0x6b3: {  	v42 =	vadd.s32 v18, v40;
	_ =	sdelay $0x3  }
0x6b4: {  	[tilespmem:s0+$0xFFFFF210] =	vst v41  }
0x6b5: {  	v41 =	vld.idx.msk [tilespmem:v42+s23+$0x0], $0xffff;
	_ =	sdelay $0x1  }
0x6b6: {  	v42 =	vadd.s32 v19, v40;
	_ =	sdelay $0x3  }
0x6b7: {  	[tilespmem:s0+$0xFFFFF410] =	vst v41  }
0x6b8: {  	v41 =	vld.idx.msk [tilespmem:v42+s23+$0x0], $0xffff;
	_ =	sdelay $0x1  }
0x6b9: {  	v42 =	vadd.s32 v20, v40;
	_ =	sdelay $0x3  }
0x6ba: {  	[tilespmem:s0+$0xFFFFF610] =	vst v41  }
0x6bb: {  	v41 =	vld.idx.msk [tilespmem:v42+s23+$0x0], $0xffff;
	_ =	sdelay $0x1  }
0x6bc: {  	v42 =	vadd.s32 v21, v40;
	_ =	sdelay $0x3  }
0x6bd: {  	[tilespmem:s0+$0xFFFFF810] =	vst v41  }
0x6be: {  	v41 =	vld.idx.msk [tilespmem:v42+s23+$0x0], $0xffff;
	_ =	sdelay $0x1  }
0x6bf: {  	v42 =	vadd.s32 v22, v40;
	_ =	sdelay $0x3  }
0x6c0: {  	[tilespmem:s0+$0xFFFFFA10] =	vst v41  }
0x6c1: {  	v41 =	vld.idx.msk [tilespmem:v42+s23+$0x0], $0xffff;
	_ =	sdelay $0x1  }
0x6c2: {  	v42 =	vadd.s32 v23, v40;
	_ =	sdelay $0x3  }
0x6c3: {  	[tilespmem:s0+$0xFFFFFC10] =	vst v41  }
0x6c4: {  	v41 =	vld.idx.msk [tilespmem:v42+s23+$0x0], $0xffff;
	_ =	sdelay $0x1  }
0x6c5: {  	v42 =	vadd.s32 v24, v40;
	_ =	sdelay $0x3  }
0x6c6: {  	[tilespmem:s0+$0xFFFFFE10] =	vst v41  }
0x6c7: {  	v41 =	vld.idx.msk [tilespmem:v42+s23+$0x0], $0xffff;
	_ =	sdelay $0x1  }
0x6c8: {  	v42 =	vadd.s32 v25, v40;
	_ =	sdelay $0x3  }
0x6c9: {  	[tilespmem:s0+$0x10] =	vst v41  }
0x6ca: {  	v41 =	vld.idx.msk [tilespmem:v42+s23+$0x0], $0xffff;
	_ =	sdelay $0x1  }
0x6cb: {  	v42 =	vadd.s32 v26, v40;
	_ =	sdelay $0x3  }
0x6cc: {  	[tilespmem:s0+$0x210] =	vst v41  }
0x6cd: {  	v41 =	vld.idx.msk [tilespmem:v42+s23+$0x0], $0xffff;
	_ =	sdelay $0x1  }
0x6ce: {  	v42 =	vadd.s32 v27, v40;
	_ =	sdelay $0x3  }
0x6cf: {  	[tilespmem:s0+$0x410] =	vst v41  }
0x6d0: {  	v41 =	vld.idx.msk [tilespmem:v42+s23+$0x0], $0xffff;
	_ =	sdelay $0x1  }
0x6d1: {  	v42 =	vadd.s32 v28, v40;
	_ =	sdelay $0x3  }
0x6d2: {  	[tilespmem:s0+$0x610] =	vst v41  }
0x6d3: {  	v41 =	vld.idx.msk [tilespmem:v42+s23+$0x0], $0xffff;
	_ =	sdelay $0x1  }
0x6d4: {  	v42 =	vadd.s32 v29, v40;
	_ =	sdelay $0x3  }
0x6d5: {  	[tilespmem:s0+$0x810] =	vst v41  }
0x6d6: {  	v41 =	vld.idx.msk [tilespmem:v42+s23+$0x0], $0xffff;
	_ =	sdelay $0x1  }
0x6d7: {  	v42 =	vadd.s32 v30, v40;
	_ =	sdelay $0x3  }
0x6d8: {  	[tilespmem:s0+$0xA10] =	vst v41  }
0x6d9: {  	v41 =	vld.idx.msk [tilespmem:v42+s23+$0x0], $0xffff;
	_ =	sdelay $0x1  }
0x6da: {  	v42 =	vadd.s32 v31, v40;
	_ =	sdelay $0x3  }
0x6db: {  	[tilespmem:s0+$0xC10] =	vst v41  }
0x6dc: {  	v41 =	vld.idx.msk [tilespmem:v42+s23+$0x0], $0xffff;
	_ =	sdelay $0x1  }
0x6dd: {  	v42 =	vadd.s32 v32, v40;
	_ =	sdelay $0x3  }
0x6de: {  	[tilespmem:s0+$0xE10] =	vst v41  }
0x6df: {  	v41 =	vld.idx.msk [tilespmem:v42+s23+$0x0], $0xffff;
	_ =	sdelay $0x1  }
0x6e0: {  	v42 =	vadd.s32 v33, v40;
	_ =	sdelay $0x3  }
0x6e1: {  	[tilespmem:s0+$0x1010] =	vst v41  }
0x6e2: {  	v41 =	vld.idx.msk [tilespmem:v42+s23+$0x0], $0xffff;
	_ =	sdelay $0x1  }
0x6e3: {  	v42 =	vadd.s32 v34, v40;
	_ =	sdelay $0x3  }
0x6e4: {  	[tilespmem:s0+$0x1210] =	vst v41  }
0x6e5: {  	v41 =	vld.idx.msk [tilespmem:v42+s23+$0x0], $0xffff;
	_ =	sdelay $0x1  }
0x6e6: {  	v42 =	vadd.s32 v35, v40;
	_ =	sdelay $0x3  }
0x6e7: {  	[tilespmem:s0+$0x1410] =	vst v41  }
0x6e8: {  	v41 =	vld.idx.msk [tilespmem:v42+s23+$0x0], $0xffff;
	_ =	sdelay $0x1  }
0x6e9: {  	v42 =	vadd.s32 v36, v40;
	_ =	sdelay $0x3  }
0x6ea: {  	[tilespmem:s0+$0x1610] =	vst v41  }
0x6eb: {  	v41 =	vld.idx.msk [tilespmem:v42+s23+$0x0], $0xffff;
	_ =	sdelay $0x1  }
0x6ec: {  	v42 =	vadd.s32 v37, v40;
	_ =	sdelay $0x3  }
0x6ed: {  	[tilespmem:s0+$0x1810] =	vst v41  }
0x6ee: {  	v41 =	vld.idx.msk [tilespmem:v42+s23+$0x0], $0xffff;
	_ =	sdelay $0x1  }
0x6ef: {  	v42 =	vadd.s32 v38, v40;
	_ =	sdelay $0x3  }
0x6f0: {  	[tilespmem:s0+$0x1A10] =	vst v41  }
0x6f1: {  	v41 =	vld.idx.msk [tilespmem:v42+s23+$0x0], $0xffff;
	_ =	sdelay $0x1  }
0x6f2: {  	v40 =	vadd.s32 v39, v40  }
0x6f3: {  	s13 =	sadd.s32 $0x20, s12  }
0x6f4: {  	v42 =	vmov s13  }
0x6f5: {  	v42 =	vmul.u32 $0x21, v42  }
0x6f6: {  	[tilespmem:s0+$0x1C10] =	vst v41  }
0x6f7: {  	v41 =	vld.idx.msk [tilespmem:v40+s23+$0x0], $0xffff;
	v40 =	vbroadcast v42, $0x0;
	_ =	sdelay $0x1  }
0x6f8: {  	v42 =	vadd.s32 v0, v40;
	_ =	sdelay $0x3  }
0x6f9: {  	[tilespmem:s0+$0x1E10] =	vst v41  }
0x6fa: {  	v41 =	vld.idx.msk [tilespmem:v42+s23+$0x0], $0xffff;
	_ =	sdelay $0x1  }
0x6fb: {  	v42 =	vadd.s32 v2, v40;
	_ =	sdelay $0x3  }
0x6fc: {  	[tilespmem:s0+$0xFFFFE020] =	vst v41  }
0x6fd: {  	v41 =	vld.idx.msk [tilespmem:v42+s23+$0x0], $0xffff;
	_ =	sdelay $0x1  }
0x6fe: {  	v42 =	vadd.s32 v4, v40;
	_ =	sdelay $0x3  }
0x6ff: {  	[tilespmem:s0+$0xFFFFE220] =	vst v41  }
0x700: {  	v41 =	vld.idx.msk [tilespmem:v42+s23+$0x0], $0xffff;
	_ =	sdelay $0x1  }
0x701: {  	v42 =	vadd.s32 v6, v40;
	_ =	sdelay $0x3  }
0x702: {  	[tilespmem:s0+$0xFFFFE420] =	vst v41  }
0x703: {  	v41 =	vld.idx.msk [tilespmem:v42+s23+$0x0], $0xffff;
	_ =	sdelay $0x1  }
0x704: {  	v42 =	vadd.s32 v8, v40;
	_ =	sdelay $0x3  }
0x705: {  	[tilespmem:s0+$0xFFFFE620] =	vst v41  }
0x706: {  	v41 =	vld.idx.msk [tilespmem:v42+s23+$0x0], $0xffff;
	_ =	sdelay $0x1  }
0x707: {  	v42 =	vadd.s32 v10, v40;
	_ =	sdelay $0x3  }
0x708: {  	[tilespmem:s0+$0xFFFFE820] =	vst v41  }
0x709: {  	v41 =	vld.idx.msk [tilespmem:v42+s23+$0x0], $0xffff;
	_ =	sdelay $0x1  }
0x70a: {  	v42 =	vadd.s32 v12, v40;
	_ =	sdelay $0x3  }
0x70b: {  	[tilespmem:s0+$0xFFFFEA20] =	vst v41  }
0x70c: {  	v41 =	vld.idx.msk [tilespmem:v42+s23+$0x0], $0xffff;
	_ =	sdelay $0x1  }
0x70d: {  	v42 =	vadd.s32 v14, v40;
	_ =	sdelay $0x3  }
0x70e: {  	[tilespmem:s0+$0xFFFFEC20] =	vst v41  }
0x70f: {  	v41 =	vld.idx.msk [tilespmem:v42+s23+$0x0], $0xffff;
	_ =	sdelay $0x1  }
0x710: {  	v42 =	vadd.s32 v16, v40;
	_ =	sdelay $0x3  }
0x711: {  	[tilespmem:s0+$0xFFFFEE20] =	vst v41  }
0x712: {  	v41 =	vld.idx.msk [tilespmem:v42+s23+$0x0], $0xffff;
	_ =	sdelay $0x1  }
0x713: {  	v42 =	vadd.s32 v17, v40;
	_ =	sdelay $0x3  }
0x714: {  	[tilespmem:s0+$0xFFFFF020] =	vst v41  }
0x715: {  	v41 =	vld.idx.msk [tilespmem:v42+s23+$0x0], $0xffff;
	_ =	sdelay $0x1  }
0x716: {  	v42 =	vadd.s32 v18, v40;
	_ =	sdelay $0x3  }
0x717: {  	[tilespmem:s0+$0xFFFFF220] =	vst v41  }
0x718: {  	v41 =	vld.idx.msk [tilespmem:v42+s23+$0x0], $0xffff;
	_ =	sdelay $0x1  }
0x719: {  	v42 =	vadd.s32 v19, v40;
	_ =	sdelay $0x3  }
0x71a: {  	[tilespmem:s0+$0xFFFFF420] =	vst v41  }
0x71b: {  	v41 =	vld.idx.msk [tilespmem:v42+s23+$0x0], $0xffff;
	_ =	sdelay $0x1  }
0x71c: {  	v42 =	vadd.s32 v20, v40;
	_ =	sdelay $0x3  }
0x71d: {  	[tilespmem:s0+$0xFFFFF620] =	vst v41  }
0x71e: {  	v41 =	vld.idx.msk [tilespmem:v42+s23+$0x0], $0xffff;
	_ =	sdelay $0x1  }
0x71f: {  	v42 =	vadd.s32 v21, v40;
	_ =	sdelay $0x3  }
0x720: {  	[tilespmem:s0+$0xFFFFF820] =	vst v41  }
0x721: {  	v41 =	vld.idx.msk [tilespmem:v42+s23+$0x0], $0xffff;
	_ =	sdelay $0x1  }
0x722: {  	v42 =	vadd.s32 v22, v40;
	_ =	sdelay $0x3  }
0x723: {  	[tilespmem:s0+$0xFFFFFA20] =	vst v41  }
0x724: {  	v41 =	vld.idx.msk [tilespmem:v42+s23+$0x0], $0xffff;
	_ =	sdelay $0x1  }
0x725: {  	v42 =	vadd.s32 v23, v40;
	_ =	sdelay $0x3  }
0x726: {  	[tilespmem:s0+$0xFFFFFC20] =	vst v41  }
0x727: {  	v41 =	vld.idx.msk [tilespmem:v42+s23+$0x0], $0xffff;
	_ =	sdelay $0x1  }
0x728: {  	v42 =	vadd.s32 v24, v40;
	_ =	sdelay $0x3  }
0x729: {  	[tilespmem:s0+$0xFFFFFE20] =	vst v41  }
0x72a: {  	v41 =	vld.idx.msk [tilespmem:v42+s23+$0x0], $0xffff;
	_ =	sdelay $0x1  }
0x72b: {  	v42 =	vadd.s32 v25, v40;
	_ =	sdelay $0x3  }
0x72c: {  	[tilespmem:s0+$0x20] =	vst v41  }
0x72d: {  	v41 =	vld.idx.msk [tilespmem:v42+s23+$0x0], $0xffff;
	_ =	sdelay $0x1  }
0x72e: {  	v42 =	vadd.s32 v26, v40;
	_ =	sdelay $0x3  }
0x72f: {  	[tilespmem:s0+$0x220] =	vst v41  }
0x730: {  	v41 =	vld.idx.msk [tilespmem:v42+s23+$0x0], $0xffff;
	_ =	sdelay $0x1  }
0x731: {  	v42 =	vadd.s32 v27, v40;
	_ =	sdelay $0x3  }
0x732: {  	[tilespmem:s0+$0x420] =	vst v41  }
0x733: {  	v41 =	vld.idx.msk [tilespmem:v42+s23+$0x0], $0xffff;
	_ =	sdelay $0x1  }
0x734: {  	v42 =	vadd.s32 v28, v40;
	_ =	sdelay $0x3  }
0x735: {  	[tilespmem:s0+$0x620] =	vst v41  }
0x736: {  	v41 =	vld.idx.msk [tilespmem:v42+s23+$0x0], $0xffff;
	_ =	sdelay $0x1  }
0x737: {  	v42 =	vadd.s32 v29, v40;
	_ =	sdelay $0x3  }
0x738: {  	[tilespmem:s0+$0x820] =	vst v41  }
0x739: {  	v41 =	vld.idx.msk [tilespmem:v42+s23+$0x0], $0xffff;
	_ =	sdelay $0x1  }
0x73a: {  	v42 =	vadd.s32 v30, v40;
	_ =	sdelay $0x3  }
0x73b: {  	[tilespmem:s0+$0xA20] =	vst v41  }
0x73c: {  	v41 =	vld.idx.msk [tilespmem:v42+s23+$0x0], $0xffff;
	_ =	sdelay $0x1  }
0x73d: {  	v42 =	vadd.s32 v31, v40;
	_ =	sdelay $0x3  }
0x73e: {  	[tilespmem:s0+$0xC20] =	vst v41  }
0x73f: {  	v41 =	vld.idx.msk [tilespmem:v42+s23+$0x0], $0xffff;
	_ =	sdelay $0x1  }
0x740: {  	v42 =	vadd.s32 v32, v40;
	_ =	sdelay $0x3  }
0x741: {  	[tilespmem:s0+$0xE20] =	vst v41  }
0x742: {  	v41 =	vld.idx.msk [tilespmem:v42+s23+$0x0], $0xffff;
	_ =	sdelay $0x1  }
0x743: {  	v42 =	vadd.s32 v33, v40;
	_ =	sdelay $0x3  }
0x744: {  	[tilespmem:s0+$0x1020] =	vst v41  }
0x745: {  	v41 =	vld.idx.msk [tilespmem:v42+s23+$0x0], $0xffff;
	_ =	sdelay $0x1  }
0x746: {  	v42 =	vadd.s32 v34, v40;
	_ =	sdelay $0x3  }
0x747: {  	[tilespmem:s0+$0x1220] =	vst v41  }
0x748: {  	v41 =	vld.idx.msk [tilespmem:v42+s23+$0x0], $0xffff;
	_ =	sdelay $0x1  }
0x749: {  	v42 =	vadd.s32 v35, v40;
	_ =	sdelay $0x3  }
0x74a: {  	[tilespmem:s0+$0x1420] =	vst v41  }
0x74b: {  	v41 =	vld.idx.msk [tilespmem:v42+s23+$0x0], $0xffff;
	_ =	sdelay $0x1  }
0x74c: {  	v42 =	vadd.s32 v36, v40;
	_ =	sdelay $0x3  }
0x74d: {  	[tilespmem:s0+$0x1620] =	vst v41  }
0x74e: {  	v41 =	vld.idx.msk [tilespmem:v42+s23+$0x0], $0xffff;
	_ =	sdelay $0x1  }
0x74f: {  	v42 =	vadd.s32 v37, v40;
	_ =	sdelay $0x3  }
0x750: {  	[tilespmem:s0+$0x1820] =	vst v41  }
0x751: {  	v41 =	vld.idx.msk [tilespmem:v42+s23+$0x0], $0xffff;
	_ =	sdelay $0x1  }
0x752: {  	v42 =	vadd.s32 v38, v40;
	_ =	sdelay $0x3  }
0x753: {  	[tilespmem:s0+$0x1A20] =	vst v41  }
0x754: {  	v41 =	vld.idx.msk [tilespmem:v42+s23+$0x0], $0xffff;
	_ =	sdelay $0x1  }
0x755: {  	v40 =	vadd.s32 v39, v40  }
0x756: {  	s13 =	sadd.s32 $0x30, s12  }
0x757: {  	v42 =	vmov s13  }
0x758: {  	v42 =	vmul.u32 $0x21, v42  }
0x759: {  	[tilespmem:s0+$0x1C20] =	vst v41  }
0x75a: {  	v41 =	vld.idx.msk [tilespmem:v40+s23+$0x0], $0xffff;
	v40 =	vbroadcast v42, $0x0;
	_ =	sdelay $0x1  }
0x75b: {  	v42 =	vadd.s32 v0, v40;
	_ =	sdelay $0x3  }
0x75c: {  	[tilespmem:s0+$0x1E20] =	vst v41  }
0x75d: {  	v41 =	vld.idx.msk [tilespmem:v42+s23+$0x0], $0xffff;
	_ =	sdelay $0x1  }
0x75e: {  	v42 =	vadd.s32 v2, v40;
	_ =	sdelay $0x3  }
0x75f: {  	[tilespmem:s0+$0xFFFFE030] =	vst v41  }
0x760: {  	v41 =	vld.idx.msk [tilespmem:v42+s23+$0x0], $0xffff;
	_ =	sdelay $0x1  }
0x761: {  	v42 =	vadd.s32 v4, v40;
	_ =	sdelay $0x3  }
0x762: {  	[tilespmem:s0+$0xFFFFE230] =	vst v41  }
0x763: {  	v41 =	vld.idx.msk [tilespmem:v42+s23+$0x0], $0xffff;
	_ =	sdelay $0x1  }
0x764: {  	v42 =	vadd.s32 v6, v40;
	_ =	sdelay $0x3  }
0x765: {  	[tilespmem:s0+$0xFFFFE430] =	vst v41  }
0x766: {  	v41 =	vld.idx.msk [tilespmem:v42+s23+$0x0], $0xffff;
	_ =	sdelay $0x1  }
0x767: {  	v42 =	vadd.s32 v8, v40;
	_ =	sdelay $0x3  }
0x768: {  	[tilespmem:s0+$0xFFFFE630] =	vst v41  }
0x769: {  	v41 =	vld.idx.msk [tilespmem:v42+s23+$0x0], $0xffff;
	_ =	sdelay $0x1  }
0x76a: {  	v42 =	vadd.s32 v10, v40;
	_ =	sdelay $0x3  }
0x76b: {  	[tilespmem:s0+$0xFFFFE830] =	vst v41  }
0x76c: {  	v41 =	vld.idx.msk [tilespmem:v42+s23+$0x0], $0xffff;
	_ =	sdelay $0x1  }
0x76d: {  	v42 =	vadd.s32 v12, v40;
	_ =	sdelay $0x3  }
0x76e: {  	[tilespmem:s0+$0xFFFFEA30] =	vst v41  }
0x76f: {  	v41 =	vld.idx.msk [tilespmem:v42+s23+$0x0], $0xffff;
	_ =	sdelay $0x1  }
0x770: {  	v42 =	vadd.s32 v14, v40;
	_ =	sdelay $0x3  }
0x771: {  	[tilespmem:s0+$0xFFFFEC30] =	vst v41  }
0x772: {  	v41 =	vld.idx.msk [tilespmem:v42+s23+$0x0], $0xffff;
	_ =	sdelay $0x1  }
0x773: {  	v42 =	vadd.s32 v16, v40;
	_ =	sdelay $0x3  }
0x774: {  	[tilespmem:s0+$0xFFFFEE30] =	vst v41  }
0x775: {  	v41 =	vld.idx.msk [tilespmem:v42+s23+$0x0], $0xffff;
	_ =	sdelay $0x1  }
0x776: {  	v42 =	vadd.s32 v17, v40;
	_ =	sdelay $0x3  }
0x777: {  	[tilespmem:s0+$0xFFFFF030] =	vst v41  }
0x778: {  	v41 =	vld.idx.msk [tilespmem:v42+s23+$0x0], $0xffff;
	_ =	sdelay $0x1  }
0x779: {  	v42 =	vadd.s32 v18, v40;
	_ =	sdelay $0x3  }
0x77a: {  	[tilespmem:s0+$0xFFFFF230] =	vst v41  }
0x77b: {  	v41 =	vld.idx.msk [tilespmem:v42+s23+$0x0], $0xffff;
	_ =	sdelay $0x1  }
0x77c: {  	v42 =	vadd.s32 v19, v40;
	_ =	sdelay $0x3  }
0x77d: {  	[tilespmem:s0+$0xFFFFF430] =	vst v41  }
0x77e: {  	v41 =	vld.idx.msk [tilespmem:v42+s23+$0x0], $0xffff;
	_ =	sdelay $0x1  }
0x77f: {  	v42 =	vadd.s32 v20, v40;
	_ =	sdelay $0x3  }
0x780: {  	[tilespmem:s0+$0xFFFFF630] =	vst v41  }
0x781: {  	v41 =	vld.idx.msk [tilespmem:v42+s23+$0x0], $0xffff;
	_ =	sdelay $0x1  }
0x782: {  	v42 =	vadd.s32 v21, v40;
	_ =	sdelay $0x3  }
0x783: {  	[tilespmem:s0+$0xFFFFF830] =	vst v41  }
0x784: {  	v41 =	vld.idx.msk [tilespmem:v42+s23+$0x0], $0xffff;
	_ =	sdelay $0x1  }
0x785: {  	v42 =	vadd.s32 v22, v40;
	_ =	sdelay $0x3  }
0x786: {  	[tilespmem:s0+$0xFFFFFA30] =	vst v41  }
0x787: {  	v41 =	vld.idx.msk [tilespmem:v42+s23+$0x0], $0xffff;
	_ =	sdelay $0x1  }
0x788: {  	v42 =	vadd.s32 v23, v40;
	_ =	sdelay $0x3  }
0x789: {  	[tilespmem:s0+$0xFFFFFC30] =	vst v41  }
0x78a: {  	v41 =	vld.idx.msk [tilespmem:v42+s23+$0x0], $0xffff;
	_ =	sdelay $0x1  }
0x78b: {  	v42 =	vadd.s32 v24, v40;
	_ =	sdelay $0x3  }
0x78c: {  	[tilespmem:s0+$0xFFFFFE30] =	vst v41  }
0x78d: {  	v41 =	vld.idx.msk [tilespmem:v42+s23+$0x0], $0xffff;
	_ =	sdelay $0x1  }
0x78e: {  	v42 =	vadd.s32 v25, v40;
	_ =	sdelay $0x3  }
0x78f: {  	[tilespmem:s0+$0x30] =	vst v41  }
0x790: {  	v41 =	vld.idx.msk [tilespmem:v42+s23+$0x0], $0xffff;
	_ =	sdelay $0x1  }
0x791: {  	v42 =	vadd.s32 v26, v40;
	_ =	sdelay $0x3  }
0x792: {  	[tilespmem:s0+$0x230] =	vst v41  }
0x793: {  	v41 =	vld.idx.msk [tilespmem:v42+s23+$0x0], $0xffff;
	_ =	sdelay $0x1  }
0x794: {  	v42 =	vadd.s32 v27, v40;
	_ =	sdelay $0x3  }
0x795: {  	[tilespmem:s0+$0x430] =	vst v41  }
0x796: {  	v41 =	vld.idx.msk [tilespmem:v42+s23+$0x0], $0xffff;
	_ =	sdelay $0x1  }
0x797: {  	v42 =	vadd.s32 v28, v40;
	_ =	sdelay $0x3  }
0x798: {  	[tilespmem:s0+$0x630] =	vst v41  }
0x799: {  	v41 =	vld.idx.msk [tilespmem:v42+s23+$0x0], $0xffff;
	_ =	sdelay $0x1  }
0x79a: {  	v42 =	vadd.s32 v29, v40;
	_ =	sdelay $0x3  }
0x79b: {  	[tilespmem:s0+$0x830] =	vst v41  }
0x79c: {  	v41 =	vld.idx.msk [tilespmem:v42+s23+$0x0], $0xffff;
	_ =	sdelay $0x1  }
0x79d: {  	v42 =	vadd.s32 v30, v40;
	_ =	sdelay $0x3  }
0x79e: {  	[tilespmem:s0+$0xA30] =	vst v41  }
0x79f: {  	v41 =	vld.idx.msk [tilespmem:v42+s23+$0x0], $0xffff;
	_ =	sdelay $0x1  }
0x7a0: {  	v42 =	vadd.s32 v31, v40;
	_ =	sdelay $0x3  }
0x7a1: {  	[tilespmem:s0+$0xC30] =	vst v41  }
0x7a2: {  	v41 =	vld.idx.msk [tilespmem:v42+s23+$0x0], $0xffff;
	_ =	sdelay $0x1  }
0x7a3: {  	v42 =	vadd.s32 v32, v40;
	_ =	sdelay $0x3  }
0x7a4: {  	[tilespmem:s0+$0xE30] =	vst v41  }
0x7a5: {  	v41 =	vld.idx.msk [tilespmem:v42+s23+$0x0], $0xffff;
	_ =	sdelay $0x1  }
0x7a6: {  	v42 =	vadd.s32 v33, v40;
	_ =	sdelay $0x3  }
0x7a7: {  	[tilespmem:s0+$0x1030] =	vst v41  }
0x7a8: {  	v41 =	vld.idx.msk [tilespmem:v42+s23+$0x0], $0xffff;
	_ =	sdelay $0x1  }
0x7a9: {  	v42 =	vadd.s32 v34, v40;
	_ =	sdelay $0x3  }
0x7aa: {  	[tilespmem:s0+$0x1230] =	vst v41  }
0x7ab: {  	v41 =	vld.idx.msk [tilespmem:v42+s23+$0x0], $0xffff;
	_ =	sdelay $0x1  }
0x7ac: {  	v42 =	vadd.s32 v35, v40;
	_ =	sdelay $0x3  }
0x7ad: {  	[tilespmem:s0+$0x1430] =	vst v41  }
0x7ae: {  	v41 =	vld.idx.msk [tilespmem:v42+s23+$0x0], $0xffff;
	_ =	sdelay $0x1  }
0x7af: {  	v42 =	vadd.s32 v36, v40;
	_ =	sdelay $0x3  }
0x7b0: {  	[tilespmem:s0+$0x1630] =	vst v41  }
0x7b1: {  	v41 =	vld.idx.msk [tilespmem:v42+s23+$0x0], $0xffff;
	_ =	sdelay $0x1  }
0x7b2: {  	v42 =	vadd.s32 v37, v40;
	_ =	sdelay $0x3  }
0x7b3: {  	[tilespmem:s0+$0x1830] =	vst v41  }
0x7b4: {  	v41 =	vld.idx.msk [tilespmem:v42+s23+$0x0], $0xffff;
	_ =	sdelay $0x1  }
0x7b5: {  	v42 =	vadd.s32 v38, v40;
	_ =	sdelay $0x1  }
.Ltmp3:
0x7b6: {  	(pc) =	sbr.rel @p0 .LBB2_9-.Ltmp3, $4  }
0x7b7: {  	_ = 	snop  }
0x7b8: {  	[tilespmem:s0+$0x1A30] =	vst v41  }
0x7b9: {  	v41 =	vld.idx.msk [tilespmem:v42+s23+$0x0], $0xffff  }
0x7ba: {  	s12 =	sadd.s32 $0x40, s12  }
0x7bb: {  	v40 =	vadd.s32 v39, v40;
	_ =	sdelay $0x3  }
0x7bc: {  	[tilespmem:s0+$0x1C30] =	vst v41  }
0x7bd: {  	s30 =	sadd.s32 $0x1, s30;
	v40 =	vld.idx.msk [tilespmem:v40+s23+$0x0], $0xffff  }
0x7be: {  	p0 =	sne.s32 s30, $0x19  }
.Ltmp4:
0x7bf: {  	s2 =	sshll.u32 s31, $0x13;
	(pc) =	sbr.rel @p0 .LBB2_2-.Ltmp4, $4  }
0x7c0: {  	s2 =	sor.u32 s3, s2  }
0x7c1: {  	s2 =	sshrl.u32 s2, $0x3  }
0x7c2: {  	s31 =	sadd.s32 s5, s2;
	[tilespmem:s0+$0x1E30] =	vst v40  }
0x7c3: {  	[hbm4b:s31+s8] =	stream.strided.scatter [tilespmem:s25], [sflag:$0x3], $0x4000, s9, s8, $0x38;
	[tilespmem:$0x1A600] =	vst v63  }
0x7c4: {  	s29 =	sadd.s32 $0x1, s29  }
0x7c5: {  	_ =	swait.ge [sflag:s26], $0x4000;
	p0 =	sne.s32 s29, s7  }
.Ltmp5:
0x7c6: {  	[sflag:s26] =	ssyncset.done $0x0;
	(pc) =	sbr.rel @p0 .LBB2_1-.Ltmp5, $4  }
0x7c7: {  	[sflag:s26] =	ssyncadd.s32 $0xFFFFC000  }
0x7c8: {  	_ =	swait.ge [sflag:s28], $0x4000  }
0x7c9: {  	[sflag:s28] =	ssyncset.done $0x0  }
0x7ca: {  	[sflag:s28] =	ssyncadd.s32 $0xFFFFC000  }
0x7cb: {  	_ =	sfence.sel $0x180000  }
0x7cc: {  	[bflag:$0x0] =	sbarrier.arrive $0xFFFF  }
0x7cd: {  	_ =	strace $0x90000047  }
0x7ce: {  	s0 =	stileid.u32;
	[bflag:$0x2] =	sbarrier.arrive $0xFFFF  }
0x7cf: {  	p0 =	sne.s32 s0, $0x0;
	s0 =	rddreg [dreg:$0x2]  }
0x7d0: {  	s0 =	sadd.s32 @!p0 $0x100000, s0  }
0x7d1: {  	[sflag:s0] =	ssyncadd.tile.s32 @!p0 $0x1;
	_ =	shalt  }
.Lfunc_end2:
_tile_overlayer_lowered:
.L_overlay_start_2:
0x7d2: {  	(tag) =	ssettag $0x2  }
0x7d3: {  	s0 =	rddreg [dreg:$0x0];
	s2 =	stileid.u32  }
0x7d4: {  	s1 =	rddreg [dreg:$0x1];
	p0 =	sne.s32 s2, $0x0  }
0x7d5: {  	s3 =	rddreg [dreg:$0x2];
	[bflag:$0x3] =	sbarrier.arrive $0xFFFF;
	s2 =	simm.s32 @!p0 $0x1C04  }
0x7d6: {  	[timem:s3], [sflag:s2] =	dma.local @!p0 [hbm:s0], s1  }
0x7d7: {  	s0 =	simm.s32 @!p0 $0x4  }
0x7d8: {  	_ =	swait.ge @!p0 [sflag:s0], s1  }
0x7d9: {  	s1 =	ssub.s32 @!p0 $0x0, s1;
	[sflag:s0] =	ssyncset.done @!p0 $0x0  }
0x7da: {  	[sflag:s0] =	ssyncadd.s32 @!p0 s1  }
0x7db: {  	[bflag:$0x3] =	sbarrier.arrive $0xFFFF  }
0x7dc: {  	_ =	shalt  }

</sc_bundles>
